<compile_context>
chip_gen: v7x
topology: tpu7x:2x2x1
jax: 0.10.2.dev20260603
libtpu: 0.0.44.dev20260713+nightly
codegen_flags: <defaults>
</compile_context>

<pallas_src>
import jax
import jax.numpy as jnp
from jax import lax
from jax.experimental import pallas as pl
from jax.experimental.pallas import tpu as pltpu
from jax.experimental.pallas import tpu_sc as plsc

B = 4
S = 4096
D = 1024
NW = 32
POS_PER_W = S // NW
P = 8
ROWS = P * B
NCH = POS_PER_W // P
TOK_PER_W = POS_PER_W * B
NB = 3
PF = 2
LANES = 16


def _emb_body(x_hbm, enc_hbm, table_hbm, out_hbm, idx_v, *scratch):
    rows = scratch[0:NB]
    encs = scratch[NB:2 * NB]
    sem_g = scratch[2 * NB:3 * NB]
    sem_e = scratch[3 * NB:4 * NB]
    sem_w = scratch[4 * NB:5 * NB]

    wid = lax.axis_index("s") * 2 + lax.axis_index("c")
    pos0 = wid * POS_PER_W

    tok0 = wid * TOK_PER_W
    pltpu.sync_copy(x_hbm.at[pl.ds(tok0, TOK_PER_W)], idx_v)

    gather_d = {}
    enc_d = {}
    write_d = {}

    def issue(k):
        nb = k % NB
        gather_d[k] = [pltpu.async_copy(
            table_hbm.at[idx_v.at[pl.ds(k * ROWS, ROWS)]], rows[nb], sem_g[nb])]
        enc_d[k] = pltpu.async_copy(
            enc_hbm.at[pl.ds(pos0 + k * P, P), :], encs[nb], sem_e[nb])

    for k in range(PF):
        issue(k)

    for k in range(NCH):
        nb = k % NB
        for d in gather_d[k]:
            d.wait()
        enc_d[k].wait()

        if k + PF < NCH:
            prev = k + PF - NB
            if prev >= 0:
                for d in write_d[prev]:
                    d.wait()
            issue(k + PF)

        @pl.loop(0, P)
        def _pos(p, _nb=nb):
            @plsc.parallel_loop(0, D // LANES, 1, unroll=8)
            def _col(c, _p=p, _nb=_nb):
                sl = pl.ds(c * LANES, LANES)
                e = encs[_nb][_p, sl]
                for bt in range(B):
                    plsc.addupdate(rows[_nb].at[bt * P + _p, sl], e)

        write_d[k] = [
            pltpu.async_copy(
                rows[nb].reshape(B, P, D),
                out_hbm.at[:, pl.ds(pos0 + k * P, P), :],
                sem_w[nb])
        ]

    for k in range(max(0, NCH - NB + PF), NCH):
        for d in write_d[k]:
            d.wait()


def kernel(x, table, encoding):
    idx = (x.astype(jnp.int32)
           .reshape(B, NW, NCH, P)
           .transpose(1, 2, 0, 3)
           .reshape(B * S))

    mesh = plsc.VectorSubcoreMesh(core_axis_name="c", subcore_axis_name="s")
    scratch = (
        [pltpu.VMEM((TOK_PER_W,), jnp.int32)]
        + [pltpu.VMEM((ROWS, D), jnp.float32) for _ in range(NB)]
        + [pltpu.VMEM((P, D), jnp.float32) for _ in range(NB)]
        + [pltpu.SemaphoreType.DMA for _ in range(3 * NB)]
    )
    k = pl.kernel(
        _emb_body,
        out_type=jax.ShapeDtypeStruct((B, S, D), jnp.float32),
        mesh=mesh,
        scratch_types=scratch,
    )
    return k(idx, encoding[:S], table)

# --- scband reference (transcript-rebuilt; emitter-appended) ---
"""Pipeline reference for scband-transformer-embedding-51659866636409 (READ-ONLY COPY).

The authoritative reference and input builder live on the scoring server;
editing this copy changes nothing except your own understanding.
"""

import jax, jax.numpy as jnp
import numpy as np

VOCAB = 100000
D_MODEL = 1024
MAX_LEN = 4096
BATCH = 4
SEQ = 4096


def _make_positional_encoding(d_model, maxlen):
    pos = jnp.arange(0, maxlen, dtype=jnp.float32)[:, None]
    _2i = jnp.arange(0, d_model, 2, dtype=jnp.float32)
    enc = jnp.zeros((maxlen, d_model), dtype=jnp.float32)
    enc = enc.at[:, 0::2].set(jnp.sin(pos / 10000 ** (_2i / d_model)))
    enc = enc.at[:, 1::2].set(jnp.cos(pos / 10000 ** (_2i / d_model)))
    return enc


def setup_inputs(seed: int = 0) -> dict:
    key = jax.random.key(seed)
    k_x, k_tab = jax.random.split(key)
    x = jax.random.randint(k_x, (BATCH, SEQ), 0, VOCAB)
    table = jax.random.normal(k_tab, (VOCAB, D_MODEL), dtype=jnp.float32)
    encoding = _make_positional_encoding(D_MODEL, MAX_LEN)
    return {"x": x, "table": table, "encoding": encoding}


def reference(x, table, encoding):
    # tok_emb = nn.Embedding lookup
    tok_emb = jnp.take(table, x, axis=0)  # [B, S, D]
    # pos_emb = encoding[:seq_len, :] (non-learned buffer)
    seq_len = x.shape[1]
    pos_emb = encoding[:seq_len, :]  # [S, D]
    # dropout with p=0.0 -> identity
    return tok_emb + pos_emb

if __name__ == "__main__":
    import jax
    _d = setup_inputs()
    print(jax.jit(kernel)(*tuple(_d.values())))

</pallas_src>

<mosaic_0001>
#map = affine_map<(d0, d1) -> (0)>
#map1 = affine_map<(d0, d1) -> (0, 0)>
#map2 = affine_map<(d0, d1) -> (0, 0, 0)>
module attributes {stable_mosaic.version = 14 : i64} {
  func.func @_emb_body(%arg0: i32, %arg1: i32, %arg2: memref<16384xi32, #tpu.memory_space<hbm>>, %arg3: memref<4096x1024xf32, #tpu.memory_space<hbm>>, %arg4: memref<100000x1024xf32, #tpu.memory_space<hbm>>, %arg5: memref<4x4096x1024xf32, #tpu.memory_space<hbm>>, %arg6: memref<512xi32, #tpu.memory_space<vmem>>, %arg7: memref<32x1024xf32, #tpu.memory_space<vmem>>, %arg8: memref<32x1024xf32, #tpu.memory_space<vmem>>, %arg9: memref<32x1024xf32, #tpu.memory_space<vmem>>, %arg10: memref<8x1024xf32, #tpu.memory_space<vmem>>, %arg11: memref<8x1024xf32, #tpu.memory_space<vmem>>, %arg12: memref<8x1024xf32, #tpu.memory_space<vmem>>, %arg13: memref<!tpu.dma_semaphore, #tpu.memory_space<semaphore_mem>>, %arg14: memref<!tpu.dma_semaphore, #tpu.memory_space<semaphore_mem>>, %arg15: memref<!tpu.dma_semaphore, #tpu.memory_space<semaphore_mem>>, %arg16: memref<!tpu.dma_semaphore, #tpu.memory_space<semaphore_mem>>, %arg17: memref<!tpu.dma_semaphore, #tpu.memory_space<semaphore_mem>>, %arg18: memref<!tpu.dma_semaphore, #tpu.memory_space<semaphore_mem>>, %arg19: memref<!tpu.dma_semaphore, #tpu.memory_space<semaphore_mem>>, %arg20: memref<!tpu.dma_semaphore, #tpu.memory_space<semaphore_mem>>, %arg21: memref<!tpu.dma_semaphore, #tpu.memory_space<semaphore_mem>>) attributes {dimension_semantics = [#tpu.dimension_semantics<core_parallel>, #tpu.dimension_semantics<subcore_parallel>], iteration_bounds = array<i64: 2, 16>, scalar_prefetch = 0 : i64, scratch_operands = 16 : i64, tpu.core_type = #tpu.core_type<sc_vector_subcore>, window_params = [{transform_indices = #map}, {transform_indices = #map1}, {transform_indices = #map1}, {transform_indices = #map2}]} {
    %mul3A = arith.constant 2 : i32
    %mul3A_0 = arith.muli %arg1, %mul3A : i32
    %add3A = arith.addi %mul3A_0, %arg0 : i32
    %mul3A_1 = arith.constant 128 : i32
    %mul3A_2 = arith.muli %add3A, %mul3A_1 : i32
    %mul3A_3 = arith.constant 512 : i32
    %mul3A_4 = arith.muli %add3A, %mul3A_3 : i32
    "tpu.region"() ({
      %run_scoped3A = tpu.sem_alloc : memref<!tpu.dma_semaphore, #tpu.memory_space<semaphore_mem>>
      %dma_start3A_674 = tpu.memref_slice %arg2[%mul3A_4] : memref<16384xi32, #tpu.memory_space<hbm>> -> memref<512xi32, #tpu.memory_space<hbm>>
      %dma_start3A_675 = tpu.memref_slice %arg2[%mul3A_4] : memref<16384xi32, #tpu.memory_space<hbm>> -> memref<512xi32, #tpu.memory_space<hbm>>
      tpu.enqueue_dma source(%dma_start3A_675 : memref<512xi32, #tpu.memory_space<hbm>>) target(%arg6 : memref<512xi32, #tpu.memory_space<vmem>>) target_semaphore(%run_scoped3A : memref<!tpu.dma_semaphore, #tpu.memory_space<semaphore_mem>>)
      %dma_wait3A_676 = tpu.memref_slice %arg2[%mul3A_4] : memref<16384xi32, #tpu.memory_space<hbm>> -> memref<512xi32, #tpu.memory_space<hbm>>
      %dma_wait3A_677 = tpu.memref_slice %arg2[%mul3A_4] : memref<16384xi32, #tpu.memory_space<hbm>> -> memref<512xi32, #tpu.memory_space<hbm>>
      tpu.wait_dma2 semaphore(%run_scoped3A : memref<!tpu.dma_semaphore, #tpu.memory_space<semaphore_mem>>) src(%dma_wait3A_677 : memref<512xi32, #tpu.memory_space<hbm>>) dst(%arg6 : memref<512xi32, #tpu.memory_space<vmem>>)
      tpu.yield
    }) : () -> ()
    %dma_start3A = arith.constant 0 : i32
    %dma_start3A_5 = tpu.memref_slice %arg6[%dma_start3A] : memref<512xi32, #tpu.memory_space<vmem>> -> memref<32xi32, #tpu.memory_space<vmem>>
    %dma_start3A_6 = arith.constant 0 : i32
    %dma_start3A_7 = arith.constant 0 : i32
    %dma_start3A_8 = tpu.memref_slice %arg4[%dma_start3A_6, %dma_start3A_7] : memref<100000x1024xf32, #tpu.memory_space<hbm>> -> memref<100000x1024xf32, #tpu.memory_space<hbm>>
    tpu.enqueue_indirect_dma source(%dma_start3A_8 : memref<100000x1024xf32, #tpu.memory_space<hbm>>) target(%arg7 : memref<32x1024xf32, #tpu.memory_space<vmem>>) offsets(%dma_start3A_5 : memref<32xi32, #tpu.memory_space<vmem>>) semaphore(%arg13 : memref<!tpu.dma_semaphore, #tpu.memory_space<semaphore_mem>>)
    %add3A_9 = arith.constant 0 : i32
    %add3A_10 = arith.addi %mul3A_2, %add3A_9 : i32
    %dma_start3A_11 = arith.constant 0 : i32
    %dma_start3A_12 = tpu.memref_slice %arg3[%add3A_10, %dma_start3A_11] : memref<4096x1024xf32, #tpu.memory_space<hbm>> -> memref<8x1024xf32, #tpu.memory_space<hbm>>
    %dma_start3A_13 = arith.constant 0 : i32
    %dma_start3A_14 = tpu.memref_slice %arg3[%add3A_10, %dma_start3A_13] : memref<4096x1024xf32, #tpu.memory_space<hbm>> -> memref<8x1024xf32, #tpu.memory_space<hbm>>
    tpu.enqueue_dma source(%dma_start3A_14 : memref<8x1024xf32, #tpu.memory_space<hbm>>) target(%arg10 : memref<8x1024xf32, #tpu.memory_space<vmem>>) target_semaphore(%arg16 : memref<!tpu.dma_semaphore, #tpu.memory_space<semaphore_mem>>)
    %dma_start3A_15 = arith.constant 32 : i32
    %dma_start3A_16 = tpu.memref_slice %arg6[%dma_start3A_15] : memref<512xi32, #tpu.memory_space<vmem>> -> memref<32xi32, #tpu.memory_space<vmem>>
    %dma_start3A_17 = arith.constant 0 : i32
    %dma_start3A_18 = arith.constant 0 : i32
    %dma_start3A_19 = tpu.memref_slice %arg4[%dma_start3A_17, %dma_start3A_18] : memref<100000x1024xf32, #tpu.memory_space<hbm>> -> memref<100000x1024xf32, #tpu.memory_space<hbm>>
    tpu.enqueue_indirect_dma source(%dma_start3A_19 : memref<100000x1024xf32, #tpu.memory_space<hbm>>) target(%arg8 : memref<32x1024xf32, #tpu.memory_space<vmem>>) offsets(%dma_start3A_16 : memref<32xi32, #tpu.memory_space<vmem>>) semaphore(%arg14 : memref<!tpu.dma_semaphore, #tpu.memory_space<semaphore_mem>>)
    %add3A_20 = arith.constant 8 : i32
    %add3A_21 = arith.addi %mul3A_2, %add3A_20 : i32
    %dma_start3A_22 = arith.constant 0 : i32
    %dma_start3A_23 = tpu.memref_slice %arg3[%add3A_21, %dma_start3A_22] : memref<4096x1024xf32, #tpu.memory_space<hbm>> -> memref<8x1024xf32, #tpu.memory_space<hbm>>
    %dma_start3A_24 = arith.constant 0 : i32
    %dma_start3A_25 = tpu.memref_slice %arg3[%add3A_21, %dma_start3A_24] : memref<4096x1024xf32, #tpu.memory_space<hbm>> -> memref<8x1024xf32, #tpu.memory_space<hbm>>
    tpu.enqueue_dma source(%dma_start3A_25 : memref<8x1024xf32, #tpu.memory_space<hbm>>) target(%arg11 : memref<8x1024xf32, #tpu.memory_space<vmem>>) target_semaphore(%arg17 : memref<!tpu.dma_semaphore, #tpu.memory_space<semaphore_mem>>)
    %dma_wait3A = arith.constant 0 : i32
    %dma_wait3A_26 = tpu.memref_slice %arg6[%dma_wait3A] : memref<512xi32, #tpu.memory_space<vmem>> -> memref<32xi32, #tpu.memory_space<vmem>>
    %dma_wait3A_27 = arith.constant 0 : i32
    %dma_wait3A_28 = arith.constant 0 : i32
    %dma_wait3A_29 = tpu.memref_slice %arg4[%dma_wait3A_27, %dma_wait3A_28] : memref<100000x1024xf32, #tpu.memory_space<hbm>> -> memref<100000x1024xf32, #tpu.memory_space<hbm>>
    tpu.wait_indirect_dma semaphore(%arg13 : memref<!tpu.dma_semaphore, #tpu.memory_space<semaphore_mem>>) src(%dma_wait3A_29 : memref<100000x1024xf32, #tpu.memory_space<hbm>>) dst(%arg7 : memref<32x1024xf32, #tpu.memory_space<vmem>>)
    %dma_wait3A_30 = arith.constant 0 : i32
    %dma_wait3A_31 = tpu.memref_slice %arg3[%add3A_10, %dma_wait3A_30] : memref<4096x1024xf32, #tpu.memory_space<hbm>> -> memref<8x1024xf32, #tpu.memory_space<hbm>>
    %dma_wait3A_32 = arith.constant 0 : i32
    %dma_wait3A_33 = tpu.memref_slice %arg3[%add3A_10, %dma_wait3A_32] : memref<4096x1024xf32, #tpu.memory_space<hbm>> -> memref<8x1024xf32, #tpu.memory_space<hbm>>
    tpu.wait_dma2 semaphore(%arg16 : memref<!tpu.dma_semaphore, #tpu.memory_space<semaphore_mem>>) src(%dma_wait3A_33 : memref<8x1024xf32, #tpu.memory_space<hbm>>) dst(%arg10 : memref<8x1024xf32, #tpu.memory_space<vmem>>)
    %dma_start3A_34 = arith.constant 64 : i32
    %dma_start3A_35 = tpu.memref_slice %arg6[%dma_start3A_34] : memref<512xi32, #tpu.memory_space<vmem>> -> memref<32xi32, #tpu.memory_space<vmem>>
    %dma_start3A_36 = arith.constant 0 : i32
    %dma_start3A_37 = arith.constant 0 : i32
    %dma_start3A_38 = tpu.memref_slice %arg4[%dma_start3A_36, %dma_start3A_37] : memref<100000x1024xf32, #tpu.memory_space<hbm>> -> memref<100000x1024xf32, #tpu.memory_space<hbm>>
    tpu.enqueue_indirect_dma source(%dma_start3A_38 : memref<100000x1024xf32, #tpu.memory_space<hbm>>) target(%arg9 : memref<32x1024xf32, #tpu.memory_space<vmem>>) offsets(%dma_start3A_35 : memref<32xi32, #tpu.memory_space<vmem>>) semaphore(%arg15 : memref<!tpu.dma_semaphore, #tpu.memory_space<semaphore_mem>>)
    %add3A_39 = arith.constant 16 : i32
    %add3A_40 = arith.addi %mul3A_2, %add3A_39 : i32
    %dma_start3A_41 = arith.constant 0 : i32
    %dma_start3A_42 = tpu.memref_slice %arg3[%add3A_40, %dma_start3A_41] : memref<4096x1024xf32, #tpu.memory_space<hbm>> -> memref<8x1024xf32, #tpu.memory_space<hbm>>
    %dma_start3A_43 = arith.constant 0 : i32
    %dma_start3A_44 = tpu.memref_slice %arg3[%add3A_40, %dma_start3A_43] : memref<4096x1024xf32, #tpu.memory_space<hbm>> -> memref<8x1024xf32, #tpu.memory_space<hbm>>
    tpu.enqueue_dma source(%dma_start3A_44 : memref<8x1024xf32, #tpu.memory_space<hbm>>) target(%arg12 : memref<8x1024xf32, #tpu.memory_space<vmem>>) target_semaphore(%arg18 : memref<!tpu.dma_semaphore, #tpu.memory_space<semaphore_mem>>)
    %scan3A = arith.constant 0 : i32
    %scan3A_45 = arith.constant 8 : i32
    %scan3A_46 = arith.addi %scan3A, %scan3A_45 : i32
    %scan3A_47 = arith.constant 1 : i32
    scf.for %scan3A_674 = %scan3A to %scan3A_46 step %scan3A_47  : i32 {
      %mul3A_675 = arith.constant 1 : i32
      %mul3A_676 = arith.muli %scan3A_674, %mul3A_675 : i32
      %add3A_677 = arith.constant 0 : i32
      %add3A_678 = arith.addi %add3A_677, %mul3A_676 : i32
      %parallel_loop3A = arith.constant 0 : i32
      %parallel_loop3A_679 = arith.constant 64 : i32
      %parallel_loop3A_680 = arith.constant 1 : i32
      scf.for %parallel_loop3A_681 = %parallel_loop3A to %parallel_loop3A_679 step %parallel_loop3A_680  : i32 {
        %parallel_loop3A_682 = arith.constant 16 : i32
        %parallel_loop3A_683 = arith.muli %parallel_loop3A_681, %parallel_loop3A_682 : i32
        %parallel_loop3A_684 = arith.index_cast %add3A_678 : i32 to index
        %parallel_loop3A_685 = arith.index_cast %parallel_loop3A_683 : i32 to index
        %parallel_loop3A_686 = tpu.vector_load %arg10[%parallel_loop3A_684, %parallel_loop3A_685] {strides = array<i32>} : memref<8x1024xf32, #tpu.memory_space<vmem>>, vector<1x16xf32>,
        %parallel_loop3A_687 = vector.shape_cast %parallel_loop3A_686 : vector<1x16xf32> to vector<16xf32>
        %parallel_loop3A_688 = arith.constant 0 : i32
        %parallel_loop3A_689 = arith.addi %parallel_loop3A_688, %add3A_678 : i32
        %parallel_loop3A_690 = arith.index_cast %parallel_loop3A_689 : i32 to index
        %parallel_loop3A_691 = arith.index_cast %parallel_loop3A_683 : i32 to index
        %parallel_loop3A_692 = tpu.vector_load %arg7[%parallel_loop3A_690, %parallel_loop3A_691] {strides = array<i32>} : memref<32x1024xf32, #tpu.memory_space<vmem>>, vector<1x16xf32>,
        %parallel_loop3A_693 = vector.shape_cast %parallel_loop3A_692 : vector<1x16xf32> to vector<16xf32>
        %parallel_loop3A_694 = vector.shape_cast %parallel_loop3A_687 : vector<16xf32> to vector<1x16xf32>
        tpu.vector_store %arg7[%parallel_loop3A_690, %parallel_loop3A_691], %parallel_loop3A_694 {add = true, strides = array<i32>} : memref<32x1024xf32, #tpu.memory_space<vmem>>, vector<1x16xf32>,
        %parallel_loop3A_695 = arith.constant 8 : i32
        %parallel_loop3A_696 = arith.addi %parallel_loop3A_695, %add3A_678 : i32
        %parallel_loop3A_697 = arith.index_cast %parallel_loop3A_696 : i32 to index
        %parallel_loop3A_698 = arith.index_cast %parallel_loop3A_683 : i32 to index
        %parallel_loop3A_699 = tpu.vector_load %arg7[%parallel_loop3A_697, %parallel_loop3A_698] {strides = array<i32>} : memref<32x1024xf32, #tpu.memory_space<vmem>>, vector<1x16xf32>,
        %parallel_loop3A_700 = vector.shape_cast %parallel_loop3A_699 : vector<1x16xf32> to vector<16xf32>
        %parallel_loop3A_701 = vector.shape_cast %parallel_loop3A_687 : vector<16xf32> to vector<1x16xf32>
        tpu.vector_store %arg7[%parallel_loop3A_697, %parallel_loop3A_698], %parallel_loop3A_701 {add = true, strides = array<i32>} : memref<32x1024xf32, #tpu.memory_space<vmem>>, vector<1x16xf32>,
        %parallel_loop3A_702 = arith.constant 16 : i32
        %parallel_loop3A_703 = arith.addi %parallel_loop3A_702, %add3A_678 : i32
        %parallel_loop3A_704 = arith.index_cast %parallel_loop3A_703 : i32 to index
        %parallel_loop3A_705 = arith.index_cast %parallel_loop3A_683 : i32 to index
        %parallel_loop3A_706 = tpu.vector_load %arg7[%parallel_loop3A_704, %parallel_loop3A_705] {strides = array<i32>} : memref<32x1024xf32, #tpu.memory_space<vmem>>, vector<1x16xf32>,
        %parallel_loop3A_707 = vector.shape_cast %parallel_loop3A_706 : vector<1x16xf32> to vector<16xf32>
        %parallel_loop3A_708 = vector.shape_cast %parallel_loop3A_687 : vector<16xf32> to vector<1x16xf32>
        tpu.vector_store %arg7[%parallel_loop3A_704, %parallel_loop3A_705], %parallel_loop3A_708 {add = true, strides = array<i32>} : memref<32x1024xf32, #tpu.memory_space<vmem>>, vector<1x16xf32>,
        %parallel_loop3A_709 = arith.constant 24 : i32
        %parallel_loop3A_710 = arith.addi %parallel_loop3A_709, %add3A_678 : i32
        %parallel_loop3A_711 = arith.index_cast %parallel_loop3A_710 : i32 to index
        %parallel_loop3A_712 = arith.index_cast %parallel_loop3A_683 : i32 to index
        %parallel_loop3A_713 = tpu.vector_load %arg7[%parallel_loop3A_711, %parallel_loop3A_712] {strides = array<i32>} : memref<32x1024xf32, #tpu.memory_space<vmem>>, vector<1x16xf32>,
        %parallel_loop3A_714 = vector.shape_cast %parallel_loop3A_713 : vector<1x16xf32> to vector<16xf32>
        %parallel_loop3A_715 = vector.shape_cast %parallel_loop3A_687 : vector<16xf32> to vector<1x16xf32>
        tpu.vector_store %arg7[%parallel_loop3A_711, %parallel_loop3A_712], %parallel_loop3A_715 {add = true, strides = array<i32>} : memref<32x1024xf32, #tpu.memory_space<vmem>>, vector<1x16xf32>,
      } {sc.loop_unroll_factor = 8 : i64, sc.parallel_access}
    }
    %scan3A_48 = arith.constant 8 : i32
    %add3A_49 = arith.constant 0 : i32
    %add3A_50 = arith.addi %mul3A_2, %add3A_49 : i32
    %dma_start3A_51 = tpu.memref_reshape %arg7 : memref<32x1024xf32, #tpu.memory_space<vmem>> -> memref<4x8x1024xf32, #tpu.memory_space<vmem>>
    %dma_start3A_52 = arith.constant 0 : i32
    %dma_start3A_53 = arith.constant 0 : i32
    %dma_start3A_54 = tpu.memref_slice %arg5[%dma_start3A_52, %add3A_50, %dma_start3A_53] : memref<4x4096x1024xf32, #tpu.memory_space<hbm>> -> memref<4x8x1024xf32, #tpu.memory_space<hbm>>
    %dma_start3A_55 = arith.constant 0 : i32
    %dma_start3A_56 = arith.constant 0 : i32
    %dma_start3A_57 = tpu.memref_slice %arg5[%dma_start3A_55, %add3A_50, %dma_start3A_56] : memref<4x4096x1024xf32, #tpu.memory_space<hbm>> -> memref<4x8x1024xf32, #tpu.memory_space<hbm>>
    %dma_start3A_58 = tpu.memref_reshape %arg7 : memref<32x1024xf32, #tpu.memory_space<vmem>> -> memref<4x8x1024xf32, #tpu.memory_space<vmem>>
    tpu.enqueue_dma source(%dma_start3A_58 : memref<4x8x1024xf32, #tpu.memory_space<vmem>>) target(%dma_start3A_57 : memref<4x8x1024xf32, #tpu.memory_space<hbm>>) target_semaphore(%arg19 : memref<!tpu.dma_semaphore, #tpu.memory_space<semaphore_mem>>)
    %dma_wait3A_59 = arith.constant 32 : i32
    %dma_wait3A_60 = tpu.memref_slice %arg6[%dma_wait3A_59] : memref<512xi32, #tpu.memory_space<vmem>> -> memref<32xi32, #tpu.memory_space<vmem>>
    %dma_wait3A_61 = arith.constant 0 : i32
    %dma_wait3A_62 = arith.constant 0 : i32
    %dma_wait3A_63 = tpu.memref_slice %arg4[%dma_wait3A_61, %dma_wait3A_62] : memref<100000x1024xf32, #tpu.memory_space<hbm>> -> memref<100000x1024xf32, #tpu.memory_space<hbm>>
    tpu.wait_indirect_dma semaphore(%arg14 : memref<!tpu.dma_semaphore, #tpu.memory_space<semaphore_mem>>) src(%dma_wait3A_63 : memref<100000x1024xf32, #tpu.memory_space<hbm>>) dst(%arg8 : memref<32x1024xf32, #tpu.memory_space<vmem>>)
    %dma_wait3A_64 = arith.constant 0 : i32
    %dma_wait3A_65 = tpu.memref_slice %arg3[%add3A_21, %dma_wait3A_64] : memref<4096x1024xf32, #tpu.memory_space<hbm>> -> memref<8x1024xf32, #tpu.memory_space<hbm>>
    %dma_wait3A_66 = arith.constant 0 : i32
    %dma_wait3A_67 = tpu.memref_slice %arg3[%add3A_21, %dma_wait3A_66] : memref<4096x1024xf32, #tpu.memory_space<hbm>> -> memref<8x1024xf32, #tpu.memory_space<hbm>>
    tpu.wait_dma2 semaphore(%arg17 : memref<!tpu.dma_semaphore, #tpu.memory_space<semaphore_mem>>) src(%dma_wait3A_67 : memref<8x1024xf32, #tpu.memory_space<hbm>>) dst(%arg11 : memref<8x1024xf32, #tpu.memory_space<vmem>>)
    %dma_wait3A_68 = tpu.memref_reshape %arg7 : memref<32x1024xf32, #tpu.memory_space<vmem>> -> memref<4x8x1024xf32, #tpu.memory_space<vmem>>
    %dma_wait3A_69 = arith.constant 0 : i32
    %dma_wait3A_70 = arith.constant 0 : i32
    %dma_wait3A_71 = tpu.memref_slice %arg5[%dma_wait3A_69, %add3A_50, %dma_wait3A_70] : memref<4x4096x1024xf32, #tpu.memory_space<hbm>> -> memref<4x8x1024xf32, #tpu.memory_space<hbm>>
    %dma_wait3A_72 = arith.constant 0 : i32
    %dma_wait3A_73 = arith.constant 0 : i32
    %dma_wait3A_74 = tpu.memref_slice %arg5[%dma_wait3A_72, %add3A_50, %dma_wait3A_73] : memref<4x4096x1024xf32, #tpu.memory_space<hbm>> -> memref<4x8x1024xf32, #tpu.memory_space<hbm>>
    %dma_wait3A_75 = tpu.memref_reshape %arg7 : memref<32x1024xf32, #tpu.memory_space<vmem>> -> memref<4x8x1024xf32, #tpu.memory_space<vmem>>
    tpu.wait_dma2 semaphore(%arg19 : memref<!tpu.dma_semaphore, #tpu.memory_space<semaphore_mem>>) src(%dma_wait3A_75 : memref<4x8x1024xf32, #tpu.memory_space<vmem>>) dst(%dma_wait3A_74 : memref<4x8x1024xf32, #tpu.memory_space<hbm>>)
    %dma_start3A_76 = arith.constant 96 : i32
    %dma_start3A_77 = tpu.memref_slice %arg6[%dma_start3A_76] : memref<512xi32, #tpu.memory_space<vmem>> -> memref<32xi32, #tpu.memory_space<vmem>>
    %dma_start3A_78 = arith.constant 0 : i32
    %dma_start3A_79 = arith.constant 0 : i32
    %dma_start3A_80 = tpu.memref_slice %arg4[%dma_start3A_78, %dma_start3A_79] : memref<100000x1024xf32, #tpu.memory_space<hbm>> -> memref<100000x1024xf32, #tpu.memory_space<hbm>>
    tpu.enqueue_indirect_dma source(%dma_start3A_80 : memref<100000x1024xf32, #tpu.memory_space<hbm>>) target(%arg7 : memref<32x1024xf32, #tpu.memory_space<vmem>>) offsets(%dma_start3A_77 : memref<32xi32, #tpu.memory_space<vmem>>) semaphore(%arg13 : memref<!tpu.dma_semaphore, #tpu.memory_space<semaphore_mem>>)
    %add3A_81 = arith.constant 24 : i32
    %add3A_82 = arith.addi %mul3A_2, %add3A_81 : i32
    %dma_start3A_83 = arith.constant 0 : i32
    %dma_start3A_84 = tpu.memref_slice %arg3[%add3A_82, %dma_start3A_83] : memref<4096x1024xf32, #tpu.memory_space<hbm>> -> memref<8x1024xf32, #tpu.memory_space<hbm>>
    %dma_start3A_85 = arith.constant 0 : i32
    %dma_start3A_86 = tpu.memref_slice %arg3[%add3A_82, %dma_start3A_85] : memref<4096x1024xf32, #tpu.memory_space<hbm>> -> memref<8x1024xf32, #tpu.memory_space<hbm>>
    tpu.enqueue_dma source(%dma_start3A_86 : memref<8x1024xf32, #tpu.memory_space<hbm>>) target(%arg10 : memref<8x1024xf32, #tpu.memory_space<vmem>>) target_semaphore(%arg16 : memref<!tpu.dma_semaphore, #tpu.memory_space<semaphore_mem>>)
    %scan3A_87 = arith.constant 0 : i32
    %scan3A_88 = arith.constant 8 : i32
    %scan3A_89 = arith.addi %scan3A_87, %scan3A_88 : i32
    %scan3A_90 = arith.constant 1 : i32
    scf.for %scan3A_674 = %scan3A_87 to %scan3A_89 step %scan3A_90  : i32 {
      %mul3A_675 = arith.constant 1 : i32
      %mul3A_676 = arith.muli %scan3A_674, %mul3A_675 : i32
      %add3A_677 = arith.constant 0 : i32
      %add3A_678 = arith.addi %add3A_677, %mul3A_676 : i32
      %parallel_loop3A = arith.constant 0 : i32
      %parallel_loop3A_679 = arith.constant 64 : i32
      %parallel_loop3A_680 = arith.constant 1 : i32
      scf.for %parallel_loop3A_681 = %parallel_loop3A to %parallel_loop3A_679 step %parallel_loop3A_680  : i32 {
        %parallel_loop3A_682 = arith.constant 16 : i32
        %parallel_loop3A_683 = arith.muli %parallel_loop3A_681, %parallel_loop3A_682 : i32
        %parallel_loop3A_684 = arith.index_cast %add3A_678 : i32 to index
        %parallel_loop3A_685 = arith.index_cast %parallel_loop3A_683 : i32 to index
        %parallel_loop3A_686 = tpu.vector_load %arg11[%parallel_loop3A_684, %parallel_loop3A_685] {strides = array<i32>} : memref<8x1024xf32, #tpu.memory_space<vmem>>, vector<1x16xf32>,
        %parallel_loop3A_687 = vector.shape_cast %parallel_loop3A_686 : vector<1x16xf32> to vector<16xf32>
        %parallel_loop3A_688 = arith.constant 0 : i32
        %parallel_loop3A_689 = arith.addi %parallel_loop3A_688, %add3A_678 : i32
        %parallel_loop3A_690 = arith.index_cast %parallel_loop3A_689 : i32 to index
        %parallel_loop3A_691 = arith.index_cast %parallel_loop3A_683 : i32 to index
        %parallel_loop3A_692 = tpu.vector_load %arg8[%parallel_loop3A_690, %parallel_loop3A_691] {strides = array<i32>} : memref<32x1024xf32, #tpu.memory_space<vmem>>, vector<1x16xf32>,
        %parallel_loop3A_693 = vector.shape_cast %parallel_loop3A_692 : vector<1x16xf32> to vector<16xf32>
        %parallel_loop3A_694 = vector.shape_cast %parallel_loop3A_687 : vector<16xf32> to vector<1x16xf32>
        tpu.vector_store %arg8[%parallel_loop3A_690, %parallel_loop3A_691], %parallel_loop3A_694 {add = true, strides = array<i32>} : memref<32x1024xf32, #tpu.memory_space<vmem>>, vector<1x16xf32>,
        %parallel_loop3A_695 = arith.constant 8 : i32
        %parallel_loop3A_696 = arith.addi %parallel_loop3A_695, %add3A_678 : i32
        %parallel_loop3A_697 = arith.index_cast %parallel_loop3A_696 : i32 to index
        %parallel_loop3A_698 = arith.index_cast %parallel_loop3A_683 : i32 to index
        %parallel_loop3A_699 = tpu.vector_load %arg8[%parallel_loop3A_697, %parallel_loop3A_698] {strides = array<i32>} : memref<32x1024xf32, #tpu.memory_space<vmem>>, vector<1x16xf32>,
        %parallel_loop3A_700 = vector.shape_cast %parallel_loop3A_699 : vector<1x16xf32> to vector<16xf32>
        %parallel_loop3A_701 = vector.shape_cast %parallel_loop3A_687 : vector<16xf32> to vector<1x16xf32>
        tpu.vector_store %arg8[%parallel_loop3A_697, %parallel_loop3A_698], %parallel_loop3A_701 {add = true, strides = array<i32>} : memref<32x1024xf32, #tpu.memory_space<vmem>>, vector<1x16xf32>,
        %parallel_loop3A_702 = arith.constant 16 : i32
        %parallel_loop3A_703 = arith.addi %parallel_loop3A_702, %add3A_678 : i32
        %parallel_loop3A_704 = arith.index_cast %parallel_loop3A_703 : i32 to index
        %parallel_loop3A_705 = arith.index_cast %parallel_loop3A_683 : i32 to index
        %parallel_loop3A_706 = tpu.vector_load %arg8[%parallel_loop3A_704, %parallel_loop3A_705] {strides = array<i32>} : memref<32x1024xf32, #tpu.memory_space<vmem>>, vector<1x16xf32>,
        %parallel_loop3A_707 = vector.shape_cast %parallel_loop3A_706 : vector<1x16xf32> to vector<16xf32>
        %parallel_loop3A_708 = vector.shape_cast %parallel_loop3A_687 : vector<16xf32> to vector<1x16xf32>
        tpu.vector_store %arg8[%parallel_loop3A_704, %parallel_loop3A_705], %parallel_loop3A_708 {add = true, strides = array<i32>} : memref<32x1024xf32, #tpu.memory_space<vmem>>, vector<1x16xf32>,
        %parallel_loop3A_709 = arith.constant 24 : i32
        %parallel_loop3A_710 = arith.addi %parallel_loop3A_709, %add3A_678 : i32
        %parallel_loop3A_711 = arith.index_cast %parallel_loop3A_710 : i32 to index
        %parallel_loop3A_712 = arith.index_cast %parallel_loop3A_683 : i32 to index
        %parallel_loop3A_713 = tpu.vector_load %arg8[%parallel_loop3A_711, %parallel_loop3A_712] {strides = array<i32>} : memref<32x1024xf32, #tpu.memory_space<vmem>>, vector<1x16xf32>,
        %parallel_loop3A_714 = vector.shape_cast %parallel_loop3A_713 : vector<1x16xf32> to vector<16xf32>
        %parallel_loop3A_715 = vector.shape_cast %parallel_loop3A_687 : vector<16xf32> to vector<1x16xf32>
        tpu.vector_store %arg8[%parallel_loop3A_711, %parallel_loop3A_712], %parallel_loop3A_715 {add = true, strides = array<i32>} : memref<32x1024xf32, #tpu.memory_space<vmem>>, vector<1x16xf32>,
      } {sc.loop_unroll_factor = 8 : i64, sc.parallel_access}
    }
    %scan3A_91 = arith.constant 8 : i32
    %add3A_92 = arith.constant 8 : i32
    %add3A_93 = arith.addi %mul3A_2, %add3A_92 : i32
    %dma_start3A_94 = tpu.memref_reshape %arg8 : memref<32x1024xf32, #tpu.memory_space<vmem>> -> memref<4x8x1024xf32, #tpu.memory_space<vmem>>
    %dma_start3A_95 = arith.constant 0 : i32
    %dma_start3A_96 = arith.constant 0 : i32
    %dma_start3A_97 = tpu.memref_slice %arg5[%dma_start3A_95, %add3A_93, %dma_start3A_96] : memref<4x4096x1024xf32, #tpu.memory_space<hbm>> -> memref<4x8x1024xf32, #tpu.memory_space<hbm>>
    %dma_start3A_98 = arith.constant 0 : i32
    %dma_start3A_99 = arith.constant 0 : i32
    %dma_start3A_100 = tpu.memref_slice %arg5[%dma_start3A_98, %add3A_93, %dma_start3A_99] : memref<4x4096x1024xf32, #tpu.memory_space<hbm>> -> memref<4x8x1024xf32, #tpu.memory_space<hbm>>
    %dma_start3A_101 = tpu.memref_reshape %arg8 : memref<32x1024xf32, #tpu.memory_space<vmem>> -> memref<4x8x1024xf32, #tpu.memory_space<vmem>>
    tpu.enqueue_dma source(%dma_start3A_101 : memref<4x8x1024xf32, #tpu.memory_space<vmem>>) target(%dma_start3A_100 : memref<4x8x1024xf32, #tpu.memory_space<hbm>>) target_semaphore(%arg20 : memref<!tpu.dma_semaphore, #tpu.memory_space<semaphore_mem>>)
    %dma_wait3A_102 = arith.constant 64 : i32
    %dma_wait3A_103 = tpu.memref_slice %arg6[%dma_wait3A_102] : memref<512xi32, #tpu.memory_space<vmem>> -> memref<32xi32, #tpu.memory_space<vmem>>
    %dma_wait3A_104 = arith.constant 0 : i32
    %dma_wait3A_105 = arith.constant 0 : i32
    %dma_wait3A_106 = tpu.memref_slice %arg4[%dma_wait3A_104, %dma_wait3A_105] : memref<100000x1024xf32, #tpu.memory_space<hbm>> -> memref<100000x1024xf32, #tpu.memory_space<hbm>>
    tpu.wait_indirect_dma semaphore(%arg15 : memref<!tpu.dma_semaphore, #tpu.memory_space<semaphore_mem>>) src(%dma_wait3A_106 : memref<100000x1024xf32, #tpu.memory_space<hbm>>) dst(%arg9 : memref<32x1024xf32, #tpu.memory_space<vmem>>)
    %dma_wait3A_107 = arith.constant 0 : i32
    %dma_wait3A_108 = tpu.memref_slice %arg3[%add3A_40, %dma_wait3A_107] : memref<4096x1024xf32, #tpu.memory_space<hbm>> -> memref<8x1024xf32, #tpu.memory_space<hbm>>
    %dma_wait3A_109 = arith.constant 0 : i32
    %dma_wait3A_110 = tpu.memref_slice %arg3[%add3A_40, %dma_wait3A_109] : memref<4096x1024xf32, #tpu.memory_space<hbm>> -> memref<8x1024xf32, #tpu.memory_space<hbm>>
    tpu.wait_dma2 semaphore(%arg18 : memref<!tpu.dma_semaphore, #tpu.memory_space<semaphore_mem>>) src(%dma_wait3A_110 : memref<8x1024xf32, #tpu.memory_space<hbm>>) dst(%arg12 : memref<8x1024xf32, #tpu.memory_space<vmem>>)
    %dma_wait3A_111 = tpu.memref_reshape %arg8 : memref<32x1024xf32, #tpu.memory_space<vmem>> -> memref<4x8x1024xf32, #tpu.memory_space<vmem>>
    %dma_wait3A_112 = arith.constant 0 : i32
    %dma_wait3A_113 = arith.constant 0 : i32
    %dma_wait3A_114 = tpu.memref_slice %arg5[%dma_wait3A_112, %add3A_93, %dma_wait3A_113] : memref<4x4096x1024xf32, #tpu.memory_space<hbm>> -> memref<4x8x1024xf32, #tpu.memory_space<hbm>>
    %dma_wait3A_115 = arith.constant 0 : i32
    %dma_wait3A_116 = arith.constant 0 : i32
    %dma_wait3A_117 = tpu.memref_slice %arg5[%dma_wait3A_115, %add3A_93, %dma_wait3A_116] : memref<4x4096x1024xf32, #tpu.memory_space<hbm>> -> memref<4x8x1024xf32, #tpu.memory_space<hbm>>
    %dma_wait3A_118 = tpu.memref_reshape %arg8 : memref<32x1024xf32, #tpu.memory_space<vmem>> -> memref<4x8x1024xf32, #tpu.memory_space<vmem>>
    tpu.wait_dma2 semaphore(%arg20 : memref<!tpu.dma_semaphore, #tpu.memory_space<semaphore_mem>>) src(%dma_wait3A_118 : memref<4x8x1024xf32, #tpu.memory_space<vmem>>) dst(%dma_wait3A_117 : memref<4x8x1024xf32, #tpu.memory_space<hbm>>)
    %dma_start3A_119 = arith.constant 128 : i32
    %dma_start3A_120 = tpu.memref_slice %arg6[%dma_start3A_119] : memref<512xi32, #tpu.memory_space<vmem>> -> memref<32xi32, #tpu.memory_space<vmem>>
    %dma_start3A_121 = arith.constant 0 : i32
    %dma_start3A_122 = arith.constant 0 : i32
    %dma_start3A_123 = tpu.memref_slice %arg4[%dma_start3A_121, %dma_start3A_122] : memref<100000x1024xf32, #tpu.memory_space<hbm>> -> memref<100000x1024xf32, #tpu.memory_space<hbm>>
    tpu.enqueue_indirect_dma source(%dma_start3A_123 : memref<100000x1024xf32, #tpu.memory_space<hbm>>) target(%arg8 : memref<32x1024xf32, #tpu.memory_space<vmem>>) offsets(%dma_start3A_120 : memref<32xi32, #tpu.memory_space<vmem>>) semaphore(%arg14 : memref<!tpu.dma_semaphore, #tpu.memory_space<semaphore_mem>>)
    %add3A_124 = arith.constant 32 : i32
    %add3A_125 = arith.addi %mul3A_2, %add3A_124 : i32
    %dma_start3A_126 = arith.constant 0 : i32
    %dma_start3A_127 = tpu.memref_slice %arg3[%add3A_125, %dma_start3A_126] : memref<4096x1024xf32, #tpu.memory_space<hbm>> -> memref<8x1024xf32, #tpu.memory_space<hbm>>
    %dma_start3A_128 = arith.constant 0 : i32
    %dma_start3A_129 = tpu.memref_slice %arg3[%add3A_125, %dma_start3A_128] : memref<4096x1024xf32, #tpu.memory_space<hbm>> -> memref<8x1024xf32, #tpu.memory_space<hbm>>
    tpu.enqueue_dma source(%dma_start3A_129 : memref<8x1024xf32, #tpu.memory_space<hbm>>) target(%arg11 : memref<8x1024xf32, #tpu.memory_space<vmem>>) target_semaphore(%arg17 : memref<!tpu.dma_semaphore, #tpu.memory_space<semaphore_mem>>)
    %scan3A_130 = arith.constant 0 : i32
    %scan3A_131 = arith.constant 8 : i32
    %scan3A_132 = arith.addi %scan3A_130, %scan3A_131 : i32
    %scan3A_133 = arith.constant 1 : i32
    scf.for %scan3A_674 = %scan3A_130 to %scan3A_132 step %scan3A_133  : i32 {
      %mul3A_675 = arith.constant 1 : i32
      %mul3A_676 = arith.muli %scan3A_674, %mul3A_675 : i32
      %add3A_677 = arith.constant 0 : i32
      %add3A_678 = arith.addi %add3A_677, %mul3A_676 : i32
      %parallel_loop3A = arith.constant 0 : i32
      %parallel_loop3A_679 = arith.constant 64 : i32
      %parallel_loop3A_680 = arith.constant 1 : i32
      scf.for %parallel_loop3A_681 = %parallel_loop3A to %parallel_loop3A_679 step %parallel_loop3A_680  : i32 {
        %parallel_loop3A_682 = arith.constant 16 : i32
        %parallel_loop3A_683 = arith.muli %parallel_loop3A_681, %parallel_loop3A_682 : i32
        %parallel_loop3A_684 = arith.index_cast %add3A_678 : i32 to index
        %parallel_loop3A_685 = arith.index_cast %parallel_loop3A_683 : i32 to index
        %parallel_loop3A_686 = tpu.vector_load %arg12[%parallel_loop3A_684, %parallel_loop3A_685] {strides = array<i32>} : memref<8x1024xf32, #tpu.memory_space<vmem>>, vector<1x16xf32>,
        %parallel_loop3A_687 = vector.shape_cast %parallel_loop3A_686 : vector<1x16xf32> to vector<16xf32>
        %parallel_loop3A_688 = arith.constant 0 : i32
        %parallel_loop3A_689 = arith.addi %parallel_loop3A_688, %add3A_678 : i32
        %parallel_loop3A_690 = arith.index_cast %parallel_loop3A_689 : i32 to index
        %parallel_loop3A_691 = arith.index_cast %parallel_loop3A_683 : i32 to index
        %parallel_loop3A_692 = tpu.vector_load %arg9[%parallel_loop3A_690, %parallel_loop3A_691] {strides = array<i32>} : memref<32x1024xf32, #tpu.memory_space<vmem>>, vector<1x16xf32>,
        %parallel_loop3A_693 = vector.shape_cast %parallel_loop3A_692 : vector<1x16xf32> to vector<16xf32>
        %parallel_loop3A_694 = vector.shape_cast %parallel_loop3A_687 : vector<16xf32> to vector<1x16xf32>
        tpu.vector_store %arg9[%parallel_loop3A_690, %parallel_loop3A_691], %parallel_loop3A_694 {add = true, strides = array<i32>} : memref<32x1024xf32, #tpu.memory_space<vmem>>, vector<1x16xf32>,
        %parallel_loop3A_695 = arith.constant 8 : i32
        %parallel_loop3A_696 = arith.addi %parallel_loop3A_695, %add3A_678 : i32
        %parallel_loop3A_697 = arith.index_cast %parallel_loop3A_696 : i32 to index
        %parallel_loop3A_698 = arith.index_cast %parallel_loop3A_683 : i32 to index
        %parallel_loop3A_699 = tpu.vector_load %arg9[%parallel_loop3A_697, %parallel_loop3A_698] {strides = array<i32>} : memref<32x1024xf32, #tpu.memory_space<vmem>>, vector<1x16xf32>,
        %parallel_loop3A_700 = vector.shape_cast %parallel_loop3A_699 : vector<1x16xf32> to vector<16xf32>
        %parallel_loop3A_701 = vector.shape_cast %parallel_loop3A_687 : vector<16xf32> to vector<1x16xf32>
        tpu.vector_store %arg9[%parallel_loop3A_697, %parallel_loop3A_698], %parallel_loop3A_701 {add = true, strides = array<i32>} : memref<32x1024xf32, #tpu.memory_space<vmem>>, vector<1x16xf32>,
        %parallel_loop3A_702 = arith.constant 16 : i32
        %parallel_loop3A_703 = arith.addi %parallel_loop3A_702, %add3A_678 : i32
        %parallel_loop3A_704 = arith.index_cast %parallel_loop3A_703 : i32 to index
        %parallel_loop3A_705 = arith.index_cast %parallel_loop3A_683 : i32 to index
        %parallel_loop3A_706 = tpu.vector_load %arg9[%parallel_loop3A_704, %parallel_loop3A_705] {strides = array<i32>} : memref<32x1024xf32, #tpu.memory_space<vmem>>, vector<1x16xf32>,
        %parallel_loop3A_707 = vector.shape_cast %parallel_loop3A_706 : vector<1x16xf32> to vector<16xf32>
        %parallel_loop3A_708 = vector.shape_cast %parallel_loop3A_687 : vector<16xf32> to vector<1x16xf32>
        tpu.vector_store %arg9[%parallel_loop3A_704, %parallel_loop3A_705], %parallel_loop3A_708 {add = true, strides = array<i32>} : memref<32x1024xf32, #tpu.memory_space<vmem>>, vector<1x16xf32>,
        %parallel_loop3A_709 = arith.constant 24 : i32
        %parallel_loop3A_710 = arith.addi %parallel_loop3A_709, %add3A_678 : i32
        %parallel_loop3A_711 = arith.index_cast %parallel_loop3A_710 : i32 to index
        %parallel_loop3A_712 = arith.index_cast %parallel_loop3A_683 : i32 to index
        %parallel_loop3A_713 = tpu.vector_load %arg9[%parallel_loop3A_711, %parallel_loop3A_712] {strides = array<i32>} : memref<32x1024xf32, #tpu.memory_space<vmem>>, vector<1x16xf32>,
        %parallel_loop3A_714 = vector.shape_cast %parallel_loop3A_713 : vector<1x16xf32> to vector<16xf32>
        %parallel_loop3A_715 = vector.shape_cast %parallel_loop3A_687 : vector<16xf32> to vector<1x16xf32>
        tpu.vector_store %arg9[%parallel_loop3A_711, %parallel_loop3A_712], %parallel_loop3A_715 {add = true, strides = array<i32>} : memref<32x1024xf32, #tpu.memory_space<vmem>>, vector<1x16xf32>,
      } {sc.loop_unroll_factor = 8 : i64, sc.parallel_access}
    }
    %scan3A_134 = arith.constant 8 : i32
    %add3A_135 = arith.constant 16 : i32
    %add3A_136 = arith.addi %mul3A_2, %add3A_135 : i32
    %dma_start3A_137 = tpu.memref_reshape %arg9 : memref<32x1024xf32, #tpu.memory_space<vmem>> -> memref<4x8x1024xf32, #tpu.memory_space<vmem>>
    %dma_start3A_138 = arith.constant 0 : i32
    %dma_start3A_139 = arith.constant 0 : i32
    %dma_start3A_140 = tpu.memref_slice %arg5[%dma_start3A_138, %add3A_136, %dma_start3A_139] : memref<4x4096x1024xf32, #tpu.memory_space<hbm>> -> memref<4x8x1024xf32, #tpu.memory_space<hbm>>
    %dma_start3A_141 = arith.constant 0 : i32
    %dma_start3A_142 = arith.constant 0 : i32
    %dma_start3A_143 = tpu.memref_slice %arg5[%dma_start3A_141, %add3A_136, %dma_start3A_142] : memref<4x4096x1024xf32, #tpu.memory_space<hbm>> -> memref<4x8x1024xf32, #tpu.memory_space<hbm>>
    %dma_start3A_144 = tpu.memref_reshape %arg9 : memref<32x1024xf32, #tpu.memory_space<vmem>> -> memref<4x8x1024xf32, #tpu.memory_space<vmem>>
    tpu.enqueue_dma source(%dma_start3A_144 : memref<4x8x1024xf32, #tpu.memory_space<vmem>>) target(%dma_start3A_143 : memref<4x8x1024xf32, #tpu.memory_space<hbm>>) target_semaphore(%arg21 : memref<!tpu.dma_semaphore, #tpu.memory_space<semaphore_mem>>)
    %dma_wait3A_145 = arith.constant 96 : i32
    %dma_wait3A_146 = tpu.memref_slice %arg6[%dma_wait3A_145] : memref<512xi32, #tpu.memory_space<vmem>> -> memref<32xi32, #tpu.memory_space<vmem>>
    %dma_wait3A_147 = arith.constant 0 : i32
    %dma_wait3A_148 = arith.constant 0 : i32
    %dma_wait3A_149 = tpu.memref_slice %arg4[%dma_wait3A_147, %dma_wait3A_148] : memref<100000x1024xf32, #tpu.memory_space<hbm>> -> memref<100000x1024xf32, #tpu.memory_space<hbm>>
    tpu.wait_indirect_dma semaphore(%arg13 : memref<!tpu.dma_semaphore, #tpu.memory_space<semaphore_mem>>) src(%dma_wait3A_149 : memref<100000x1024xf32, #tpu.memory_space<hbm>>) dst(%arg7 : memref<32x1024xf32, #tpu.memory_space<vmem>>)
    %dma_wait3A_150 = arith.constant 0 : i32
    %dma_wait3A_151 = tpu.memref_slice %arg3[%add3A_82, %dma_wait3A_150] : memref<4096x1024xf32, #tpu.memory_space<hbm>> -> memref<8x1024xf32, #tpu.memory_space<hbm>>
    %dma_wait3A_152 = arith.constant 0 : i32
    %dma_wait3A_153 = tpu.memref_slice %arg3[%add3A_82, %dma_wait3A_152] : memref<4096x1024xf32, #tpu.memory_space<hbm>> -> memref<8x1024xf32, #tpu.memory_space<hbm>>
    tpu.wait_dma2 semaphore(%arg16 : memref<!tpu.dma_semaphore, #tpu.memory_space<semaphore_mem>>) src(%dma_wait3A_153 : memref<8x1024xf32, #tpu.memory_space<hbm>>) dst(%arg10 : memref<8x1024xf32, #tpu.memory_space<vmem>>)
    %dma_wait3A_154 = tpu.memref_reshape %arg9 : memref<32x1024xf32, #tpu.memory_space<vmem>> -> memref<4x8x1024xf32, #tpu.memory_space<vmem>>
    %dma_wait3A_155 = arith.constant 0 : i32
    %dma_wait3A_156 = arith.constant 0 : i32
    %dma_wait3A_157 = tpu.memref_slice %arg5[%dma_wait3A_155, %add3A_136, %dma_wait3A_156] : memref<4x4096x1024xf32, #tpu.memory_space<hbm>> -> memref<4x8x1024xf32, #tpu.memory_space<hbm>>
    %dma_wait3A_158 = arith.constant 0 : i32
    %dma_wait3A_159 = arith.constant 0 : i32
    %dma_wait3A_160 = tpu.memref_slice %arg5[%dma_wait3A_158, %add3A_136, %dma_wait3A_159] : memref<4x4096x1024xf32, #tpu.memory_space<hbm>> -> memref<4x8x1024xf32, #tpu.memory_space<hbm>>
    %dma_wait3A_161 = tpu.memref_reshape %arg9 : memref<32x1024xf32, #tpu.memory_space<vmem>> -> memref<4x8x1024xf32, #tpu.memory_space<vmem>>
    tpu.wait_dma2 semaphore(%arg21 : memref<!tpu.dma_semaphore, #tpu.memory_space<semaphore_mem>>) src(%dma_wait3A_161 : memref<4x8x1024xf32, #tpu.memory_space<vmem>>) dst(%dma_wait3A_160 : memref<4x8x1024xf32, #tpu.memory_space<hbm>>)
    %dma_start3A_162 = arith.constant 160 : i32
    %dma_start3A_163 = tpu.memref_slice %arg6[%dma_start3A_162] : memref<512xi32, #tpu.memory_space<vmem>> -> memref<32xi32, #tpu.memory_space<vmem>>
    %dma_start3A_164 = arith.constant 0 : i32
    %dma_start3A_165 = arith.constant 0 : i32
    %dma_start3A_166 = tpu.memref_slice %arg4[%dma_start3A_164, %dma_start3A_165] : memref<100000x1024xf32, #tpu.memory_space<hbm>> -> memref<100000x1024xf32, #tpu.memory_space<hbm>>
    tpu.enqueue_indirect_dma source(%dma_start3A_166 : memref<100000x1024xf32, #tpu.memory_space<hbm>>) target(%arg9 : memref<32x1024xf32, #tpu.memory_space<vmem>>) offsets(%dma_start3A_163 : memref<32xi32, #tpu.memory_space<vmem>>) semaphore(%arg15 : memref<!tpu.dma_semaphore, #tpu.memory_space<semaphore_mem>>)
    %add3A_167 = arith.constant 40 : i32
    %add3A_168 = arith.addi %mul3A_2, %add3A_167 : i32
    %dma_start3A_169 = arith.constant 0 : i32
    %dma_start3A_170 = tpu.memref_slice %arg3[%add3A_168, %dma_start3A_169] : memref<4096x1024xf32, #tpu.memory_space<hbm>> -> memref<8x1024xf32, #tpu.memory_space<hbm>>
    %dma_start3A_171 = arith.constant 0 : i32
    %dma_start3A_172 = tpu.memref_slice %arg3[%add3A_168, %dma_start3A_171] : memref<4096x1024xf32, #tpu.memory_space<hbm>> -> memref<8x1024xf32, #tpu.memory_space<hbm>>
    tpu.enqueue_dma source(%dma_start3A_172 : memref<8x1024xf32, #tpu.memory_space<hbm>>) target(%arg12 : memref<8x1024xf32, #tpu.memory_space<vmem>>) target_semaphore(%arg18 : memref<!tpu.dma_semaphore, #tpu.memory_space<semaphore_mem>>)
    %scan3A_173 = arith.constant 0 : i32
    %scan3A_174 = arith.constant 8 : i32
    %scan3A_175 = arith.addi %scan3A_173, %scan3A_174 : i32
    %scan3A_176 = arith.constant 1 : i32
    scf.for %scan3A_674 = %scan3A_173 to %scan3A_175 step %scan3A_176  : i32 {
      %mul3A_675 = arith.constant 1 : i32
      %mul3A_676 = arith.muli %scan3A_674, %mul3A_675 : i32
      %add3A_677 = arith.constant 0 : i32
      %add3A_678 = arith.addi %add3A_677, %mul3A_676 : i32
      %parallel_loop3A = arith.constant 0 : i32
      %parallel_loop3A_679 = arith.constant 64 : i32
      %parallel_loop3A_680 = arith.constant 1 : i32
      scf.for %parallel_loop3A_681 = %parallel_loop3A to %parallel_loop3A_679 step %parallel_loop3A_680  : i32 {
        %parallel_loop3A_682 = arith.constant 16 : i32
        %parallel_loop3A_683 = arith.muli %parallel_loop3A_681, %parallel_loop3A_682 : i32
        %parallel_loop3A_684 = arith.index_cast %add3A_678 : i32 to index
        %parallel_loop3A_685 = arith.index_cast %parallel_loop3A_683 : i32 to index
        %parallel_loop3A_686 = tpu.vector_load %arg10[%parallel_loop3A_684, %parallel_loop3A_685] {strides = array<i32>} : memref<8x1024xf32, #tpu.memory_space<vmem>>, vector<1x16xf32>,
        %parallel_loop3A_687 = vector.shape_cast %parallel_loop3A_686 : vector<1x16xf32> to vector<16xf32>
        %parallel_loop3A_688 = arith.constant 0 : i32
        %parallel_loop3A_689 = arith.addi %parallel_loop3A_688, %add3A_678 : i32
        %parallel_loop3A_690 = arith.index_cast %parallel_loop3A_689 : i32 to index
        %parallel_loop3A_691 = arith.index_cast %parallel_loop3A_683 : i32 to index
        %parallel_loop3A_692 = tpu.vector_load %arg7[%parallel_loop3A_690, %parallel_loop3A_691] {strides = array<i32>} : memref<32x1024xf32, #tpu.memory_space<vmem>>, vector<1x16xf32>,
        %parallel_loop3A_693 = vector.shape_cast %parallel_loop3A_692 : vector<1x16xf32> to vector<16xf32>
        %parallel_loop3A_694 = vector.shape_cast %parallel_loop3A_687 : vector<16xf32> to vector<1x16xf32>
        tpu.vector_store %arg7[%parallel_loop3A_690, %parallel_loop3A_691], %parallel_loop3A_694 {add = true, strides = array<i32>} : memref<32x1024xf32, #tpu.memory_space<vmem>>, vector<1x16xf32>,
        %parallel_loop3A_695 = arith.constant 8 : i32
        %parallel_loop3A_696 = arith.addi %parallel_loop3A_695, %add3A_678 : i32
        %parallel_loop3A_697 = arith.index_cast %parallel_loop3A_696 : i32 to index
        %parallel_loop3A_698 = arith.index_cast %parallel_loop3A_683 : i32 to index
        %parallel_loop3A_699 = tpu.vector_load %arg7[%parallel_loop3A_697, %parallel_loop3A_698] {strides = array<i32>} : memref<32x1024xf32, #tpu.memory_space<vmem>>, vector<1x16xf32>,
        %parallel_loop3A_700 = vector.shape_cast %parallel_loop3A_699 : vector<1x16xf32> to vector<16xf32>
        %parallel_loop3A_701 = vector.shape_cast %parallel_loop3A_687 : vector<16xf32> to vector<1x16xf32>
        tpu.vector_store %arg7[%parallel_loop3A_697, %parallel_loop3A_698], %parallel_loop3A_701 {add = true, strides = array<i32>} : memref<32x1024xf32, #tpu.memory_space<vmem>>, vector<1x16xf32>,
        %parallel_loop3A_702 = arith.constant 16 : i32
        %parallel_loop3A_703 = arith.addi %parallel_loop3A_702, %add3A_678 : i32
        %parallel_loop3A_704 = arith.index_cast %parallel_loop3A_703 : i32 to index
        %parallel_loop3A_705 = arith.index_cast %parallel_loop3A_683 : i32 to index
        %parallel_loop3A_706 = tpu.vector_load %arg7[%parallel_loop3A_704, %parallel_loop3A_705] {strides = array<i32>} : memref<32x1024xf32, #tpu.memory_space<vmem>>, vector<1x16xf32>,
        %parallel_loop3A_707 = vector.shape_cast %parallel_loop3A_706 : vector<1x16xf32> to vector<16xf32>
        %parallel_loop3A_708 = vector.shape_cast %parallel_loop3A_687 : vector<16xf32> to vector<1x16xf32>
        tpu.vector_store %arg7[%parallel_loop3A_704, %parallel_loop3A_705], %parallel_loop3A_708 {add = true, strides = array<i32>} : memref<32x1024xf32, #tpu.memory_space<vmem>>, vector<1x16xf32>,
        %parallel_loop3A_709 = arith.constant 24 : i32
        %parallel_loop3A_710 = arith.addi %parallel_loop3A_709, %add3A_678 : i32
        %parallel_loop3A_711 = arith.index_cast %parallel_loop3A_710 : i32 to index
        %parallel_loop3A_712 = arith.index_cast %parallel_loop3A_683 : i32 to index
        %parallel_loop3A_713 = tpu.vector_load %arg7[%parallel_loop3A_711, %parallel_loop3A_712] {strides = array<i32>} : memref<32x1024xf32, #tpu.memory_space<vmem>>, vector<1x16xf32>,
        %parallel_loop3A_714 = vector.shape_cast %parallel_loop3A_713 : vector<1x16xf32> to vector<16xf32>
        %parallel_loop3A_715 = vector.shape_cast %parallel_loop3A_687 : vector<16xf32> to vector<1x16xf32>
        tpu.vector_store %arg7[%parallel_loop3A_711, %parallel_loop3A_712], %parallel_loop3A_715 {add = true, strides = array<i32>} : memref<32x1024xf32, #tpu.memory_space<vmem>>, vector<1x16xf32>,
      } {sc.loop_unroll_factor = 8 : i64, sc.parallel_access}
    }
    %scan3A_177 = arith.constant 8 : i32
    %add3A_178 = arith.constant 24 : i32
    %add3A_179 = arith.addi %mul3A_2, %add3A_178 : i32
    %dma_start3A_180 = tpu.memref_reshape %arg7 : memref<32x1024xf32, #tpu.memory_space<vmem>> -> memref<4x8x1024xf32, #tpu.memory_space<vmem>>
    %dma_start3A_181 = arith.constant 0 : i32
    %dma_start3A_182 = arith.constant 0 : i32
    %dma_start3A_183 = tpu.memref_slice %arg5[%dma_start3A_181, %add3A_179, %dma_start3A_182] : memref<4x4096x1024xf32, #tpu.memory_space<hbm>> -> memref<4x8x1024xf32, #tpu.memory_space<hbm>>
    %dma_start3A_184 = arith.constant 0 : i32
    %dma_start3A_185 = arith.constant 0 : i32
    %dma_start3A_186 = tpu.memref_slice %arg5[%dma_start3A_184, %add3A_179, %dma_start3A_185] : memref<4x4096x1024xf32, #tpu.memory_space<hbm>> -> memref<4x8x1024xf32, #tpu.memory_space<hbm>>
    %dma_start3A_187 = tpu.memref_reshape %arg7 : memref<32x1024xf32, #tpu.memory_space<vmem>> -> memref<4x8x1024xf32, #tpu.memory_space<vmem>>
    tpu.enqueue_dma source(%dma_start3A_187 : memref<4x8x1024xf32, #tpu.memory_space<vmem>>) target(%dma_start3A_186 : memref<4x8x1024xf32, #tpu.memory_space<hbm>>) target_semaphore(%arg19 : memref<!tpu.dma_semaphore, #tpu.memory_space<semaphore_mem>>)
    %dma_wait3A_188 = arith.constant 128 : i32
    %dma_wait3A_189 = tpu.memref_slice %arg6[%dma_wait3A_188] : memref<512xi32, #tpu.memory_space<vmem>> -> memref<32xi32, #tpu.memory_space<vmem>>
    %dma_wait3A_190 = arith.constant 0 : i32
    %dma_wait3A_191 = arith.constant 0 : i32
    %dma_wait3A_192 = tpu.memref_slice %arg4[%dma_wait3A_190, %dma_wait3A_191] : memref<100000x1024xf32, #tpu.memory_space<hbm>> -> memref<100000x1024xf32, #tpu.memory_space<hbm>>
    tpu.wait_indirect_dma semaphore(%arg14 : memref<!tpu.dma_semaphore, #tpu.memory_space<semaphore_mem>>) src(%dma_wait3A_192 : memref<100000x1024xf32, #tpu.memory_space<hbm>>) dst(%arg8 : memref<32x1024xf32, #tpu.memory_space<vmem>>)
    %dma_wait3A_193 = arith.constant 0 : i32
    %dma_wait3A_194 = tpu.memref_slice %arg3[%add3A_125, %dma_wait3A_193] : memref<4096x1024xf32, #tpu.memory_space<hbm>> -> memref<8x1024xf32, #tpu.memory_space<hbm>>
    %dma_wait3A_195 = arith.constant 0 : i32
    %dma_wait3A_196 = tpu.memref_slice %arg3[%add3A_125, %dma_wait3A_195] : memref<4096x1024xf32, #tpu.memory_space<hbm>> -> memref<8x1024xf32, #tpu.memory_space<hbm>>
    tpu.wait_dma2 semaphore(%arg17 : memref<!tpu.dma_semaphore, #tpu.memory_space<semaphore_mem>>) src(%dma_wait3A_196 : memref<8x1024xf32, #tpu.memory_space<hbm>>) dst(%arg11 : memref<8x1024xf32, #tpu.memory_space<vmem>>)
    %dma_wait3A_197 = tpu.memref_reshape %arg7 : memref<32x1024xf32, #tpu.memory_space<vmem>> -> memref<4x8x1024xf32, #tpu.memory_space<vmem>>
    %dma_wait3A_198 = arith.constant 0 : i32
    %dma_wait3A_199 = arith.constant 0 : i32
    %dma_wait3A_200 = tpu.memref_slice %arg5[%dma_wait3A_198, %add3A_179, %dma_wait3A_199] : memref<4x4096x1024xf32, #tpu.memory_space<hbm>> -> memref<4x8x1024xf32, #tpu.memory_space<hbm>>
    %dma_wait3A_201 = arith.constant 0 : i32
    %dma_wait3A_202 = arith.constant 0 : i32
    %dma_wait3A_203 = tpu.memref_slice %arg5[%dma_wait3A_201, %add3A_179, %dma_wait3A_202] : memref<4x4096x1024xf32, #tpu.memory_space<hbm>> -> memref<4x8x1024xf32, #tpu.memory_space<hbm>>
    %dma_wait3A_204 = tpu.memref_reshape %arg7 : memref<32x1024xf32, #tpu.memory_space<vmem>> -> memref<4x8x1024xf32, #tpu.memory_space<vmem>>
    tpu.wait_dma2 semaphore(%arg19 : memref<!tpu.dma_semaphore, #tpu.memory_space<semaphore_mem>>) src(%dma_wait3A_204 : memref<4x8x1024xf32, #tpu.memory_space<vmem>>) dst(%dma_wait3A_203 : memref<4x8x1024xf32, #tpu.memory_space<hbm>>)
    %dma_start3A_205 = arith.constant 192 : i32
    %dma_start3A_206 = tpu.memref_slice %arg6[%dma_start3A_205] : memref<512xi32, #tpu.memory_space<vmem>> -> memref<32xi32, #tpu.memory_space<vmem>>
    %dma_start3A_207 = arith.constant 0 : i32
    %dma_start3A_208 = arith.constant 0 : i32
    %dma_start3A_209 = tpu.memref_slice %arg4[%dma_start3A_207, %dma_start3A_208] : memref<100000x1024xf32, #tpu.memory_space<hbm>> -> memref<100000x1024xf32, #tpu.memory_space<hbm>>
    tpu.enqueue_indirect_dma source(%dma_start3A_209 : memref<100000x1024xf32, #tpu.memory_space<hbm>>) target(%arg7 : memref<32x1024xf32, #tpu.memory_space<vmem>>) offsets(%dma_start3A_206 : memref<32xi32, #tpu.memory_space<vmem>>) semaphore(%arg13 : memref<!tpu.dma_semaphore, #tpu.memory_space<semaphore_mem>>)
    %add3A_210 = arith.constant 48 : i32
    %add3A_211 = arith.addi %mul3A_2, %add3A_210 : i32
    %dma_start3A_212 = arith.constant 0 : i32
    %dma_start3A_213 = tpu.memref_slice %arg3[%add3A_211, %dma_start3A_212] : memref<4096x1024xf32, #tpu.memory_space<hbm>> -> memref<8x1024xf32, #tpu.memory_space<hbm>>
    %dma_start3A_214 = arith.constant 0 : i32
    %dma_start3A_215 = tpu.memref_slice %arg3[%add3A_211, %dma_start3A_214] : memref<4096x1024xf32, #tpu.memory_space<hbm>> -> memref<8x1024xf32, #tpu.memory_space<hbm>>
    tpu.enqueue_dma source(%dma_start3A_215 : memref<8x1024xf32, #tpu.memory_space<hbm>>) target(%arg10 : memref<8x1024xf32, #tpu.memory_space<vmem>>) target_semaphore(%arg16 : memref<!tpu.dma_semaphore, #tpu.memory_space<semaphore_mem>>)
    %scan3A_216 = arith.constant 0 : i32
    %scan3A_217 = arith.constant 8 : i32
    %scan3A_218 = arith.addi %scan3A_216, %scan3A_217 : i32
    %scan3A_219 = arith.constant 1 : i32
    scf.for %scan3A_674 = %scan3A_216 to %scan3A_218 step %scan3A_219  : i32 {
      %mul3A_675 = arith.constant 1 : i32
      %mul3A_676 = arith.muli %scan3A_674, %mul3A_675 : i32
      %add3A_677 = arith.constant 0 : i32
      %add3A_678 = arith.addi %add3A_677, %mul3A_676 : i32
      %parallel_loop3A = arith.constant 0 : i32
      %parallel_loop3A_679 = arith.constant 64 : i32
      %parallel_loop3A_680 = arith.constant 1 : i32
      scf.for %parallel_loop3A_681 = %parallel_loop3A to %parallel_loop3A_679 step %parallel_loop3A_680  : i32 {
        %parallel_loop3A_682 = arith.constant 16 : i32
        %parallel_loop3A_683 = arith.muli %parallel_loop3A_681, %parallel_loop3A_682 : i32
        %parallel_loop3A_684 = arith.index_cast %add3A_678 : i32 to index
        %parallel_loop3A_685 = arith.index_cast %parallel_loop3A_683 : i32 to index
        %parallel_loop3A_686 = tpu.vector_load %arg11[%parallel_loop3A_684, %parallel_loop3A_685] {strides = array<i32>} : memref<8x1024xf32, #tpu.memory_space<vmem>>, vector<1x16xf32>,
        %parallel_loop3A_687 = vector.shape_cast %parallel_loop3A_686 : vector<1x16xf32> to vector<16xf32>
        %parallel_loop3A_688 = arith.constant 0 : i32
        %parallel_loop3A_689 = arith.addi %parallel_loop3A_688, %add3A_678 : i32
        %parallel_loop3A_690 = arith.index_cast %parallel_loop3A_689 : i32 to index
        %parallel_loop3A_691 = arith.index_cast %parallel_loop3A_683 : i32 to index
        %parallel_loop3A_692 = tpu.vector_load %arg8[%parallel_loop3A_690, %parallel_loop3A_691] {strides = array<i32>} : memref<32x1024xf32, #tpu.memory_space<vmem>>, vector<1x16xf32>,
        %parallel_loop3A_693 = vector.shape_cast %parallel_loop3A_692 : vector<1x16xf32> to vector<16xf32>
        %parallel_loop3A_694 = vector.shape_cast %parallel_loop3A_687 : vector<16xf32> to vector<1x16xf32>
        tpu.vector_store %arg8[%parallel_loop3A_690, %parallel_loop3A_691], %parallel_loop3A_694 {add = true, strides = array<i32>} : memref<32x1024xf32, #tpu.memory_space<vmem>>, vector<1x16xf32>,
        %parallel_loop3A_695 = arith.constant 8 : i32
        %parallel_loop3A_696 = arith.addi %parallel_loop3A_695, %add3A_678 : i32
        %parallel_loop3A_697 = arith.index_cast %parallel_loop3A_696 : i32 to index
        %parallel_loop3A_698 = arith.index_cast %parallel_loop3A_683 : i32 to index
        %parallel_loop3A_699 = tpu.vector_load %arg8[%parallel_loop3A_697, %parallel_loop3A_698] {strides = array<i32>} : memref<32x1024xf32, #tpu.memory_space<vmem>>, vector<1x16xf32>,
        %parallel_loop3A_700 = vector.shape_cast %parallel_loop3A_699 : vector<1x16xf32> to vector<16xf32>
        %parallel_loop3A_701 = vector.shape_cast %parallel_loop3A_687 : vector<16xf32> to vector<1x16xf32>
        tpu.vector_store %arg8[%parallel_loop3A_697, %parallel_loop3A_698], %parallel_loop3A_701 {add = true, strides = array<i32>} : memref<32x1024xf32, #tpu.memory_space<vmem>>, vector<1x16xf32>,
        %parallel_loop3A_702 = arith.constant 16 : i32
        %parallel_loop3A_703 = arith.addi %parallel_loop3A_702, %add3A_678 : i32
        %parallel_loop3A_704 = arith.index_cast %parallel_loop3A_703 : i32 to index
        %parallel_loop3A_705 = arith.index_cast %parallel_loop3A_683 : i32 to index
        %parallel_loop3A_706 = tpu.vector_load %arg8[%parallel_loop3A_704, %parallel_loop3A_705] {strides = array<i32>} : memref<32x1024xf32, #tpu.memory_space<vmem>>, vector<1x16xf32>,
        %parallel_loop3A_707 = vector.shape_cast %parallel_loop3A_706 : vector<1x16xf32> to vector<16xf32>
        %parallel_loop3A_708 = vector.shape_cast %parallel_loop3A_687 : vector<16xf32> to vector<1x16xf32>
        tpu.vector_store %arg8[%parallel_loop3A_704, %parallel_loop3A_705], %parallel_loop3A_708 {add = true, strides = array<i32>} : memref<32x1024xf32, #tpu.memory_space<vmem>>, vector<1x16xf32>,
        %parallel_loop3A_709 = arith.constant 24 : i32
        %parallel_loop3A_710 = arith.addi %parallel_loop3A_709, %add3A_678 : i32
        %parallel_loop3A_711 = arith.index_cast %parallel_loop3A_710 : i32 to index
        %parallel_loop3A_712 = arith.index_cast %parallel_loop3A_683 : i32 to index
        %parallel_loop3A_713 = tpu.vector_load %arg8[%parallel_loop3A_711, %parallel_loop3A_712] {strides = array<i32>} : memref<32x1024xf32, #tpu.memory_space<vmem>>, vector<1x16xf32>,
        %parallel_loop3A_714 = vector.shape_cast %parallel_loop3A_713 : vector<1x16xf32> to vector<16xf32>
        %parallel_loop3A_715 = vector.shape_cast %parallel_loop3A_687 : vector<16xf32> to vector<1x16xf32>
        tpu.vector_store %arg8[%parallel_loop3A_711, %parallel_loop3A_712], %parallel_loop3A_715 {add = true, strides = array<i32>} : memref<32x1024xf32, #tpu.memory_space<vmem>>, vector<1x16xf32>,
      } {sc.loop_unroll_factor = 8 : i64, sc.parallel_access}
    }
    %scan3A_220 = arith.constant 8 : i32
    %add3A_221 = arith.constant 32 : i32
    %add3A_222 = arith.addi %mul3A_2, %add3A_221 : i32
    %dma_start3A_223 = tpu.memref_reshape %arg8 : memref<32x1024xf32, #tpu.memory_space<vmem>> -> memref<4x8x1024xf32, #tpu.memory_space<vmem>>
    %dma_start3A_224 = arith.constant 0 : i32
    %dma_start3A_225 = arith.constant 0 : i32
    %dma_start3A_226 = tpu.memref_slice %arg5[%dma_start3A_224, %add3A_222, %dma_start3A_225] : memref<4x4096x1024xf32, #tpu.memory_space<hbm>> -> memref<4x8x1024xf32, #tpu.memory_space<hbm>>
    %dma_start3A_227 = arith.constant 0 : i32
    %dma_start3A_228 = arith.constant 0 : i32
    %dma_start3A_229 = tpu.memref_slice %arg5[%dma_start3A_227, %add3A_222, %dma_start3A_228] : memref<4x4096x1024xf32, #tpu.memory_space<hbm>> -> memref<4x8x1024xf32, #tpu.memory_space<hbm>>
    %dma_start3A_230 = tpu.memref_reshape %arg8 : memref<32x1024xf32, #tpu.memory_space<vmem>> -> memref<4x8x1024xf32, #tpu.memory_space<vmem>>
    tpu.enqueue_dma source(%dma_start3A_230 : memref<4x8x1024xf32, #tpu.memory_space<vmem>>) target(%dma_start3A_229 : memref<4x8x1024xf32, #tpu.memory_space<hbm>>) target_semaphore(%arg20 : memref<!tpu.dma_semaphore, #tpu.memory_space<semaphore_mem>>)
    %dma_wait3A_231 = arith.constant 160 : i32
    %dma_wait3A_232 = tpu.memref_slice %arg6[%dma_wait3A_231] : memref<512xi32, #tpu.memory_space<vmem>> -> memref<32xi32, #tpu.memory_space<vmem>>
    %dma_wait3A_233 = arith.constant 0 : i32
    %dma_wait3A_234 = arith.constant 0 : i32
    %dma_wait3A_235 = tpu.memref_slice %arg4[%dma_wait3A_233, %dma_wait3A_234] : memref<100000x1024xf32, #tpu.memory_space<hbm>> -> memref<100000x1024xf32, #tpu.memory_space<hbm>>
    tpu.wait_indirect_dma semaphore(%arg15 : memref<!tpu.dma_semaphore, #tpu.memory_space<semaphore_mem>>) src(%dma_wait3A_235 : memref<100000x1024xf32, #tpu.memory_space<hbm>>) dst(%arg9 : memref<32x1024xf32, #tpu.memory_space<vmem>>)
    %dma_wait3A_236 = arith.constant 0 : i32
    %dma_wait3A_237 = tpu.memref_slice %arg3[%add3A_168, %dma_wait3A_236] : memref<4096x1024xf32, #tpu.memory_space<hbm>> -> memref<8x1024xf32, #tpu.memory_space<hbm>>
    %dma_wait3A_238 = arith.constant 0 : i32
    %dma_wait3A_239 = tpu.memref_slice %arg3[%add3A_168, %dma_wait3A_238] : memref<4096x1024xf32, #tpu.memory_space<hbm>> -> memref<8x1024xf32, #tpu.memory_space<hbm>>
    tpu.wait_dma2 semaphore(%arg18 : memref<!tpu.dma_semaphore, #tpu.memory_space<semaphore_mem>>) src(%dma_wait3A_239 : memref<8x1024xf32, #tpu.memory_space<hbm>>) dst(%arg12 : memref<8x1024xf32, #tpu.memory_space<vmem>>)
    %dma_wait3A_240 = tpu.memref_reshape %arg8 : memref<32x1024xf32, #tpu.memory_space<vmem>> -> memref<4x8x1024xf32, #tpu.memory_space<vmem>>
    %dma_wait3A_241 = arith.constant 0 : i32
    %dma_wait3A_242 = arith.constant 0 : i32
    %dma_wait3A_243 = tpu.memref_slice %arg5[%dma_wait3A_241, %add3A_222, %dma_wait3A_242] : memref<4x4096x1024xf32, #tpu.memory_space<hbm>> -> memref<4x8x1024xf32, #tpu.memory_space<hbm>>
    %dma_wait3A_244 = arith.constant 0 : i32
    %dma_wait3A_245 = arith.constant 0 : i32
    %dma_wait3A_246 = tpu.memref_slice %arg5[%dma_wait3A_244, %add3A_222, %dma_wait3A_245] : memref<4x4096x1024xf32, #tpu.memory_space<hbm>> -> memref<4x8x1024xf32, #tpu.memory_space<hbm>>
    %dma_wait3A_247 = tpu.memref_reshape %arg8 : memref<32x1024xf32, #tpu.memory_space<vmem>> -> memref<4x8x1024xf32, #tpu.memory_space<vmem>>
    tpu.wait_dma2 semaphore(%arg20 : memref<!tpu.dma_semaphore, #tpu.memory_space<semaphore_mem>>) src(%dma_wait3A_247 : memref<4x8x1024xf32, #tpu.memory_space<vmem>>) dst(%dma_wait3A_246 : memref<4x8x1024xf32, #tpu.memory_space<hbm>>)
    %dma_start3A_248 = arith.constant 224 : i32
    %dma_start3A_249 = tpu.memref_slice %arg6[%dma_start3A_248] : memref<512xi32, #tpu.memory_space<vmem>> -> memref<32xi32, #tpu.memory_space<vmem>>
    %dma_start3A_250 = arith.constant 0 : i32
    %dma_start3A_251 = arith.constant 0 : i32
    %dma_start3A_252 = tpu.memref_slice %arg4[%dma_start3A_250, %dma_start3A_251] : memref<100000x1024xf32, #tpu.memory_space<hbm>> -> memref<100000x1024xf32, #tpu.memory_space<hbm>>
    tpu.enqueue_indirect_dma source(%dma_start3A_252 : memref<100000x1024xf32, #tpu.memory_space<hbm>>) target(%arg8 : memref<32x1024xf32, #tpu.memory_space<vmem>>) offsets(%dma_start3A_249 : memref<32xi32, #tpu.memory_space<vmem>>) semaphore(%arg14 : memref<!tpu.dma_semaphore, #tpu.memory_space<semaphore_mem>>)
    %add3A_253 = arith.constant 56 : i32
    %add3A_254 = arith.addi %mul3A_2, %add3A_253 : i32
    %dma_start3A_255 = arith.constant 0 : i32
    %dma_start3A_256 = tpu.memref_slice %arg3[%add3A_254, %dma_start3A_255] : memref<4096x1024xf32, #tpu.memory_space<hbm>> -> memref<8x1024xf32, #tpu.memory_space<hbm>>
    %dma_start3A_257 = arith.constant 0 : i32
    %dma_start3A_258 = tpu.memref_slice %arg3[%add3A_254, %dma_start3A_257] : memref<4096x1024xf32, #tpu.memory_space<hbm>> -> memref<8x1024xf32, #tpu.memory_space<hbm>>
    tpu.enqueue_dma source(%dma_start3A_258 : memref<8x1024xf32, #tpu.memory_space<hbm>>) target(%arg11 : memref<8x1024xf32, #tpu.memory_space<vmem>>) target_semaphore(%arg17 : memref<!tpu.dma_semaphore, #tpu.memory_space<semaphore_mem>>)
    %scan3A_259 = arith.constant 0 : i32
    %scan3A_260 = arith.constant 8 : i32
    %scan3A_261 = arith.addi %scan3A_259, %scan3A_260 : i32
    %scan3A_262 = arith.constant 1 : i32
    scf.for %scan3A_674 = %scan3A_259 to %scan3A_261 step %scan3A_262  : i32 {
      %mul3A_675 = arith.constant 1 : i32
      %mul3A_676 = arith.muli %scan3A_674, %mul3A_675 : i32
      %add3A_677 = arith.constant 0 : i32
      %add3A_678 = arith.addi %add3A_677, %mul3A_676 : i32
      %parallel_loop3A = arith.constant 0 : i32
      %parallel_loop3A_679 = arith.constant 64 : i32
      %parallel_loop3A_680 = arith.constant 1 : i32
      scf.for %parallel_loop3A_681 = %parallel_loop3A to %parallel_loop3A_679 step %parallel_loop3A_680  : i32 {
        %parallel_loop3A_682 = arith.constant 16 : i32
        %parallel_loop3A_683 = arith.muli %parallel_loop3A_681, %parallel_loop3A_682 : i32
        %parallel_loop3A_684 = arith.index_cast %add3A_678 : i32 to index
        %parallel_loop3A_685 = arith.index_cast %parallel_loop3A_683 : i32 to index
        %parallel_loop3A_686 = tpu.vector_load %arg12[%parallel_loop3A_684, %parallel_loop3A_685] {strides = array<i32>} : memref<8x1024xf32, #tpu.memory_space<vmem>>, vector<1x16xf32>,
        %parallel_loop3A_687 = vector.shape_cast %parallel_loop3A_686 : vector<1x16xf32> to vector<16xf32>
        %parallel_loop3A_688 = arith.constant 0 : i32
        %parallel_loop3A_689 = arith.addi %parallel_loop3A_688, %add3A_678 : i32
        %parallel_loop3A_690 = arith.index_cast %parallel_loop3A_689 : i32 to index
        %parallel_loop3A_691 = arith.index_cast %parallel_loop3A_683 : i32 to index
        %parallel_loop3A_692 = tpu.vector_load %arg9[%parallel_loop3A_690, %parallel_loop3A_691] {strides = array<i32>} : memref<32x1024xf32, #tpu.memory_space<vmem>>, vector<1x16xf32>,
        %parallel_loop3A_693 = vector.shape_cast %parallel_loop3A_692 : vector<1x16xf32> to vector<16xf32>
        %parallel_loop3A_694 = vector.shape_cast %parallel_loop3A_687 : vector<16xf32> to vector<1x16xf32>
        tpu.vector_store %arg9[%parallel_loop3A_690, %parallel_loop3A_691], %parallel_loop3A_694 {add = true, strides = array<i32>} : memref<32x1024xf32, #tpu.memory_space<vmem>>, vector<1x16xf32>,
        %parallel_loop3A_695 = arith.constant 8 : i32
        %parallel_loop3A_696 = arith.addi %parallel_loop3A_695, %add3A_678 : i32
        %parallel_loop3A_697 = arith.index_cast %parallel_loop3A_696 : i32 to index
        %parallel_loop3A_698 = arith.index_cast %parallel_loop3A_683 : i32 to index
        %parallel_loop3A_699 = tpu.vector_load %arg9[%parallel_loop3A_697, %parallel_loop3A_698] {strides = array<i32>} : memref<32x1024xf32, #tpu.memory_space<vmem>>, vector<1x16xf32>,
        %parallel_loop3A_700 = vector.shape_cast %parallel_loop3A_699 : vector<1x16xf32> to vector<16xf32>
        %parallel_loop3A_701 = vector.shape_cast %parallel_loop3A_687 : vector<16xf32> to vector<1x16xf32>
        tpu.vector_store %arg9[%parallel_loop3A_697, %parallel_loop3A_698], %parallel_loop3A_701 {add = true, strides = array<i32>} : memref<32x1024xf32, #tpu.memory_space<vmem>>, vector<1x16xf32>,
        %parallel_loop3A_702 = arith.constant 16 : i32
        %parallel_loop3A_703 = arith.addi %parallel_loop3A_702, %add3A_678 : i32
        %parallel_loop3A_704 = arith.index_cast %parallel_loop3A_703 : i32 to index
        %parallel_loop3A_705 = arith.index_cast %parallel_loop3A_683 : i32 to index
        %parallel_loop3A_706 = tpu.vector_load %arg9[%parallel_loop3A_704, %parallel_loop3A_705] {strides = array<i32>} : memref<32x1024xf32, #tpu.memory_space<vmem>>, vector<1x16xf32>,
        %parallel_loop3A_707 = vector.shape_cast %parallel_loop3A_706 : vector<1x16xf32> to vector<16xf32>
        %parallel_loop3A_708 = vector.shape_cast %parallel_loop3A_687 : vector<16xf32> to vector<1x16xf32>
        tpu.vector_store %arg9[%parallel_loop3A_704, %parallel_loop3A_705], %parallel_loop3A_708 {add = true, strides = array<i32>} : memref<32x1024xf32, #tpu.memory_space<vmem>>, vector<1x16xf32>,
        %parallel_loop3A_709 = arith.constant 24 : i32
        %parallel_loop3A_710 = arith.addi %parallel_loop3A_709, %add3A_678 : i32
        %parallel_loop3A_711 = arith.index_cast %parallel_loop3A_710 : i32 to index
        %parallel_loop3A_712 = arith.index_cast %parallel_loop3A_683 : i32 to index
        %parallel_loop3A_713 = tpu.vector_load %arg9[%parallel_loop3A_711, %parallel_loop3A_712] {strides = array<i32>} : memref<32x1024xf32, #tpu.memory_space<vmem>>, vector<1x16xf32>,
        %parallel_loop3A_714 = vector.shape_cast %parallel_loop3A_713 : vector<1x16xf32> to vector<16xf32>
        %parallel_loop3A_715 = vector.shape_cast %parallel_loop3A_687 : vector<16xf32> to vector<1x16xf32>
        tpu.vector_store %arg9[%parallel_loop3A_711, %parallel_loop3A_712], %parallel_loop3A_715 {add = true, strides = array<i32>} : memref<32x1024xf32, #tpu.memory_space<vmem>>, vector<1x16xf32>,
      } {sc.loop_unroll_factor = 8 : i64, sc.parallel_access}
    }
    %scan3A_263 = arith.constant 8 : i32
    %add3A_264 = arith.constant 40 : i32
    %add3A_265 = arith.addi %mul3A_2, %add3A_264 : i32
    %dma_start3A_266 = tpu.memref_reshape %arg9 : memref<32x1024xf32, #tpu.memory_space<vmem>> -> memref<4x8x1024xf32, #tpu.memory_space<vmem>>
    %dma_start3A_267 = arith.constant 0 : i32
    %dma_start3A_268 = arith.constant 0 : i32
    %dma_start3A_269 = tpu.memref_slice %arg5[%dma_start3A_267, %add3A_265, %dma_start3A_268] : memref<4x4096x1024xf32, #tpu.memory_space<hbm>> -> memref<4x8x1024xf32, #tpu.memory_space<hbm>>
    %dma_start3A_270 = arith.constant 0 : i32
    %dma_start3A_271 = arith.constant 0 : i32
    %dma_start3A_272 = tpu.memref_slice %arg5[%dma_start3A_270, %add3A_265, %dma_start3A_271] : memref<4x4096x1024xf32, #tpu.memory_space<hbm>> -> memref<4x8x1024xf32, #tpu.memory_space<hbm>>
    %dma_start3A_273 = tpu.memref_reshape %arg9 : memref<32x1024xf32, #tpu.memory_space<vmem>> -> memref<4x8x1024xf32, #tpu.memory_space<vmem>>
    tpu.enqueue_dma source(%dma_start3A_273 : memref<4x8x1024xf32, #tpu.memory_space<vmem>>) target(%dma_start3A_272 : memref<4x8x1024xf32, #tpu.memory_space<hbm>>) target_semaphore(%arg21 : memref<!tpu.dma_semaphore, #tpu.memory_space<semaphore_mem>>)
    %dma_wait3A_274 = arith.constant 192 : i32
    %dma_wait3A_275 = tpu.memref_slice %arg6[%dma_wait3A_274] : memref<512xi32, #tpu.memory_space<vmem>> -> memref<32xi32, #tpu.memory_space<vmem>>
    %dma_wait3A_276 = arith.constant 0 : i32
    %dma_wait3A_277 = arith.constant 0 : i32
    %dma_wait3A_278 = tpu.memref_slice %arg4[%dma_wait3A_276, %dma_wait3A_277] : memref<100000x1024xf32, #tpu.memory_space<hbm>> -> memref<100000x1024xf32, #tpu.memory_space<hbm>>
    tpu.wait_indirect_dma semaphore(%arg13 : memref<!tpu.dma_semaphore, #tpu.memory_space<semaphore_mem>>) src(%dma_wait3A_278 : memref<100000x1024xf32, #tpu.memory_space<hbm>>) dst(%arg7 : memref<32x1024xf32, #tpu.memory_space<vmem>>)
    %dma_wait3A_279 = arith.constant 0 : i32
    %dma_wait3A_280 = tpu.memref_slice %arg3[%add3A_211, %dma_wait3A_279] : memref<4096x1024xf32, #tpu.memory_space<hbm>> -> memref<8x1024xf32, #tpu.memory_space<hbm>>
    %dma_wait3A_281 = arith.constant 0 : i32
    %dma_wait3A_282 = tpu.memref_slice %arg3[%add3A_211, %dma_wait3A_281] : memref<4096x1024xf32, #tpu.memory_space<hbm>> -> memref<8x1024xf32, #tpu.memory_space<hbm>>
    tpu.wait_dma2 semaphore(%arg16 : memref<!tpu.dma_semaphore, #tpu.memory_space<semaphore_mem>>) src(%dma_wait3A_282 : memref<8x1024xf32, #tpu.memory_space<hbm>>) dst(%arg10 : memref<8x1024xf32, #tpu.memory_space<vmem>>)
    %dma_wait3A_283 = tpu.memref_reshape %arg9 : memref<32x1024xf32, #tpu.memory_space<vmem>> -> memref<4x8x1024xf32, #tpu.memory_space<vmem>>
    %dma_wait3A_284 = arith.constant 0 : i32
    %dma_wait3A_285 = arith.constant 0 : i32
    %dma_wait3A_286 = tpu.memref_slice %arg5[%dma_wait3A_284, %add3A_265, %dma_wait3A_285] : memref<4x4096x1024xf32, #tpu.memory_space<hbm>> -> memref<4x8x1024xf32, #tpu.memory_space<hbm>>
    %dma_wait3A_287 = arith.constant 0 : i32
    %dma_wait3A_288 = arith.constant 0 : i32
    %dma_wait3A_289 = tpu.memref_slice %arg5[%dma_wait3A_287, %add3A_265, %dma_wait3A_288] : memref<4x4096x1024xf32, #tpu.memory_space<hbm>> -> memref<4x8x1024xf32, #tpu.memory_space<hbm>>
    %dma_wait3A_290 = tpu.memref_reshape %arg9 : memref<32x1024xf32, #tpu.memory_space<vmem>> -> memref<4x8x1024xf32, #tpu.memory_space<vmem>>
    tpu.wait_dma2 semaphore(%arg21 : memref<!tpu.dma_semaphore, #tpu.memory_space<semaphore_mem>>) src(%dma_wait3A_290 : memref<4x8x1024xf32, #tpu.memory_space<vmem>>) dst(%dma_wait3A_289 : memref<4x8x1024xf32, #tpu.memory_space<hbm>>)
    %dma_start3A_291 = arith.constant 256 : i32
    %dma_start3A_292 = tpu.memref_slice %arg6[%dma_start3A_291] : memref<512xi32, #tpu.memory_space<vmem>> -> memref<32xi32, #tpu.memory_space<vmem>>
    %dma_start3A_293 = arith.constant 0 : i32
    %dma_start3A_294 = arith.constant 0 : i32
    %dma_start3A_295 = tpu.memref_slice %arg4[%dma_start3A_293, %dma_start3A_294] : memref<100000x1024xf32, #tpu.memory_space<hbm>> -> memref<100000x1024xf32, #tpu.memory_space<hbm>>
    tpu.enqueue_indirect_dma source(%dma_start3A_295 : memref<100000x1024xf32, #tpu.memory_space<hbm>>) target(%arg9 : memref<32x1024xf32, #tpu.memory_space<vmem>>) offsets(%dma_start3A_292 : memref<32xi32, #tpu.memory_space<vmem>>) semaphore(%arg15 : memref<!tpu.dma_semaphore, #tpu.memory_space<semaphore_mem>>)
    %add3A_296 = arith.constant 64 : i32
    %add3A_297 = arith.addi %mul3A_2, %add3A_296 : i32
    %dma_start3A_298 = arith.constant 0 : i32
    %dma_start3A_299 = tpu.memref_slice %arg3[%add3A_297, %dma_start3A_298] : memref<4096x1024xf32, #tpu.memory_space<hbm>> -> memref<8x1024xf32, #tpu.memory_space<hbm>>
    %dma_start3A_300 = arith.constant 0 : i32
    %dma_start3A_301 = tpu.memref_slice %arg3[%add3A_297, %dma_start3A_300] : memref<4096x1024xf32, #tpu.memory_space<hbm>> -> memref<8x1024xf32, #tpu.memory_space<hbm>>
    tpu.enqueue_dma source(%dma_start3A_301 : memref<8x1024xf32, #tpu.memory_space<hbm>>) target(%arg12 : memref<8x1024xf32, #tpu.memory_space<vmem>>) target_semaphore(%arg18 : memref<!tpu.dma_semaphore, #tpu.memory_space<semaphore_mem>>)
    %scan3A_302 = arith.constant 0 : i32
    %scan3A_303 = arith.constant 8 : i32
    %scan3A_304 = arith.addi %scan3A_302, %scan3A_303 : i32
    %scan3A_305 = arith.constant 1 : i32
    scf.for %scan3A_674 = %scan3A_302 to %scan3A_304 step %scan3A_305  : i32 {
      %mul3A_675 = arith.constant 1 : i32
      %mul3A_676 = arith.muli %scan3A_674, %mul3A_675 : i32
      %add3A_677 = arith.constant 0 : i32
      %add3A_678 = arith.addi %add3A_677, %mul3A_676 : i32
      %parallel_loop3A = arith.constant 0 : i32
      %parallel_loop3A_679 = arith.constant 64 : i32
      %parallel_loop3A_680 = arith.constant 1 : i32
      scf.for %parallel_loop3A_681 = %parallel_loop3A to %parallel_loop3A_679 step %parallel_loop3A_680  : i32 {
        %parallel_loop3A_682 = arith.constant 16 : i32
        %parallel_loop3A_683 = arith.muli %parallel_loop3A_681, %parallel_loop3A_682 : i32
        %parallel_loop3A_684 = arith.index_cast %add3A_678 : i32 to index
        %parallel_loop3A_685 = arith.index_cast %parallel_loop3A_683 : i32 to index
        %parallel_loop3A_686 = tpu.vector_load %arg10[%parallel_loop3A_684, %parallel_loop3A_685] {strides = array<i32>} : memref<8x1024xf32, #tpu.memory_space<vmem>>, vector<1x16xf32>,
        %parallel_loop3A_687 = vector.shape_cast %parallel_loop3A_686 : vector<1x16xf32> to vector<16xf32>
        %parallel_loop3A_688 = arith.constant 0 : i32
        %parallel_loop3A_689 = arith.addi %parallel_loop3A_688, %add3A_678 : i32
        %parallel_loop3A_690 = arith.index_cast %parallel_loop3A_689 : i32 to index
        %parallel_loop3A_691 = arith.index_cast %parallel_loop3A_683 : i32 to index
        %parallel_loop3A_692 = tpu.vector_load %arg7[%parallel_loop3A_690, %parallel_loop3A_691] {strides = array<i32>} : memref<32x1024xf32, #tpu.memory_space<vmem>>, vector<1x16xf32>,
        %parallel_loop3A_693 = vector.shape_cast %parallel_loop3A_692 : vector<1x16xf32> to vector<16xf32>
        %parallel_loop3A_694 = vector.shape_cast %parallel_loop3A_687 : vector<16xf32> to vector<1x16xf32>
        tpu.vector_store %arg7[%parallel_loop3A_690, %parallel_loop3A_691], %parallel_loop3A_694 {add = true, strides = array<i32>} : memref<32x1024xf32, #tpu.memory_space<vmem>>, vector<1x16xf32>,
        %parallel_loop3A_695 = arith.constant 8 : i32
        %parallel_loop3A_696 = arith.addi %parallel_loop3A_695, %add3A_678 : i32
        %parallel_loop3A_697 = arith.index_cast %parallel_loop3A_696 : i32 to index
        %parallel_loop3A_698 = arith.index_cast %parallel_loop3A_683 : i32 to index
        %parallel_loop3A_699 = tpu.vector_load %arg7[%parallel_loop3A_697, %parallel_loop3A_698] {strides = array<i32>} : memref<32x1024xf32, #tpu.memory_space<vmem>>, vector<1x16xf32>,
        %parallel_loop3A_700 = vector.shape_cast %parallel_loop3A_699 : vector<1x16xf32> to vector<16xf32>
        %parallel_loop3A_701 = vector.shape_cast %parallel_loop3A_687 : vector<16xf32> to vector<1x16xf32>
        tpu.vector_store %arg7[%parallel_loop3A_697, %parallel_loop3A_698], %parallel_loop3A_701 {add = true, strides = array<i32>} : memref<32x1024xf32, #tpu.memory_space<vmem>>, vector<1x16xf32>,
        %parallel_loop3A_702 = arith.constant 16 : i32
        %parallel_loop3A_703 = arith.addi %parallel_loop3A_702, %add3A_678 : i32
        %parallel_loop3A_704 = arith.index_cast %parallel_loop3A_703 : i32 to index
        %parallel_loop3A_705 = arith.index_cast %parallel_loop3A_683 : i32 to index
        %parallel_loop3A_706 = tpu.vector_load %arg7[%parallel_loop3A_704, %parallel_loop3A_705] {strides = array<i32>} : memref<32x1024xf32, #tpu.memory_space<vmem>>, vector<1x16xf32>,
        %parallel_loop3A_707 = vector.shape_cast %parallel_loop3A_706 : vector<1x16xf32> to vector<16xf32>
        %parallel_loop3A_708 = vector.shape_cast %parallel_loop3A_687 : vector<16xf32> to vector<1x16xf32>
        tpu.vector_store %arg7[%parallel_loop3A_704, %parallel_loop3A_705], %parallel_loop3A_708 {add = true, strides = array<i32>} : memref<32x1024xf32, #tpu.memory_space<vmem>>, vector<1x16xf32>,
        %parallel_loop3A_709 = arith.constant 24 : i32
        %parallel_loop3A_710 = arith.addi %parallel_loop3A_709, %add3A_678 : i32
        %parallel_loop3A_711 = arith.index_cast %parallel_loop3A_710 : i32 to index
        %parallel_loop3A_712 = arith.index_cast %parallel_loop3A_683 : i32 to index
        %parallel_loop3A_713 = tpu.vector_load %arg7[%parallel_loop3A_711, %parallel_loop3A_712] {strides = array<i32>} : memref<32x1024xf32, #tpu.memory_space<vmem>>, vector<1x16xf32>,
        %parallel_loop3A_714 = vector.shape_cast %parallel_loop3A_713 : vector<1x16xf32> to vector<16xf32>
        %parallel_loop3A_715 = vector.shape_cast %parallel_loop3A_687 : vector<16xf32> to vector<1x16xf32>
        tpu.vector_store %arg7[%parallel_loop3A_711, %parallel_loop3A_712], %parallel_loop3A_715 {add = true, strides = array<i32>} : memref<32x1024xf32, #tpu.memory_space<vmem>>, vector<1x16xf32>,
      } {sc.loop_unroll_factor = 8 : i64, sc.parallel_access}
    }
    %scan3A_306 = arith.constant 8 : i32
    %add3A_307 = arith.constant 48 : i32
    %add3A_308 = arith.addi %mul3A_2, %add3A_307 : i32
    %dma_start3A_309 = tpu.memref_reshape %arg7 : memref<32x1024xf32, #tpu.memory_space<vmem>> -> memref<4x8x1024xf32, #tpu.memory_space<vmem>>
    %dma_start3A_310 = arith.constant 0 : i32
    %dma_start3A_311 = arith.constant 0 : i32
    %dma_start3A_312 = tpu.memref_slice %arg5[%dma_start3A_310, %add3A_308, %dma_start3A_311] : memref<4x4096x1024xf32, #tpu.memory_space<hbm>> -> memref<4x8x1024xf32, #tpu.memory_space<hbm>>
    %dma_start3A_313 = arith.constant 0 : i32
    %dma_start3A_314 = arith.constant 0 : i32
    %dma_start3A_315 = tpu.memref_slice %arg5[%dma_start3A_313, %add3A_308, %dma_start3A_314] : memref<4x4096x1024xf32, #tpu.memory_space<hbm>> -> memref<4x8x1024xf32, #tpu.memory_space<hbm>>
    %dma_start3A_316 = tpu.memref_reshape %arg7 : memref<32x1024xf32, #tpu.memory_space<vmem>> -> memref<4x8x1024xf32, #tpu.memory_space<vmem>>
    tpu.enqueue_dma source(%dma_start3A_316 : memref<4x8x1024xf32, #tpu.memory_space<vmem>>) target(%dma_start3A_315 : memref<4x8x1024xf32, #tpu.memory_space<hbm>>) target_semaphore(%arg19 : memref<!tpu.dma_semaphore, #tpu.memory_space<semaphore_mem>>)
    %dma_wait3A_317 = arith.constant 224 : i32
    %dma_wait3A_318 = tpu.memref_slice %arg6[%dma_wait3A_317] : memref<512xi32, #tpu.memory_space<vmem>> -> memref<32xi32, #tpu.memory_space<vmem>>
    %dma_wait3A_319 = arith.constant 0 : i32
    %dma_wait3A_320 = arith.constant 0 : i32
    %dma_wait3A_321 = tpu.memref_slice %arg4[%dma_wait3A_319, %dma_wait3A_320] : memref<100000x1024xf32, #tpu.memory_space<hbm>> -> memref<100000x1024xf32, #tpu.memory_space<hbm>>
    tpu.wait_indirect_dma semaphore(%arg14 : memref<!tpu.dma_semaphore, #tpu.memory_space<semaphore_mem>>) src(%dma_wait3A_321 : memref<100000x1024xf32, #tpu.memory_space<hbm>>) dst(%arg8 : memref<32x1024xf32, #tpu.memory_space<vmem>>)
    %dma_wait3A_322 = arith.constant 0 : i32
    %dma_wait3A_323 = tpu.memref_slice %arg3[%add3A_254, %dma_wait3A_322] : memref<4096x1024xf32, #tpu.memory_space<hbm>> -> memref<8x1024xf32, #tpu.memory_space<hbm>>
    %dma_wait3A_324 = arith.constant 0 : i32
    %dma_wait3A_325 = tpu.memref_slice %arg3[%add3A_254, %dma_wait3A_324] : memref<4096x1024xf32, #tpu.memory_space<hbm>> -> memref<8x1024xf32, #tpu.memory_space<hbm>>
    tpu.wait_dma2 semaphore(%arg17 : memref<!tpu.dma_semaphore, #tpu.memory_space<semaphore_mem>>) src(%dma_wait3A_325 : memref<8x1024xf32, #tpu.memory_space<hbm>>) dst(%arg11 : memref<8x1024xf32, #tpu.memory_space<vmem>>)
    %dma_wait3A_326 = tpu.memref_reshape %arg7 : memref<32x1024xf32, #tpu.memory_space<vmem>> -> memref<4x8x1024xf32, #tpu.memory_space<vmem>>
    %dma_wait3A_327 = arith.constant 0 : i32
    %dma_wait3A_328 = arith.constant 0 : i32
    %dma_wait3A_329 = tpu.memref_slice %arg5[%dma_wait3A_327, %add3A_308, %dma_wait3A_328] : memref<4x4096x1024xf32, #tpu.memory_space<hbm>> -> memref<4x8x1024xf32, #tpu.memory_space<hbm>>
    %dma_wait3A_330 = arith.constant 0 : i32
    %dma_wait3A_331 = arith.constant 0 : i32
    %dma_wait3A_332 = tpu.memref_slice %arg5[%dma_wait3A_330, %add3A_308, %dma_wait3A_331] : memref<4x4096x1024xf32, #tpu.memory_space<hbm>> -> memref<4x8x1024xf32, #tpu.memory_space<hbm>>
    %dma_wait3A_333 = tpu.memref_reshape %arg7 : memref<32x1024xf32, #tpu.memory_space<vmem>> -> memref<4x8x1024xf32, #tpu.memory_space<vmem>>
    tpu.wait_dma2 semaphore(%arg19 : memref<!tpu.dma_semaphore, #tpu.memory_space<semaphore_mem>>) src(%dma_wait3A_333 : memref<4x8x1024xf32, #tpu.memory_space<vmem>>) dst(%dma_wait3A_332 : memref<4x8x1024xf32, #tpu.memory_space<hbm>>)
    %dma_start3A_334 = arith.constant 288 : i32
    %dma_start3A_335 = tpu.memref_slice %arg6[%dma_start3A_334] : memref<512xi32, #tpu.memory_space<vmem>> -> memref<32xi32, #tpu.memory_space<vmem>>
    %dma_start3A_336 = arith.constant 0 : i32
    %dma_start3A_337 = arith.constant 0 : i32
    %dma_start3A_338 = tpu.memref_slice %arg4[%dma_start3A_336, %dma_start3A_337] : memref<100000x1024xf32, #tpu.memory_space<hbm>> -> memref<100000x1024xf32, #tpu.memory_space<hbm>>
    tpu.enqueue_indirect_dma source(%dma_start3A_338 : memref<100000x1024xf32, #tpu.memory_space<hbm>>) target(%arg7 : memref<32x1024xf32, #tpu.memory_space<vmem>>) offsets(%dma_start3A_335 : memref<32xi32, #tpu.memory_space<vmem>>) semaphore(%arg13 : memref<!tpu.dma_semaphore, #tpu.memory_space<semaphore_mem>>)
    %add3A_339 = arith.constant 72 : i32
    %add3A_340 = arith.addi %mul3A_2, %add3A_339 : i32
    %dma_start3A_341 = arith.constant 0 : i32
    %dma_start3A_342 = tpu.memref_slice %arg3[%add3A_340, %dma_start3A_341] : memref<4096x1024xf32, #tpu.memory_space<hbm>> -> memref<8x1024xf32, #tpu.memory_space<hbm>>
    %dma_start3A_343 = arith.constant 0 : i32
    %dma_start3A_344 = tpu.memref_slice %arg3[%add3A_340, %dma_start3A_343] : memref<4096x1024xf32, #tpu.memory_space<hbm>> -> memref<8x1024xf32, #tpu.memory_space<hbm>>
    tpu.enqueue_dma source(%dma_start3A_344 : memref<8x1024xf32, #tpu.memory_space<hbm>>) target(%arg10 : memref<8x1024xf32, #tpu.memory_space<vmem>>) target_semaphore(%arg16 : memref<!tpu.dma_semaphore, #tpu.memory_space<semaphore_mem>>)
    %scan3A_345 = arith.constant 0 : i32
    %scan3A_346 = arith.constant 8 : i32
    %scan3A_347 = arith.addi %scan3A_345, %scan3A_346 : i32
    %scan3A_348 = arith.constant 1 : i32
    scf.for %scan3A_674 = %scan3A_345 to %scan3A_347 step %scan3A_348  : i32 {
      %mul3A_675 = arith.constant 1 : i32
      %mul3A_676 = arith.muli %scan3A_674, %mul3A_675 : i32
      %add3A_677 = arith.constant 0 : i32
      %add3A_678 = arith.addi %add3A_677, %mul3A_676 : i32
      %parallel_loop3A = arith.constant 0 : i32
      %parallel_loop3A_679 = arith.constant 64 : i32
      %parallel_loop3A_680 = arith.constant 1 : i32
      scf.for %parallel_loop3A_681 = %parallel_loop3A to %parallel_loop3A_679 step %parallel_loop3A_680  : i32 {
        %parallel_loop3A_682 = arith.constant 16 : i32
        %parallel_loop3A_683 = arith.muli %parallel_loop3A_681, %parallel_loop3A_682 : i32
        %parallel_loop3A_684 = arith.index_cast %add3A_678 : i32 to index
        %parallel_loop3A_685 = arith.index_cast %parallel_loop3A_683 : i32 to index
        %parallel_loop3A_686 = tpu.vector_load %arg11[%parallel_loop3A_684, %parallel_loop3A_685] {strides = array<i32>} : memref<8x1024xf32, #tpu.memory_space<vmem>>, vector<1x16xf32>,
        %parallel_loop3A_687 = vector.shape_cast %parallel_loop3A_686 : vector<1x16xf32> to vector<16xf32>
        %parallel_loop3A_688 = arith.constant 0 : i32
        %parallel_loop3A_689 = arith.addi %parallel_loop3A_688, %add3A_678 : i32
        %parallel_loop3A_690 = arith.index_cast %parallel_loop3A_689 : i32 to index
        %parallel_loop3A_691 = arith.index_cast %parallel_loop3A_683 : i32 to index
        %parallel_loop3A_692 = tpu.vector_load %arg8[%parallel_loop3A_690, %parallel_loop3A_691] {strides = array<i32>} : memref<32x1024xf32, #tpu.memory_space<vmem>>, vector<1x16xf32>,
        %parallel_loop3A_693 = vector.shape_cast %parallel_loop3A_692 : vector<1x16xf32> to vector<16xf32>
        %parallel_loop3A_694 = vector.shape_cast %parallel_loop3A_687 : vector<16xf32> to vector<1x16xf32>
        tpu.vector_store %arg8[%parallel_loop3A_690, %parallel_loop3A_691], %parallel_loop3A_694 {add = true, strides = array<i32>} : memref<32x1024xf32, #tpu.memory_space<vmem>>, vector<1x16xf32>,
        %parallel_loop3A_695 = arith.constant 8 : i32
        %parallel_loop3A_696 = arith.addi %parallel_loop3A_695, %add3A_678 : i32
        %parallel_loop3A_697 = arith.index_cast %parallel_loop3A_696 : i32 to index
        %parallel_loop3A_698 = arith.index_cast %parallel_loop3A_683 : i32 to index
        %parallel_loop3A_699 = tpu.vector_load %arg8[%parallel_loop3A_697, %parallel_loop3A_698] {strides = array<i32>} : memref<32x1024xf32, #tpu.memory_space<vmem>>, vector<1x16xf32>,
        %parallel_loop3A_700 = vector.shape_cast %parallel_loop3A_699 : vector<1x16xf32> to vector<16xf32>
        %parallel_loop3A_701 = vector.shape_cast %parallel_loop3A_687 : vector<16xf32> to vector<1x16xf32>
        tpu.vector_store %arg8[%parallel_loop3A_697, %parallel_loop3A_698], %parallel_loop3A_701 {add = true, strides = array<i32>} : memref<32x1024xf32, #tpu.memory_space<vmem>>, vector<1x16xf32>,
        %parallel_loop3A_702 = arith.constant 16 : i32
        %parallel_loop3A_703 = arith.addi %parallel_loop3A_702, %add3A_678 : i32
        %parallel_loop3A_704 = arith.index_cast %parallel_loop3A_703 : i32 to index
        %parallel_loop3A_705 = arith.index_cast %parallel_loop3A_683 : i32 to index
        %parallel_loop3A_706 = tpu.vector_load %arg8[%parallel_loop3A_704, %parallel_loop3A_705] {strides = array<i32>} : memref<32x1024xf32, #tpu.memory_space<vmem>>, vector<1x16xf32>,
        %parallel_loop3A_707 = vector.shape_cast %parallel_loop3A_706 : vector<1x16xf32> to vector<16xf32>
        %parallel_loop3A_708 = vector.shape_cast %parallel_loop3A_687 : vector<16xf32> to vector<1x16xf32>
        tpu.vector_store %arg8[%parallel_loop3A_704, %parallel_loop3A_705], %parallel_loop3A_708 {add = true, strides = array<i32>} : memref<32x1024xf32, #tpu.memory_space<vmem>>, vector<1x16xf32>,
        %parallel_loop3A_709 = arith.constant 24 : i32
        %parallel_loop3A_710 = arith.addi %parallel_loop3A_709, %add3A_678 : i32
        %parallel_loop3A_711 = arith.index_cast %parallel_loop3A_710 : i32 to index
        %parallel_loop3A_712 = arith.index_cast %parallel_loop3A_683 : i32 to index
        %parallel_loop3A_713 = tpu.vector_load %arg8[%parallel_loop3A_711, %parallel_loop3A_712] {strides = array<i32>} : memref<32x1024xf32, #tpu.memory_space<vmem>>, vector<1x16xf32>,
        %parallel_loop3A_714 = vector.shape_cast %parallel_loop3A_713 : vector<1x16xf32> to vector<16xf32>
        %parallel_loop3A_715 = vector.shape_cast %parallel_loop3A_687 : vector<16xf32> to vector<1x16xf32>
        tpu.vector_store %arg8[%parallel_loop3A_711, %parallel_loop3A_712], %parallel_loop3A_715 {add = true, strides = array<i32>} : memref<32x1024xf32, #tpu.memory_space<vmem>>, vector<1x16xf32>,
      } {sc.loop_unroll_factor = 8 : i64, sc.parallel_access}
    }
    %scan3A_349 = arith.constant 8 : i32
    %add3A_350 = arith.constant 56 : i32
    %add3A_351 = arith.addi %mul3A_2, %add3A_350 : i32
    %dma_start3A_352 = tpu.memref_reshape %arg8 : memref<32x1024xf32, #tpu.memory_space<vmem>> -> memref<4x8x1024xf32, #tpu.memory_space<vmem>>
    %dma_start3A_353 = arith.constant 0 : i32
    %dma_start3A_354 = arith.constant 0 : i32
    %dma_start3A_355 = tpu.memref_slice %arg5[%dma_start3A_353, %add3A_351, %dma_start3A_354] : memref<4x4096x1024xf32, #tpu.memory_space<hbm>> -> memref<4x8x1024xf32, #tpu.memory_space<hbm>>
    %dma_start3A_356 = arith.constant 0 : i32
    %dma_start3A_357 = arith.constant 0 : i32
    %dma_start3A_358 = tpu.memref_slice %arg5[%dma_start3A_356, %add3A_351, %dma_start3A_357] : memref<4x4096x1024xf32, #tpu.memory_space<hbm>> -> memref<4x8x1024xf32, #tpu.memory_space<hbm>>
    %dma_start3A_359 = tpu.memref_reshape %arg8 : memref<32x1024xf32, #tpu.memory_space<vmem>> -> memref<4x8x1024xf32, #tpu.memory_space<vmem>>
    tpu.enqueue_dma source(%dma_start3A_359 : memref<4x8x1024xf32, #tpu.memory_space<vmem>>) target(%dma_start3A_358 : memref<4x8x1024xf32, #tpu.memory_space<hbm>>) target_semaphore(%arg20 : memref<!tpu.dma_semaphore, #tpu.memory_space<semaphore_mem>>)
    %dma_wait3A_360 = arith.constant 256 : i32
    %dma_wait3A_361 = tpu.memref_slice %arg6[%dma_wait3A_360] : memref<512xi32, #tpu.memory_space<vmem>> -> memref<32xi32, #tpu.memory_space<vmem>>
    %dma_wait3A_362 = arith.constant 0 : i32
    %dma_wait3A_363 = arith.constant 0 : i32
    %dma_wait3A_364 = tpu.memref_slice %arg4[%dma_wait3A_362, %dma_wait3A_363] : memref<100000x1024xf32, #tpu.memory_space<hbm>> -> memref<100000x1024xf32, #tpu.memory_space<hbm>>
    tpu.wait_indirect_dma semaphore(%arg15 : memref<!tpu.dma_semaphore, #tpu.memory_space<semaphore_mem>>) src(%dma_wait3A_364 : memref<100000x1024xf32, #tpu.memory_space<hbm>>) dst(%arg9 : memref<32x1024xf32, #tpu.memory_space<vmem>>)
    %dma_wait3A_365 = arith.constant 0 : i32
    %dma_wait3A_366 = tpu.memref_slice %arg3[%add3A_297, %dma_wait3A_365] : memref<4096x1024xf32, #tpu.memory_space<hbm>> -> memref<8x1024xf32, #tpu.memory_space<hbm>>
    %dma_wait3A_367 = arith.constant 0 : i32
    %dma_wait3A_368 = tpu.memref_slice %arg3[%add3A_297, %dma_wait3A_367] : memref<4096x1024xf32, #tpu.memory_space<hbm>> -> memref<8x1024xf32, #tpu.memory_space<hbm>>
    tpu.wait_dma2 semaphore(%arg18 : memref<!tpu.dma_semaphore, #tpu.memory_space<semaphore_mem>>) src(%dma_wait3A_368 : memref<8x1024xf32, #tpu.memory_space<hbm>>) dst(%arg12 : memref<8x1024xf32, #tpu.memory_space<vmem>>)
    %dma_wait3A_369 = tpu.memref_reshape %arg8 : memref<32x1024xf32, #tpu.memory_space<vmem>> -> memref<4x8x1024xf32, #tpu.memory_space<vmem>>
    %dma_wait3A_370 = arith.constant 0 : i32
    %dma_wait3A_371 = arith.constant 0 : i32
    %dma_wait3A_372 = tpu.memref_slice %arg5[%dma_wait3A_370, %add3A_351, %dma_wait3A_371] : memref<4x4096x1024xf32, #tpu.memory_space<hbm>> -> memref<4x8x1024xf32, #tpu.memory_space<hbm>>
    %dma_wait3A_373 = arith.constant 0 : i32
    %dma_wait3A_374 = arith.constant 0 : i32
    %dma_wait3A_375 = tpu.memref_slice %arg5[%dma_wait3A_373, %add3A_351, %dma_wait3A_374] : memref<4x4096x1024xf32, #tpu.memory_space<hbm>> -> memref<4x8x1024xf32, #tpu.memory_space<hbm>>
    %dma_wait3A_376 = tpu.memref_reshape %arg8 : memref<32x1024xf32, #tpu.memory_space<vmem>> -> memref<4x8x1024xf32, #tpu.memory_space<vmem>>
    tpu.wait_dma2 semaphore(%arg20 : memref<!tpu.dma_semaphore, #tpu.memory_space<semaphore_mem>>) src(%dma_wait3A_376 : memref<4x8x1024xf32, #tpu.memory_space<vmem>>) dst(%dma_wait3A_375 : memref<4x8x1024xf32, #tpu.memory_space<hbm>>)
    %dma_start3A_377 = arith.constant 320 : i32
    %dma_start3A_378 = tpu.memref_slice %arg6[%dma_start3A_377] : memref<512xi32, #tpu.memory_space<vmem>> -> memref<32xi32, #tpu.memory_space<vmem>>
    %dma_start3A_379 = arith.constant 0 : i32
    %dma_start3A_380 = arith.constant 0 : i32
    %dma_start3A_381 = tpu.memref_slice %arg4[%dma_start3A_379, %dma_start3A_380] : memref<100000x1024xf32, #tpu.memory_space<hbm>> -> memref<100000x1024xf32, #tpu.memory_space<hbm>>
    tpu.enqueue_indirect_dma source(%dma_start3A_381 : memref<100000x1024xf32, #tpu.memory_space<hbm>>) target(%arg8 : memref<32x1024xf32, #tpu.memory_space<vmem>>) offsets(%dma_start3A_378 : memref<32xi32, #tpu.memory_space<vmem>>) semaphore(%arg14 : memref<!tpu.dma_semaphore, #tpu.memory_space<semaphore_mem>>)
    %add3A_382 = arith.constant 80 : i32
    %add3A_383 = arith.addi %mul3A_2, %add3A_382 : i32
    %dma_start3A_384 = arith.constant 0 : i32
    %dma_start3A_385 = tpu.memref_slice %arg3[%add3A_383, %dma_start3A_384] : memref<4096x1024xf32, #tpu.memory_space<hbm>> -> memref<8x1024xf32, #tpu.memory_space<hbm>>
    %dma_start3A_386 = arith.constant 0 : i32
    %dma_start3A_387 = tpu.memref_slice %arg3[%add3A_383, %dma_start3A_386] : memref<4096x1024xf32, #tpu.memory_space<hbm>> -> memref<8x1024xf32, #tpu.memory_space<hbm>>
    tpu.enqueue_dma source(%dma_start3A_387 : memref<8x1024xf32, #tpu.memory_space<hbm>>) target(%arg11 : memref<8x1024xf32, #tpu.memory_space<vmem>>) target_semaphore(%arg17 : memref<!tpu.dma_semaphore, #tpu.memory_space<semaphore_mem>>)
    %scan3A_388 = arith.constant 0 : i32
    %scan3A_389 = arith.constant 8 : i32
    %scan3A_390 = arith.addi %scan3A_388, %scan3A_389 : i32
    %scan3A_391 = arith.constant 1 : i32
    scf.for %scan3A_674 = %scan3A_388 to %scan3A_390 step %scan3A_391  : i32 {
      %mul3A_675 = arith.constant 1 : i32
      %mul3A_676 = arith.muli %scan3A_674, %mul3A_675 : i32
      %add3A_677 = arith.constant 0 : i32
      %add3A_678 = arith.addi %add3A_677, %mul3A_676 : i32
      %parallel_loop3A = arith.constant 0 : i32
      %parallel_loop3A_679 = arith.constant 64 : i32
      %parallel_loop3A_680 = arith.constant 1 : i32
      scf.for %parallel_loop3A_681 = %parallel_loop3A to %parallel_loop3A_679 step %parallel_loop3A_680  : i32 {
        %parallel_loop3A_682 = arith.constant 16 : i32
        %parallel_loop3A_683 = arith.muli %parallel_loop3A_681, %parallel_loop3A_682 : i32
        %parallel_loop3A_684 = arith.index_cast %add3A_678 : i32 to index
        %parallel_loop3A_685 = arith.index_cast %parallel_loop3A_683 : i32 to index
        %parallel_loop3A_686 = tpu.vector_load %arg12[%parallel_loop3A_684, %parallel_loop3A_685] {strides = array<i32>} : memref<8x1024xf32, #tpu.memory_space<vmem>>, vector<1x16xf32>,
        %parallel_loop3A_687 = vector.shape_cast %parallel_loop3A_686 : vector<1x16xf32> to vector<16xf32>
        %parallel_loop3A_688 = arith.constant 0 : i32
        %parallel_loop3A_689 = arith.addi %parallel_loop3A_688, %add3A_678 : i32
        %parallel_loop3A_690 = arith.index_cast %parallel_loop3A_689 : i32 to index
        %parallel_loop3A_691 = arith.index_cast %parallel_loop3A_683 : i32 to index
        %parallel_loop3A_692 = tpu.vector_load %arg9[%parallel_loop3A_690, %parallel_loop3A_691] {strides = array<i32>} : memref<32x1024xf32, #tpu.memory_space<vmem>>, vector<1x16xf32>,
        %parallel_loop3A_693 = vector.shape_cast %parallel_loop3A_692 : vector<1x16xf32> to vector<16xf32>
        %parallel_loop3A_694 = vector.shape_cast %parallel_loop3A_687 : vector<16xf32> to vector<1x16xf32>
        tpu.vector_store %arg9[%parallel_loop3A_690, %parallel_loop3A_691], %parallel_loop3A_694 {add = true, strides = array<i32>} : memref<32x1024xf32, #tpu.memory_space<vmem>>, vector<1x16xf32>,
        %parallel_loop3A_695 = arith.constant 8 : i32
        %parallel_loop3A_696 = arith.addi %parallel_loop3A_695, %add3A_678 : i32
        %parallel_loop3A_697 = arith.index_cast %parallel_loop3A_696 : i32 to index
        %parallel_loop3A_698 = arith.index_cast %parallel_loop3A_683 : i32 to index
        %parallel_loop3A_699 = tpu.vector_load %arg9[%parallel_loop3A_697, %parallel_loop3A_698] {strides = array<i32>} : memref<32x1024xf32, #tpu.memory_space<vmem>>, vector<1x16xf32>,
        %parallel_loop3A_700 = vector.shape_cast %parallel_loop3A_699 : vector<1x16xf32> to vector<16xf32>
        %parallel_loop3A_701 = vector.shape_cast %parallel_loop3A_687 : vector<16xf32> to vector<1x16xf32>
        tpu.vector_store %arg9[%parallel_loop3A_697, %parallel_loop3A_698], %parallel_loop3A_701 {add = true, strides = array<i32>} : memref<32x1024xf32, #tpu.memory_space<vmem>>, vector<1x16xf32>,
        %parallel_loop3A_702 = arith.constant 16 : i32
        %parallel_loop3A_703 = arith.addi %parallel_loop3A_702, %add3A_678 : i32
        %parallel_loop3A_704 = arith.index_cast %parallel_loop3A_703 : i32 to index
        %parallel_loop3A_705 = arith.index_cast %parallel_loop3A_683 : i32 to index
        %parallel_loop3A_706 = tpu.vector_load %arg9[%parallel_loop3A_704, %parallel_loop3A_705] {strides = array<i32>} : memref<32x1024xf32, #tpu.memory_space<vmem>>, vector<1x16xf32>,
        %parallel_loop3A_707 = vector.shape_cast %parallel_loop3A_706 : vector<1x16xf32> to vector<16xf32>
        %parallel_loop3A_708 = vector.shape_cast %parallel_loop3A_687 : vector<16xf32> to vector<1x16xf32>
        tpu.vector_store %arg9[%parallel_loop3A_704, %parallel_loop3A_705], %parallel_loop3A_708 {add = true, strides = array<i32>} : memref<32x1024xf32, #tpu.memory_space<vmem>>, vector<1x16xf32>,
        %parallel_loop3A_709 = arith.constant 24 : i32
        %parallel_loop3A_710 = arith.addi %parallel_loop3A_709, %add3A_678 : i32
        %parallel_loop3A_711 = arith.index_cast %parallel_loop3A_710 : i32 to index
        %parallel_loop3A_712 = arith.index_cast %parallel_loop3A_683 : i32 to index
        %parallel_loop3A_713 = tpu.vector_load %arg9[%parallel_loop3A_711, %parallel_loop3A_712] {strides = array<i32>} : memref<32x1024xf32, #tpu.memory_space<vmem>>, vector<1x16xf32>,
        %parallel_loop3A_714 = vector.shape_cast %parallel_loop3A_713 : vector<1x16xf32> to vector<16xf32>
        %parallel_loop3A_715 = vector.shape_cast %parallel_loop3A_687 : vector<16xf32> to vector<1x16xf32>
        tpu.vector_store %arg9[%parallel_loop3A_711, %parallel_loop3A_712], %parallel_loop3A_715 {add = true, strides = array<i32>} : memref<32x1024xf32, #tpu.memory_space<vmem>>, vector<1x16xf32>,
      } {sc.loop_unroll_factor = 8 : i64, sc.parallel_access}
    }
    %scan3A_392 = arith.constant 8 : i32
    %add3A_393 = arith.constant 64 : i32
    %add3A_394 = arith.addi %mul3A_2, %add3A_393 : i32
    %dma_start3A_395 = tpu.memref_reshape %arg9 : memref<32x1024xf32, #tpu.memory_space<vmem>> -> memref<4x8x1024xf32, #tpu.memory_space<vmem>>
    %dma_start3A_396 = arith.constant 0 : i32
    %dma_start3A_397 = arith.constant 0 : i32
    %dma_start3A_398 = tpu.memref_slice %arg5[%dma_start3A_396, %add3A_394, %dma_start3A_397] : memref<4x4096x1024xf32, #tpu.memory_space<hbm>> -> memref<4x8x1024xf32, #tpu.memory_space<hbm>>
    %dma_start3A_399 = arith.constant 0 : i32
    %dma_start3A_400 = arith.constant 0 : i32
    %dma_start3A_401 = tpu.memref_slice %arg5[%dma_start3A_399, %add3A_394, %dma_start3A_400] : memref<4x4096x1024xf32, #tpu.memory_space<hbm>> -> memref<4x8x1024xf32, #tpu.memory_space<hbm>>
    %dma_start3A_402 = tpu.memref_reshape %arg9 : memref<32x1024xf32, #tpu.memory_space<vmem>> -> memref<4x8x1024xf32, #tpu.memory_space<vmem>>
    tpu.enqueue_dma source(%dma_start3A_402 : memref<4x8x1024xf32, #tpu.memory_space<vmem>>) target(%dma_start3A_401 : memref<4x8x1024xf32, #tpu.memory_space<hbm>>) target_semaphore(%arg21 : memref<!tpu.dma_semaphore, #tpu.memory_space<semaphore_mem>>)
    %dma_wait3A_403 = arith.constant 288 : i32
    %dma_wait3A_404 = tpu.memref_slice %arg6[%dma_wait3A_403] : memref<512xi32, #tpu.memory_space<vmem>> -> memref<32xi32, #tpu.memory_space<vmem>>
    %dma_wait3A_405 = arith.constant 0 : i32
    %dma_wait3A_406 = arith.constant 0 : i32
    %dma_wait3A_407 = tpu.memref_slice %arg4[%dma_wait3A_405, %dma_wait3A_406] : memref<100000x1024xf32, #tpu.memory_space<hbm>> -> memref<100000x1024xf32, #tpu.memory_space<hbm>>
    tpu.wait_indirect_dma semaphore(%arg13 : memref<!tpu.dma_semaphore, #tpu.memory_space<semaphore_mem>>) src(%dma_wait3A_407 : memref<100000x1024xf32, #tpu.memory_space<hbm>>) dst(%arg7 : memref<32x1024xf32, #tpu.memory_space<vmem>>)
    %dma_wait3A_408 = arith.constant 0 : i32
    %dma_wait3A_409 = tpu.memref_slice %arg3[%add3A_340, %dma_wait3A_408] : memref<4096x1024xf32, #tpu.memory_space<hbm>> -> memref<8x1024xf32, #tpu.memory_space<hbm>>
    %dma_wait3A_410 = arith.constant 0 : i32
    %dma_wait3A_411 = tpu.memref_slice %arg3[%add3A_340, %dma_wait3A_410] : memref<4096x1024xf32, #tpu.memory_space<hbm>> -> memref<8x1024xf32, #tpu.memory_space<hbm>>
    tpu.wait_dma2 semaphore(%arg16 : memref<!tpu.dma_semaphore, #tpu.memory_space<semaphore_mem>>) src(%dma_wait3A_411 : memref<8x1024xf32, #tpu.memory_space<hbm>>) dst(%arg10 : memref<8x1024xf32, #tpu.memory_space<vmem>>)
    %dma_wait3A_412 = tpu.memref_reshape %arg9 : memref<32x1024xf32, #tpu.memory_space<vmem>> -> memref<4x8x1024xf32, #tpu.memory_space<vmem>>
    %dma_wait3A_413 = arith.constant 0 : i32
    %dma_wait3A_414 = arith.constant 0 : i32
    %dma_wait3A_415 = tpu.memref_slice %arg5[%dma_wait3A_413, %add3A_394, %dma_wait3A_414] : memref<4x4096x1024xf32, #tpu.memory_space<hbm>> -> memref<4x8x1024xf32, #tpu.memory_space<hbm>>
    %dma_wait3A_416 = arith.constant 0 : i32
    %dma_wait3A_417 = arith.constant 0 : i32
    %dma_wait3A_418 = tpu.memref_slice %arg5[%dma_wait3A_416, %add3A_394, %dma_wait3A_417] : memref<4x4096x1024xf32, #tpu.memory_space<hbm>> -> memref<4x8x1024xf32, #tpu.memory_space<hbm>>
    %dma_wait3A_419 = tpu.memref_reshape %arg9 : memref<32x1024xf32, #tpu.memory_space<vmem>> -> memref<4x8x1024xf32, #tpu.memory_space<vmem>>
    tpu.wait_dma2 semaphore(%arg21 : memref<!tpu.dma_semaphore, #tpu.memory_space<semaphore_mem>>) src(%dma_wait3A_419 : memref<4x8x1024xf32, #tpu.memory_space<vmem>>) dst(%dma_wait3A_418 : memref<4x8x1024xf32, #tpu.memory_space<hbm>>)
    %dma_start3A_420 = arith.constant 352 : i32
    %dma_start3A_421 = tpu.memref_slice %arg6[%dma_start3A_420] : memref<512xi32, #tpu.memory_space<vmem>> -> memref<32xi32, #tpu.memory_space<vmem>>
    %dma_start3A_422 = arith.constant 0 : i32
    %dma_start3A_423 = arith.constant 0 : i32
    %dma_start3A_424 = tpu.memref_slice %arg4[%dma_start3A_422, %dma_start3A_423] : memref<100000x1024xf32, #tpu.memory_space<hbm>> -> memref<100000x1024xf32, #tpu.memory_space<hbm>>
    tpu.enqueue_indirect_dma source(%dma_start3A_424 : memref<100000x1024xf32, #tpu.memory_space<hbm>>) target(%arg9 : memref<32x1024xf32, #tpu.memory_space<vmem>>) offsets(%dma_start3A_421 : memref<32xi32, #tpu.memory_space<vmem>>) semaphore(%arg15 : memref<!tpu.dma_semaphore, #tpu.memory_space<semaphore_mem>>)
    %add3A_425 = arith.constant 88 : i32
    %add3A_426 = arith.addi %mul3A_2, %add3A_425 : i32
    %dma_start3A_427 = arith.constant 0 : i32
    %dma_start3A_428 = tpu.memref_slice %arg3[%add3A_426, %dma_start3A_427] : memref<4096x1024xf32, #tpu.memory_space<hbm>> -> memref<8x1024xf32, #tpu.memory_space<hbm>>
    %dma_start3A_429 = arith.constant 0 : i32
    %dma_start3A_430 = tpu.memref_slice %arg3[%add3A_426, %dma_start3A_429] : memref<4096x1024xf32, #tpu.memory_space<hbm>> -> memref<8x1024xf32, #tpu.memory_space<hbm>>
    tpu.enqueue_dma source(%dma_start3A_430 : memref<8x1024xf32, #tpu.memory_space<hbm>>) target(%arg12 : memref<8x1024xf32, #tpu.memory_space<vmem>>) target_semaphore(%arg18 : memref<!tpu.dma_semaphore, #tpu.memory_space<semaphore_mem>>)
    %scan3A_431 = arith.constant 0 : i32
    %scan3A_432 = arith.constant 8 : i32
    %scan3A_433 = arith.addi %scan3A_431, %scan3A_432 : i32
    %scan3A_434 = arith.constant 1 : i32
    scf.for %scan3A_674 = %scan3A_431 to %scan3A_433 step %scan3A_434  : i32 {
      %mul3A_675 = arith.constant 1 : i32
      %mul3A_676 = arith.muli %scan3A_674, %mul3A_675 : i32
      %add3A_677 = arith.constant 0 : i32
      %add3A_678 = arith.addi %add3A_677, %mul3A_676 : i32
      %parallel_loop3A = arith.constant 0 : i32
      %parallel_loop3A_679 = arith.constant 64 : i32
      %parallel_loop3A_680 = arith.constant 1 : i32
      scf.for %parallel_loop3A_681 = %parallel_loop3A to %parallel_loop3A_679 step %parallel_loop3A_680  : i32 {
        %parallel_loop3A_682 = arith.constant 16 : i32
        %parallel_loop3A_683 = arith.muli %parallel_loop3A_681, %parallel_loop3A_682 : i32
        %parallel_loop3A_684 = arith.index_cast %add3A_678 : i32 to index
        %parallel_loop3A_685 = arith.index_cast %parallel_loop3A_683 : i32 to index
        %parallel_loop3A_686 = tpu.vector_load %arg10[%parallel_loop3A_684, %parallel_loop3A_685] {strides = array<i32>} : memref<8x1024xf32, #tpu.memory_space<vmem>>, vector<1x16xf32>,
        %parallel_loop3A_687 = vector.shape_cast %parallel_loop3A_686 : vector<1x16xf32> to vector<16xf32>
        %parallel_loop3A_688 = arith.constant 0 : i32
        %parallel_loop3A_689 = arith.addi %parallel_loop3A_688, %add3A_678 : i32
        %parallel_loop3A_690 = arith.index_cast %parallel_loop3A_689 : i32 to index
        %parallel_loop3A_691 = arith.index_cast %parallel_loop3A_683 : i32 to index
        %parallel_loop3A_692 = tpu.vector_load %arg7[%parallel_loop3A_690, %parallel_loop3A_691] {strides = array<i32>} : memref<32x1024xf32, #tpu.memory_space<vmem>>, vector<1x16xf32>,
        %parallel_loop3A_693 = vector.shape_cast %parallel_loop3A_692 : vector<1x16xf32> to vector<16xf32>
        %parallel_loop3A_694 = vector.shape_cast %parallel_loop3A_687 : vector<16xf32> to vector<1x16xf32>
        tpu.vector_store %arg7[%parallel_loop3A_690, %parallel_loop3A_691], %parallel_loop3A_694 {add = true, strides = array<i32>} : memref<32x1024xf32, #tpu.memory_space<vmem>>, vector<1x16xf32>,
        %parallel_loop3A_695 = arith.constant 8 : i32
        %parallel_loop3A_696 = arith.addi %parallel_loop3A_695, %add3A_678 : i32
        %parallel_loop3A_697 = arith.index_cast %parallel_loop3A_696 : i32 to index
        %parallel_loop3A_698 = arith.index_cast %parallel_loop3A_683 : i32 to index
        %parallel_loop3A_699 = tpu.vector_load %arg7[%parallel_loop3A_697, %parallel_loop3A_698] {strides = array<i32>} : memref<32x1024xf32, #tpu.memory_space<vmem>>, vector<1x16xf32>,
        %parallel_loop3A_700 = vector.shape_cast %parallel_loop3A_699 : vector<1x16xf32> to vector<16xf32>
        %parallel_loop3A_701 = vector.shape_cast %parallel_loop3A_687 : vector<16xf32> to vector<1x16xf32>
        tpu.vector_store %arg7[%parallel_loop3A_697, %parallel_loop3A_698], %parallel_loop3A_701 {add = true, strides = array<i32>} : memref<32x1024xf32, #tpu.memory_space<vmem>>, vector<1x16xf32>,
        %parallel_loop3A_702 = arith.constant 16 : i32
        %parallel_loop3A_703 = arith.addi %parallel_loop3A_702, %add3A_678 : i32
        %parallel_loop3A_704 = arith.index_cast %parallel_loop3A_703 : i32 to index
        %parallel_loop3A_705 = arith.index_cast %parallel_loop3A_683 : i32 to index
        %parallel_loop3A_706 = tpu.vector_load %arg7[%parallel_loop3A_704, %parallel_loop3A_705] {strides = array<i32>} : memref<32x1024xf32, #tpu.memory_space<vmem>>, vector<1x16xf32>,
        %parallel_loop3A_707 = vector.shape_cast %parallel_loop3A_706 : vector<1x16xf32> to vector<16xf32>
        %parallel_loop3A_708 = vector.shape_cast %parallel_loop3A_687 : vector<16xf32> to vector<1x16xf32>
        tpu.vector_store %arg7[%parallel_loop3A_704, %parallel_loop3A_705], %parallel_loop3A_708 {add = true, strides = array<i32>} : memref<32x1024xf32, #tpu.memory_space<vmem>>, vector<1x16xf32>,
        %parallel_loop3A_709 = arith.constant 24 : i32
        %parallel_loop3A_710 = arith.addi %parallel_loop3A_709, %add3A_678 : i32
        %parallel_loop3A_711 = arith.index_cast %parallel_loop3A_710 : i32 to index
        %parallel_loop3A_712 = arith.index_cast %parallel_loop3A_683 : i32 to index
        %parallel_loop3A_713 = tpu.vector_load %arg7[%parallel_loop3A_711, %parallel_loop3A_712] {strides = array<i32>} : memref<32x1024xf32, #tpu.memory_space<vmem>>, vector<1x16xf32>,
        %parallel_loop3A_714 = vector.shape_cast %parallel_loop3A_713 : vector<1x16xf32> to vector<16xf32>
        %parallel_loop3A_715 = vector.shape_cast %parallel_loop3A_687 : vector<16xf32> to vector<1x16xf32>
        tpu.vector_store %arg7[%parallel_loop3A_711, %parallel_loop3A_712], %parallel_loop3A_715 {add = true, strides = array<i32>} : memref<32x1024xf32, #tpu.memory_space<vmem>>, vector<1x16xf32>,
      } {sc.loop_unroll_factor = 8 : i64, sc.parallel_access}
    }
    %scan3A_435 = arith.constant 8 : i32
    %add3A_436 = arith.constant 72 : i32
    %add3A_437 = arith.addi %mul3A_2, %add3A_436 : i32
    %dma_start3A_438 = tpu.memref_reshape %arg7 : memref<32x1024xf32, #tpu.memory_space<vmem>> -> memref<4x8x1024xf32, #tpu.memory_space<vmem>>
    %dma_start3A_439 = arith.constant 0 : i32
    %dma_start3A_440 = arith.constant 0 : i32
    %dma_start3A_441 = tpu.memref_slice %arg5[%dma_start3A_439, %add3A_437, %dma_start3A_440] : memref<4x4096x1024xf32, #tpu.memory_space<hbm>> -> memref<4x8x1024xf32, #tpu.memory_space<hbm>>
    %dma_start3A_442 = arith.constant 0 : i32
    %dma_start3A_443 = arith.constant 0 : i32
    %dma_start3A_444 = tpu.memref_slice %arg5[%dma_start3A_442, %add3A_437, %dma_start3A_443] : memref<4x4096x1024xf32, #tpu.memory_space<hbm>> -> memref<4x8x1024xf32, #tpu.memory_space<hbm>>
    %dma_start3A_445 = tpu.memref_reshape %arg7 : memref<32x1024xf32, #tpu.memory_space<vmem>> -> memref<4x8x1024xf32, #tpu.memory_space<vmem>>
    tpu.enqueue_dma source(%dma_start3A_445 : memref<4x8x1024xf32, #tpu.memory_space<vmem>>) target(%dma_start3A_444 : memref<4x8x1024xf32, #tpu.memory_space<hbm>>) target_semaphore(%arg19 : memref<!tpu.dma_semaphore, #tpu.memory_space<semaphore_mem>>)
    %dma_wait3A_446 = arith.constant 320 : i32
    %dma_wait3A_447 = tpu.memref_slice %arg6[%dma_wait3A_446] : memref<512xi32, #tpu.memory_space<vmem>> -> memref<32xi32, #tpu.memory_space<vmem>>
    %dma_wait3A_448 = arith.constant 0 : i32
    %dma_wait3A_449 = arith.constant 0 : i32
    %dma_wait3A_450 = tpu.memref_slice %arg4[%dma_wait3A_448, %dma_wait3A_449] : memref<100000x1024xf32, #tpu.memory_space<hbm>> -> memref<100000x1024xf32, #tpu.memory_space<hbm>>
    tpu.wait_indirect_dma semaphore(%arg14 : memref<!tpu.dma_semaphore, #tpu.memory_space<semaphore_mem>>) src(%dma_wait3A_450 : memref<100000x1024xf32, #tpu.memory_space<hbm>>) dst(%arg8 : memref<32x1024xf32, #tpu.memory_space<vmem>>)
    %dma_wait3A_451 = arith.constant 0 : i32
    %dma_wait3A_452 = tpu.memref_slice %arg3[%add3A_383, %dma_wait3A_451] : memref<4096x1024xf32, #tpu.memory_space<hbm>> -> memref<8x1024xf32, #tpu.memory_space<hbm>>
    %dma_wait3A_453 = arith.constant 0 : i32
    %dma_wait3A_454 = tpu.memref_slice %arg3[%add3A_383, %dma_wait3A_453] : memref<4096x1024xf32, #tpu.memory_space<hbm>> -> memref<8x1024xf32, #tpu.memory_space<hbm>>
    tpu.wait_dma2 semaphore(%arg17 : memref<!tpu.dma_semaphore, #tpu.memory_space<semaphore_mem>>) src(%dma_wait3A_454 : memref<8x1024xf32, #tpu.memory_space<hbm>>) dst(%arg11 : memref<8x1024xf32, #tpu.memory_space<vmem>>)
    %dma_wait3A_455 = tpu.memref_reshape %arg7 : memref<32x1024xf32, #tpu.memory_space<vmem>> -> memref<4x8x1024xf32, #tpu.memory_space<vmem>>
    %dma_wait3A_456 = arith.constant 0 : i32
    %dma_wait3A_457 = arith.constant 0 : i32
    %dma_wait3A_458 = tpu.memref_slice %arg5[%dma_wait3A_456, %add3A_437, %dma_wait3A_457] : memref<4x4096x1024xf32, #tpu.memory_space<hbm>> -> memref<4x8x1024xf32, #tpu.memory_space<hbm>>
    %dma_wait3A_459 = arith.constant 0 : i32
    %dma_wait3A_460 = arith.constant 0 : i32
    %dma_wait3A_461 = tpu.memref_slice %arg5[%dma_wait3A_459, %add3A_437, %dma_wait3A_460] : memref<4x4096x1024xf32, #tpu.memory_space<hbm>> -> memref<4x8x1024xf32, #tpu.memory_space<hbm>>
    %dma_wait3A_462 = tpu.memref_reshape %arg7 : memref<32x1024xf32, #tpu.memory_space<vmem>> -> memref<4x8x1024xf32, #tpu.memory_space<vmem>>
    tpu.wait_dma2 semaphore(%arg19 : memref<!tpu.dma_semaphore, #tpu.memory_space<semaphore_mem>>) src(%dma_wait3A_462 : memref<4x8x1024xf32, #tpu.memory_space<vmem>>) dst(%dma_wait3A_461 : memref<4x8x1024xf32, #tpu.memory_space<hbm>>)
    %dma_start3A_463 = arith.constant 384 : i32
    %dma_start3A_464 = tpu.memref_slice %arg6[%dma_start3A_463] : memref<512xi32, #tpu.memory_space<vmem>> -> memref<32xi32, #tpu.memory_space<vmem>>
    %dma_start3A_465 = arith.constant 0 : i32
    %dma_start3A_466 = arith.constant 0 : i32
    %dma_start3A_467 = tpu.memref_slice %arg4[%dma_start3A_465, %dma_start3A_466] : memref<100000x1024xf32, #tpu.memory_space<hbm>> -> memref<100000x1024xf32, #tpu.memory_space<hbm>>
    tpu.enqueue_indirect_dma source(%dma_start3A_467 : memref<100000x1024xf32, #tpu.memory_space<hbm>>) target(%arg7 : memref<32x1024xf32, #tpu.memory_space<vmem>>) offsets(%dma_start3A_464 : memref<32xi32, #tpu.memory_space<vmem>>) semaphore(%arg13 : memref<!tpu.dma_semaphore, #tpu.memory_space<semaphore_mem>>)
    %add3A_468 = arith.constant 96 : i32
    %add3A_469 = arith.addi %mul3A_2, %add3A_468 : i32
    %dma_start3A_470 = arith.constant 0 : i32
    %dma_start3A_471 = tpu.memref_slice %arg3[%add3A_469, %dma_start3A_470] : memref<4096x1024xf32, #tpu.memory_space<hbm>> -> memref<8x1024xf32, #tpu.memory_space<hbm>>
    %dma_start3A_472 = arith.constant 0 : i32
    %dma_start3A_473 = tpu.memref_slice %arg3[%add3A_469, %dma_start3A_472] : memref<4096x1024xf32, #tpu.memory_space<hbm>> -> memref<8x1024xf32, #tpu.memory_space<hbm>>
    tpu.enqueue_dma source(%dma_start3A_473 : memref<8x1024xf32, #tpu.memory_space<hbm>>) target(%arg10 : memref<8x1024xf32, #tpu.memory_space<vmem>>) target_semaphore(%arg16 : memref<!tpu.dma_semaphore, #tpu.memory_space<semaphore_mem>>)
    %scan3A_474 = arith.constant 0 : i32
    %scan3A_475 = arith.constant 8 : i32
    %scan3A_476 = arith.addi %scan3A_474, %scan3A_475 : i32
    %scan3A_477 = arith.constant 1 : i32
    scf.for %scan3A_674 = %scan3A_474 to %scan3A_476 step %scan3A_477  : i32 {
      %mul3A_675 = arith.constant 1 : i32
      %mul3A_676 = arith.muli %scan3A_674, %mul3A_675 : i32
      %add3A_677 = arith.constant 0 : i32
      %add3A_678 = arith.addi %add3A_677, %mul3A_676 : i32
      %parallel_loop3A = arith.constant 0 : i32
      %parallel_loop3A_679 = arith.constant 64 : i32
      %parallel_loop3A_680 = arith.constant 1 : i32
      scf.for %parallel_loop3A_681 = %parallel_loop3A to %parallel_loop3A_679 step %parallel_loop3A_680  : i32 {
        %parallel_loop3A_682 = arith.constant 16 : i32
        %parallel_loop3A_683 = arith.muli %parallel_loop3A_681, %parallel_loop3A_682 : i32
        %parallel_loop3A_684 = arith.index_cast %add3A_678 : i32 to index
        %parallel_loop3A_685 = arith.index_cast %parallel_loop3A_683 : i32 to index
        %parallel_loop3A_686 = tpu.vector_load %arg11[%parallel_loop3A_684, %parallel_loop3A_685] {strides = array<i32>} : memref<8x1024xf32, #tpu.memory_space<vmem>>, vector<1x16xf32>,
        %parallel_loop3A_687 = vector.shape_cast %parallel_loop3A_686 : vector<1x16xf32> to vector<16xf32>
        %parallel_loop3A_688 = arith.constant 0 : i32
        %parallel_loop3A_689 = arith.addi %parallel_loop3A_688, %add3A_678 : i32
        %parallel_loop3A_690 = arith.index_cast %parallel_loop3A_689 : i32 to index
        %parallel_loop3A_691 = arith.index_cast %parallel_loop3A_683 : i32 to index
        %parallel_loop3A_692 = tpu.vector_load %arg8[%parallel_loop3A_690, %parallel_loop3A_691] {strides = array<i32>} : memref<32x1024xf32, #tpu.memory_space<vmem>>, vector<1x16xf32>,
        %parallel_loop3A_693 = vector.shape_cast %parallel_loop3A_692 : vector<1x16xf32> to vector<16xf32>
        %parallel_loop3A_694 = vector.shape_cast %parallel_loop3A_687 : vector<16xf32> to vector<1x16xf32>
        tpu.vector_store %arg8[%parallel_loop3A_690, %parallel_loop3A_691], %parallel_loop3A_694 {add = true, strides = array<i32>} : memref<32x1024xf32, #tpu.memory_space<vmem>>, vector<1x16xf32>,
        %parallel_loop3A_695 = arith.constant 8 : i32
        %parallel_loop3A_696 = arith.addi %parallel_loop3A_695, %add3A_678 : i32
        %parallel_loop3A_697 = arith.index_cast %parallel_loop3A_696 : i32 to index
        %parallel_loop3A_698 = arith.index_cast %parallel_loop3A_683 : i32 to index
        %parallel_loop3A_699 = tpu.vector_load %arg8[%parallel_loop3A_697, %parallel_loop3A_698] {strides = array<i32>} : memref<32x1024xf32, #tpu.memory_space<vmem>>, vector<1x16xf32>,
        %parallel_loop3A_700 = vector.shape_cast %parallel_loop3A_699 : vector<1x16xf32> to vector<16xf32>
        %parallel_loop3A_701 = vector.shape_cast %parallel_loop3A_687 : vector<16xf32> to vector<1x16xf32>
        tpu.vector_store %arg8[%parallel_loop3A_697, %parallel_loop3A_698], %parallel_loop3A_701 {add = true, strides = array<i32>} : memref<32x1024xf32, #tpu.memory_space<vmem>>, vector<1x16xf32>,
        %parallel_loop3A_702 = arith.constant 16 : i32
        %parallel_loop3A_703 = arith.addi %parallel_loop3A_702, %add3A_678 : i32
        %parallel_loop3A_704 = arith.index_cast %parallel_loop3A_703 : i32 to index
        %parallel_loop3A_705 = arith.index_cast %parallel_loop3A_683 : i32 to index
        %parallel_loop3A_706 = tpu.vector_load %arg8[%parallel_loop3A_704, %parallel_loop3A_705] {strides = array<i32>} : memref<32x1024xf32, #tpu.memory_space<vmem>>, vector<1x16xf32>,
        %parallel_loop3A_707 = vector.shape_cast %parallel_loop3A_706 : vector<1x16xf32> to vector<16xf32>
        %parallel_loop3A_708 = vector.shape_cast %parallel_loop3A_687 : vector<16xf32> to vector<1x16xf32>
        tpu.vector_store %arg8[%parallel_loop3A_704, %parallel_loop3A_705], %parallel_loop3A_708 {add = true, strides = array<i32>} : memref<32x1024xf32, #tpu.memory_space<vmem>>, vector<1x16xf32>,
        %parallel_loop3A_709 = arith.constant 24 : i32
        %parallel_loop3A_710 = arith.addi %parallel_loop3A_709, %add3A_678 : i32
        %parallel_loop3A_711 = arith.index_cast %parallel_loop3A_710 : i32 to index
        %parallel_loop3A_712 = arith.index_cast %parallel_loop3A_683 : i32 to index
        %parallel_loop3A_713 = tpu.vector_load %arg8[%parallel_loop3A_711, %parallel_loop3A_712] {strides = array<i32>} : memref<32x1024xf32, #tpu.memory_space<vmem>>, vector<1x16xf32>,
        %parallel_loop3A_714 = vector.shape_cast %parallel_loop3A_713 : vector<1x16xf32> to vector<16xf32>
        %parallel_loop3A_715 = vector.shape_cast %parallel_loop3A_687 : vector<16xf32> to vector<1x16xf32>
        tpu.vector_store %arg8[%parallel_loop3A_711, %parallel_loop3A_712], %parallel_loop3A_715 {add = true, strides = array<i32>} : memref<32x1024xf32, #tpu.memory_space<vmem>>, vector<1x16xf32>,
      } {sc.loop_unroll_factor = 8 : i64, sc.parallel_access}
    }
    %scan3A_478 = arith.constant 8 : i32
    %add3A_479 = arith.constant 80 : i32
    %add3A_480 = arith.addi %mul3A_2, %add3A_479 : i32
    %dma_start3A_481 = tpu.memref_reshape %arg8 : memref<32x1024xf32, #tpu.memory_space<vmem>> -> memref<4x8x1024xf32, #tpu.memory_space<vmem>>
    %dma_start3A_482 = arith.constant 0 : i32
    %dma_start3A_483 = arith.constant 0 : i32
    %dma_start3A_484 = tpu.memref_slice %arg5[%dma_start3A_482, %add3A_480, %dma_start3A_483] : memref<4x4096x1024xf32, #tpu.memory_space<hbm>> -> memref<4x8x1024xf32, #tpu.memory_space<hbm>>
    %dma_start3A_485 = arith.constant 0 : i32
    %dma_start3A_486 = arith.constant 0 : i32
    %dma_start3A_487 = tpu.memref_slice %arg5[%dma_start3A_485, %add3A_480, %dma_start3A_486] : memref<4x4096x1024xf32, #tpu.memory_space<hbm>> -> memref<4x8x1024xf32, #tpu.memory_space<hbm>>
    %dma_start3A_488 = tpu.memref_reshape %arg8 : memref<32x1024xf32, #tpu.memory_space<vmem>> -> memref<4x8x1024xf32, #tpu.memory_space<vmem>>
    tpu.enqueue_dma source(%dma_start3A_488 : memref<4x8x1024xf32, #tpu.memory_space<vmem>>) target(%dma_start3A_487 : memref<4x8x1024xf32, #tpu.memory_space<hbm>>) target_semaphore(%arg20 : memref<!tpu.dma_semaphore, #tpu.memory_space<semaphore_mem>>)
    %dma_wait3A_489 = arith.constant 352 : i32
    %dma_wait3A_490 = tpu.memref_slice %arg6[%dma_wait3A_489] : memref<512xi32, #tpu.memory_space<vmem>> -> memref<32xi32, #tpu.memory_space<vmem>>
    %dma_wait3A_491 = arith.constant 0 : i32
    %dma_wait3A_492 = arith.constant 0 : i32
    %dma_wait3A_493 = tpu.memref_slice %arg4[%dma_wait3A_491, %dma_wait3A_492] : memref<100000x1024xf32, #tpu.memory_space<hbm>> -> memref<100000x1024xf32, #tpu.memory_space<hbm>>
    tpu.wait_indirect_dma semaphore(%arg15 : memref<!tpu.dma_semaphore, #tpu.memory_space<semaphore_mem>>) src(%dma_wait3A_493 : memref<100000x1024xf32, #tpu.memory_space<hbm>>) dst(%arg9 : memref<32x1024xf32, #tpu.memory_space<vmem>>)
    %dma_wait3A_494 = arith.constant 0 : i32
    %dma_wait3A_495 = tpu.memref_slice %arg3[%add3A_426, %dma_wait3A_494] : memref<4096x1024xf32, #tpu.memory_space<hbm>> -> memref<8x1024xf32, #tpu.memory_space<hbm>>
    %dma_wait3A_496 = arith.constant 0 : i32
    %dma_wait3A_497 = tpu.memref_slice %arg3[%add3A_426, %dma_wait3A_496] : memref<4096x1024xf32, #tpu.memory_space<hbm>> -> memref<8x1024xf32, #tpu.memory_space<hbm>>
    tpu.wait_dma2 semaphore(%arg18 : memref<!tpu.dma_semaphore, #tpu.memory_space<semaphore_mem>>) src(%dma_wait3A_497 : memref<8x1024xf32, #tpu.memory_space<hbm>>) dst(%arg12 : memref<8x1024xf32, #tpu.memory_space<vmem>>)
    %dma_wait3A_498 = tpu.memref_reshape %arg8 : memref<32x1024xf32, #tpu.memory_space<vmem>> -> memref<4x8x1024xf32, #tpu.memory_space<vmem>>
    %dma_wait3A_499 = arith.constant 0 : i32
    %dma_wait3A_500 = arith.constant 0 : i32
    %dma_wait3A_501 = tpu.memref_slice %arg5[%dma_wait3A_499, %add3A_480, %dma_wait3A_500] : memref<4x4096x1024xf32, #tpu.memory_space<hbm>> -> memref<4x8x1024xf32, #tpu.memory_space<hbm>>
    %dma_wait3A_502 = arith.constant 0 : i32
    %dma_wait3A_503 = arith.constant 0 : i32
    %dma_wait3A_504 = tpu.memref_slice %arg5[%dma_wait3A_502, %add3A_480, %dma_wait3A_503] : memref<4x4096x1024xf32, #tpu.memory_space<hbm>> -> memref<4x8x1024xf32, #tpu.memory_space<hbm>>
    %dma_wait3A_505 = tpu.memref_reshape %arg8 : memref<32x1024xf32, #tpu.memory_space<vmem>> -> memref<4x8x1024xf32, #tpu.memory_space<vmem>>
    tpu.wait_dma2 semaphore(%arg20 : memref<!tpu.dma_semaphore, #tpu.memory_space<semaphore_mem>>) src(%dma_wait3A_505 : memref<4x8x1024xf32, #tpu.memory_space<vmem>>) dst(%dma_wait3A_504 : memref<4x8x1024xf32, #tpu.memory_space<hbm>>)
    %dma_start3A_506 = arith.constant 416 : i32
    %dma_start3A_507 = tpu.memref_slice %arg6[%dma_start3A_506] : memref<512xi32, #tpu.memory_space<vmem>> -> memref<32xi32, #tpu.memory_space<vmem>>
    %dma_start3A_508 = arith.constant 0 : i32
    %dma_start3A_509 = arith.constant 0 : i32
    %dma_start3A_510 = tpu.memref_slice %arg4[%dma_start3A_508, %dma_start3A_509] : memref<100000x1024xf32, #tpu.memory_space<hbm>> -> memref<100000x1024xf32, #tpu.memory_space<hbm>>
    tpu.enqueue_indirect_dma source(%dma_start3A_510 : memref<100000x1024xf32, #tpu.memory_space<hbm>>) target(%arg8 : memref<32x1024xf32, #tpu.memory_space<vmem>>) offsets(%dma_start3A_507 : memref<32xi32, #tpu.memory_space<vmem>>) semaphore(%arg14 : memref<!tpu.dma_semaphore, #tpu.memory_space<semaphore_mem>>)
    %add3A_511 = arith.constant 104 : i32
    %add3A_512 = arith.addi %mul3A_2, %add3A_511 : i32
    %dma_start3A_513 = arith.constant 0 : i32
    %dma_start3A_514 = tpu.memref_slice %arg3[%add3A_512, %dma_start3A_513] : memref<4096x1024xf32, #tpu.memory_space<hbm>> -> memref<8x1024xf32, #tpu.memory_space<hbm>>
    %dma_start3A_515 = arith.constant 0 : i32
    %dma_start3A_516 = tpu.memref_slice %arg3[%add3A_512, %dma_start3A_515] : memref<4096x1024xf32, #tpu.memory_space<hbm>> -> memref<8x1024xf32, #tpu.memory_space<hbm>>
    tpu.enqueue_dma source(%dma_start3A_516 : memref<8x1024xf32, #tpu.memory_space<hbm>>) target(%arg11 : memref<8x1024xf32, #tpu.memory_space<vmem>>) target_semaphore(%arg17 : memref<!tpu.dma_semaphore, #tpu.memory_space<semaphore_mem>>)
    %scan3A_517 = arith.constant 0 : i32
    %scan3A_518 = arith.constant 8 : i32
    %scan3A_519 = arith.addi %scan3A_517, %scan3A_518 : i32
    %scan3A_520 = arith.constant 1 : i32
    scf.for %scan3A_674 = %scan3A_517 to %scan3A_519 step %scan3A_520  : i32 {
      %mul3A_675 = arith.constant 1 : i32
      %mul3A_676 = arith.muli %scan3A_674, %mul3A_675 : i32
      %add3A_677 = arith.constant 0 : i32
      %add3A_678 = arith.addi %add3A_677, %mul3A_676 : i32
      %parallel_loop3A = arith.constant 0 : i32
      %parallel_loop3A_679 = arith.constant 64 : i32
      %parallel_loop3A_680 = arith.constant 1 : i32
      scf.for %parallel_loop3A_681 = %parallel_loop3A to %parallel_loop3A_679 step %parallel_loop3A_680  : i32 {
        %parallel_loop3A_682 = arith.constant 16 : i32
        %parallel_loop3A_683 = arith.muli %parallel_loop3A_681, %parallel_loop3A_682 : i32
        %parallel_loop3A_684 = arith.index_cast %add3A_678 : i32 to index
        %parallel_loop3A_685 = arith.index_cast %parallel_loop3A_683 : i32 to index
        %parallel_loop3A_686 = tpu.vector_load %arg12[%parallel_loop3A_684, %parallel_loop3A_685] {strides = array<i32>} : memref<8x1024xf32, #tpu.memory_space<vmem>>, vector<1x16xf32>,
        %parallel_loop3A_687 = vector.shape_cast %parallel_loop3A_686 : vector<1x16xf32> to vector<16xf32>
        %parallel_loop3A_688 = arith.constant 0 : i32
        %parallel_loop3A_689 = arith.addi %parallel_loop3A_688, %add3A_678 : i32
        %parallel_loop3A_690 = arith.index_cast %parallel_loop3A_689 : i32 to index
        %parallel_loop3A_691 = arith.index_cast %parallel_loop3A_683 : i32 to index
        %parallel_loop3A_692 = tpu.vector_load %arg9[%parallel_loop3A_690, %parallel_loop3A_691] {strides = array<i32>} : memref<32x1024xf32, #tpu.memory_space<vmem>>, vector<1x16xf32>,
        %parallel_loop3A_693 = vector.shape_cast %parallel_loop3A_692 : vector<1x16xf32> to vector<16xf32>
        %parallel_loop3A_694 = vector.shape_cast %parallel_loop3A_687 : vector<16xf32> to vector<1x16xf32>
        tpu.vector_store %arg9[%parallel_loop3A_690, %parallel_loop3A_691], %parallel_loop3A_694 {add = true, strides = array<i32>} : memref<32x1024xf32, #tpu.memory_space<vmem>>, vector<1x16xf32>,
        %parallel_loop3A_695 = arith.constant 8 : i32
        %parallel_loop3A_696 = arith.addi %parallel_loop3A_695, %add3A_678 : i32
        %parallel_loop3A_697 = arith.index_cast %parallel_loop3A_696 : i32 to index
        %parallel_loop3A_698 = arith.index_cast %parallel_loop3A_683 : i32 to index
        %parallel_loop3A_699 = tpu.vector_load %arg9[%parallel_loop3A_697, %parallel_loop3A_698] {strides = array<i32>} : memref<32x1024xf32, #tpu.memory_space<vmem>>, vector<1x16xf32>,
        %parallel_loop3A_700 = vector.shape_cast %parallel_loop3A_699 : vector<1x16xf32> to vector<16xf32>
        %parallel_loop3A_701 = vector.shape_cast %parallel_loop3A_687 : vector<16xf32> to vector<1x16xf32>
        tpu.vector_store %arg9[%parallel_loop3A_697, %parallel_loop3A_698], %parallel_loop3A_701 {add = true, strides = array<i32>} : memref<32x1024xf32, #tpu.memory_space<vmem>>, vector<1x16xf32>,
        %parallel_loop3A_702 = arith.constant 16 : i32
        %parallel_loop3A_703 = arith.addi %parallel_loop3A_702, %add3A_678 : i32
        %parallel_loop3A_704 = arith.index_cast %parallel_loop3A_703 : i32 to index
        %parallel_loop3A_705 = arith.index_cast %parallel_loop3A_683 : i32 to index
        %parallel_loop3A_706 = tpu.vector_load %arg9[%parallel_loop3A_704, %parallel_loop3A_705] {strides = array<i32>} : memref<32x1024xf32, #tpu.memory_space<vmem>>, vector<1x16xf32>,
        %parallel_loop3A_707 = vector.shape_cast %parallel_loop3A_706 : vector<1x16xf32> to vector<16xf32>
        %parallel_loop3A_708 = vector.shape_cast %parallel_loop3A_687 : vector<16xf32> to vector<1x16xf32>
        tpu.vector_store %arg9[%parallel_loop3A_704, %parallel_loop3A_705], %parallel_loop3A_708 {add = true, strides = array<i32>} : memref<32x1024xf32, #tpu.memory_space<vmem>>, vector<1x16xf32>,
        %parallel_loop3A_709 = arith.constant 24 : i32
        %parallel_loop3A_710 = arith.addi %parallel_loop3A_709, %add3A_678 : i32
        %parallel_loop3A_711 = arith.index_cast %parallel_loop3A_710 : i32 to index
        %parallel_loop3A_712 = arith.index_cast %parallel_loop3A_683 : i32 to index
        %parallel_loop3A_713 = tpu.vector_load %arg9[%parallel_loop3A_711, %parallel_loop3A_712] {strides = array<i32>} : memref<32x1024xf32, #tpu.memory_space<vmem>>, vector<1x16xf32>,
        %parallel_loop3A_714 = vector.shape_cast %parallel_loop3A_713 : vector<1x16xf32> to vector<16xf32>
        %parallel_loop3A_715 = vector.shape_cast %parallel_loop3A_687 : vector<16xf32> to vector<1x16xf32>
        tpu.vector_store %arg9[%parallel_loop3A_711, %parallel_loop3A_712], %parallel_loop3A_715 {add = true, strides = array<i32>} : memref<32x1024xf32, #tpu.memory_space<vmem>>, vector<1x16xf32>,
      } {sc.loop_unroll_factor = 8 : i64, sc.parallel_access}
    }
    %scan3A_521 = arith.constant 8 : i32
    %add3A_522 = arith.constant 88 : i32
    %add3A_523 = arith.addi %mul3A_2, %add3A_522 : i32
    %dma_start3A_524 = tpu.memref_reshape %arg9 : memref<32x1024xf32, #tpu.memory_space<vmem>> -> memref<4x8x1024xf32, #tpu.memory_space<vmem>>
    %dma_start3A_525 = arith.constant 0 : i32
    %dma_start3A_526 = arith.constant 0 : i32
    %dma_start3A_527 = tpu.memref_slice %arg5[%dma_start3A_525, %add3A_523, %dma_start3A_526] : memref<4x4096x1024xf32, #tpu.memory_space<hbm>> -> memref<4x8x1024xf32, #tpu.memory_space<hbm>>
    %dma_start3A_528 = arith.constant 0 : i32
    %dma_start3A_529 = arith.constant 0 : i32
    %dma_start3A_530 = tpu.memref_slice %arg5[%dma_start3A_528, %add3A_523, %dma_start3A_529] : memref<4x4096x1024xf32, #tpu.memory_space<hbm>> -> memref<4x8x1024xf32, #tpu.memory_space<hbm>>
    %dma_start3A_531 = tpu.memref_reshape %arg9 : memref<32x1024xf32, #tpu.memory_space<vmem>> -> memref<4x8x1024xf32, #tpu.memory_space<vmem>>
    tpu.enqueue_dma source(%dma_start3A_531 : memref<4x8x1024xf32, #tpu.memory_space<vmem>>) target(%dma_start3A_530 : memref<4x8x1024xf32, #tpu.memory_space<hbm>>) target_semaphore(%arg21 : memref<!tpu.dma_semaphore, #tpu.memory_space<semaphore_mem>>)
    %dma_wait3A_532 = arith.constant 384 : i32
    %dma_wait3A_533 = tpu.memref_slice %arg6[%dma_wait3A_532] : memref<512xi32, #tpu.memory_space<vmem>> -> memref<32xi32, #tpu.memory_space<vmem>>
    %dma_wait3A_534 = arith.constant 0 : i32
    %dma_wait3A_535 = arith.constant 0 : i32
    %dma_wait3A_536 = tpu.memref_slice %arg4[%dma_wait3A_534, %dma_wait3A_535] : memref<100000x1024xf32, #tpu.memory_space<hbm>> -> memref<100000x1024xf32, #tpu.memory_space<hbm>>
    tpu.wait_indirect_dma semaphore(%arg13 : memref<!tpu.dma_semaphore, #tpu.memory_space<semaphore_mem>>) src(%dma_wait3A_536 : memref<100000x1024xf32, #tpu.memory_space<hbm>>) dst(%arg7 : memref<32x1024xf32, #tpu.memory_space<vmem>>)
    %dma_wait3A_537 = arith.constant 0 : i32
    %dma_wait3A_538 = tpu.memref_slice %arg3[%add3A_469, %dma_wait3A_537] : memref<4096x1024xf32, #tpu.memory_space<hbm>> -> memref<8x1024xf32, #tpu.memory_space<hbm>>
    %dma_wait3A_539 = arith.constant 0 : i32
    %dma_wait3A_540 = tpu.memref_slice %arg3[%add3A_469, %dma_wait3A_539] : memref<4096x1024xf32, #tpu.memory_space<hbm>> -> memref<8x1024xf32, #tpu.memory_space<hbm>>
    tpu.wait_dma2 semaphore(%arg16 : memref<!tpu.dma_semaphore, #tpu.memory_space<semaphore_mem>>) src(%dma_wait3A_540 : memref<8x1024xf32, #tpu.memory_space<hbm>>) dst(%arg10 : memref<8x1024xf32, #tpu.memory_space<vmem>>)
    %dma_wait3A_541 = tpu.memref_reshape %arg9 : memref<32x1024xf32, #tpu.memory_space<vmem>> -> memref<4x8x1024xf32, #tpu.memory_space<vmem>>
    %dma_wait3A_542 = arith.constant 0 : i32
    %dma_wait3A_543 = arith.constant 0 : i32
    %dma_wait3A_544 = tpu.memref_slice %arg5[%dma_wait3A_542, %add3A_523, %dma_wait3A_543] : memref<4x4096x1024xf32, #tpu.memory_space<hbm>> -> memref<4x8x1024xf32, #tpu.memory_space<hbm>>
    %dma_wait3A_545 = arith.constant 0 : i32
    %dma_wait3A_546 = arith.constant 0 : i32
    %dma_wait3A_547 = tpu.memref_slice %arg5[%dma_wait3A_545, %add3A_523, %dma_wait3A_546] : memref<4x4096x1024xf32, #tpu.memory_space<hbm>> -> memref<4x8x1024xf32, #tpu.memory_space<hbm>>
    %dma_wait3A_548 = tpu.memref_reshape %arg9 : memref<32x1024xf32, #tpu.memory_space<vmem>> -> memref<4x8x1024xf32, #tpu.memory_space<vmem>>
    tpu.wait_dma2 semaphore(%arg21 : memref<!tpu.dma_semaphore, #tpu.memory_space<semaphore_mem>>) src(%dma_wait3A_548 : memref<4x8x1024xf32, #tpu.memory_space<vmem>>) dst(%dma_wait3A_547 : memref<4x8x1024xf32, #tpu.memory_space<hbm>>)
    %dma_start3A_549 = arith.constant 448 : i32
    %dma_start3A_550 = tpu.memref_slice %arg6[%dma_start3A_549] : memref<512xi32, #tpu.memory_space<vmem>> -> memref<32xi32, #tpu.memory_space<vmem>>
    %dma_start3A_551 = arith.constant 0 : i32
    %dma_start3A_552 = arith.constant 0 : i32
    %dma_start3A_553 = tpu.memref_slice %arg4[%dma_start3A_551, %dma_start3A_552] : memref<100000x1024xf32, #tpu.memory_space<hbm>> -> memref<100000x1024xf32, #tpu.memory_space<hbm>>
    tpu.enqueue_indirect_dma source(%dma_start3A_553 : memref<100000x1024xf32, #tpu.memory_space<hbm>>) target(%arg9 : memref<32x1024xf32, #tpu.memory_space<vmem>>) offsets(%dma_start3A_550 : memref<32xi32, #tpu.memory_space<vmem>>) semaphore(%arg15 : memref<!tpu.dma_semaphore, #tpu.memory_space<semaphore_mem>>)
    %add3A_554 = arith.constant 112 : i32
    %add3A_555 = arith.addi %mul3A_2, %add3A_554 : i32
    %dma_start3A_556 = arith.constant 0 : i32
    %dma_start3A_557 = tpu.memref_slice %arg3[%add3A_555, %dma_start3A_556] : memref<4096x1024xf32, #tpu.memory_space<hbm>> -> memref<8x1024xf32, #tpu.memory_space<hbm>>
    %dma_start3A_558 = arith.constant 0 : i32
    %dma_start3A_559 = tpu.memref_slice %arg3[%add3A_555, %dma_start3A_558] : memref<4096x1024xf32, #tpu.memory_space<hbm>> -> memref<8x1024xf32, #tpu.memory_space<hbm>>
    tpu.enqueue_dma source(%dma_start3A_559 : memref<8x1024xf32, #tpu.memory_space<hbm>>) target(%arg12 : memref<8x1024xf32, #tpu.memory_space<vmem>>) target_semaphore(%arg18 : memref<!tpu.dma_semaphore, #tpu.memory_space<semaphore_mem>>)
    %scan3A_560 = arith.constant 0 : i32
    %scan3A_561 = arith.constant 8 : i32
    %scan3A_562 = arith.addi %scan3A_560, %scan3A_561 : i32
    %scan3A_563 = arith.constant 1 : i32
    scf.for %scan3A_674 = %scan3A_560 to %scan3A_562 step %scan3A_563  : i32 {
      %mul3A_675 = arith.constant 1 : i32
      %mul3A_676 = arith.muli %scan3A_674, %mul3A_675 : i32
      %add3A_677 = arith.constant 0 : i32
      %add3A_678 = arith.addi %add3A_677, %mul3A_676 : i32
      %parallel_loop3A = arith.constant 0 : i32
      %parallel_loop3A_679 = arith.constant 64 : i32
      %parallel_loop3A_680 = arith.constant 1 : i32
      scf.for %parallel_loop3A_681 = %parallel_loop3A to %parallel_loop3A_679 step %parallel_loop3A_680  : i32 {
        %parallel_loop3A_682 = arith.constant 16 : i32
        %parallel_loop3A_683 = arith.muli %parallel_loop3A_681, %parallel_loop3A_682 : i32
        %parallel_loop3A_684 = arith.index_cast %add3A_678 : i32 to index
        %parallel_loop3A_685 = arith.index_cast %parallel_loop3A_683 : i32 to index
        %parallel_loop3A_686 = tpu.vector_load %arg10[%parallel_loop3A_684, %parallel_loop3A_685] {strides = array<i32>} : memref<8x1024xf32, #tpu.memory_space<vmem>>, vector<1x16xf32>,
        %parallel_loop3A_687 = vector.shape_cast %parallel_loop3A_686 : vector<1x16xf32> to vector<16xf32>
        %parallel_loop3A_688 = arith.constant 0 : i32
        %parallel_loop3A_689 = arith.addi %parallel_loop3A_688, %add3A_678 : i32
        %parallel_loop3A_690 = arith.index_cast %parallel_loop3A_689 : i32 to index
        %parallel_loop3A_691 = arith.index_cast %parallel_loop3A_683 : i32 to index
        %parallel_loop3A_692 = tpu.vector_load %arg7[%parallel_loop3A_690, %parallel_loop3A_691] {strides = array<i32>} : memref<32x1024xf32, #tpu.memory_space<vmem>>, vector<1x16xf32>,
        %parallel_loop3A_693 = vector.shape_cast %parallel_loop3A_692 : vector<1x16xf32> to vector<16xf32>
        %parallel_loop3A_694 = vector.shape_cast %parallel_loop3A_687 : vector<16xf32> to vector<1x16xf32>
        tpu.vector_store %arg7[%parallel_loop3A_690, %parallel_loop3A_691], %parallel_loop3A_694 {add = true, strides = array<i32>} : memref<32x1024xf32, #tpu.memory_space<vmem>>, vector<1x16xf32>,
        %parallel_loop3A_695 = arith.constant 8 : i32
        %parallel_loop3A_696 = arith.addi %parallel_loop3A_695, %add3A_678 : i32
        %parallel_loop3A_697 = arith.index_cast %parallel_loop3A_696 : i32 to index
        %parallel_loop3A_698 = arith.index_cast %parallel_loop3A_683 : i32 to index
        %parallel_loop3A_699 = tpu.vector_load %arg7[%parallel_loop3A_697, %parallel_loop3A_698] {strides = array<i32>} : memref<32x1024xf32, #tpu.memory_space<vmem>>, vector<1x16xf32>,
        %parallel_loop3A_700 = vector.shape_cast %parallel_loop3A_699 : vector<1x16xf32> to vector<16xf32>
        %parallel_loop3A_701 = vector.shape_cast %parallel_loop3A_687 : vector<16xf32> to vector<1x16xf32>
        tpu.vector_store %arg7[%parallel_loop3A_697, %parallel_loop3A_698], %parallel_loop3A_701 {add = true, strides = array<i32>} : memref<32x1024xf32, #tpu.memory_space<vmem>>, vector<1x16xf32>,
        %parallel_loop3A_702 = arith.constant 16 : i32
        %parallel_loop3A_703 = arith.addi %parallel_loop3A_702, %add3A_678 : i32
        %parallel_loop3A_704 = arith.index_cast %parallel_loop3A_703 : i32 to index
        %parallel_loop3A_705 = arith.index_cast %parallel_loop3A_683 : i32 to index
        %parallel_loop3A_706 = tpu.vector_load %arg7[%parallel_loop3A_704, %parallel_loop3A_705] {strides = array<i32>} : memref<32x1024xf32, #tpu.memory_space<vmem>>, vector<1x16xf32>,
        %parallel_loop3A_707 = vector.shape_cast %parallel_loop3A_706 : vector<1x16xf32> to vector<16xf32>
        %parallel_loop3A_708 = vector.shape_cast %parallel_loop3A_687 : vector<16xf32> to vector<1x16xf32>
        tpu.vector_store %arg7[%parallel_loop3A_704, %parallel_loop3A_705], %parallel_loop3A_708 {add = true, strides = array<i32>} : memref<32x1024xf32, #tpu.memory_space<vmem>>, vector<1x16xf32>,
        %parallel_loop3A_709 = arith.constant 24 : i32
        %parallel_loop3A_710 = arith.addi %parallel_loop3A_709, %add3A_678 : i32
        %parallel_loop3A_711 = arith.index_cast %parallel_loop3A_710 : i32 to index
        %parallel_loop3A_712 = arith.index_cast %parallel_loop3A_683 : i32 to index
        %parallel_loop3A_713 = tpu.vector_load %arg7[%parallel_loop3A_711, %parallel_loop3A_712] {strides = array<i32>} : memref<32x1024xf32, #tpu.memory_space<vmem>>, vector<1x16xf32>,
        %parallel_loop3A_714 = vector.shape_cast %parallel_loop3A_713 : vector<1x16xf32> to vector<16xf32>
        %parallel_loop3A_715 = vector.shape_cast %parallel_loop3A_687 : vector<16xf32> to vector<1x16xf32>
        tpu.vector_store %arg7[%parallel_loop3A_711, %parallel_loop3A_712], %parallel_loop3A_715 {add = true, strides = array<i32>} : memref<32x1024xf32, #tpu.memory_space<vmem>>, vector<1x16xf32>,
      } {sc.loop_unroll_factor = 8 : i64, sc.parallel_access}
    }
    %scan3A_564 = arith.constant 8 : i32
    %add3A_565 = arith.constant 96 : i32
    %add3A_566 = arith.addi %mul3A_2, %add3A_565 : i32
    %dma_start3A_567 = tpu.memref_reshape %arg7 : memref<32x1024xf32, #tpu.memory_space<vmem>> -> memref<4x8x1024xf32, #tpu.memory_space<vmem>>
    %dma_start3A_568 = arith.constant 0 : i32
    %dma_start3A_569 = arith.constant 0 : i32
    %dma_start3A_570 = tpu.memref_slice %arg5[%dma_start3A_568, %add3A_566, %dma_start3A_569] : memref<4x4096x1024xf32, #tpu.memory_space<hbm>> -> memref<4x8x1024xf32, #tpu.memory_space<hbm>>
    %dma_start3A_571 = arith.constant 0 : i32
    %dma_start3A_572 = arith.constant 0 : i32
    %dma_start3A_573 = tpu.memref_slice %arg5[%dma_start3A_571, %add3A_566, %dma_start3A_572] : memref<4x4096x1024xf32, #tpu.memory_space<hbm>> -> memref<4x8x1024xf32, #tpu.memory_space<hbm>>
    %dma_start3A_574 = tpu.memref_reshape %arg7 : memref<32x1024xf32, #tpu.memory_space<vmem>> -> memref<4x8x1024xf32, #tpu.memory_space<vmem>>
    tpu.enqueue_dma source(%dma_start3A_574 : memref<4x8x1024xf32, #tpu.memory_space<vmem>>) target(%dma_start3A_573 : memref<4x8x1024xf32, #tpu.memory_space<hbm>>) target_semaphore(%arg19 : memref<!tpu.dma_semaphore, #tpu.memory_space<semaphore_mem>>)
    %dma_wait3A_575 = arith.constant 416 : i32
    %dma_wait3A_576 = tpu.memref_slice %arg6[%dma_wait3A_575] : memref<512xi32, #tpu.memory_space<vmem>> -> memref<32xi32, #tpu.memory_space<vmem>>
    %dma_wait3A_577 = arith.constant 0 : i32
    %dma_wait3A_578 = arith.constant 0 : i32
    %dma_wait3A_579 = tpu.memref_slice %arg4[%dma_wait3A_577, %dma_wait3A_578] : memref<100000x1024xf32, #tpu.memory_space<hbm>> -> memref<100000x1024xf32, #tpu.memory_space<hbm>>
    tpu.wait_indirect_dma semaphore(%arg14 : memref<!tpu.dma_semaphore, #tpu.memory_space<semaphore_mem>>) src(%dma_wait3A_579 : memref<100000x1024xf32, #tpu.memory_space<hbm>>) dst(%arg8 : memref<32x1024xf32, #tpu.memory_space<vmem>>)
    %dma_wait3A_580 = arith.constant 0 : i32
    %dma_wait3A_581 = tpu.memref_slice %arg3[%add3A_512, %dma_wait3A_580] : memref<4096x1024xf32, #tpu.memory_space<hbm>> -> memref<8x1024xf32, #tpu.memory_space<hbm>>
    %dma_wait3A_582 = arith.constant 0 : i32
    %dma_wait3A_583 = tpu.memref_slice %arg3[%add3A_512, %dma_wait3A_582] : memref<4096x1024xf32, #tpu.memory_space<hbm>> -> memref<8x1024xf32, #tpu.memory_space<hbm>>
    tpu.wait_dma2 semaphore(%arg17 : memref<!tpu.dma_semaphore, #tpu.memory_space<semaphore_mem>>) src(%dma_wait3A_583 : memref<8x1024xf32, #tpu.memory_space<hbm>>) dst(%arg11 : memref<8x1024xf32, #tpu.memory_space<vmem>>)
    %dma_wait3A_584 = tpu.memref_reshape %arg7 : memref<32x1024xf32, #tpu.memory_space<vmem>> -> memref<4x8x1024xf32, #tpu.memory_space<vmem>>
    %dma_wait3A_585 = arith.constant 0 : i32
    %dma_wait3A_586 = arith.constant 0 : i32
    %dma_wait3A_587 = tpu.memref_slice %arg5[%dma_wait3A_585, %add3A_566, %dma_wait3A_586] : memref<4x4096x1024xf32, #tpu.memory_space<hbm>> -> memref<4x8x1024xf32, #tpu.memory_space<hbm>>
    %dma_wait3A_588 = arith.constant 0 : i32
    %dma_wait3A_589 = arith.constant 0 : i32
    %dma_wait3A_590 = tpu.memref_slice %arg5[%dma_wait3A_588, %add3A_566, %dma_wait3A_589] : memref<4x4096x1024xf32, #tpu.memory_space<hbm>> -> memref<4x8x1024xf32, #tpu.memory_space<hbm>>
    %dma_wait3A_591 = tpu.memref_reshape %arg7 : memref<32x1024xf32, #tpu.memory_space<vmem>> -> memref<4x8x1024xf32, #tpu.memory_space<vmem>>
    tpu.wait_dma2 semaphore(%arg19 : memref<!tpu.dma_semaphore, #tpu.memory_space<semaphore_mem>>) src(%dma_wait3A_591 : memref<4x8x1024xf32, #tpu.memory_space<vmem>>) dst(%dma_wait3A_590 : memref<4x8x1024xf32, #tpu.memory_space<hbm>>)
    %dma_start3A_592 = arith.constant 480 : i32
    %dma_start3A_593 = tpu.memref_slice %arg6[%dma_start3A_592] : memref<512xi32, #tpu.memory_space<vmem>> -> memref<32xi32, #tpu.memory_space<vmem>>
    %dma_start3A_594 = arith.constant 0 : i32
    %dma_start3A_595 = arith.constant 0 : i32
    %dma_start3A_596 = tpu.memref_slice %arg4[%dma_start3A_594, %dma_start3A_595] : memref<100000x1024xf32, #tpu.memory_space<hbm>> -> memref<100000x1024xf32, #tpu.memory_space<hbm>>
    tpu.enqueue_indirect_dma source(%dma_start3A_596 : memref<100000x1024xf32, #tpu.memory_space<hbm>>) target(%arg7 : memref<32x1024xf32, #tpu.memory_space<vmem>>) offsets(%dma_start3A_593 : memref<32xi32, #tpu.memory_space<vmem>>) semaphore(%arg13 : memref<!tpu.dma_semaphore, #tpu.memory_space<semaphore_mem>>)
    %add3A_597 = arith.constant 120 : i32
    %add3A_598 = arith.addi %mul3A_2, %add3A_597 : i32
    %dma_start3A_599 = arith.constant 0 : i32
    %dma_start3A_600 = tpu.memref_slice %arg3[%add3A_598, %dma_start3A_599] : memref<4096x1024xf32, #tpu.memory_space<hbm>> -> memref<8x1024xf32, #tpu.memory_space<hbm>>
    %dma_start3A_601 = arith.constant 0 : i32
    %dma_start3A_602 = tpu.memref_slice %arg3[%add3A_598, %dma_start3A_601] : memref<4096x1024xf32, #tpu.memory_space<hbm>> -> memref<8x1024xf32, #tpu.memory_space<hbm>>
    tpu.enqueue_dma source(%dma_start3A_602 : memref<8x1024xf32, #tpu.memory_space<hbm>>) target(%arg10 : memref<8x1024xf32, #tpu.memory_space<vmem>>) target_semaphore(%arg16 : memref<!tpu.dma_semaphore, #tpu.memory_space<semaphore_mem>>)
    %scan3A_603 = arith.constant 0 : i32
    %scan3A_604 = arith.constant 8 : i32
    %scan3A_605 = arith.addi %scan3A_603, %scan3A_604 : i32
    %scan3A_606 = arith.constant 1 : i32
    scf.for %scan3A_674 = %scan3A_603 to %scan3A_605 step %scan3A_606  : i32 {
      %mul3A_675 = arith.constant 1 : i32
      %mul3A_676 = arith.muli %scan3A_674, %mul3A_675 : i32
      %add3A_677 = arith.constant 0 : i32
      %add3A_678 = arith.addi %add3A_677, %mul3A_676 : i32
      %parallel_loop3A = arith.constant 0 : i32
      %parallel_loop3A_679 = arith.constant 64 : i32
      %parallel_loop3A_680 = arith.constant 1 : i32
      scf.for %parallel_loop3A_681 = %parallel_loop3A to %parallel_loop3A_679 step %parallel_loop3A_680  : i32 {
        %parallel_loop3A_682 = arith.constant 16 : i32
        %parallel_loop3A_683 = arith.muli %parallel_loop3A_681, %parallel_loop3A_682 : i32
        %parallel_loop3A_684 = arith.index_cast %add3A_678 : i32 to index
        %parallel_loop3A_685 = arith.index_cast %parallel_loop3A_683 : i32 to index
        %parallel_loop3A_686 = tpu.vector_load %arg11[%parallel_loop3A_684, %parallel_loop3A_685] {strides = array<i32>} : memref<8x1024xf32, #tpu.memory_space<vmem>>, vector<1x16xf32>,
        %parallel_loop3A_687 = vector.shape_cast %parallel_loop3A_686 : vector<1x16xf32> to vector<16xf32>
        %parallel_loop3A_688 = arith.constant 0 : i32
        %parallel_loop3A_689 = arith.addi %parallel_loop3A_688, %add3A_678 : i32
        %parallel_loop3A_690 = arith.index_cast %parallel_loop3A_689 : i32 to index
        %parallel_loop3A_691 = arith.index_cast %parallel_loop3A_683 : i32 to index
        %parallel_loop3A_692 = tpu.vector_load %arg8[%parallel_loop3A_690, %parallel_loop3A_691] {strides = array<i32>} : memref<32x1024xf32, #tpu.memory_space<vmem>>, vector<1x16xf32>,
        %parallel_loop3A_693 = vector.shape_cast %parallel_loop3A_692 : vector<1x16xf32> to vector<16xf32>
        %parallel_loop3A_694 = vector.shape_cast %parallel_loop3A_687 : vector<16xf32> to vector<1x16xf32>
        tpu.vector_store %arg8[%parallel_loop3A_690, %parallel_loop3A_691], %parallel_loop3A_694 {add = true, strides = array<i32>} : memref<32x1024xf32, #tpu.memory_space<vmem>>, vector<1x16xf32>,
        %parallel_loop3A_695 = arith.constant 8 : i32
        %parallel_loop3A_696 = arith.addi %parallel_loop3A_695, %add3A_678 : i32
        %parallel_loop3A_697 = arith.index_cast %parallel_loop3A_696 : i32 to index
        %parallel_loop3A_698 = arith.index_cast %parallel_loop3A_683 : i32 to index
        %parallel_loop3A_699 = tpu.vector_load %arg8[%parallel_loop3A_697, %parallel_loop3A_698] {strides = array<i32>} : memref<32x1024xf32, #tpu.memory_space<vmem>>, vector<1x16xf32>,
        %parallel_loop3A_700 = vector.shape_cast %parallel_loop3A_699 : vector<1x16xf32> to vector<16xf32>
        %parallel_loop3A_701 = vector.shape_cast %parallel_loop3A_687 : vector<16xf32> to vector<1x16xf32>
        tpu.vector_store %arg8[%parallel_loop3A_697, %parallel_loop3A_698], %parallel_loop3A_701 {add = true, strides = array<i32>} : memref<32x1024xf32, #tpu.memory_space<vmem>>, vector<1x16xf32>,
        %parallel_loop3A_702 = arith.constant 16 : i32
        %parallel_loop3A_703 = arith.addi %parallel_loop3A_702, %add3A_678 : i32
        %parallel_loop3A_704 = arith.index_cast %parallel_loop3A_703 : i32 to index
        %parallel_loop3A_705 = arith.index_cast %parallel_loop3A_683 : i32 to index
        %parallel_loop3A_706 = tpu.vector_load %arg8[%parallel_loop3A_704, %parallel_loop3A_705] {strides = array<i32>} : memref<32x1024xf32, #tpu.memory_space<vmem>>, vector<1x16xf32>,
        %parallel_loop3A_707 = vector.shape_cast %parallel_loop3A_706 : vector<1x16xf32> to vector<16xf32>
        %parallel_loop3A_708 = vector.shape_cast %parallel_loop3A_687 : vector<16xf32> to vector<1x16xf32>
        tpu.vector_store %arg8[%parallel_loop3A_704, %parallel_loop3A_705], %parallel_loop3A_708 {add = true, strides = array<i32>} : memref<32x1024xf32, #tpu.memory_space<vmem>>, vector<1x16xf32>,
        %parallel_loop3A_709 = arith.constant 24 : i32
        %parallel_loop3A_710 = arith.addi %parallel_loop3A_709, %add3A_678 : i32
        %parallel_loop3A_711 = arith.index_cast %parallel_loop3A_710 : i32 to index
        %parallel_loop3A_712 = arith.index_cast %parallel_loop3A_683 : i32 to index
        %parallel_loop3A_713 = tpu.vector_load %arg8[%parallel_loop3A_711, %parallel_loop3A_712] {strides = array<i32>} : memref<32x1024xf32, #tpu.memory_space<vmem>>, vector<1x16xf32>,
        %parallel_loop3A_714 = vector.shape_cast %parallel_loop3A_713 : vector<1x16xf32> to vector<16xf32>
        %parallel_loop3A_715 = vector.shape_cast %parallel_loop3A_687 : vector<16xf32> to vector<1x16xf32>
        tpu.vector_store %arg8[%parallel_loop3A_711, %parallel_loop3A_712], %parallel_loop3A_715 {add = true, strides = array<i32>} : memref<32x1024xf32, #tpu.memory_space<vmem>>, vector<1x16xf32>,
      } {sc.loop_unroll_factor = 8 : i64, sc.parallel_access}
    }
    %scan3A_607 = arith.constant 8 : i32
    %add3A_608 = arith.constant 104 : i32
    %add3A_609 = arith.addi %mul3A_2, %add3A_608 : i32
    %dma_start3A_610 = tpu.memref_reshape %arg8 : memref<32x1024xf32, #tpu.memory_space<vmem>> -> memref<4x8x1024xf32, #tpu.memory_space<vmem>>
    %dma_start3A_611 = arith.constant 0 : i32
    %dma_start3A_612 = arith.constant 0 : i32
    %dma_start3A_613 = tpu.memref_slice %arg5[%dma_start3A_611, %add3A_609, %dma_start3A_612] : memref<4x4096x1024xf32, #tpu.memory_space<hbm>> -> memref<4x8x1024xf32, #tpu.memory_space<hbm>>
    %dma_start3A_614 = arith.constant 0 : i32
    %dma_start3A_615 = arith.constant 0 : i32
    %dma_start3A_616 = tpu.memref_slice %arg5[%dma_start3A_614, %add3A_609, %dma_start3A_615] : memref<4x4096x1024xf32, #tpu.memory_space<hbm>> -> memref<4x8x1024xf32, #tpu.memory_space<hbm>>
    %dma_start3A_617 = tpu.memref_reshape %arg8 : memref<32x1024xf32, #tpu.memory_space<vmem>> -> memref<4x8x1024xf32, #tpu.memory_space<vmem>>
    tpu.enqueue_dma source(%dma_start3A_617 : memref<4x8x1024xf32, #tpu.memory_space<vmem>>) target(%dma_start3A_616 : memref<4x8x1024xf32, #tpu.memory_space<hbm>>) target_semaphore(%arg20 : memref<!tpu.dma_semaphore, #tpu.memory_space<semaphore_mem>>)
    %dma_wait3A_618 = arith.constant 448 : i32
    %dma_wait3A_619 = tpu.memref_slice %arg6[%dma_wait3A_618] : memref<512xi32, #tpu.memory_space<vmem>> -> memref<32xi32, #tpu.memory_space<vmem>>
    %dma_wait3A_620 = arith.constant 0 : i32
    %dma_wait3A_621 = arith.constant 0 : i32
    %dma_wait3A_622 = tpu.memref_slice %arg4[%dma_wait3A_620, %dma_wait3A_621] : memref<100000x1024xf32, #tpu.memory_space<hbm>> -> memref<100000x1024xf32, #tpu.memory_space<hbm>>
    tpu.wait_indirect_dma semaphore(%arg15 : memref<!tpu.dma_semaphore, #tpu.memory_space<semaphore_mem>>) src(%dma_wait3A_622 : memref<100000x1024xf32, #tpu.memory_space<hbm>>) dst(%arg9 : memref<32x1024xf32, #tpu.memory_space<vmem>>)
    %dma_wait3A_623 = arith.constant 0 : i32
    %dma_wait3A_624 = tpu.memref_slice %arg3[%add3A_555, %dma_wait3A_623] : memref<4096x1024xf32, #tpu.memory_space<hbm>> -> memref<8x1024xf32, #tpu.memory_space<hbm>>
    %dma_wait3A_625 = arith.constant 0 : i32
    %dma_wait3A_626 = tpu.memref_slice %arg3[%add3A_555, %dma_wait3A_625] : memref<4096x1024xf32, #tpu.memory_space<hbm>> -> memref<8x1024xf32, #tpu.memory_space<hbm>>
    tpu.wait_dma2 semaphore(%arg18 : memref<!tpu.dma_semaphore, #tpu.memory_space<semaphore_mem>>) src(%dma_wait3A_626 : memref<8x1024xf32, #tpu.memory_space<hbm>>) dst(%arg12 : memref<8x1024xf32, #tpu.memory_space<vmem>>)
    %scan3A_627 = arith.constant 0 : i32
    %scan3A_628 = arith.constant 8 : i32
    %scan3A_629 = arith.addi %scan3A_627, %scan3A_628 : i32
    %scan3A_630 = arith.constant 1 : i32
    scf.for %scan3A_674 = %scan3A_627 to %scan3A_629 step %scan3A_630  : i32 {
      %mul3A_675 = arith.constant 1 : i32
      %mul3A_676 = arith.muli %scan3A_674, %mul3A_675 : i32
      %add3A_677 = arith.constant 0 : i32
      %add3A_678 = arith.addi %add3A_677, %mul3A_676 : i32
      %parallel_loop3A = arith.constant 0 : i32
      %parallel_loop3A_679 = arith.constant 64 : i32
      %parallel_loop3A_680 = arith.constant 1 : i32
      scf.for %parallel_loop3A_681 = %parallel_loop3A to %parallel_loop3A_679 step %parallel_loop3A_680  : i32 {
        %parallel_loop3A_682 = arith.constant 16 : i32
        %parallel_loop3A_683 = arith.muli %parallel_loop3A_681, %parallel_loop3A_682 : i32
        %parallel_loop3A_684 = arith.index_cast %add3A_678 : i32 to index
        %parallel_loop3A_685 = arith.index_cast %parallel_loop3A_683 : i32 to index
        %parallel_loop3A_686 = tpu.vector_load %arg12[%parallel_loop3A_684, %parallel_loop3A_685] {strides = array<i32>} : memref<8x1024xf32, #tpu.memory_space<vmem>>, vector<1x16xf32>,
        %parallel_loop3A_687 = vector.shape_cast %parallel_loop3A_686 : vector<1x16xf32> to vector<16xf32>
        %parallel_loop3A_688 = arith.constant 0 : i32
        %parallel_loop3A_689 = arith.addi %parallel_loop3A_688, %add3A_678 : i32
        %parallel_loop3A_690 = arith.index_cast %parallel_loop3A_689 : i32 to index
        %parallel_loop3A_691 = arith.index_cast %parallel_loop3A_683 : i32 to index
        %parallel_loop3A_692 = tpu.vector_load %arg9[%parallel_loop3A_690, %parallel_loop3A_691] {strides = array<i32>} : memref<32x1024xf32, #tpu.memory_space<vmem>>, vector<1x16xf32>,
        %parallel_loop3A_693 = vector.shape_cast %parallel_loop3A_692 : vector<1x16xf32> to vector<16xf32>
        %parallel_loop3A_694 = vector.shape_cast %parallel_loop3A_687 : vector<16xf32> to vector<1x16xf32>
        tpu.vector_store %arg9[%parallel_loop3A_690, %parallel_loop3A_691], %parallel_loop3A_694 {add = true, strides = array<i32>} : memref<32x1024xf32, #tpu.memory_space<vmem>>, vector<1x16xf32>,
        %parallel_loop3A_695 = arith.constant 8 : i32
        %parallel_loop3A_696 = arith.addi %parallel_loop3A_695, %add3A_678 : i32
        %parallel_loop3A_697 = arith.index_cast %parallel_loop3A_696 : i32 to index
        %parallel_loop3A_698 = arith.index_cast %parallel_loop3A_683 : i32 to index
        %parallel_loop3A_699 = tpu.vector_load %arg9[%parallel_loop3A_697, %parallel_loop3A_698] {strides = array<i32>} : memref<32x1024xf32, #tpu.memory_space<vmem>>, vector<1x16xf32>,
        %parallel_loop3A_700 = vector.shape_cast %parallel_loop3A_699 : vector<1x16xf32> to vector<16xf32>
        %parallel_loop3A_701 = vector.shape_cast %parallel_loop3A_687 : vector<16xf32> to vector<1x16xf32>
        tpu.vector_store %arg9[%parallel_loop3A_697, %parallel_loop3A_698], %parallel_loop3A_701 {add = true, strides = array<i32>} : memref<32x1024xf32, #tpu.memory_space<vmem>>, vector<1x16xf32>,
        %parallel_loop3A_702 = arith.constant 16 : i32
        %parallel_loop3A_703 = arith.addi %parallel_loop3A_702, %add3A_678 : i32
        %parallel_loop3A_704 = arith.index_cast %parallel_loop3A_703 : i32 to index
        %parallel_loop3A_705 = arith.index_cast %parallel_loop3A_683 : i32 to index
        %parallel_loop3A_706 = tpu.vector_load %arg9[%parallel_loop3A_704, %parallel_loop3A_705] {strides = array<i32>} : memref<32x1024xf32, #tpu.memory_space<vmem>>, vector<1x16xf32>,
        %parallel_loop3A_707 = vector.shape_cast %parallel_loop3A_706 : vector<1x16xf32> to vector<16xf32>
        %parallel_loop3A_708 = vector.shape_cast %parallel_loop3A_687 : vector<16xf32> to vector<1x16xf32>
        tpu.vector_store %arg9[%parallel_loop3A_704, %parallel_loop3A_705], %parallel_loop3A_708 {add = true, strides = array<i32>} : memref<32x1024xf32, #tpu.memory_space<vmem>>, vector<1x16xf32>,
        %parallel_loop3A_709 = arith.constant 24 : i32
        %parallel_loop3A_710 = arith.addi %parallel_loop3A_709, %add3A_678 : i32
        %parallel_loop3A_711 = arith.index_cast %parallel_loop3A_710 : i32 to index
        %parallel_loop3A_712 = arith.index_cast %parallel_loop3A_683 : i32 to index
        %parallel_loop3A_713 = tpu.vector_load %arg9[%parallel_loop3A_711, %parallel_loop3A_712] {strides = array<i32>} : memref<32x1024xf32, #tpu.memory_space<vmem>>, vector<1x16xf32>,
        %parallel_loop3A_714 = vector.shape_cast %parallel_loop3A_713 : vector<1x16xf32> to vector<16xf32>
        %parallel_loop3A_715 = vector.shape_cast %parallel_loop3A_687 : vector<16xf32> to vector<1x16xf32>
        tpu.vector_store %arg9[%parallel_loop3A_711, %parallel_loop3A_712], %parallel_loop3A_715 {add = true, strides = array<i32>} : memref<32x1024xf32, #tpu.memory_space<vmem>>, vector<1x16xf32>,
      } {sc.loop_unroll_factor = 8 : i64, sc.parallel_access}
    }
    %scan3A_631 = arith.constant 8 : i32
    %add3A_632 = arith.constant 112 : i32
    %add3A_633 = arith.addi %mul3A_2, %add3A_632 : i32
    %dma_start3A_634 = tpu.memref_reshape %arg9 : memref<32x1024xf32, #tpu.memory_space<vmem>> -> memref<4x8x1024xf32, #tpu.memory_space<vmem>>
    %dma_start3A_635 = arith.constant 0 : i32
    %dma_start3A_636 = arith.constant 0 : i32
    %dma_start3A_637 = tpu.memref_slice %arg5[%dma_start3A_635, %add3A_633, %dma_start3A_636] : memref<4x4096x1024xf32, #tpu.memory_space<hbm>> -> memref<4x8x1024xf32, #tpu.memory_space<hbm>>
    %dma_start3A_638 = arith.constant 0 : i32
    %dma_start3A_639 = arith.constant 0 : i32
    %dma_start3A_640 = tpu.memref_slice %arg5[%dma_start3A_638, %add3A_633, %dma_start3A_639] : memref<4x4096x1024xf32, #tpu.memory_space<hbm>> -> memref<4x8x1024xf32, #tpu.memory_space<hbm>>
    %dma_start3A_641 = tpu.memref_reshape %arg9 : memref<32x1024xf32, #tpu.memory_space<vmem>> -> memref<4x8x1024xf32, #tpu.memory_space<vmem>>
    tpu.enqueue_dma source(%dma_start3A_641 : memref<4x8x1024xf32, #tpu.memory_space<vmem>>) target(%dma_start3A_640 : memref<4x8x1024xf32, #tpu.memory_space<hbm>>) target_semaphore(%arg21 : memref<!tpu.dma_semaphore, #tpu.memory_space<semaphore_mem>>)
    %dma_wait3A_642 = arith.constant 480 : i32
    %dma_wait3A_643 = tpu.memref_slice %arg6[%dma_wait3A_642] : memref<512xi32, #tpu.memory_space<vmem>> -> memref<32xi32, #tpu.memory_space<vmem>>
    %dma_wait3A_644 = arith.constant 0 : i32
    %dma_wait3A_645 = arith.constant 0 : i32
    %dma_wait3A_646 = tpu.memref_slice %arg4[%dma_wait3A_644, %dma_wait3A_645] : memref<100000x1024xf32, #tpu.memory_space<hbm>> -> memref<100000x1024xf32, #tpu.memory_space<hbm>>
    tpu.wait_indirect_dma semaphore(%arg13 : memref<!tpu.dma_semaphore, #tpu.memory_space<semaphore_mem>>) src(%dma_wait3A_646 : memref<100000x1024xf32, #tpu.memory_space<hbm>>) dst(%arg7 : memref<32x1024xf32, #tpu.memory_space<vmem>>)
    %dma_wait3A_647 = arith.constant 0 : i32
    %dma_wait3A_648 = tpu.memref_slice %arg3[%add3A_598, %dma_wait3A_647] : memref<4096x1024xf32, #tpu.memory_space<hbm>> -> memref<8x1024xf32, #tpu.memory_space<hbm>>
    %dma_wait3A_649 = arith.constant 0 : i32
    %dma_wait3A_650 = tpu.memref_slice %arg3[%add3A_598, %dma_wait3A_649] : memref<4096x1024xf32, #tpu.memory_space<hbm>> -> memref<8x1024xf32, #tpu.memory_space<hbm>>
    tpu.wait_dma2 semaphore(%arg16 : memref<!tpu.dma_semaphore, #tpu.memory_space<semaphore_mem>>) src(%dma_wait3A_650 : memref<8x1024xf32, #tpu.memory_space<hbm>>) dst(%arg10 : memref<8x1024xf32, #tpu.memory_space<vmem>>)
    %scan3A_651 = arith.constant 0 : i32
    %scan3A_652 = arith.constant 8 : i32
    %scan3A_653 = arith.addi %scan3A_651, %scan3A_652 : i32
    %scan3A_654 = arith.constant 1 : i32
    scf.for %scan3A_674 = %scan3A_651 to %scan3A_653 step %scan3A_654  : i32 {
      %mul3A_675 = arith.constant 1 : i32
      %mul3A_676 = arith.muli %scan3A_674, %mul3A_675 : i32
      %add3A_677 = arith.constant 0 : i32
      %add3A_678 = arith.addi %add3A_677, %mul3A_676 : i32
      %parallel_loop3A = arith.constant 0 : i32
      %parallel_loop3A_679 = arith.constant 64 : i32
      %parallel_loop3A_680 = arith.constant 1 : i32
      scf.for %parallel_loop3A_681 = %parallel_loop3A to %parallel_loop3A_679 step %parallel_loop3A_680  : i32 {
        %parallel_loop3A_682 = arith.constant 16 : i32
        %parallel_loop3A_683 = arith.muli %parallel_loop3A_681, %parallel_loop3A_682 : i32
        %parallel_loop3A_684 = arith.index_cast %add3A_678 : i32 to index
        %parallel_loop3A_685 = arith.index_cast %parallel_loop3A_683 : i32 to index
        %parallel_loop3A_686 = tpu.vector_load %arg10[%parallel_loop3A_684, %parallel_loop3A_685] {strides = array<i32>} : memref<8x1024xf32, #tpu.memory_space<vmem>>, vector<1x16xf32>,
        %parallel_loop3A_687 = vector.shape_cast %parallel_loop3A_686 : vector<1x16xf32> to vector<16xf32>
        %parallel_loop3A_688 = arith.constant 0 : i32
        %parallel_loop3A_689 = arith.addi %parallel_loop3A_688, %add3A_678 : i32
        %parallel_loop3A_690 = arith.index_cast %parallel_loop3A_689 : i32 to index
        %parallel_loop3A_691 = arith.index_cast %parallel_loop3A_683 : i32 to index
        %parallel_loop3A_692 = tpu.vector_load %arg7[%parallel_loop3A_690, %parallel_loop3A_691] {strides = array<i32>} : memref<32x1024xf32, #tpu.memory_space<vmem>>, vector<1x16xf32>,
        %parallel_loop3A_693 = vector.shape_cast %parallel_loop3A_692 : vector<1x16xf32> to vector<16xf32>
        %parallel_loop3A_694 = vector.shape_cast %parallel_loop3A_687 : vector<16xf32> to vector<1x16xf32>
        tpu.vector_store %arg7[%parallel_loop3A_690, %parallel_loop3A_691], %parallel_loop3A_694 {add = true, strides = array<i32>} : memref<32x1024xf32, #tpu.memory_space<vmem>>, vector<1x16xf32>,
        %parallel_loop3A_695 = arith.constant 8 : i32
        %parallel_loop3A_696 = arith.addi %parallel_loop3A_695, %add3A_678 : i32
        %parallel_loop3A_697 = arith.index_cast %parallel_loop3A_696 : i32 to index
        %parallel_loop3A_698 = arith.index_cast %parallel_loop3A_683 : i32 to index
        %parallel_loop3A_699 = tpu.vector_load %arg7[%parallel_loop3A_697, %parallel_loop3A_698] {strides = array<i32>} : memref<32x1024xf32, #tpu.memory_space<vmem>>, vector<1x16xf32>,
        %parallel_loop3A_700 = vector.shape_cast %parallel_loop3A_699 : vector<1x16xf32> to vector<16xf32>
        %parallel_loop3A_701 = vector.shape_cast %parallel_loop3A_687 : vector<16xf32> to vector<1x16xf32>
        tpu.vector_store %arg7[%parallel_loop3A_697, %parallel_loop3A_698], %parallel_loop3A_701 {add = true, strides = array<i32>} : memref<32x1024xf32, #tpu.memory_space<vmem>>, vector<1x16xf32>,
        %parallel_loop3A_702 = arith.constant 16 : i32
        %parallel_loop3A_703 = arith.addi %parallel_loop3A_702, %add3A_678 : i32
        %parallel_loop3A_704 = arith.index_cast %parallel_loop3A_703 : i32 to index
        %parallel_loop3A_705 = arith.index_cast %parallel_loop3A_683 : i32 to index
        %parallel_loop3A_706 = tpu.vector_load %arg7[%parallel_loop3A_704, %parallel_loop3A_705] {strides = array<i32>} : memref<32x1024xf32, #tpu.memory_space<vmem>>, vector<1x16xf32>,
        %parallel_loop3A_707 = vector.shape_cast %parallel_loop3A_706 : vector<1x16xf32> to vector<16xf32>
        %parallel_loop3A_708 = vector.shape_cast %parallel_loop3A_687 : vector<16xf32> to vector<1x16xf32>
        tpu.vector_store %arg7[%parallel_loop3A_704, %parallel_loop3A_705], %parallel_loop3A_708 {add = true, strides = array<i32>} : memref<32x1024xf32, #tpu.memory_space<vmem>>, vector<1x16xf32>,
        %parallel_loop3A_709 = arith.constant 24 : i32
        %parallel_loop3A_710 = arith.addi %parallel_loop3A_709, %add3A_678 : i32
        %parallel_loop3A_711 = arith.index_cast %parallel_loop3A_710 : i32 to index
        %parallel_loop3A_712 = arith.index_cast %parallel_loop3A_683 : i32 to index
        %parallel_loop3A_713 = tpu.vector_load %arg7[%parallel_loop3A_711, %parallel_loop3A_712] {strides = array<i32>} : memref<32x1024xf32, #tpu.memory_space<vmem>>, vector<1x16xf32>,
        %parallel_loop3A_714 = vector.shape_cast %parallel_loop3A_713 : vector<1x16xf32> to vector<16xf32>
        %parallel_loop3A_715 = vector.shape_cast %parallel_loop3A_687 : vector<16xf32> to vector<1x16xf32>
        tpu.vector_store %arg7[%parallel_loop3A_711, %parallel_loop3A_712], %parallel_loop3A_715 {add = true, strides = array<i32>} : memref<32x1024xf32, #tpu.memory_space<vmem>>, vector<1x16xf32>,
      } {sc.loop_unroll_factor = 8 : i64, sc.parallel_access}
    }
    %scan3A_655 = arith.constant 8 : i32
    %add3A_656 = arith.constant 120 : i32
    %add3A_657 = arith.addi %mul3A_2, %add3A_656 : i32
    %dma_start3A_658 = tpu.memref_reshape %arg7 : memref<32x1024xf32, #tpu.memory_space<vmem>> -> memref<4x8x1024xf32, #tpu.memory_space<vmem>>
    %dma_start3A_659 = arith.constant 0 : i32
    %dma_start3A_660 = arith.constant 0 : i32
    %dma_start3A_661 = tpu.memref_slice %arg5[%dma_start3A_659, %add3A_657, %dma_start3A_660] : memref<4x4096x1024xf32, #tpu.memory_space<hbm>> -> memref<4x8x1024xf32, #tpu.memory_space<hbm>>
    %dma_start3A_662 = arith.constant 0 : i32
    %dma_start3A_663 = arith.constant 0 : i32
    %dma_start3A_664 = tpu.memref_slice %arg5[%dma_start3A_662, %add3A_657, %dma_start3A_663] : memref<4x4096x1024xf32, #tpu.memory_space<hbm>> -> memref<4x8x1024xf32, #tpu.memory_space<hbm>>
    %dma_start3A_665 = tpu.memref_reshape %arg7 : memref<32x1024xf32, #tpu.memory_space<vmem>> -> memref<4x8x1024xf32, #tpu.memory_space<vmem>>
    tpu.enqueue_dma source(%dma_start3A_665 : memref<4x8x1024xf32, #tpu.memory_space<vmem>>) target(%dma_start3A_664 : memref<4x8x1024xf32, #tpu.memory_space<hbm>>) target_semaphore(%arg19 : memref<!tpu.dma_semaphore, #tpu.memory_space<semaphore_mem>>)
    %dma_wait3A_666 = tpu.memref_reshape %arg7 : memref<32x1024xf32, #tpu.memory_space<vmem>> -> memref<4x8x1024xf32, #tpu.memory_space<vmem>>
    %dma_wait3A_667 = arith.constant 0 : i32
    %dma_wait3A_668 = arith.constant 0 : i32
    %dma_wait3A_669 = tpu.memref_slice %arg5[%dma_wait3A_667, %add3A_657, %dma_wait3A_668] : memref<4x4096x1024xf32, #tpu.memory_space<hbm>> -> memref<4x8x1024xf32, #tpu.memory_space<hbm>>
    %dma_wait3A_670 = arith.constant 0 : i32
    %dma_wait3A_671 = arith.constant 0 : i32
    %dma_wait3A_672 = tpu.memref_slice %arg5[%dma_wait3A_670, %add3A_657, %dma_wait3A_671] : memref<4x4096x1024xf32, #tpu.memory_space<hbm>> -> memref<4x8x1024xf32, #tpu.memory_space<hbm>>
    %dma_wait3A_673 = tpu.memref_reshape %arg7 : memref<32x1024xf32, #tpu.memory_space<vmem>> -> memref<4x8x1024xf32, #tpu.memory_space<vmem>>
    tpu.wait_dma2 semaphore(%arg19 : memref<!tpu.dma_semaphore, #tpu.memory_space<semaphore_mem>>) src(%dma_wait3A_673 : memref<4x8x1024xf32, #tpu.memory_space<vmem>>) dst(%dma_wait3A_672 : memref<4x8x1024xf32, #tpu.memory_space<hbm>>)
    return
  }
}

</mosaic_0001>

<sc_bundles>
// kernel: kernel.3.cloned.1.call-start
scs
__scs_entry_jumppad:
0x0: {  	(pc) =	sbr.rel $0x88, $3  }
0x1: {  	(tag) =	ssettag $0x0;
	lr =	simm.s32 $0x1  }
0x2: {  	[smem:$0x3F9E] =	sst lr;
	_ =	strace $0xD0000000  }
0x3: {  	_ = 	snop  }
0x4: {  	_ = 	snop  }
0x5: {  	_ = 	snop  }
0x6: {  	_ = 	snop  }
0x7: {  	_ = 	snop  }
__scs_overlays_trampoline_lowered:
0x8: {  	[smem:$0x3FAD] =	sst s0  }
0x9: {  	[smem:$0x3FAE] =	sst s1  }
0xa: {  	[smem:$0x3FAF] =	sst s2  }
0xb: {  	[smem:$0x3FB0] =	sst s3  }
0xc: {  	[smem:$0x3FB1] =	sst s4  }
0xd: {  	[smem:$0x3FB2] =	sst s5  }
0xe: {  	[smem:$0x3FB3] =	sst s6  }
0xf: {  	[smem:$0x3FB4] =	sst s7  }
0x10: {  	[smem:$0x3FB5] =	sst s8  }
0x11: {  	[smem:$0x3FB6] =	sst s9;
	s0 =	simm.s32 @!p0 $0x0  }
0x12: {  	s1 =	sld [smem:$0x3F9C];
	s0 =	simm.s32 @p0 $0x1  }
0x13: {  	[smem:$0x3FB7] =	sst s0;
	s0 =	simm.s32 @!p1 $0x0  }
0x14: {  	s2 =	sld [smem:$0x3F9B];
	s0 =	simm.s32 @p1 $0x1  }
0x15: {  	[smem:$0x3FB8] =	sst s0;
	s0 =	simm.s32 @!p2 $0x0  }
0x16: {  	s3 =	sld [smem:$0x3FDB];
	s0 =	simm.s32 @p2 $0x1  }
0x17: {  	s4 =	simm.s32 $0x1BF5;
	[smem:$0x3FBA] =	sst s0  }
0x18: {  	s0 =	sld [smem:$0x3F9D];
	_ =	swait.ge [sflag:s4], $0x0  }
0x19: {  	s7 =	sld [smem:$0x3F9E]  }
0x1a: {  	s8 =	sadd.s32 $0xFFFFE003, lr  }
0x1b: {  	s9 =	sadd.s32 $0xFFFFFEF7, lr;
	s5 =	simm.s32 $0xFFFFFFFF;
	p2 =	slt.u32 s8, $0xFFFFF086  }
0x1c: {  	p1 =	slt.u32 s9, $0xF7A;
	s5 =	simm.s32 @!p2 $0x0  }
0x1d: {  	s5 =	simm.s32 @p1 $0x1;
	p0 =	seq.s32 s7, s2  }
0x1e: {  	s7 =	smul.u32 @!p0 $0xF7A, s2;
	p2 =	seq.s32 @!p0 s5, $0x0  }
0x1f: {  	s9 =	smul.u32 $0xF7A, s1;
	s8 =	simm.s32 @!p0 $0x1BF5;
	p2 =	por !p2, p0  }
0x20: {  	[sflag:s8] =	ssyncset.s32 @!p0 $0xFFFFF086;
	s6 =	sadd.s32 @!p0 s3, s7;
	s7 =	simm.s32 @!p0 $0x108  }
0x21: {  	s3 =	sadd.s32 s3, s9;
	s6 =	sadd.s32 @!p0 $0x88, s6;
	s7 =	simm.s32 @p2 $0x1082  }
0x22: {  	[simem:s7], [sflag:s8] =	dma.local @!p0 [hbm:s6], $0xF7A  }
0x23: {  	s9 =	sor.u32 $0xD0000000, s2;
	s6 =	simm.s32 $0x108;
	_ =	swait.ge @!p0 [sflag:s8], $0x0  }
0x24: {  	s3 =	sadd.s32 $0x88, s3;
	s6 =	simm.s32 @!p1 $0x1082;
	[sflag:s4] =	ssyncset.s32 $0xFFFFF086  }
0x25: {  	[simem:s6], [sflag:s4] =	dma.local [hbm:s3], $0xF7A  }
0x26: {  	[smem:$0x3F9E] =	sst s1;
	(tag) =	ssettag s2;
	_ =	strace s9  }
0x27: {  	s1 =	sld [smem:$0x3FAE]  }
0x28: {  	s2 =	sld [smem:$0x3FAF]  }
0x29: {  	s4 =	sld [smem:$0x3FB1]  }
0x2a: {  	p0 =	seq.s32 s5, $0x0;
	s5 =	sld [smem:$0x3FB2]  }
0x2b: {  	s6 =	sld [smem:$0x3FB3]  }
0x2c: {  	s7 =	sld [smem:$0x3FB4]  }
0x2d: {  	s3 =	simm.s32 $0x108;
	s8 =	sld [smem:$0x3FB5]  }
0x2e: {  	s3 =	simm.s32 @!p0 $0x1082;
	s9 =	sld [smem:$0x3FB6]  }
0x2f: {  	lr =	sadd.s32 s0, s3;
	s0 =	sld [smem:$0x3FAD]  }
0x30: {  	s3 =	sld [smem:$0x3FB0]  }
0x31: {  	[smem:$0x3FB9] =	sst s10  }
0x32: {  	s10 =	sld [smem:$0x3FB7];
	_ =	sdelay $0x3  }
0x33: {  	p0 =	seq.s32 s10, $0x1;
	s10 =	sld [smem:$0x3FB9];
	_ =	sdelay $0x3  }
0x34: {  	[smem:$0x3FB9] =	sst s10  }
0x35: {  	s10 =	sld [smem:$0x3FB8];
	_ =	sdelay $0x3  }
0x36: {  	p1 =	seq.s32 s10, $0x1;
	s10 =	sld [smem:$0x3FB9];
	_ =	sdelay $0x3  }
0x37: {  	[smem:$0x3FB9] =	sst s10  }
0x38: {  	s10 =	sld [smem:$0x3FBA]  }
0x39: {  	_ = 	snop;
	(pc) =	sbr.ind lr, $3  }
0x3a: {  	_ = 	snop  }
0x3b: {  	_ = 	snop  }
0x3c: {  	p2 =	seq.s32 s10, $0x1;
	s10 =	sld [smem:$0x3FB9]  }
0x3d: {  	_ =	shalt  }
0x3e: {  	_ =	shalt  }
0x3f: {  	_ =	shalt  }
0x40: {  	_ =	shalt  }
0x41: {  	_ =	shalt  }
0x42: {  	_ =	shalt  }
0x43: {  	_ =	shalt  }
0x44: {  	_ =	shalt  }
0x45: {  	_ =	shalt  }
0x46: {  	_ =	shalt  }
0x47: {  	_ =	shalt  }
0x48: {  	_ =	shalt  }
0x49: {  	_ =	shalt  }
0x4a: {  	_ =	shalt  }
0x4b: {  	_ =	shalt  }
0x4c: {  	_ =	shalt  }
0x4d: {  	_ =	shalt  }
0x4e: {  	_ =	shalt  }
0x4f: {  	_ =	shalt  }
0x50: {  	_ =	shalt  }
0x51: {  	_ =	shalt  }
0x52: {  	_ =	shalt  }
0x53: {  	_ =	shalt  }
0x54: {  	_ =	shalt  }
0x55: {  	_ =	shalt  }
0x56: {  	_ =	shalt  }
0x57: {  	_ =	shalt  }
0x58: {  	_ =	shalt  }
0x59: {  	_ =	shalt  }
0x5a: {  	_ =	shalt  }
0x5b: {  	_ =	shalt  }
0x5c: {  	_ =	shalt  }
0x5d: {  	_ =	shalt  }
0x5e: {  	_ =	shalt  }
0x5f: {  	_ =	shalt  }
0x60: {  	_ =	shalt  }
0x61: {  	_ =	shalt  }
0x62: {  	_ =	shalt  }
0x63: {  	_ =	shalt  }
0x64: {  	_ =	shalt  }
0x65: {  	_ =	shalt  }
0x66: {  	_ =	shalt  }
0x67: {  	_ =	shalt  }
0x68: {  	_ =	shalt  }
0x69: {  	_ =	shalt  }
0x6a: {  	_ =	shalt  }
0x6b: {  	_ =	shalt  }
0x6c: {  	_ =	shalt  }
0x6d: {  	_ =	shalt  }
0x6e: {  	_ =	shalt  }
0x6f: {  	_ =	shalt  }
0x70: {  	_ =	shalt  }
0x71: {  	_ =	shalt  }
0x72: {  	_ =	shalt  }
0x73: {  	_ =	shalt  }
0x74: {  	_ =	shalt  }
0x75: {  	_ =	shalt  }
0x76: {  	_ =	shalt  }
0x77: {  	_ =	shalt  }
0x78: {  	_ =	shalt  }
0x79: {  	_ =	shalt  }
0x7a: {  	_ =	shalt  }
0x7b: {  	_ =	shalt  }
0x7c: {  	_ =	shalt  }
0x7d: {  	_ =	shalt  }
0x7e: {  	_ =	shalt  }
0x7f: {  	_ =	shalt  }
0x80: {  	_ =	shalt  }
0x81: {  	_ =	shalt  }
0x82: {  	_ =	shalt  }
0x83: {  	_ =	shalt  }
0x84: {  	_ =	shalt  }
0x85: {  	_ =	shalt  }
0x86: {  	_ =	shalt  }
0x87: {  	_ =	shalt  }
.Lfunc_end0:
.L_simem_size_0:
called_computation_lowered:
.L_overlay_start_0:
0x88: {  	s2 =	sld [smem:$0x3FD9]  }
0x89: {  	s3 =	sld [smem:$0x3FFE];
	_ =	sdelay $0x1  }
0x8a: {  	s1 =	srdreg.scid  }
0x8b: {  	s0 =	sand.u32 $0x1, s1  }
0x8c: {  	s17 =	sshll.u32 s0, $0xA;
	s2 =	sadd.s32 s3, s2  }
0x8d: {  	s2 =	sadd.s32 s2, s17  }
0x8e: {  	[smem:$0x3FC5] =	sst s2  }
0x8f: {  	_ = 	snop  }
0x90: {  	s2 =	sld [smem:$0x3FC8]  }
0x91: {  	s18 =	sld [smem:$0x3FC7]  }
0x92: {  	s4 =	sld [smem:$0x3FD0];
	(tm) =	ssettm $0x1  }
0x93: {  	s5 =	sld [smem:$0x3FFB];
	_ =	sdelay $0x3  }
0x94: {  	_ =	strace s5  }
0x95: {  	s5 =	sld [smem:$0x3FFC];
	_ =	sdelay $0x3  }
0x96: {  	_ =	strace s5  }
0x97: {  	s5 =	sld [smem:$0x3FFD];
	_ =	sdelay $0x3  }
0x98: {  	_ =	strace s5  }
0x99: {  	_ =	strace $0x8FFFFFFF  }
0x9a: {  	s19 =	sld [smem:$0x3FDB];
	_ =	sdelay $0x1  }
0x9b: {  	s6 =	simm.s32 $_scs_section_size  }
0x9c: {  	s7 =	simm.s32 $_size__tile_overlayer_lowered;
	s8 =	simm.s32 $_tile_overlayer_lowered  }
0x9d: {  	s22 =	simm.s32 $0x1BFF;
	s21 =	sshll.u32 s8, $0x1;
	s5 =	sadd.s32 s6, s19  }
0x9e: {  	s9 =	simm.s32 $0x0;
	s20 =	sshll.u32 s7, $0x1;
	s7 =	sadd.s32 s21, s5  }
0x9f: {  	[timem:s9], [sflag:s22] =	dma.local [hbm:s7], s20  }
0xa0: {  	_ =	swait.ge [sflag:s22], s20  }
0xa1: {  	s6 =	ssub.s32 $0x0, s20;
	[sflag:s22] =	ssyncset.done $0x0  }
0xa2: {  	[sflag:s22] =	ssyncadd.s32 s6;
	_ =	sdelay $0x1  }
0xa3: {  	s23 =	simm.s32 $0x1B8B  }
0xa4: {  	_ =	swait.ge [sflag:s23], $0x1  }
0xa5: {  	[sflag:s23] =	ssyncset.done $0x0  }
0xa6: {  	s25 =	simm.s32 $0x1B8E;
	s24 =	sld [smem:$0x3FFE];
	[sflag:s23] =	ssyncadd.s32 $0xFFFFFFFF  }
0xa7: {  	s26 =	simm.s32 $execute0_lowered;
	[smem:$0x3FD2] =	sst s25  }
0xa8: {  	s7 =	sshll.u32 s26, $0x1;
	_ =	strace $0x80000046;
	[dreg:$0x1] =	wrdreg $0xFFFFFFFF  }
0xa9: {  	s28 =	simm.s32 $_size_execute0_lowered;
	s5 =	sadd.s32 s5, s7;
	[dreg:$0x0] =	wrdreg $0x0  }
0xaa: {  	s7 =	sshll.u32 s28, $0x1;
	[dreg:$0x2] =	wrdreg s5  }
0xab: {  	[dreg:$0x3] =	wrdreg s7  }
0xac: {  	[dreg:$0x4] =	wrdreg $0xC0  }
0xad: {  	_ =	task [dreg:s9], $0x5FFFF  }
0xae: {  	[dreg:$0x1] =	wrdreg $0xFFFFFFFF  }
0xaf: {  	[dreg:$0x0] =	wrdreg $0x60  }
0xb0: {  	[dreg:$0x2] =	wrdreg s24  }
0xb1: {  	[dreg:$0x3] =	wrdreg s18  }
0xb2: {  	[dreg:$0x4] =	wrdreg s2  }
0xb3: {  	[dreg:$0x5] =	wrdreg s4  }
0xb4: {  	[dreg:$0x6] =	wrdreg $0x9  }
0xb5: {  	_ =	task.clear_ibuf [dreg:s9], $0x7FFFF;
	_ =	strace $0x90000046  }
0xb6: {  	s29 =	simm.s32 $0x9;
	_ =	strace $0x80000048  }
0xb7: {  	_ =	swait.ge [sflag:s29], $0x1  }
0xb8: {  	[sflag:s29] =	ssyncadd.s32 $0xFFFFFFFF  }
0xb9: {  	_ =	strace $0x90000048  }
0xba: {  	_ =	sfence  }
0xbb: {  	s30 =	sld [smem:$0x0];
	_ =	sdelay $0x2  }
0xbc: {  	s31 =	sshll.u32 s1, $0xD;
	s1 =	sshrl.u32 s1, $0x2  }
0xbd: {  	s3 =	sand.u32 $0x4000, s31;
	s1 =	sadd.s32 s1, s30  }
0xbe: {  	s0 =	sor.u32 s3, s0;
	s1 =	sshll.u32 s1, $0x11  }
0xbf: {  	s0 =	sor.u32 s1, s0  }
0xc0: {  	s0 =	sadd.s32 $0x8F2B, s0  }
0xc1: {  	[sflag:s0] =	ssyncadd.remote.s32 $0x1  }
0xc2: {  	_ =	sfence.sel $0xFFFF  }
0xc3: {  	[dreg:$0x0] =	wrdreg $0xFFFFFFFF;
	(pc) =	sbr.abs _section_cstart, $3  }
0xc4: {  	[dreg:$0x1] =	wrdreg $0xFFFFFFFF  }
0xc5: {  	_ =	task.clear_ibuf [dreg:s9], $0x2FFFF;
	_ =	strace $0x9FFFFFFF  }
0xc6: {  	(tm) =	ssettm $0x7FFFFFFF  }
0xc7: {  	_ =	shalt  }
tec
execute0_lowered:
.L_overlay_start_1:
0x0: {  	(tag) =	ssettag $0x1  }
0x1: {  	s0 =	rddreg [dreg:$0x0]  }
0x2: {  	s1 =	srdreg.scid;
	s2 =	rddreg [dreg:$0x1]  }
0x3: {  	s4 =	stileid.u32;
	s5 =	rddreg [dreg:$0x3]  }
0x4: {  	s30 =	rddreg [dreg:$0x2];
	s3 =	sand.u32 $0x1, s1;
	s4 =	sshll.u32 s4, $0x1  }
0x5: {  	s28 =	simm.s32 $0x18200;
	s31 =	simm.s32 $0x8200;
	s4 =	sor.u32 s3, s4  }
0x6: {  	s1 =	simm.s32 $0x0;
	s6 =	sshll.u32 s4, $0x6;
	s4 =	sshll.u32 s4, $0xE  }
0x7: {  	s29 =	simm.s32 $0x1;
	[smem:$0x7FF] =	sst s1;
	s12 =	sor.u32 $0x400, s4  }
0x8: {  	s3 =	ssub.s32 $0x2, s3;
	s7 =	sor.u32 $0x800, s4;
	s8 =	sadd.s32 s2, s12  }
0x9: {  	s14 =	sor.u32 $0xC00, s4;
	s13 =	sadd.s32 s2, s7;
	[dreg:$0x5] =	wrdreg s8  }
0xa: {  	s0 =	sadd.s32 s6, s0;
	s9 =	sadd.s32 s2, s14;
	[dreg:$0x6] =	wrdreg s13  }
0xb: {  	s15 =	sor.u32 $0x1000, s4;
	s6 =	sadd.s32 s5, s12;
	[dreg:$0x7] =	wrdreg s9  }
0xc: {  	s11 =	sshrl.u32 s3, $0x1;
	s16 =	sadd.s32 s2, s15;
	[dreg:$0x8] =	wrdreg s6  }
0xd: {  	s17 =	sor.u32 $0x1400, s4;
	s7 =	sadd.s32 s5, s7;
	[dreg:$0x9] =	wrdreg s16  }
0xe: {  	s19 =	sor.u32 $0x1800, s4;
	s18 =	sadd.s32 s2, s17;
	[dreg:$0xa] =	wrdreg s7  }
0xf: {  	s21 =	sor.u32 $0x1C00, s4;
	s20 =	sadd.s32 s2, s19;
	[dreg:$0xb] =	wrdreg s18  }
0x10: {  	s23 =	sor.u32 $0x2000, s4;
	s22 =	sadd.s32 s2, s21;
	[dreg:$0xd] =	wrdreg s20  }
0x11: {  	s25 =	sor.u32 $0x2400, s4;
	s24 =	sadd.s32 s2, s23;
	[dreg:$0xf] =	wrdreg s22  }
0x12: {  	s3 =	ssub.s32 s3, s11;
	s26 =	sadd.s32 s2, s25;
	[dreg:$0x11] =	wrdreg s24  }
0x13: {  	s10 =	sadd.s32 s5, s25;
	s12 =	sor.u32 $0x2C00, s4;
	[dreg:$0x13] =	wrdreg s26  }
0x14: {  	s0 =	sadd.s32 $0x400, s0;
	s8 =	sadd.s32 s5, s14;
	[dreg:$0x16] =	wrdreg s10  }
0x15: {  	s6 =	sadd.s32 s5, s15;
	s7 =	sadd.s32 s5, s17;
	[dreg:$0xc] =	wrdreg s8  }
0x16: {  	s9 =	sor.u32 $0x2800, s4;
	s13 =	sor.u32 $0x3000, s4;
	[dreg:$0xe] =	wrdreg s6  }
0x17: {  	s14 =	sadd.s32 s2, s12;
	s17 =	sadd.s32 s2, s4;
	[dreg:$0x10] =	wrdreg s7  }
0x18: {  	s18 =	sadd.s32 s5, s4;
	s20 =	sor.u32 $0x3800, s4;
	[dreg:$0x19] =	wrdreg s14  }
0x19: {  	s26 =	smax.u32 s3, $0x1;
	s10 =	simm.s32 $0x5;
	[dreg:$0x1d] =	wrdreg s17  }
0x1a: {  	s3 =	simm.s32 $0x7;
	s8 =	sadd.s32 s5, s19;
	[dreg:$0x1e] =	wrdreg s18  }
0x1b: {  	s6 =	sadd.s32 s5, s21;
	s7 =	sadd.s32 s5, s23;
	[dreg:$0x12] =	wrdreg s8  }
0x1c: {  	s11 =	sadd.s32 s2, s9;
	s15 =	sadd.s32 s2, s13;
	[dreg:$0x14] =	wrdreg s6  }
0x1d: {  	s16 =	sadd.s32 s5, s13;
	s19 =	sor.u32 $0x3400, s4;
	[dreg:$0x15] =	wrdreg s7  }
0x1e: {  	s4 =	sor.u32 $0x3C00, s4;
	s22 =	sadd.s32 s2, s20;
	[dreg:$0x17] =	wrdreg s11  }
0x1f: {  	s24 =	sadd.s32 s5, s20;
	s13 =	simm.s32 $0x6;
	[dreg:$0x1b] =	wrdreg s15  }
0x20: {  	s14 =	simm.s32 $0x8;
	s6 =	sadd.s32 s5, s9;
	[dreg:$0x1c] =	wrdreg s16  }
0x21: {  	s21 =	sadd.s32 s2, s19;
	[smem:$0x7F7] =	sst s22;
	s2 =	sadd.s32 s2, s4  }
0x22: {  	s23 =	sadd.s32 s5, s19;
	[smem:$0x7FA] =	sst s24;
	s25 =	sadd.s32 s5, s4  }
0x23: {  	s7 =	sadd.s32 $0x100, s30;
	s8 =	sadd.s32 $0x200, s30;
	[dreg:$0x18] =	wrdreg s6  }
0x24: {  	s9 =	sadd.s32 $0x300, s30;
	s11 =	simm.s32 $0x200;
	[dreg:$0x1f] =	wrdreg s21  }
0x25: {  	s22 =	simm.s32 $0x5A00;
	s24 =	simm.s32 $0x6A00;
	[smem:$0x7F8] =	sst s2  }
0x26: {  	s4 =	simm.s32 $0x2000;
	s15 =	simm.s32 $0x9;
	[smem:$0x7F9] =	sst s23  }
0x27: {  	s16 =	simm.s32 $0x0;
	s6 =	sadd.s32 s5, s12;
	[smem:$0x7FB] =	sst s25  }
0x28: {  	s23 =	simm.s32 $0x6200;
	s25 =	simm.s32 $0x7200;
	s2 =	simm.s32 $0x10200  }
0x29: {  	v2 =	vlaneseq.u32;
	s5 =	simm.s32 $0x400000;
	s12 =	simm.s32 $0x3;
	[dreg:$0x1a] =	wrdreg s6  }
0x2a: {  	vm0 =	vmmov $0xffff;
	v1 =	vshrl.u32 v2, $0x3;
	s6 =	simm.s32 $0x2;
	_ =	strace $0x80000047;
	[smem:$0x7FC] =	sst s0  }
0x2b: {  	v0 =	vand.u32 $0x7, v2;
	v2 =	vor.u32 $0x8, v2;
	v1 =	vmul.u32 $0x8, v1;
	[smem:$0x7FD] =	sst s26;
	s26 =	simm.s32 $0x7A00;
	s0 =	simm.s32 $0x4  }
.LBB2_1:
0x2c: {  	s17 =	sld [smem:$0x7FC];
	_ =	sdelay $0x1  }
0x2d: {  	s21 =	simm.s32 $0xA  }
0x2e: {  	[tilespmem:s1], [sflag:$0xA] =	stream.linear.gather [hbm4b:s17+s1], $0x200, $0x38;
	[tilespmem:$0x1E200] =	vst v63  }
0x2f: {  	_ =	swait.ge [sflag:s21], $0x200  }
0x30: {  	[sflag:s21] =	ssyncset.done $0x0  }
0x31: {  	[sflag:s21] =	ssyncadd.s32 $0xFFFFFE00  }
0x32: {  	v3 =	vld [tilespmem:$0x0];
	_ =	sdelay $0x4  }
0x33: {  	v4 =	vshll.u32 v3, $0x3  }
0x34: {  	v3 =	vand.u32 $0x7, v3;
	v4 =	vand.u32 $0xFFFFFFC0, v4  }
0x35: {  	v3 =	vor.u32 v3, v4  }
0x36: {  	v4 =	vperm.xlane v3, v0;
	_ =	sdelay $0x1  }
0x37: {  	v4 =	vadd.s32 v1, v4;
	_ =	sdelay $0x4  }
0x38: {  	[tilespmem:s11], [sflag:$0x1] =	stream.indirect_vreg.gather [hbm4b:s30+s1], $0x80, v4, vm0, $0xb8;
	[tilespmem:$0x1E200] =	vst v63  }
0x39: {  	s18 =	simm.s32 $0xA00;
	v3 =	vperm.xlane v3, v2  }
0x3a: {  	[tilespmem:s18], [sflag:$0x1] =	stream.indirect_vreg.gather [hbm4b:s7+s1], $0x80, v4, vm0, $0xb8;
	[tilespmem:$0x1E200] =	vst v63  }
0x3b: {  	s19 =	simm.s32 $0x1200;
	v3 =	vadd.s32 v1, v3  }
0x3c: {  	[tilespmem:s19], [sflag:$0x1] =	stream.indirect_vreg.gather [hbm4b:s8+s1], $0x80, v4, vm0, $0xb8;
	[tilespmem:$0x1E200] =	vst v63  }
0x3d: {  	s20 =	simm.s32 $0x1A00  }
0x3e: {  	[tilespmem:s20], [sflag:$0x1] =	stream.indirect_vreg.gather [hbm4b:s9+s1], $0x80, v4, vm0, $0xb8;
	[tilespmem:$0x1E200] =	vst v63  }
0x3f: {  	s21 =	simm.s32 $0x2200  }
0x40: {  	[tilespmem:s21], [sflag:$0x1] =	stream.indirect_vreg.gather [hbm4b:s30+s1], $0x80, v3, vm0, $0xb8;
	[tilespmem:$0x1E200] =	vst v63  }
0x41: {  	s18 =	simm.s32 $0x2A00  }
0x42: {  	[tilespmem:s18], [sflag:$0x1] =	stream.indirect_vreg.gather [hbm4b:s7+s1], $0x80, v3, vm0, $0xb8;
	[tilespmem:$0x1E200] =	vst v63  }
0x43: {  	s19 =	simm.s32 $0x3200  }
0x44: {  	[tilespmem:s19], [sflag:$0x1] =	stream.indirect_vreg.gather [hbm4b:s8+s1], $0x80, v3, vm0, $0xb8;
	[tilespmem:$0x1E200] =	vst v63  }
0x45: {  	s20 =	simm.s32 $0x3A00  }
0x46: {  	[tilespmem:s20], [sflag:$0x1] =	stream.indirect_vreg.gather [hbm4b:s9+s1], $0x80, v3, vm0, $0xb8;
	[tilespmem:$0x1E200] =	vst v63  }
0x47: {  	v3 =	vld [tilespmem:$0x10];
	_ =	sdelay $0x4  }
0x48: {  	v59 =	vshll.u32 v3, $0x3  }
0x49: {  	v3 =	vand.u32 $0x7, v3;
	v4 =	vand.u32 $0xFFFFFFC0, v59  }
0x4a: {  	v3 =	vor.u32 v3, v4  }
0x4b: {  	v4 =	vperm.xlane v3, v0;
	_ =	sdelay $0x1  }
0x4c: {  	v4 =	vadd.s32 v1, v4;
	_ =	sdelay $0x3  }
0x4d: {  	s21 =	simm.s32 $0x4200  }
0x4e: {  	[tilespmem:s21], [sflag:$0x1] =	stream.indirect_vreg.gather [hbm4b:s30+s1], $0x80, v4, vm0, $0xb8;
	[tilespmem:$0x1E200] =	vst v63  }
0x4f: {  	s18 =	simm.s32 $0x4A00;
	v3 =	vperm.xlane v3, v2  }
0x50: {  	[tilespmem:s18], [sflag:$0x1] =	stream.indirect_vreg.gather [hbm4b:s7+s1], $0x80, v4, vm0, $0xb8;
	[tilespmem:$0x1E200] =	vst v63  }
0x51: {  	s19 =	simm.s32 $0x5200;
	v3 =	vadd.s32 v1, v3  }
0x52: {  	[tilespmem:s19], [sflag:$0x1] =	stream.indirect_vreg.gather [hbm4b:s8+s1], $0x80, v4, vm0, $0xb8;
	[tilespmem:$0x1E200] =	vst v63  }
0x53: {  	_ = 	snop  }
0x54: {  	[tilespmem:s22], [sflag:$0x1] =	stream.indirect_vreg.gather [hbm4b:s9+s1], $0x80, v4, vm0, $0xb8;
	[tilespmem:$0x1E200] =	vst v63  }
0x55: {  	_ = 	snop  }
0x56: {  	[tilespmem:s23], [sflag:$0x1] =	stream.indirect_vreg.gather [hbm4b:s30+s1], $0x80, v3, vm0, $0xb8;
	[tilespmem:$0x1E200] =	vst v63  }
0x57: {  	_ = 	snop  }
0x58: {  	[tilespmem:s24], [sflag:$0x1] =	stream.indirect_vreg.gather [hbm4b:s7+s1], $0x80, v3, vm0, $0xb8;
	[tilespmem:$0x1E200] =	vst v63  }
0x59: {  	_ = 	snop  }
0x5a: {  	[tilespmem:s25], [sflag:$0x1] =	stream.indirect_vreg.gather [hbm4b:s8+s1], $0x80, v3, vm0, $0xb8;
	[tilespmem:$0x1E200] =	vst v63  }
0x5b: {  	_ = 	snop  }
0x5c: {  	[tilespmem:s26], [sflag:$0x1] =	stream.indirect_vreg.gather [hbm4b:s9+s1], $0x80, v3, vm0, $0xb8;
	[tilespmem:$0x1E200] =	vst v63  }
0x5d: {  	s20 =	rddreg [dreg:$0x1d]  }
0x5e: {  	[tilespmem:s28], [sflag:$0x4] =	stream.linear.gather [hbm4b:s20+s1], $0x2000, $0x38;
	[tilespmem:$0x1E200] =	vst v63  }
0x5f: {  	v3 =	vld [tilespmem:$0x20];
	_ =	sdelay $0x4  }
0x60: {  	v60 =	vshll.u32 v3, $0x3  }
0x61: {  	v3 =	vand.u32 $0x7, v3;
	v4 =	vand.u32 $0xFFFFFFC0, v60  }
0x62: {  	v3 =	vor.u32 v3, v4  }
0x63: {  	v4 =	vperm.xlane v3, v0;
	_ =	sdelay $0x1  }
0x64: {  	v4 =	vadd.s32 v1, v4;
	_ =	sdelay $0x4  }
0x65: {  	[tilespmem:s31], [sflag:$0x2] =	stream.indirect_vreg.gather [hbm4b:s30+s1], $0x80, v4, vm0, $0xb8;
	[tilespmem:$0x1E200] =	vst v63  }
0x66: {  	s21 =	simm.s32 $0x8A00;
	v3 =	vperm.xlane v3, v2  }
0x67: {  	[tilespmem:s21], [sflag:$0x2] =	stream.indirect_vreg.gather [hbm4b:s7+s1], $0x80, v4, vm0, $0xb8;
	[tilespmem:$0x1E200] =	vst v63  }
0x68: {  	s18 =	simm.s32 $0x9200;
	v3 =	vadd.s32 v1, v3  }
0x69: {  	[tilespmem:s18], [sflag:$0x2] =	stream.indirect_vreg.gather [hbm4b:s8+s1], $0x80, v4, vm0, $0xb8;
	[tilespmem:$0x1E200] =	vst v63  }
0x6a: {  	s19 =	simm.s32 $0x9A00  }
0x6b: {  	[tilespmem:s19], [sflag:$0x2] =	stream.indirect_vreg.gather [hbm4b:s9+s1], $0x80, v4, vm0, $0xb8;
	[tilespmem:$0x1E200] =	vst v63  }
0x6c: {  	s20 =	simm.s32 $0xA200  }
0x6d: {  	[tilespmem:s20], [sflag:$0x2] =	stream.indirect_vreg.gather [hbm4b:s30+s1], $0x80, v3, vm0, $0xb8;
	[tilespmem:$0x1E200] =	vst v63  }
0x6e: {  	s21 =	simm.s32 $0xAA00  }
0x6f: {  	[tilespmem:s21], [sflag:$0x2] =	stream.indirect_vreg.gather [hbm4b:s7+s1], $0x80, v3, vm0, $0xb8;
	[tilespmem:$0x1E200] =	vst v63  }
0x70: {  	s18 =	simm.s32 $0xB200  }
0x71: {  	[tilespmem:s18], [sflag:$0x2] =	stream.indirect_vreg.gather [hbm4b:s8+s1], $0x80, v3, vm0, $0xb8;
	[tilespmem:$0x1E200] =	vst v63  }
0x72: {  	s19 =	simm.s32 $0xBA00  }
0x73: {  	[tilespmem:s19], [sflag:$0x2] =	stream.indirect_vreg.gather [hbm4b:s9+s1], $0x80, v3, vm0, $0xb8;
	[tilespmem:$0x1E200] =	vst v63  }
0x74: {  	v3 =	vld [tilespmem:$0x30];
	_ =	sdelay $0x4  }
0x75: {  	v61 =	vshll.u32 v3, $0x3  }
0x76: {  	v3 =	vand.u32 $0x7, v3;
	v4 =	vand.u32 $0xFFFFFFC0, v61  }
0x77: {  	v3 =	vor.u32 v3, v4  }
0x78: {  	v4 =	vperm.xlane v3, v0;
	_ =	sdelay $0x1  }
0x79: {  	v4 =	vadd.s32 v1, v4;
	_ =	sdelay $0x3  }
0x7a: {  	s20 =	simm.s32 $0xC200  }
0x7b: {  	[tilespmem:s20], [sflag:$0x2] =	stream.indirect_vreg.gather [hbm4b:s30+s1], $0x80, v4, vm0, $0xb8;
	[tilespmem:$0x1E200] =	vst v63  }
0x7c: {  	s21 =	simm.s32 $0xCA00;
	v3 =	vperm.xlane v3, v2  }
0x7d: {  	[tilespmem:s21], [sflag:$0x2] =	stream.indirect_vreg.gather [hbm4b:s7+s1], $0x80, v4, vm0, $0xb8;
	[tilespmem:$0x1E200] =	vst v63  }
0x7e: {  	s18 =	simm.s32 $0xD200;
	v3 =	vadd.s32 v1, v3  }
0x7f: {  	[tilespmem:s18], [sflag:$0x2] =	stream.indirect_vreg.gather [hbm4b:s8+s1], $0x80, v4, vm0, $0xb8;
	[tilespmem:$0x1E200] =	vst v63  }
0x80: {  	s19 =	simm.s32 $0xDA00  }
0x81: {  	[tilespmem:s19], [sflag:$0x2] =	stream.indirect_vreg.gather [hbm4b:s9+s1], $0x80, v4, vm0, $0xb8;
	[tilespmem:$0x1E200] =	vst v63  }
0x82: {  	s20 =	simm.s32 $0xE200  }
0x83: {  	[tilespmem:s20], [sflag:$0x2] =	stream.indirect_vreg.gather [hbm4b:s30+s1], $0x80, v3, vm0, $0xb8;
	[tilespmem:$0x1E200] =	vst v63  }
0x84: {  	s21 =	simm.s32 $0xEA00  }
0x85: {  	[tilespmem:s21], [sflag:$0x2] =	stream.indirect_vreg.gather [hbm4b:s7+s1], $0x80, v3, vm0, $0xb8;
	[tilespmem:$0x1E200] =	vst v63  }
0x86: {  	s18 =	simm.s32 $0xF200  }
0x87: {  	[tilespmem:s18], [sflag:$0x2] =	stream.indirect_vreg.gather [hbm4b:s8+s1], $0x80, v3, vm0, $0xb8;
	[tilespmem:$0x1E200] =	vst v63  }
0x88: {  	s19 =	simm.s32 $0xFA00  }
0x89: {  	[tilespmem:s19], [sflag:$0x2] =	stream.indirect_vreg.gather [hbm4b:s9+s1], $0x80, v3, vm0, $0xb8;
	[tilespmem:$0x1E200] =	vst v63  }
0x8a: {  	s20 =	rddreg [dreg:$0x5];
	s18 =	simm.s32 $0x1A200  }
0x8b: {  	[tilespmem:s18], [sflag:$0x5] =	stream.linear.gather [hbm4b:s20+s1], $0x2000, $0x38;
	[tilespmem:$0x1E200] =	vst v63  }
0x8c: {  	_ =	swait.ge [sflag:s29], $0x8000  }
0x8d: {  	[sflag:s29] =	ssyncset.done $0x0  }
0x8e: {  	[sflag:s29] =	ssyncadd.s32 $0xFFFF8000  }
0x8f: {  	_ =	swait.ge [sflag:s0], $0x2000  }
0x90: {  	[sflag:s0] =	ssyncset.done $0x0  }
0x91: {  	[sflag:s0] =	ssyncadd.s32 $0xFFFFE000  }
0x92: {  	v3 =	vld [tilespmem:$0x40];
	_ =	sdelay $0x4  }
0x93: {  	v62 =	vshll.u32 v3, $0x3  }
0x94: {  	v3 =	vand.u32 $0x7, v3;
	v4 =	vand.u32 $0xFFFFFFC0, v62  }
0x95: {  	v3 =	vor.u32 v3, v4  }
0x96: {  	v4 =	vperm.xlane v3, v0;
	_ =	sdelay $0x1  }
0x97: {  	v4 =	vadd.s32 v1, v4;
	_ =	sdelay $0x4  }
0x98: {  	[tilespmem:s2], [sflag:$0x3] =	stream.indirect_vreg.gather [hbm4b:s30+s1], $0x80, v4, vm0, $0xb8;
	[tilespmem:$0x1E200] =	vst v63  }
0x99: {  	s21 =	simm.s32 $0x10A00;
	v3 =	vperm.xlane v3, v2  }
0x9a: {  	[tilespmem:s21], [sflag:$0x3] =	stream.indirect_vreg.gather [hbm4b:s7+s1], $0x80, v4, vm0, $0xb8;
	[tilespmem:$0x1E200] =	vst v63  }
0x9b: {  	s18 =	simm.s32 $0x11200;
	v3 =	vadd.s32 v1, v3  }
0x9c: {  	[tilespmem:s18], [sflag:$0x3] =	stream.indirect_vreg.gather [hbm4b:s8+s1], $0x80, v4, vm0, $0xb8;
	[tilespmem:$0x1E200] =	vst v63  }
0x9d: {  	s19 =	simm.s32 $0x11A00  }
0x9e: {  	[tilespmem:s19], [sflag:$0x3] =	stream.indirect_vreg.gather [hbm4b:s9+s1], $0x80, v4, vm0, $0xb8;
	[tilespmem:$0x1E200] =	vst v63  }
0x9f: {  	s20 =	simm.s32 $0x12200  }
0xa0: {  	[tilespmem:s20], [sflag:$0x3] =	stream.indirect_vreg.gather [hbm4b:s30+s1], $0x80, v3, vm0, $0xb8;
	[tilespmem:$0x1E200] =	vst v63  }
0xa1: {  	s21 =	simm.s32 $0x12A00  }
0xa2: {  	[tilespmem:s21], [sflag:$0x3] =	stream.indirect_vreg.gather [hbm4b:s7+s1], $0x80, v3, vm0, $0xb8;
	[tilespmem:$0x1E200] =	vst v63  }
0xa3: {  	s18 =	simm.s32 $0x13200  }
0xa4: {  	[tilespmem:s18], [sflag:$0x3] =	stream.indirect_vreg.gather [hbm4b:s8+s1], $0x80, v3, vm0, $0xb8;
	[tilespmem:$0x1E200] =	vst v63  }
0xa5: {  	s19 =	simm.s32 $0x13A00  }
0xa6: {  	[tilespmem:s19], [sflag:$0x3] =	stream.indirect_vreg.gather [hbm4b:s9+s1], $0x80, v3, vm0, $0xb8;
	[tilespmem:$0x1E200] =	vst v63  }
0xa7: {  	v3 =	vld [tilespmem:$0x50];
	_ =	sdelay $0x4  }
0xa8: {  	v63 =	vshll.u32 v3, $0x3  }
0xa9: {  	v3 =	vand.u32 $0x7, v3;
	v4 =	vand.u32 $0xFFFFFFC0, v63  }
0xaa: {  	v3 =	vor.u32 v3, v4  }
0xab: {  	v4 =	vperm.xlane v3, v0;
	_ =	sdelay $0x1  }
0xac: {  	v4 =	vadd.s32 v1, v4;
	_ =	sdelay $0x3  }
0xad: {  	s20 =	simm.s32 $0x14200  }
0xae: {  	[tilespmem:s20], [sflag:$0x3] =	stream.indirect_vreg.gather [hbm4b:s30+s1], $0x80, v4, vm0, $0xb8;
	[tilespmem:$0x1E200] =	vst v63  }
0xaf: {  	s21 =	simm.s32 $0x14A00;
	v3 =	vperm.xlane v3, v2  }
0xb0: {  	[tilespmem:s21], [sflag:$0x3] =	stream.indirect_vreg.gather [hbm4b:s7+s1], $0x80, v4, vm0, $0xb8;
	[tilespmem:$0x1E200] =	vst v63  }
0xb1: {  	s18 =	simm.s32 $0x15200;
	v3 =	vadd.s32 v1, v3  }
0xb2: {  	[tilespmem:s18], [sflag:$0x3] =	stream.indirect_vreg.gather [hbm4b:s8+s1], $0x80, v4, vm0, $0xb8;
	[tilespmem:$0x1E200] =	vst v63  }
0xb3: {  	s19 =	simm.s32 $0x15A00  }
0xb4: {  	[tilespmem:s19], [sflag:$0x3] =	stream.indirect_vreg.gather [hbm4b:s9+s1], $0x80, v4, vm0, $0xb8;
	[tilespmem:$0x1E200] =	vst v63  }
0xb5: {  	s20 =	simm.s32 $0x16200  }
0xb6: {  	[tilespmem:s20], [sflag:$0x3] =	stream.indirect_vreg.gather [hbm4b:s30+s1], $0x80, v3, vm0, $0xb8;
	[tilespmem:$0x1E200] =	vst v63  }
0xb7: {  	s21 =	simm.s32 $0x16A00  }
0xb8: {  	[tilespmem:s21], [sflag:$0x3] =	stream.indirect_vreg.gather [hbm4b:s7+s1], $0x80, v3, vm0, $0xb8;
	[tilespmem:$0x1E200] =	vst v63  }
0xb9: {  	s18 =	simm.s32 $0x17200  }
0xba: {  	[tilespmem:s18], [sflag:$0x3] =	stream.indirect_vreg.gather [hbm4b:s8+s1], $0x80, v3, vm0, $0xb8;
	[tilespmem:$0x1E200] =	vst v63  }
0xbb: {  	s17 =	simm.s32 $0x0;
	s19 =	simm.s32 $0x17A00  }
0xbc: {  	[tilespmem:s19], [sflag:$0x3] =	stream.indirect_vreg.gather [hbm4b:s9+s1], $0x80, v3, vm0, $0xb8;
	[tilespmem:$0x1E200] =	vst v63  }
0xbd: {  	s20 =	rddreg [dreg:$0x6];
	s21 =	simm.s32 $0x1C200;
	s18 =	simm.s32 $0x0  }
0xbe: {  	[tilespmem:s21], [sflag:$0x6] =	stream.linear.gather [hbm4b:s20+s1], $0x2000, $0x38;
	[tilespmem:$0x1E200] =	vst v63  }
.LBB2_2:
0xbf: {  	s19 =	sshra.s32 s17, $0x2  }
0xc0: {  	v3 =	vld [tilespmem:s19+$0x18270]  }
0xc1: {  	v4 =	vld [tilespmem:s19+$0x18200]  }
0xc2: {  	v5 =	vld [tilespmem:s19+$0x18210]  }
0xc3: {  	v6 =	vld [tilespmem:s19+$0x18220]  }
0xc4: {  	v7 =	vld [tilespmem:s19+$0x18230]  }
0xc5: {  	v8 =	vld [tilespmem:s19+$0x18240]  }
0xc6: {  	v9 =	vld [tilespmem:s19+$0x18250]  }
0xc7: {  	v10 =	vld [tilespmem:s19+$0x18260]  }
0xc8: {  	[tilespmem:s19+$0x6270] =	vst.add.f32.msk $0xffff, v3  }
0xc9: {  	[tilespmem:s19+$0x200] =	vst.add.f32.msk $0xffff, v4  }
0xca: {  	[tilespmem:s19+$0x2200] =	vst.add.f32.msk $0xffff, v4  }
0xcb: {  	[tilespmem:s19+$0x4200] =	vst.add.f32.msk $0xffff, v4  }
0xcc: {  	[tilespmem:s19+$0x6200] =	vst.add.f32.msk $0xffff, v4  }
0xcd: {  	[tilespmem:s19+$0x210] =	vst.add.f32.msk $0xffff, v5  }
0xce: {  	[tilespmem:s19+$0x2210] =	vst.add.f32.msk $0xffff, v5  }
0xcf: {  	[tilespmem:s19+$0x4210] =	vst.add.f32.msk $0xffff, v5  }
0xd0: {  	[tilespmem:s19+$0x6210] =	vst.add.f32.msk $0xffff, v5  }
0xd1: {  	[tilespmem:s19+$0x220] =	vst.add.f32.msk $0xffff, v6  }
0xd2: {  	[tilespmem:s19+$0x2220] =	vst.add.f32.msk $0xffff, v6  }
0xd3: {  	[tilespmem:s19+$0x4220] =	vst.add.f32.msk $0xffff, v6  }
0xd4: {  	[tilespmem:s19+$0x6220] =	vst.add.f32.msk $0xffff, v6  }
0xd5: {  	[tilespmem:s19+$0x230] =	vst.add.f32.msk $0xffff, v7  }
0xd6: {  	[tilespmem:s19+$0x2230] =	vst.add.f32.msk $0xffff, v7  }
0xd7: {  	[tilespmem:s19+$0x4230] =	vst.add.f32.msk $0xffff, v7  }
0xd8: {  	[tilespmem:s19+$0x6230] =	vst.add.f32.msk $0xffff, v7  }
0xd9: {  	[tilespmem:s19+$0x240] =	vst.add.f32.msk $0xffff, v8  }
0xda: {  	[tilespmem:s19+$0x2240] =	vst.add.f32.msk $0xffff, v8  }
0xdb: {  	[tilespmem:s19+$0x4240] =	vst.add.f32.msk $0xffff, v8  }
0xdc: {  	[tilespmem:s19+$0x6240] =	vst.add.f32.msk $0xffff, v8  }
0xdd: {  	[tilespmem:s19+$0x250] =	vst.add.f32.msk $0xffff, v9  }
0xde: {  	[tilespmem:s19+$0x2250] =	vst.add.f32.msk $0xffff, v9  }
0xdf: {  	[tilespmem:s19+$0x4250] =	vst.add.f32.msk $0xffff, v9  }
0xe0: {  	[tilespmem:s19+$0x6250] =	vst.add.f32.msk $0xffff, v9  }
0xe1: {  	[tilespmem:s19+$0x260] =	vst.add.f32.msk $0xffff, v10  }
0xe2: {  	[tilespmem:s19+$0x2260] =	vst.add.f32.msk $0xffff, v10  }
0xe3: {  	[tilespmem:s19+$0x4260] =	vst.add.f32.msk $0xffff, v10  }
0xe4: {  	[tilespmem:s19+$0x6260] =	vst.add.f32.msk $0xffff, v10  }
0xe5: {  	[tilespmem:s19+$0x270] =	vst.add.f32.msk $0xffff, v3  }
0xe6: {  	s20 =	simm.s32 $0x0;
	s21 =	sadd.s32 $0x1000, s17;
	[tilespmem:s19+$0x2270] =	vst.add.f32.msk $0xffff, v3  }
.LBB2_3:
0xe7: {  	s20 =	sadd.s32 $0x8, s20;
	[tilespmem:s19+$0x4270] =	vst.add.f32.msk $0xffff, v3;
	s19 =	sshra.s32 s21, $0x2  }
0xe8: {  	v3 =	vld [tilespmem:s19+$0x18270];
	p0 =	slt.u32 s20, $0x38  }
0xe9: {  	v4 =	vld [tilespmem:s19+$0x18200]  }
0xea: {  	v5 =	vld [tilespmem:s19+$0x18210]  }
0xeb: {  	v6 =	vld [tilespmem:s19+$0x18220]  }
0xec: {  	v7 =	vld [tilespmem:s19+$0x18230]  }
0xed: {  	[tilespmem:s19+$0x6270] =	vst.add.f32.msk $0xffff, v3  }
0xee: {  	v8 =	vld [tilespmem:s19+$0x18240]  }
0xef: {  	v9 =	vld [tilespmem:s19+$0x18250]  }
0xf0: {  	v10 =	vld [tilespmem:s19+$0x18260]  }
0xf1: {  	[tilespmem:s19+$0x200] =	vst.add.f32.msk $0xffff, v4  }
0xf2: {  	[tilespmem:s19+$0x2200] =	vst.add.f32.msk $0xffff, v4  }
0xf3: {  	[tilespmem:s19+$0x4200] =	vst.add.f32.msk $0xffff, v4  }
0xf4: {  	[tilespmem:s19+$0x6200] =	vst.add.f32.msk $0xffff, v4  }
0xf5: {  	[tilespmem:s19+$0x210] =	vst.add.f32.msk $0xffff, v5  }
0xf6: {  	[tilespmem:s19+$0x2210] =	vst.add.f32.msk $0xffff, v5  }
0xf7: {  	[tilespmem:s19+$0x4210] =	vst.add.f32.msk $0xffff, v5  }
0xf8: {  	[tilespmem:s19+$0x6210] =	vst.add.f32.msk $0xffff, v5  }
0xf9: {  	[tilespmem:s19+$0x220] =	vst.add.f32.msk $0xffff, v6  }
0xfa: {  	[tilespmem:s19+$0x2220] =	vst.add.f32.msk $0xffff, v6  }
0xfb: {  	[tilespmem:s19+$0x4220] =	vst.add.f32.msk $0xffff, v6  }
0xfc: {  	[tilespmem:s19+$0x6220] =	vst.add.f32.msk $0xffff, v6  }
0xfd: {  	[tilespmem:s19+$0x230] =	vst.add.f32.msk $0xffff, v7  }
0xfe: {  	[tilespmem:s19+$0x2230] =	vst.add.f32.msk $0xffff, v7  }
0xff: {  	[tilespmem:s19+$0x4230] =	vst.add.f32.msk $0xffff, v7  }
0x100: {  	[tilespmem:s19+$0x6230] =	vst.add.f32.msk $0xffff, v7  }
0x101: {  	[tilespmem:s19+$0x240] =	vst.add.f32.msk $0xffff, v8  }
0x102: {  	[tilespmem:s19+$0x2240] =	vst.add.f32.msk $0xffff, v8  }
0x103: {  	[tilespmem:s19+$0x4240] =	vst.add.f32.msk $0xffff, v8  }
0x104: {  	[tilespmem:s19+$0x6240] =	vst.add.f32.msk $0xffff, v8  }
0x105: {  	[tilespmem:s19+$0x250] =	vst.add.f32.msk $0xffff, v9  }
0x106: {  	[tilespmem:s19+$0x2250] =	vst.add.f32.msk $0xffff, v9  }
0x107: {  	[tilespmem:s19+$0x4250] =	vst.add.f32.msk $0xffff, v9  }
0x108: {  	[tilespmem:s19+$0x6250] =	vst.add.f32.msk $0xffff, v9  }
0x109: {  	[tilespmem:s19+$0x260] =	vst.add.f32.msk $0xffff, v10  }
.Ltmp0:
0x10a: {  	[tilespmem:s19+$0x2260] =	vst.add.f32.msk $0xffff, v10;
	(pc) =	sbr.rel @p0 .LBB2_3-.Ltmp0, $4  }
0x10b: {  	[tilespmem:s19+$0x4260] =	vst.add.f32.msk $0xffff, v10  }
0x10c: {  	[tilespmem:s19+$0x6260] =	vst.add.f32.msk $0xffff, v10  }
0x10d: {  	[tilespmem:s19+$0x270] =	vst.add.f32.msk $0xffff, v3  }
0x10e: {  	s21 =	sadd.s32 $0x1000, s21;
	[tilespmem:s19+$0x2270] =	vst.add.f32.msk $0xffff, v3  }
0x10f: {  	s18 =	sadd.s32 $0x1, s18  }
0x110: {  	p0 =	sne.s32 s18, $0x8  }
.Ltmp1:
0x111: {  	_ = 	snop;
	(pc) =	sbr.rel @p0 .LBB2_2-.Ltmp1, $2  }
0x112: {  	_ =	sdelay $0x2  }
0x113: {  	[tilespmem:s19+$0x4270] =	vst.add.f32.msk $0xffff, v3;
	s17 =	sadd.s32 $0x200, s17  }
0x114: {  	s17 =	rddreg [dreg:$0x1e]  }
0x115: {  	[hbm4b:s17+s4] =	stream.strided.scatter [tilespmem:s11], [sflag:$0x7], $0x8000, s5, s4, $0x38;
	[tilespmem:$0x1E200] =	vst v63  }
0x116: {  	_ =	swait.ge [sflag:s6], $0x8000  }
0x117: {  	[sflag:s6] =	ssyncset.done $0x0  }
0x118: {  	[sflag:s6] =	ssyncadd.s32 $0xFFFF8000  }
0x119: {  	_ =	swait.ge [sflag:s10], $0x2000  }
0x11a: {  	[sflag:s10] =	ssyncset.done $0x0  }
0x11b: {  	[sflag:s10] =	ssyncadd.s32 $0xFFFFE000  }
0x11c: {  	_ =	swait.ge [sflag:s3], $0x8000  }
0x11d: {  	[sflag:s3] =	ssyncset.done $0x0  }
0x11e: {  	[sflag:s3] =	ssyncadd.s32 $0xFFFF8000  }
0x11f: {  	v3 =	vld [tilespmem:$0x60];
	_ =	sdelay $0x4  }
0x120: {  	v4 =	vshll.u32 v3, $0x3  }
0x121: {  	v3 =	vand.u32 $0x7, v3;
	v4 =	vand.u32 $0xFFFFFFC0, v4  }
0x122: {  	v3 =	vor.u32 v3, v4  }
0x123: {  	v4 =	vperm.xlane v3, v0;
	_ =	sdelay $0x1  }
0x124: {  	v4 =	vadd.s32 v1, v4;
	_ =	sdelay $0x3  }
0x125: {  	s17 =	simm.s32 $0x0  }
0x126: {  	[tilespmem:s11], [sflag:$0x1] =	stream.indirect_vreg.gather [hbm4b:s30+s17], $0x80, v4, vm0, $0xb8;
	[tilespmem:$0x1E200] =	vst v63  }
0x127: {  	s18 =	simm.s32 $0xA00;
	v3 =	vperm.xlane v3, v2  }
0x128: {  	[tilespmem:s18], [sflag:$0x1] =	stream.indirect_vreg.gather [hbm4b:s7+s17], $0x80, v4, vm0, $0xb8;
	[tilespmem:$0x1E200] =	vst v63  }
0x129: {  	s21 =	simm.s32 $0x1200;
	v3 =	vadd.s32 v1, v3  }
0x12a: {  	[tilespmem:s21], [sflag:$0x1] =	stream.indirect_vreg.gather [hbm4b:s8+s17], $0x80, v4, vm0, $0xb8;
	[tilespmem:$0x1E200] =	vst v63  }
0x12b: {  	s19 =	simm.s32 $0x1A00  }
0x12c: {  	[tilespmem:s19], [sflag:$0x1] =	stream.indirect_vreg.gather [hbm4b:s9+s17], $0x80, v4, vm0, $0xb8;
	[tilespmem:$0x1E200] =	vst v63  }
0x12d: {  	s20 =	simm.s32 $0x2200  }
0x12e: {  	[tilespmem:s20], [sflag:$0x1] =	stream.indirect_vreg.gather [hbm4b:s30+s17], $0x80, v3, vm0, $0xb8;
	[tilespmem:$0x1E200] =	vst v63  }
0x12f: {  	s21 =	simm.s32 $0x2A00  }
0x130: {  	[tilespmem:s21], [sflag:$0x1] =	stream.indirect_vreg.gather [hbm4b:s7+s17], $0x80, v3, vm0, $0xb8;
	[tilespmem:$0x1E200] =	vst v63  }
0x131: {  	s19 =	simm.s32 $0x3200  }
0x132: {  	[tilespmem:s19], [sflag:$0x1] =	stream.indirect_vreg.gather [hbm4b:s8+s17], $0x80, v3, vm0, $0xb8;
	[tilespmem:$0x1E200] =	vst v63  }
0x133: {  	s20 =	simm.s32 $0x3A00  }
0x134: {  	[tilespmem:s20], [sflag:$0x1] =	stream.indirect_vreg.gather [hbm4b:s9+s17], $0x80, v3, vm0, $0xb8;
	[tilespmem:$0x1E200] =	vst v63  }
0x135: {  	v3 =	vld [tilespmem:$0x70];
	_ =	sdelay $0x4  }
0x136: {  	v63 =	vshll.u32 v3, $0x3  }
0x137: {  	v3 =	vand.u32 $0x7, v3;
	v4 =	vand.u32 $0xFFFFFFC0, v63  }
0x138: {  	v3 =	vor.u32 v3, v4  }
0x139: {  	v4 =	vperm.xlane v3, v0;
	_ =	sdelay $0x1  }
0x13a: {  	v4 =	vadd.s32 v1, v4;
	_ =	sdelay $0x3  }
0x13b: {  	s21 =	simm.s32 $0x4200  }
0x13c: {  	[tilespmem:s21], [sflag:$0x1] =	stream.indirect_vreg.gather [hbm4b:s30+s17], $0x80, v4, vm0, $0xb8;
	[tilespmem:$0x1E200] =	vst v63  }
0x13d: {  	s19 =	simm.s32 $0x4A00;
	v3 =	vperm.xlane v3, v2  }
0x13e: {  	[tilespmem:s19], [sflag:$0x1] =	stream.indirect_vreg.gather [hbm4b:s7+s17], $0x80, v4, vm0, $0xb8;
	[tilespmem:$0x1E200] =	vst v63  }
0x13f: {  	s20 =	simm.s32 $0x5200;
	v3 =	vadd.s32 v1, v3  }
0x140: {  	[tilespmem:s20], [sflag:$0x1] =	stream.indirect_vreg.gather [hbm4b:s8+s17], $0x80, v4, vm0, $0xb8;
	[tilespmem:$0x1E200] =	vst v63  }
0x141: {  	_ = 	snop  }
0x142: {  	[tilespmem:s22], [sflag:$0x1] =	stream.indirect_vreg.gather [hbm4b:s9+s17], $0x80, v4, vm0, $0xb8;
	[tilespmem:$0x1E200] =	vst v63  }
0x143: {  	_ = 	snop  }
0x144: {  	[tilespmem:s23], [sflag:$0x1] =	stream.indirect_vreg.gather [hbm4b:s30+s17], $0x80, v3, vm0, $0xb8;
	[tilespmem:$0x1E200] =	vst v63  }
0x145: {  	_ = 	snop  }
0x146: {  	[tilespmem:s24], [sflag:$0x1] =	stream.indirect_vreg.gather [hbm4b:s7+s17], $0x80, v3, vm0, $0xb8;
	[tilespmem:$0x1E200] =	vst v63  }
0x147: {  	_ = 	snop  }
0x148: {  	[tilespmem:s25], [sflag:$0x1] =	stream.indirect_vreg.gather [hbm4b:s8+s17], $0x80, v3, vm0, $0xb8;
	[tilespmem:$0x1E200] =	vst v63  }
0x149: {  	_ = 	snop  }
0x14a: {  	[tilespmem:s26], [sflag:$0x1] =	stream.indirect_vreg.gather [hbm4b:s9+s17], $0x80, v3, vm0, $0xb8;
	[tilespmem:$0x1E200] =	vst v63  }
0x14b: {  	s18 =	simm.s32 $0x0;
	s21 =	rddreg [dreg:$0x7]  }
0x14c: {  	[tilespmem:s28], [sflag:$0x4] =	stream.linear.gather [hbm4b:s21+s17], $0x2000, $0x38;
	[tilespmem:$0x1E200] =	vst v63  }
.LBB2_6:
0x14d: {  	s19 =	sshra.s32 s17, $0x2  }
0x14e: {  	v3 =	vld [tilespmem:s19+$0x1A270]  }
0x14f: {  	v4 =	vld [tilespmem:s19+$0x1A200]  }
0x150: {  	v5 =	vld [tilespmem:s19+$0x1A210]  }
0x151: {  	v6 =	vld [tilespmem:s19+$0x1A220]  }
0x152: {  	v7 =	vld [tilespmem:s19+$0x1A230]  }
0x153: {  	v8 =	vld [tilespmem:s19+$0x1A240]  }
0x154: {  	v9 =	vld [tilespmem:s19+$0x1A250]  }
0x155: {  	v10 =	vld [tilespmem:s19+$0x1A260]  }
0x156: {  	[tilespmem:s19+$0xE270] =	vst.add.f32.msk $0xffff, v3  }
0x157: {  	[tilespmem:s19+$0x8200] =	vst.add.f32.msk $0xffff, v4  }
0x158: {  	[tilespmem:s19+$0xA200] =	vst.add.f32.msk $0xffff, v4  }
0x159: {  	[tilespmem:s19+$0xC200] =	vst.add.f32.msk $0xffff, v4  }
0x15a: {  	[tilespmem:s19+$0xE200] =	vst.add.f32.msk $0xffff, v4  }
0x15b: {  	[tilespmem:s19+$0x8210] =	vst.add.f32.msk $0xffff, v5  }
0x15c: {  	[tilespmem:s19+$0xA210] =	vst.add.f32.msk $0xffff, v5  }
0x15d: {  	[tilespmem:s19+$0xC210] =	vst.add.f32.msk $0xffff, v5  }
0x15e: {  	[tilespmem:s19+$0xE210] =	vst.add.f32.msk $0xffff, v5  }
0x15f: {  	[tilespmem:s19+$0x8220] =	vst.add.f32.msk $0xffff, v6  }
0x160: {  	[tilespmem:s19+$0xA220] =	vst.add.f32.msk $0xffff, v6  }
0x161: {  	[tilespmem:s19+$0xC220] =	vst.add.f32.msk $0xffff, v6  }
0x162: {  	[tilespmem:s19+$0xE220] =	vst.add.f32.msk $0xffff, v6  }
0x163: {  	[tilespmem:s19+$0x8230] =	vst.add.f32.msk $0xffff, v7  }
0x164: {  	[tilespmem:s19+$0xA230] =	vst.add.f32.msk $0xffff, v7  }
0x165: {  	[tilespmem:s19+$0xC230] =	vst.add.f32.msk $0xffff, v7  }
0x166: {  	[tilespmem:s19+$0xE230] =	vst.add.f32.msk $0xffff, v7  }
0x167: {  	[tilespmem:s19+$0x8240] =	vst.add.f32.msk $0xffff, v8  }
0x168: {  	[tilespmem:s19+$0xA240] =	vst.add.f32.msk $0xffff, v8  }
0x169: {  	[tilespmem:s19+$0xC240] =	vst.add.f32.msk $0xffff, v8  }
0x16a: {  	[tilespmem:s19+$0xE240] =	vst.add.f32.msk $0xffff, v8  }
0x16b: {  	[tilespmem:s19+$0x8250] =	vst.add.f32.msk $0xffff, v9  }
0x16c: {  	[tilespmem:s19+$0xA250] =	vst.add.f32.msk $0xffff, v9  }
0x16d: {  	[tilespmem:s19+$0xC250] =	vst.add.f32.msk $0xffff, v9  }
0x16e: {  	[tilespmem:s19+$0xE250] =	vst.add.f32.msk $0xffff, v9  }
0x16f: {  	[tilespmem:s19+$0x8260] =	vst.add.f32.msk $0xffff, v10  }
0x170: {  	[tilespmem:s19+$0xA260] =	vst.add.f32.msk $0xffff, v10  }
0x171: {  	[tilespmem:s19+$0xC260] =	vst.add.f32.msk $0xffff, v10  }
0x172: {  	[tilespmem:s19+$0xE260] =	vst.add.f32.msk $0xffff, v10  }
0x173: {  	[tilespmem:s19+$0x8270] =	vst.add.f32.msk $0xffff, v3  }
0x174: {  	s20 =	simm.s32 $0x0;
	s21 =	sadd.s32 $0x1000, s17;
	[tilespmem:s19+$0xA270] =	vst.add.f32.msk $0xffff, v3  }
.LBB2_7:
0x175: {  	s20 =	sadd.s32 $0x8, s20;
	[tilespmem:s19+$0xC270] =	vst.add.f32.msk $0xffff, v3;
	s19 =	sshra.s32 s21, $0x2  }
0x176: {  	v3 =	vld [tilespmem:s19+$0x1A270];
	p0 =	slt.u32 s20, $0x38  }
0x177: {  	v4 =	vld [tilespmem:s19+$0x1A200]  }
0x178: {  	v5 =	vld [tilespmem:s19+$0x1A210]  }
0x179: {  	v6 =	vld [tilespmem:s19+$0x1A220]  }
0x17a: {  	v7 =	vld [tilespmem:s19+$0x1A230]  }
0x17b: {  	[tilespmem:s19+$0xE270] =	vst.add.f32.msk $0xffff, v3  }
0x17c: {  	v8 =	vld [tilespmem:s19+$0x1A240]  }
0x17d: {  	v9 =	vld [tilespmem:s19+$0x1A250]  }
0x17e: {  	v10 =	vld [tilespmem:s19+$0x1A260]  }
0x17f: {  	[tilespmem:s19+$0x8200] =	vst.add.f32.msk $0xffff, v4  }
0x180: {  	[tilespmem:s19+$0xA200] =	vst.add.f32.msk $0xffff, v4  }
0x181: {  	[tilespmem:s19+$0xC200] =	vst.add.f32.msk $0xffff, v4  }
0x182: {  	[tilespmem:s19+$0xE200] =	vst.add.f32.msk $0xffff, v4  }
0x183: {  	[tilespmem:s19+$0x8210] =	vst.add.f32.msk $0xffff, v5  }
0x184: {  	[tilespmem:s19+$0xA210] =	vst.add.f32.msk $0xffff, v5  }
0x185: {  	[tilespmem:s19+$0xC210] =	vst.add.f32.msk $0xffff, v5  }
0x186: {  	[tilespmem:s19+$0xE210] =	vst.add.f32.msk $0xffff, v5  }
0x187: {  	[tilespmem:s19+$0x8220] =	vst.add.f32.msk $0xffff, v6  }
0x188: {  	[tilespmem:s19+$0xA220] =	vst.add.f32.msk $0xffff, v6  }
0x189: {  	[tilespmem:s19+$0xC220] =	vst.add.f32.msk $0xffff, v6  }
0x18a: {  	[tilespmem:s19+$0xE220] =	vst.add.f32.msk $0xffff, v6  }
0x18b: {  	[tilespmem:s19+$0x8230] =	vst.add.f32.msk $0xffff, v7  }
0x18c: {  	[tilespmem:s19+$0xA230] =	vst.add.f32.msk $0xffff, v7  }
0x18d: {  	[tilespmem:s19+$0xC230] =	vst.add.f32.msk $0xffff, v7  }
0x18e: {  	[tilespmem:s19+$0xE230] =	vst.add.f32.msk $0xffff, v7  }
0x18f: {  	[tilespmem:s19+$0x8240] =	vst.add.f32.msk $0xffff, v8  }
0x190: {  	[tilespmem:s19+$0xA240] =	vst.add.f32.msk $0xffff, v8  }
0x191: {  	[tilespmem:s19+$0xC240] =	vst.add.f32.msk $0xffff, v8  }
0x192: {  	[tilespmem:s19+$0xE240] =	vst.add.f32.msk $0xffff, v8  }
0x193: {  	[tilespmem:s19+$0x8250] =	vst.add.f32.msk $0xffff, v9  }
0x194: {  	[tilespmem:s19+$0xA250] =	vst.add.f32.msk $0xffff, v9  }
0x195: {  	[tilespmem:s19+$0xC250] =	vst.add.f32.msk $0xffff, v9  }
0x196: {  	[tilespmem:s19+$0xE250] =	vst.add.f32.msk $0xffff, v9  }
0x197: {  	[tilespmem:s19+$0x8260] =	vst.add.f32.msk $0xffff, v10  }
.Ltmp2:
0x198: {  	[tilespmem:s19+$0xA260] =	vst.add.f32.msk $0xffff, v10;
	(pc) =	sbr.rel @p0 .LBB2_7-.Ltmp2, $4  }
0x199: {  	[tilespmem:s19+$0xC260] =	vst.add.f32.msk $0xffff, v10  }
0x19a: {  	[tilespmem:s19+$0xE260] =	vst.add.f32.msk $0xffff, v10  }
0x19b: {  	[tilespmem:s19+$0x8270] =	vst.add.f32.msk $0xffff, v3  }
0x19c: {  	s21 =	sadd.s32 $0x1000, s21;
	[tilespmem:s19+$0xA270] =	vst.add.f32.msk $0xffff, v3  }
0x19d: {  	s18 =	sadd.s32 $0x1, s18  }
0x19e: {  	p0 =	sne.s32 s18, $0x8  }
.Ltmp3:
0x19f: {  	_ = 	snop;
	(pc) =	sbr.rel @p0 .LBB2_6-.Ltmp3, $2  }
0x1a0: {  	_ =	sdelay $0x2  }
0x1a1: {  	[tilespmem:s19+$0xC270] =	vst.add.f32.msk $0xffff, v3;
	s17 =	sadd.s32 $0x200, s17  }
0x1a2: {  	s17 =	rddreg [dreg:$0x8]  }
0x1a3: {  	[hbm4b:s17+s4] =	stream.strided.scatter [tilespmem:s31], [sflag:$0x8], $0x8000, s5, s4, $0x38;
	[tilespmem:$0x1E200] =	vst v63  }
0x1a4: {  	_ =	swait.ge [sflag:s12], $0x8000  }
0x1a5: {  	[sflag:s12] =	ssyncset.done $0x0  }
0x1a6: {  	[sflag:s12] =	ssyncadd.s32 $0xFFFF8000  }
0x1a7: {  	_ =	swait.ge [sflag:s13], $0x2000  }
0x1a8: {  	[sflag:s13] =	ssyncset.done $0x0  }
0x1a9: {  	[sflag:s13] =	ssyncadd.s32 $0xFFFFE000  }
0x1aa: {  	_ =	swait.ge [sflag:s14], $0x8000  }
0x1ab: {  	[sflag:s14] =	ssyncset.done $0x0  }
0x1ac: {  	[sflag:s14] =	ssyncadd.s32 $0xFFFF8000  }
0x1ad: {  	v3 =	vld [tilespmem:$0x80];
	_ =	sdelay $0x4  }
0x1ae: {  	v4 =	vshll.u32 v3, $0x3  }
0x1af: {  	v3 =	vand.u32 $0x7, v3;
	v4 =	vand.u32 $0xFFFFFFC0, v4  }
0x1b0: {  	v3 =	vor.u32 v3, v4  }
0x1b1: {  	v4 =	vperm.xlane v3, v0;
	_ =	sdelay $0x1  }
0x1b2: {  	v4 =	vadd.s32 v1, v4;
	_ =	sdelay $0x3  }
0x1b3: {  	s17 =	simm.s32 $0x0  }
0x1b4: {  	[tilespmem:s31], [sflag:$0x2] =	stream.indirect_vreg.gather [hbm4b:s30+s17], $0x80, v4, vm0, $0xb8;
	[tilespmem:$0x1E200] =	vst v63  }
0x1b5: {  	s18 =	simm.s32 $0x8A00;
	v3 =	vperm.xlane v3, v2  }
0x1b6: {  	[tilespmem:s18], [sflag:$0x2] =	stream.indirect_vreg.gather [hbm4b:s7+s17], $0x80, v4, vm0, $0xb8;
	[tilespmem:$0x1E200] =	vst v63  }
0x1b7: {  	s19 =	simm.s32 $0x9200;
	v3 =	vadd.s32 v1, v3  }
0x1b8: {  	[tilespmem:s19], [sflag:$0x2] =	stream.indirect_vreg.gather [hbm4b:s8+s17], $0x80, v4, vm0, $0xb8;
	[tilespmem:$0x1E200] =	vst v63  }
0x1b9: {  	s20 =	simm.s32 $0x9A00  }
0x1ba: {  	[tilespmem:s20], [sflag:$0x2] =	stream.indirect_vreg.gather [hbm4b:s9+s17], $0x80, v4, vm0, $0xb8;
	[tilespmem:$0x1E200] =	vst v63  }
0x1bb: {  	s21 =	simm.s32 $0xA200  }
0x1bc: {  	[tilespmem:s21], [sflag:$0x2] =	stream.indirect_vreg.gather [hbm4b:s30+s17], $0x80, v3, vm0, $0xb8;
	[tilespmem:$0x1E200] =	vst v63  }
0x1bd: {  	s19 =	simm.s32 $0xAA00  }
0x1be: {  	[tilespmem:s19], [sflag:$0x2] =	stream.indirect_vreg.gather [hbm4b:s7+s17], $0x80, v3, vm0, $0xb8;
	[tilespmem:$0x1E200] =	vst v63  }
0x1bf: {  	s20 =	simm.s32 $0xB200  }
0x1c0: {  	[tilespmem:s20], [sflag:$0x2] =	stream.indirect_vreg.gather [hbm4b:s8+s17], $0x80, v3, vm0, $0xb8;
	[tilespmem:$0x1E200] =	vst v63  }
0x1c1: {  	s21 =	simm.s32 $0xBA00  }
0x1c2: {  	[tilespmem:s21], [sflag:$0x2] =	stream.indirect_vreg.gather [hbm4b:s9+s17], $0x80, v3, vm0, $0xb8;
	[tilespmem:$0x1E200] =	vst v63  }
0x1c3: {  	v3 =	vld [tilespmem:$0x90];
	_ =	sdelay $0x4  }
0x1c4: {  	v63 =	vshll.u32 v3, $0x3  }
0x1c5: {  	v3 =	vand.u32 $0x7, v3;
	v4 =	vand.u32 $0xFFFFFFC0, v63  }
0x1c6: {  	v3 =	vor.u32 v3, v4  }
0x1c7: {  	v4 =	vperm.xlane v3, v0;
	_ =	sdelay $0x1  }
0x1c8: {  	v4 =	vadd.s32 v1, v4;
	_ =	sdelay $0x3  }
0x1c9: {  	s19 =	simm.s32 $0xC200  }
0x1ca: {  	[tilespmem:s19], [sflag:$0x2] =	stream.indirect_vreg.gather [hbm4b:s30+s17], $0x80, v4, vm0, $0xb8;
	[tilespmem:$0x1E200] =	vst v63  }
0x1cb: {  	s20 =	simm.s32 $0xCA00;
	v3 =	vperm.xlane v3, v2  }
0x1cc: {  	[tilespmem:s20], [sflag:$0x2] =	stream.indirect_vreg.gather [hbm4b:s7+s17], $0x80, v4, vm0, $0xb8;
	[tilespmem:$0x1E200] =	vst v63  }
0x1cd: {  	s21 =	simm.s32 $0xD200;
	v3 =	vadd.s32 v1, v3  }
0x1ce: {  	[tilespmem:s21], [sflag:$0x2] =	stream.indirect_vreg.gather [hbm4b:s8+s17], $0x80, v4, vm0, $0xb8;
	[tilespmem:$0x1E200] =	vst v63  }
0x1cf: {  	s19 =	simm.s32 $0xDA00  }
0x1d0: {  	[tilespmem:s19], [sflag:$0x2] =	stream.indirect_vreg.gather [hbm4b:s9+s17], $0x80, v4, vm0, $0xb8;
	[tilespmem:$0x1E200] =	vst v63  }
0x1d1: {  	s20 =	simm.s32 $0xE200  }
0x1d2: {  	[tilespmem:s20], [sflag:$0x2] =	stream.indirect_vreg.gather [hbm4b:s30+s17], $0x80, v3, vm0, $0xb8;
	[tilespmem:$0x1E200] =	vst v63  }
0x1d3: {  	s21 =	simm.s32 $0xEA00  }
0x1d4: {  	[tilespmem:s21], [sflag:$0x2] =	stream.indirect_vreg.gather [hbm4b:s7+s17], $0x80, v3, vm0, $0xb8;
	[tilespmem:$0x1E200] =	vst v63  }
0x1d5: {  	s19 =	simm.s32 $0xF200  }
0x1d6: {  	[tilespmem:s19], [sflag:$0x2] =	stream.indirect_vreg.gather [hbm4b:s8+s17], $0x80, v3, vm0, $0xb8;
	[tilespmem:$0x1E200] =	vst v63  }
0x1d7: {  	s20 =	simm.s32 $0xFA00  }
0x1d8: {  	[tilespmem:s20], [sflag:$0x2] =	stream.indirect_vreg.gather [hbm4b:s9+s17], $0x80, v3, vm0, $0xb8;
	[tilespmem:$0x1E200] =	vst v63  }
0x1d9: {  	s18 =	simm.s32 $0x0;
	s21 =	rddreg [dreg:$0x9];
	s19 =	simm.s32 $0x1A200  }
0x1da: {  	[tilespmem:s19], [sflag:$0x5] =	stream.linear.gather [hbm4b:s21+s17], $0x2000, $0x38;
	[tilespmem:$0x1E200] =	vst v63  }
.LBB2_10:
0x1db: {  	s19 =	sshra.s32 s17, $0x2  }
0x1dc: {  	v3 =	vld [tilespmem:s19+$0x1C270]  }
0x1dd: {  	v4 =	vld [tilespmem:s19+$0x1C200]  }
0x1de: {  	v5 =	vld [tilespmem:s19+$0x1C210]  }
0x1df: {  	v6 =	vld [tilespmem:s19+$0x1C220]  }
0x1e0: {  	v7 =	vld [tilespmem:s19+$0x1C230]  }
0x1e1: {  	v8 =	vld [tilespmem:s19+$0x1C240]  }
0x1e2: {  	v9 =	vld [tilespmem:s19+$0x1C250]  }
0x1e3: {  	v10 =	vld [tilespmem:s19+$0x1C260]  }
0x1e4: {  	[tilespmem:s19+$0x16270] =	vst.add.f32.msk $0xffff, v3  }
0x1e5: {  	[tilespmem:s19+$0x10200] =	vst.add.f32.msk $0xffff, v4  }
0x1e6: {  	[tilespmem:s19+$0x12200] =	vst.add.f32.msk $0xffff, v4  }
0x1e7: {  	[tilespmem:s19+$0x14200] =	vst.add.f32.msk $0xffff, v4  }
0x1e8: {  	[tilespmem:s19+$0x16200] =	vst.add.f32.msk $0xffff, v4  }
0x1e9: {  	[tilespmem:s19+$0x10210] =	vst.add.f32.msk $0xffff, v5  }
0x1ea: {  	[tilespmem:s19+$0x12210] =	vst.add.f32.msk $0xffff, v5  }
0x1eb: {  	[tilespmem:s19+$0x14210] =	vst.add.f32.msk $0xffff, v5  }
0x1ec: {  	[tilespmem:s19+$0x16210] =	vst.add.f32.msk $0xffff, v5  }
0x1ed: {  	[tilespmem:s19+$0x10220] =	vst.add.f32.msk $0xffff, v6  }
0x1ee: {  	[tilespmem:s19+$0x12220] =	vst.add.f32.msk $0xffff, v6  }
0x1ef: {  	[tilespmem:s19+$0x14220] =	vst.add.f32.msk $0xffff, v6  }
0x1f0: {  	[tilespmem:s19+$0x16220] =	vst.add.f32.msk $0xffff, v6  }
0x1f1: {  	[tilespmem:s19+$0x10230] =	vst.add.f32.msk $0xffff, v7  }
0x1f2: {  	[tilespmem:s19+$0x12230] =	vst.add.f32.msk $0xffff, v7  }
0x1f3: {  	[tilespmem:s19+$0x14230] =	vst.add.f32.msk $0xffff, v7  }
0x1f4: {  	[tilespmem:s19+$0x16230] =	vst.add.f32.msk $0xffff, v7  }
0x1f5: {  	[tilespmem:s19+$0x10240] =	vst.add.f32.msk $0xffff, v8  }
0x1f6: {  	[tilespmem:s19+$0x12240] =	vst.add.f32.msk $0xffff, v8  }
0x1f7: {  	[tilespmem:s19+$0x14240] =	vst.add.f32.msk $0xffff, v8  }
0x1f8: {  	[tilespmem:s19+$0x16240] =	vst.add.f32.msk $0xffff, v8  }
0x1f9: {  	[tilespmem:s19+$0x10250] =	vst.add.f32.msk $0xffff, v9  }
0x1fa: {  	[tilespmem:s19+$0x12250] =	vst.add.f32.msk $0xffff, v9  }
0x1fb: {  	[tilespmem:s19+$0x14250] =	vst.add.f32.msk $0xffff, v9  }
0x1fc: {  	[tilespmem:s19+$0x16250] =	vst.add.f32.msk $0xffff, v9  }
0x1fd: {  	[tilespmem:s19+$0x10260] =	vst.add.f32.msk $0xffff, v10  }
0x1fe: {  	[tilespmem:s19+$0x12260] =	vst.add.f32.msk $0xffff, v10  }
0x1ff: {  	[tilespmem:s19+$0x14260] =	vst.add.f32.msk $0xffff, v10  }
0x200: {  	[tilespmem:s19+$0x16260] =	vst.add.f32.msk $0xffff, v10  }
0x201: {  	[tilespmem:s19+$0x10270] =	vst.add.f32.msk $0xffff, v3  }
0x202: {  	s20 =	simm.s32 $0x0;
	s21 =	sadd.s32 $0x1000, s17;
	[tilespmem:s19+$0x12270] =	vst.add.f32.msk $0xffff, v3  }
.LBB2_11:
0x203: {  	s20 =	sadd.s32 $0x8, s20;
	[tilespmem:s19+$0x14270] =	vst.add.f32.msk $0xffff, v3;
	s19 =	sshra.s32 s21, $0x2  }
0x204: {  	v3 =	vld [tilespmem:s19+$0x1C270];
	p0 =	slt.u32 s20, $0x38  }
0x205: {  	v4 =	vld [tilespmem:s19+$0x1C200]  }
0x206: {  	v5 =	vld [tilespmem:s19+$0x1C210]  }
0x207: {  	v6 =	vld [tilespmem:s19+$0x1C220]  }
0x208: {  	v7 =	vld [tilespmem:s19+$0x1C230]  }
0x209: {  	[tilespmem:s19+$0x16270] =	vst.add.f32.msk $0xffff, v3  }
0x20a: {  	v8 =	vld [tilespmem:s19+$0x1C240]  }
0x20b: {  	v9 =	vld [tilespmem:s19+$0x1C250]  }
0x20c: {  	v10 =	vld [tilespmem:s19+$0x1C260]  }
0x20d: {  	[tilespmem:s19+$0x10200] =	vst.add.f32.msk $0xffff, v4  }
0x20e: {  	[tilespmem:s19+$0x12200] =	vst.add.f32.msk $0xffff, v4  }
0x20f: {  	[tilespmem:s19+$0x14200] =	vst.add.f32.msk $0xffff, v4  }
0x210: {  	[tilespmem:s19+$0x16200] =	vst.add.f32.msk $0xffff, v4  }
0x211: {  	[tilespmem:s19+$0x10210] =	vst.add.f32.msk $0xffff, v5  }
0x212: {  	[tilespmem:s19+$0x12210] =	vst.add.f32.msk $0xffff, v5  }
0x213: {  	[tilespmem:s19+$0x14210] =	vst.add.f32.msk $0xffff, v5  }
0x214: {  	[tilespmem:s19+$0x16210] =	vst.add.f32.msk $0xffff, v5  }
0x215: {  	[tilespmem:s19+$0x10220] =	vst.add.f32.msk $0xffff, v6  }
0x216: {  	[tilespmem:s19+$0x12220] =	vst.add.f32.msk $0xffff, v6  }
0x217: {  	[tilespmem:s19+$0x14220] =	vst.add.f32.msk $0xffff, v6  }
0x218: {  	[tilespmem:s19+$0x16220] =	vst.add.f32.msk $0xffff, v6  }
0x219: {  	[tilespmem:s19+$0x10230] =	vst.add.f32.msk $0xffff, v7  }
0x21a: {  	[tilespmem:s19+$0x12230] =	vst.add.f32.msk $0xffff, v7  }
0x21b: {  	[tilespmem:s19+$0x14230] =	vst.add.f32.msk $0xffff, v7  }
0x21c: {  	[tilespmem:s19+$0x16230] =	vst.add.f32.msk $0xffff, v7  }
0x21d: {  	[tilespmem:s19+$0x10240] =	vst.add.f32.msk $0xffff, v8  }
0x21e: {  	[tilespmem:s19+$0x12240] =	vst.add.f32.msk $0xffff, v8  }
0x21f: {  	[tilespmem:s19+$0x14240] =	vst.add.f32.msk $0xffff, v8  }
0x220: {  	[tilespmem:s19+$0x16240] =	vst.add.f32.msk $0xffff, v8  }
0x221: {  	[tilespmem:s19+$0x10250] =	vst.add.f32.msk $0xffff, v9  }
0x222: {  	[tilespmem:s19+$0x12250] =	vst.add.f32.msk $0xffff, v9  }
0x223: {  	[tilespmem:s19+$0x14250] =	vst.add.f32.msk $0xffff, v9  }
0x224: {  	[tilespmem:s19+$0x16250] =	vst.add.f32.msk $0xffff, v9  }
0x225: {  	[tilespmem:s19+$0x10260] =	vst.add.f32.msk $0xffff, v10  }
.Ltmp4:
0x226: {  	[tilespmem:s19+$0x12260] =	vst.add.f32.msk $0xffff, v10;
	(pc) =	sbr.rel @p0 .LBB2_11-.Ltmp4, $4  }
0x227: {  	[tilespmem:s19+$0x14260] =	vst.add.f32.msk $0xffff, v10  }
0x228: {  	[tilespmem:s19+$0x16260] =	vst.add.f32.msk $0xffff, v10  }
0x229: {  	[tilespmem:s19+$0x10270] =	vst.add.f32.msk $0xffff, v3  }
0x22a: {  	s21 =	sadd.s32 $0x1000, s21;
	[tilespmem:s19+$0x12270] =	vst.add.f32.msk $0xffff, v3  }
0x22b: {  	s18 =	sadd.s32 $0x1, s18  }
0x22c: {  	p0 =	sne.s32 s18, $0x8  }
.Ltmp5:
0x22d: {  	_ = 	snop;
	(pc) =	sbr.rel @p0 .LBB2_10-.Ltmp5, $2  }
0x22e: {  	_ =	sdelay $0x2  }
0x22f: {  	[tilespmem:s19+$0x14270] =	vst.add.f32.msk $0xffff, v3;
	s17 =	sadd.s32 $0x200, s17  }
0x230: {  	s17 =	rddreg [dreg:$0xa]  }
0x231: {  	[hbm4b:s17+s4] =	stream.strided.scatter [tilespmem:s2], [sflag:$0x9], $0x8000, s5, s4, $0x38;
	[tilespmem:$0x1E200] =	vst v63  }
0x232: {  	_ =	swait.ge [sflag:s29], $0x8000  }
0x233: {  	[sflag:s29] =	ssyncset.done $0x0  }
0x234: {  	[sflag:s29] =	ssyncadd.s32 $0xFFFF8000  }
0x235: {  	_ =	swait.ge [sflag:s0], $0x2000  }
0x236: {  	[sflag:s0] =	ssyncset.done $0x0  }
0x237: {  	[sflag:s0] =	ssyncadd.s32 $0xFFFFE000  }
0x238: {  	_ =	swait.ge [sflag:s15], $0x8000  }
0x239: {  	[sflag:s15] =	ssyncset.done $0x0  }
0x23a: {  	[sflag:s15] =	ssyncadd.s32 $0xFFFF8000  }
0x23b: {  	v3 =	vld [tilespmem:$0xA0];
	_ =	sdelay $0x4  }
0x23c: {  	v4 =	vshll.u32 v3, $0x3  }
0x23d: {  	v3 =	vand.u32 $0x7, v3;
	v4 =	vand.u32 $0xFFFFFFC0, v4  }
0x23e: {  	v3 =	vor.u32 v3, v4  }
0x23f: {  	v4 =	vperm.xlane v3, v0;
	_ =	sdelay $0x1  }
0x240: {  	v4 =	vadd.s32 v1, v4;
	_ =	sdelay $0x3  }
0x241: {  	s17 =	simm.s32 $0x0  }
0x242: {  	[tilespmem:s2], [sflag:$0x3] =	stream.indirect_vreg.gather [hbm4b:s30+s17], $0x80, v4, vm0, $0xb8;
	[tilespmem:$0x1E200] =	vst v63  }
0x243: {  	s18 =	simm.s32 $0x10A00;
	v3 =	vperm.xlane v3, v2  }
0x244: {  	[tilespmem:s18], [sflag:$0x3] =	stream.indirect_vreg.gather [hbm4b:s7+s17], $0x80, v4, vm0, $0xb8;
	[tilespmem:$0x1E200] =	vst v63  }
0x245: {  	s19 =	simm.s32 $0x11200;
	v3 =	vadd.s32 v1, v3  }
0x246: {  	[tilespmem:s19], [sflag:$0x3] =	stream.indirect_vreg.gather [hbm4b:s8+s17], $0x80, v4, vm0, $0xb8;
	[tilespmem:$0x1E200] =	vst v63  }
0x247: {  	s20 =	simm.s32 $0x11A00  }
0x248: {  	[tilespmem:s20], [sflag:$0x3] =	stream.indirect_vreg.gather [hbm4b:s9+s17], $0x80, v4, vm0, $0xb8;
	[tilespmem:$0x1E200] =	vst v63  }
0x249: {  	s21 =	simm.s32 $0x12200  }
0x24a: {  	[tilespmem:s21], [sflag:$0x3] =	stream.indirect_vreg.gather [hbm4b:s30+s17], $0x80, v3, vm0, $0xb8;
	[tilespmem:$0x1E200] =	vst v63  }
0x24b: {  	s19 =	simm.s32 $0x12A00  }
0x24c: {  	[tilespmem:s19], [sflag:$0x3] =	stream.indirect_vreg.gather [hbm4b:s7+s17], $0x80, v3, vm0, $0xb8;
	[tilespmem:$0x1E200] =	vst v63  }
0x24d: {  	s20 =	simm.s32 $0x13200  }
0x24e: {  	[tilespmem:s20], [sflag:$0x3] =	stream.indirect_vreg.gather [hbm4b:s8+s17], $0x80, v3, vm0, $0xb8;
	[tilespmem:$0x1E200] =	vst v63  }
0x24f: {  	s21 =	simm.s32 $0x13A00  }
0x250: {  	[tilespmem:s21], [sflag:$0x3] =	stream.indirect_vreg.gather [hbm4b:s9+s17], $0x80, v3, vm0, $0xb8;
	[tilespmem:$0x1E200] =	vst v63  }
0x251: {  	v3 =	vld [tilespmem:$0xB0];
	_ =	sdelay $0x4  }
0x252: {  	v63 =	vshll.u32 v3, $0x3  }
0x253: {  	v3 =	vand.u32 $0x7, v3;
	v4 =	vand.u32 $0xFFFFFFC0, v63  }
0x254: {  	v3 =	vor.u32 v3, v4  }
0x255: {  	v4 =	vperm.xlane v3, v0;
	_ =	sdelay $0x1  }
0x256: {  	v4 =	vadd.s32 v1, v4;
	_ =	sdelay $0x3  }
0x257: {  	s19 =	simm.s32 $0x14200  }
0x258: {  	[tilespmem:s19], [sflag:$0x3] =	stream.indirect_vreg.gather [hbm4b:s30+s17], $0x80, v4, vm0, $0xb8;
	[tilespmem:$0x1E200] =	vst v63  }
0x259: {  	s20 =	simm.s32 $0x14A00;
	v3 =	vperm.xlane v3, v2  }
0x25a: {  	[tilespmem:s20], [sflag:$0x3] =	stream.indirect_vreg.gather [hbm4b:s7+s17], $0x80, v4, vm0, $0xb8;
	[tilespmem:$0x1E200] =	vst v63  }
0x25b: {  	s21 =	simm.s32 $0x15200;
	v3 =	vadd.s32 v1, v3  }
0x25c: {  	[tilespmem:s21], [sflag:$0x3] =	stream.indirect_vreg.gather [hbm4b:s8+s17], $0x80, v4, vm0, $0xb8;
	[tilespmem:$0x1E200] =	vst v63  }
0x25d: {  	s19 =	simm.s32 $0x15A00  }
0x25e: {  	[tilespmem:s19], [sflag:$0x3] =	stream.indirect_vreg.gather [hbm4b:s9+s17], $0x80, v4, vm0, $0xb8;
	[tilespmem:$0x1E200] =	vst v63  }
0x25f: {  	s20 =	simm.s32 $0x16200  }
0x260: {  	[tilespmem:s20], [sflag:$0x3] =	stream.indirect_vreg.gather [hbm4b:s30+s17], $0x80, v3, vm0, $0xb8;
	[tilespmem:$0x1E200] =	vst v63  }
0x261: {  	s21 =	simm.s32 $0x16A00  }
0x262: {  	[tilespmem:s21], [sflag:$0x3] =	stream.indirect_vreg.gather [hbm4b:s7+s17], $0x80, v3, vm0, $0xb8;
	[tilespmem:$0x1E200] =	vst v63  }
0x263: {  	s19 =	simm.s32 $0x17200  }
0x264: {  	[tilespmem:s19], [sflag:$0x3] =	stream.indirect_vreg.gather [hbm4b:s8+s17], $0x80, v3, vm0, $0xb8;
	[tilespmem:$0x1E200] =	vst v63  }
0x265: {  	s20 =	simm.s32 $0x17A00  }
0x266: {  	[tilespmem:s20], [sflag:$0x3] =	stream.indirect_vreg.gather [hbm4b:s9+s17], $0x80, v3, vm0, $0xb8;
	[tilespmem:$0x1E200] =	vst v63  }
0x267: {  	s18 =	simm.s32 $0x0;
	s21 =	rddreg [dreg:$0xb];
	s19 =	simm.s32 $0x1C200  }
0x268: {  	[tilespmem:s19], [sflag:$0x6] =	stream.linear.gather [hbm4b:s21+s17], $0x2000, $0x38;
	[tilespmem:$0x1E200] =	vst v63  }
.LBB2_14:
0x269: {  	s19 =	sshra.s32 s17, $0x2  }
0x26a: {  	v3 =	vld [tilespmem:s19+$0x18270]  }
0x26b: {  	v4 =	vld [tilespmem:s19+$0x18200]  }
0x26c: {  	v5 =	vld [tilespmem:s19+$0x18210]  }
0x26d: {  	v6 =	vld [tilespmem:s19+$0x18220]  }
0x26e: {  	v7 =	vld [tilespmem:s19+$0x18230]  }
0x26f: {  	v8 =	vld [tilespmem:s19+$0x18240]  }
0x270: {  	v9 =	vld [tilespmem:s19+$0x18250]  }
0x271: {  	v10 =	vld [tilespmem:s19+$0x18260]  }
0x272: {  	[tilespmem:s19+$0x6270] =	vst.add.f32.msk $0xffff, v3  }
0x273: {  	[tilespmem:s19+$0x200] =	vst.add.f32.msk $0xffff, v4  }
0x274: {  	[tilespmem:s19+$0x2200] =	vst.add.f32.msk $0xffff, v4  }
0x275: {  	[tilespmem:s19+$0x4200] =	vst.add.f32.msk $0xffff, v4  }
0x276: {  	[tilespmem:s19+$0x6200] =	vst.add.f32.msk $0xffff, v4  }
0x277: {  	[tilespmem:s19+$0x210] =	vst.add.f32.msk $0xffff, v5  }
0x278: {  	[tilespmem:s19+$0x2210] =	vst.add.f32.msk $0xffff, v5  }
0x279: {  	[tilespmem:s19+$0x4210] =	vst.add.f32.msk $0xffff, v5  }
0x27a: {  	[tilespmem:s19+$0x6210] =	vst.add.f32.msk $0xffff, v5  }
0x27b: {  	[tilespmem:s19+$0x220] =	vst.add.f32.msk $0xffff, v6  }
0x27c: {  	[tilespmem:s19+$0x2220] =	vst.add.f32.msk $0xffff, v6  }
0x27d: {  	[tilespmem:s19+$0x4220] =	vst.add.f32.msk $0xffff, v6  }
0x27e: {  	[tilespmem:s19+$0x6220] =	vst.add.f32.msk $0xffff, v6  }
0x27f: {  	[tilespmem:s19+$0x230] =	vst.add.f32.msk $0xffff, v7  }
0x280: {  	[tilespmem:s19+$0x2230] =	vst.add.f32.msk $0xffff, v7  }
0x281: {  	[tilespmem:s19+$0x4230] =	vst.add.f32.msk $0xffff, v7  }
0x282: {  	[tilespmem:s19+$0x6230] =	vst.add.f32.msk $0xffff, v7  }
0x283: {  	[tilespmem:s19+$0x240] =	vst.add.f32.msk $0xffff, v8  }
0x284: {  	[tilespmem:s19+$0x2240] =	vst.add.f32.msk $0xffff, v8  }
0x285: {  	[tilespmem:s19+$0x4240] =	vst.add.f32.msk $0xffff, v8  }
0x286: {  	[tilespmem:s19+$0x6240] =	vst.add.f32.msk $0xffff, v8  }
0x287: {  	[tilespmem:s19+$0x250] =	vst.add.f32.msk $0xffff, v9  }
0x288: {  	[tilespmem:s19+$0x2250] =	vst.add.f32.msk $0xffff, v9  }
0x289: {  	[tilespmem:s19+$0x4250] =	vst.add.f32.msk $0xffff, v9  }
0x28a: {  	[tilespmem:s19+$0x6250] =	vst.add.f32.msk $0xffff, v9  }
0x28b: {  	[tilespmem:s19+$0x260] =	vst.add.f32.msk $0xffff, v10  }
0x28c: {  	[tilespmem:s19+$0x2260] =	vst.add.f32.msk $0xffff, v10  }
0x28d: {  	[tilespmem:s19+$0x4260] =	vst.add.f32.msk $0xffff, v10  }
0x28e: {  	[tilespmem:s19+$0x6260] =	vst.add.f32.msk $0xffff, v10  }
0x28f: {  	[tilespmem:s19+$0x270] =	vst.add.f32.msk $0xffff, v3  }
0x290: {  	s20 =	simm.s32 $0x0;
	s21 =	sadd.s32 $0x1000, s17;
	[tilespmem:s19+$0x2270] =	vst.add.f32.msk $0xffff, v3  }
.LBB2_15:
0x291: {  	s20 =	sadd.s32 $0x8, s20;
	[tilespmem:s19+$0x4270] =	vst.add.f32.msk $0xffff, v3;
	s19 =	sshra.s32 s21, $0x2  }
0x292: {  	v3 =	vld [tilespmem:s19+$0x18270];
	p0 =	slt.u32 s20, $0x38  }
0x293: {  	v4 =	vld [tilespmem:s19+$0x18200]  }
0x294: {  	v5 =	vld [tilespmem:s19+$0x18210]  }
0x295: {  	v6 =	vld [tilespmem:s19+$0x18220]  }
0x296: {  	v7 =	vld [tilespmem:s19+$0x18230]  }
0x297: {  	[tilespmem:s19+$0x6270] =	vst.add.f32.msk $0xffff, v3  }
0x298: {  	v8 =	vld [tilespmem:s19+$0x18240]  }
0x299: {  	v9 =	vld [tilespmem:s19+$0x18250]  }
0x29a: {  	v10 =	vld [tilespmem:s19+$0x18260]  }
0x29b: {  	[tilespmem:s19+$0x200] =	vst.add.f32.msk $0xffff, v4  }
0x29c: {  	[tilespmem:s19+$0x2200] =	vst.add.f32.msk $0xffff, v4  }
0x29d: {  	[tilespmem:s19+$0x4200] =	vst.add.f32.msk $0xffff, v4  }
0x29e: {  	[tilespmem:s19+$0x6200] =	vst.add.f32.msk $0xffff, v4  }
0x29f: {  	[tilespmem:s19+$0x210] =	vst.add.f32.msk $0xffff, v5  }
0x2a0: {  	[tilespmem:s19+$0x2210] =	vst.add.f32.msk $0xffff, v5  }
0x2a1: {  	[tilespmem:s19+$0x4210] =	vst.add.f32.msk $0xffff, v5  }
0x2a2: {  	[tilespmem:s19+$0x6210] =	vst.add.f32.msk $0xffff, v5  }
0x2a3: {  	[tilespmem:s19+$0x220] =	vst.add.f32.msk $0xffff, v6  }
0x2a4: {  	[tilespmem:s19+$0x2220] =	vst.add.f32.msk $0xffff, v6  }
0x2a5: {  	[tilespmem:s19+$0x4220] =	vst.add.f32.msk $0xffff, v6  }
0x2a6: {  	[tilespmem:s19+$0x6220] =	vst.add.f32.msk $0xffff, v6  }
0x2a7: {  	[tilespmem:s19+$0x230] =	vst.add.f32.msk $0xffff, v7  }
0x2a8: {  	[tilespmem:s19+$0x2230] =	vst.add.f32.msk $0xffff, v7  }
0x2a9: {  	[tilespmem:s19+$0x4230] =	vst.add.f32.msk $0xffff, v7  }
0x2aa: {  	[tilespmem:s19+$0x6230] =	vst.add.f32.msk $0xffff, v7  }
0x2ab: {  	[tilespmem:s19+$0x240] =	vst.add.f32.msk $0xffff, v8  }
0x2ac: {  	[tilespmem:s19+$0x2240] =	vst.add.f32.msk $0xffff, v8  }
0x2ad: {  	[tilespmem:s19+$0x4240] =	vst.add.f32.msk $0xffff, v8  }
0x2ae: {  	[tilespmem:s19+$0x6240] =	vst.add.f32.msk $0xffff, v8  }
0x2af: {  	[tilespmem:s19+$0x250] =	vst.add.f32.msk $0xffff, v9  }
0x2b0: {  	[tilespmem:s19+$0x2250] =	vst.add.f32.msk $0xffff, v9  }
0x2b1: {  	[tilespmem:s19+$0x4250] =	vst.add.f32.msk $0xffff, v9  }
0x2b2: {  	[tilespmem:s19+$0x6250] =	vst.add.f32.msk $0xffff, v9  }
0x2b3: {  	[tilespmem:s19+$0x260] =	vst.add.f32.msk $0xffff, v10  }
.Ltmp6:
0x2b4: {  	[tilespmem:s19+$0x2260] =	vst.add.f32.msk $0xffff, v10;
	(pc) =	sbr.rel @p0 .LBB2_15-.Ltmp6, $4  }
0x2b5: {  	[tilespmem:s19+$0x4260] =	vst.add.f32.msk $0xffff, v10  }
0x2b6: {  	[tilespmem:s19+$0x6260] =	vst.add.f32.msk $0xffff, v10  }
0x2b7: {  	[tilespmem:s19+$0x270] =	vst.add.f32.msk $0xffff, v3  }
0x2b8: {  	s21 =	sadd.s32 $0x1000, s21;
	[tilespmem:s19+$0x2270] =	vst.add.f32.msk $0xffff, v3  }
0x2b9: {  	s18 =	sadd.s32 $0x1, s18  }
0x2ba: {  	p0 =	sne.s32 s18, $0x8  }
.Ltmp7:
0x2bb: {  	_ = 	snop;
	(pc) =	sbr.rel @p0 .LBB2_14-.Ltmp7, $2  }
0x2bc: {  	_ =	sdelay $0x2  }
0x2bd: {  	[tilespmem:s19+$0x4270] =	vst.add.f32.msk $0xffff, v3;
	s17 =	sadd.s32 $0x200, s17  }
0x2be: {  	s17 =	rddreg [dreg:$0xc]  }
0x2bf: {  	[hbm4b:s17+s4] =	stream.strided.scatter [tilespmem:s11], [sflag:$0x7], $0x8000, s5, s4, $0x38;
	[tilespmem:$0x1E200] =	vst v63  }
0x2c0: {  	_ =	swait.ge [sflag:s6], $0x8000  }
0x2c1: {  	[sflag:s6] =	ssyncset.done $0x0  }
0x2c2: {  	[sflag:s6] =	ssyncadd.s32 $0xFFFF8000  }
0x2c3: {  	_ =	swait.ge [sflag:s10], $0x2000  }
0x2c4: {  	[sflag:s10] =	ssyncset.done $0x0  }
0x2c5: {  	[sflag:s10] =	ssyncadd.s32 $0xFFFFE000  }
0x2c6: {  	_ =	swait.ge [sflag:s3], $0x8000  }
0x2c7: {  	[sflag:s3] =	ssyncset.done $0x0  }
0x2c8: {  	[sflag:s3] =	ssyncadd.s32 $0xFFFF8000  }
0x2c9: {  	v3 =	vld [tilespmem:$0xC0];
	_ =	sdelay $0x4  }
0x2ca: {  	v4 =	vshll.u32 v3, $0x3  }
0x2cb: {  	v3 =	vand.u32 $0x7, v3;
	v4 =	vand.u32 $0xFFFFFFC0, v4  }
0x2cc: {  	v3 =	vor.u32 v3, v4  }
0x2cd: {  	v4 =	vperm.xlane v3, v0;
	_ =	sdelay $0x1  }
0x2ce: {  	v4 =	vadd.s32 v1, v4;
	_ =	sdelay $0x3  }
0x2cf: {  	s17 =	simm.s32 $0x0  }
0x2d0: {  	[tilespmem:s11], [sflag:$0x1] =	stream.indirect_vreg.gather [hbm4b:s30+s17], $0x80, v4, vm0, $0xb8;
	[tilespmem:$0x1E200] =	vst v63  }
0x2d1: {  	s18 =	simm.s32 $0xA00;
	v3 =	vperm.xlane v3, v2  }
0x2d2: {  	[tilespmem:s18], [sflag:$0x1] =	stream.indirect_vreg.gather [hbm4b:s7+s17], $0x80, v4, vm0, $0xb8;
	[tilespmem:$0x1E200] =	vst v63  }
0x2d3: {  	s21 =	simm.s32 $0x1200;
	v3 =	vadd.s32 v1, v3  }
0x2d4: {  	[tilespmem:s21], [sflag:$0x1] =	stream.indirect_vreg.gather [hbm4b:s8+s17], $0x80, v4, vm0, $0xb8;
	[tilespmem:$0x1E200] =	vst v63  }
0x2d5: {  	s19 =	simm.s32 $0x1A00  }
0x2d6: {  	[tilespmem:s19], [sflag:$0x1] =	stream.indirect_vreg.gather [hbm4b:s9+s17], $0x80, v4, vm0, $0xb8;
	[tilespmem:$0x1E200] =	vst v63  }
0x2d7: {  	s20 =	simm.s32 $0x2200  }
0x2d8: {  	[tilespmem:s20], [sflag:$0x1] =	stream.indirect_vreg.gather [hbm4b:s30+s17], $0x80, v3, vm0, $0xb8;
	[tilespmem:$0x1E200] =	vst v63  }
0x2d9: {  	s21 =	simm.s32 $0x2A00  }
0x2da: {  	[tilespmem:s21], [sflag:$0x1] =	stream.indirect_vreg.gather [hbm4b:s7+s17], $0x80, v3, vm0, $0xb8;
	[tilespmem:$0x1E200] =	vst v63  }
0x2db: {  	s19 =	simm.s32 $0x3200  }
0x2dc: {  	[tilespmem:s19], [sflag:$0x1] =	stream.indirect_vreg.gather [hbm4b:s8+s17], $0x80, v3, vm0, $0xb8;
	[tilespmem:$0x1E200] =	vst v63  }
0x2dd: {  	s20 =	simm.s32 $0x3A00  }
0x2de: {  	[tilespmem:s20], [sflag:$0x1] =	stream.indirect_vreg.gather [hbm4b:s9+s17], $0x80, v3, vm0, $0xb8;
	[tilespmem:$0x1E200] =	vst v63  }
0x2df: {  	v3 =	vld [tilespmem:$0xD0];
	_ =	sdelay $0x4  }
0x2e0: {  	v63 =	vshll.u32 v3, $0x3  }
0x2e1: {  	v3 =	vand.u32 $0x7, v3;
	v4 =	vand.u32 $0xFFFFFFC0, v63  }
0x2e2: {  	v3 =	vor.u32 v3, v4  }
0x2e3: {  	v4 =	vperm.xlane v3, v0;
	_ =	sdelay $0x1  }
0x2e4: {  	v4 =	vadd.s32 v1, v4;
	_ =	sdelay $0x3  }
0x2e5: {  	s21 =	simm.s32 $0x4200  }
0x2e6: {  	[tilespmem:s21], [sflag:$0x1] =	stream.indirect_vreg.gather [hbm4b:s30+s17], $0x80, v4, vm0, $0xb8;
	[tilespmem:$0x1E200] =	vst v63  }
0x2e7: {  	s19 =	simm.s32 $0x4A00;
	v3 =	vperm.xlane v3, v2  }
0x2e8: {  	[tilespmem:s19], [sflag:$0x1] =	stream.indirect_vreg.gather [hbm4b:s7+s17], $0x80, v4, vm0, $0xb8;
	[tilespmem:$0x1E200] =	vst v63  }
0x2e9: {  	s20 =	simm.s32 $0x5200;
	v3 =	vadd.s32 v1, v3  }
0x2ea: {  	[tilespmem:s20], [sflag:$0x1] =	stream.indirect_vreg.gather [hbm4b:s8+s17], $0x80, v4, vm0, $0xb8;
	[tilespmem:$0x1E200] =	vst v63  }
0x2eb: {  	_ = 	snop  }
0x2ec: {  	[tilespmem:s22], [sflag:$0x1] =	stream.indirect_vreg.gather [hbm4b:s9+s17], $0x80, v4, vm0, $0xb8;
	[tilespmem:$0x1E200] =	vst v63  }
0x2ed: {  	_ = 	snop  }
0x2ee: {  	[tilespmem:s23], [sflag:$0x1] =	stream.indirect_vreg.gather [hbm4b:s30+s17], $0x80, v3, vm0, $0xb8;
	[tilespmem:$0x1E200] =	vst v63  }
0x2ef: {  	_ = 	snop  }
0x2f0: {  	[tilespmem:s24], [sflag:$0x1] =	stream.indirect_vreg.gather [hbm4b:s7+s17], $0x80, v3, vm0, $0xb8;
	[tilespmem:$0x1E200] =	vst v63  }
0x2f1: {  	_ = 	snop  }
0x2f2: {  	[tilespmem:s25], [sflag:$0x1] =	stream.indirect_vreg.gather [hbm4b:s8+s17], $0x80, v3, vm0, $0xb8;
	[tilespmem:$0x1E200] =	vst v63  }
0x2f3: {  	_ = 	snop  }
0x2f4: {  	[tilespmem:s26], [sflag:$0x1] =	stream.indirect_vreg.gather [hbm4b:s9+s17], $0x80, v3, vm0, $0xb8;
	[tilespmem:$0x1E200] =	vst v63  }
0x2f5: {  	s18 =	simm.s32 $0x0;
	s21 =	rddreg [dreg:$0xd]  }
0x2f6: {  	[tilespmem:s28], [sflag:$0x4] =	stream.linear.gather [hbm4b:s21+s17], $0x2000, $0x38;
	[tilespmem:$0x1E200] =	vst v63  }
.LBB2_18:
0x2f7: {  	s19 =	sshra.s32 s17, $0x2  }
0x2f8: {  	v3 =	vld [tilespmem:s19+$0x1A270]  }
0x2f9: {  	v4 =	vld [tilespmem:s19+$0x1A200]  }
0x2fa: {  	v5 =	vld [tilespmem:s19+$0x1A210]  }
0x2fb: {  	v6 =	vld [tilespmem:s19+$0x1A220]  }
0x2fc: {  	v7 =	vld [tilespmem:s19+$0x1A230]  }
0x2fd: {  	v8 =	vld [tilespmem:s19+$0x1A240]  }
0x2fe: {  	v9 =	vld [tilespmem:s19+$0x1A250]  }
0x2ff: {  	v10 =	vld [tilespmem:s19+$0x1A260]  }
0x300: {  	[tilespmem:s19+$0xE270] =	vst.add.f32.msk $0xffff, v3  }
0x301: {  	[tilespmem:s19+$0x8200] =	vst.add.f32.msk $0xffff, v4  }
0x302: {  	[tilespmem:s19+$0xA200] =	vst.add.f32.msk $0xffff, v4  }
0x303: {  	[tilespmem:s19+$0xC200] =	vst.add.f32.msk $0xffff, v4  }
0x304: {  	[tilespmem:s19+$0xE200] =	vst.add.f32.msk $0xffff, v4  }
0x305: {  	[tilespmem:s19+$0x8210] =	vst.add.f32.msk $0xffff, v5  }
0x306: {  	[tilespmem:s19+$0xA210] =	vst.add.f32.msk $0xffff, v5  }
0x307: {  	[tilespmem:s19+$0xC210] =	vst.add.f32.msk $0xffff, v5  }
0x308: {  	[tilespmem:s19+$0xE210] =	vst.add.f32.msk $0xffff, v5  }
0x309: {  	[tilespmem:s19+$0x8220] =	vst.add.f32.msk $0xffff, v6  }
0x30a: {  	[tilespmem:s19+$0xA220] =	vst.add.f32.msk $0xffff, v6  }
0x30b: {  	[tilespmem:s19+$0xC220] =	vst.add.f32.msk $0xffff, v6  }
0x30c: {  	[tilespmem:s19+$0xE220] =	vst.add.f32.msk $0xffff, v6  }
0x30d: {  	[tilespmem:s19+$0x8230] =	vst.add.f32.msk $0xffff, v7  }
0x30e: {  	[tilespmem:s19+$0xA230] =	vst.add.f32.msk $0xffff, v7  }
0x30f: {  	[tilespmem:s19+$0xC230] =	vst.add.f32.msk $0xffff, v7  }
0x310: {  	[tilespmem:s19+$0xE230] =	vst.add.f32.msk $0xffff, v7  }
0x311: {  	[tilespmem:s19+$0x8240] =	vst.add.f32.msk $0xffff, v8  }
0x312: {  	[tilespmem:s19+$0xA240] =	vst.add.f32.msk $0xffff, v8  }
0x313: {  	[tilespmem:s19+$0xC240] =	vst.add.f32.msk $0xffff, v8  }
0x314: {  	[tilespmem:s19+$0xE240] =	vst.add.f32.msk $0xffff, v8  }
0x315: {  	[tilespmem:s19+$0x8250] =	vst.add.f32.msk $0xffff, v9  }
0x316: {  	[tilespmem:s19+$0xA250] =	vst.add.f32.msk $0xffff, v9  }
0x317: {  	[tilespmem:s19+$0xC250] =	vst.add.f32.msk $0xffff, v9  }
0x318: {  	[tilespmem:s19+$0xE250] =	vst.add.f32.msk $0xffff, v9  }
0x319: {  	[tilespmem:s19+$0x8260] =	vst.add.f32.msk $0xffff, v10  }
0x31a: {  	[tilespmem:s19+$0xA260] =	vst.add.f32.msk $0xffff, v10  }
0x31b: {  	[tilespmem:s19+$0xC260] =	vst.add.f32.msk $0xffff, v10  }
0x31c: {  	[tilespmem:s19+$0xE260] =	vst.add.f32.msk $0xffff, v10  }
0x31d: {  	[tilespmem:s19+$0x8270] =	vst.add.f32.msk $0xffff, v3  }
0x31e: {  	s20 =	simm.s32 $0x0;
	s21 =	sadd.s32 $0x1000, s17;
	[tilespmem:s19+$0xA270] =	vst.add.f32.msk $0xffff, v3  }
.LBB2_19:
0x31f: {  	s20 =	sadd.s32 $0x8, s20;
	[tilespmem:s19+$0xC270] =	vst.add.f32.msk $0xffff, v3;
	s19 =	sshra.s32 s21, $0x2  }
0x320: {  	v3 =	vld [tilespmem:s19+$0x1A270];
	p0 =	slt.u32 s20, $0x38  }
0x321: {  	v4 =	vld [tilespmem:s19+$0x1A200]  }
0x322: {  	v5 =	vld [tilespmem:s19+$0x1A210]  }
0x323: {  	v6 =	vld [tilespmem:s19+$0x1A220]  }
0x324: {  	v7 =	vld [tilespmem:s19+$0x1A230]  }
0x325: {  	[tilespmem:s19+$0xE270] =	vst.add.f32.msk $0xffff, v3  }
0x326: {  	v8 =	vld [tilespmem:s19+$0x1A240]  }
0x327: {  	v9 =	vld [tilespmem:s19+$0x1A250]  }
0x328: {  	v10 =	vld [tilespmem:s19+$0x1A260]  }
0x329: {  	[tilespmem:s19+$0x8200] =	vst.add.f32.msk $0xffff, v4  }
0x32a: {  	[tilespmem:s19+$0xA200] =	vst.add.f32.msk $0xffff, v4  }
0x32b: {  	[tilespmem:s19+$0xC200] =	vst.add.f32.msk $0xffff, v4  }
0x32c: {  	[tilespmem:s19+$0xE200] =	vst.add.f32.msk $0xffff, v4  }
0x32d: {  	[tilespmem:s19+$0x8210] =	vst.add.f32.msk $0xffff, v5  }
0x32e: {  	[tilespmem:s19+$0xA210] =	vst.add.f32.msk $0xffff, v5  }
0x32f: {  	[tilespmem:s19+$0xC210] =	vst.add.f32.msk $0xffff, v5  }
0x330: {  	[tilespmem:s19+$0xE210] =	vst.add.f32.msk $0xffff, v5  }
0x331: {  	[tilespmem:s19+$0x8220] =	vst.add.f32.msk $0xffff, v6  }
0x332: {  	[tilespmem:s19+$0xA220] =	vst.add.f32.msk $0xffff, v6  }
0x333: {  	[tilespmem:s19+$0xC220] =	vst.add.f32.msk $0xffff, v6  }
0x334: {  	[tilespmem:s19+$0xE220] =	vst.add.f32.msk $0xffff, v6  }
0x335: {  	[tilespmem:s19+$0x8230] =	vst.add.f32.msk $0xffff, v7  }
0x336: {  	[tilespmem:s19+$0xA230] =	vst.add.f32.msk $0xffff, v7  }
0x337: {  	[tilespmem:s19+$0xC230] =	vst.add.f32.msk $0xffff, v7  }
0x338: {  	[tilespmem:s19+$0xE230] =	vst.add.f32.msk $0xffff, v7  }
0x339: {  	[tilespmem:s19+$0x8240] =	vst.add.f32.msk $0xffff, v8  }
0x33a: {  	[tilespmem:s19+$0xA240] =	vst.add.f32.msk $0xffff, v8  }
0x33b: {  	[tilespmem:s19+$0xC240] =	vst.add.f32.msk $0xffff, v8  }
0x33c: {  	[tilespmem:s19+$0xE240] =	vst.add.f32.msk $0xffff, v8  }
0x33d: {  	[tilespmem:s19+$0x8250] =	vst.add.f32.msk $0xffff, v9  }
0x33e: {  	[tilespmem:s19+$0xA250] =	vst.add.f32.msk $0xffff, v9  }
0x33f: {  	[tilespmem:s19+$0xC250] =	vst.add.f32.msk $0xffff, v9  }
0x340: {  	[tilespmem:s19+$0xE250] =	vst.add.f32.msk $0xffff, v9  }
0x341: {  	[tilespmem:s19+$0x8260] =	vst.add.f32.msk $0xffff, v10  }
.Ltmp8:
0x342: {  	[tilespmem:s19+$0xA260] =	vst.add.f32.msk $0xffff, v10;
	(pc) =	sbr.rel @p0 .LBB2_19-.Ltmp8, $4  }
0x343: {  	[tilespmem:s19+$0xC260] =	vst.add.f32.msk $0xffff, v10  }
0x344: {  	[tilespmem:s19+$0xE260] =	vst.add.f32.msk $0xffff, v10  }
0x345: {  	[tilespmem:s19+$0x8270] =	vst.add.f32.msk $0xffff, v3  }
0x346: {  	s21 =	sadd.s32 $0x1000, s21;
	[tilespmem:s19+$0xA270] =	vst.add.f32.msk $0xffff, v3  }
0x347: {  	s18 =	sadd.s32 $0x1, s18  }
0x348: {  	p0 =	sne.s32 s18, $0x8  }
.Ltmp9:
0x349: {  	_ = 	snop;
	(pc) =	sbr.rel @p0 .LBB2_18-.Ltmp9, $2  }
0x34a: {  	_ =	sdelay $0x2  }
0x34b: {  	[tilespmem:s19+$0xC270] =	vst.add.f32.msk $0xffff, v3;
	s17 =	sadd.s32 $0x200, s17  }
0x34c: {  	s17 =	rddreg [dreg:$0xe]  }
0x34d: {  	[hbm4b:s17+s4] =	stream.strided.scatter [tilespmem:s31], [sflag:$0x8], $0x8000, s5, s4, $0x38;
	[tilespmem:$0x1E200] =	vst v63  }
0x34e: {  	_ =	swait.ge [sflag:s12], $0x8000  }
0x34f: {  	[sflag:s12] =	ssyncset.done $0x0  }
0x350: {  	[sflag:s12] =	ssyncadd.s32 $0xFFFF8000  }
0x351: {  	_ =	swait.ge [sflag:s13], $0x2000  }
0x352: {  	[sflag:s13] =	ssyncset.done $0x0  }
0x353: {  	[sflag:s13] =	ssyncadd.s32 $0xFFFFE000  }
0x354: {  	_ =	swait.ge [sflag:s14], $0x8000  }
0x355: {  	[sflag:s14] =	ssyncset.done $0x0  }
0x356: {  	[sflag:s14] =	ssyncadd.s32 $0xFFFF8000  }
0x357: {  	v3 =	vld [tilespmem:$0xE0];
	_ =	sdelay $0x4  }
0x358: {  	v4 =	vshll.u32 v3, $0x3  }
0x359: {  	v3 =	vand.u32 $0x7, v3;
	v4 =	vand.u32 $0xFFFFFFC0, v4  }
0x35a: {  	v3 =	vor.u32 v3, v4  }
0x35b: {  	v4 =	vperm.xlane v3, v0;
	_ =	sdelay $0x1  }
0x35c: {  	v4 =	vadd.s32 v1, v4;
	_ =	sdelay $0x3  }
0x35d: {  	s17 =	simm.s32 $0x0  }
0x35e: {  	[tilespmem:s31], [sflag:$0x2] =	stream.indirect_vreg.gather [hbm4b:s30+s17], $0x80, v4, vm0, $0xb8;
	[tilespmem:$0x1E200] =	vst v63  }
0x35f: {  	s18 =	simm.s32 $0x8A00;
	v3 =	vperm.xlane v3, v2  }
0x360: {  	[tilespmem:s18], [sflag:$0x2] =	stream.indirect_vreg.gather [hbm4b:s7+s17], $0x80, v4, vm0, $0xb8;
	[tilespmem:$0x1E200] =	vst v63  }
0x361: {  	s19 =	simm.s32 $0x9200;
	v3 =	vadd.s32 v1, v3  }
0x362: {  	[tilespmem:s19], [sflag:$0x2] =	stream.indirect_vreg.gather [hbm4b:s8+s17], $0x80, v4, vm0, $0xb8;
	[tilespmem:$0x1E200] =	vst v63  }
0x363: {  	s20 =	simm.s32 $0x9A00  }
0x364: {  	[tilespmem:s20], [sflag:$0x2] =	stream.indirect_vreg.gather [hbm4b:s9+s17], $0x80, v4, vm0, $0xb8;
	[tilespmem:$0x1E200] =	vst v63  }
0x365: {  	s21 =	simm.s32 $0xA200  }
0x366: {  	[tilespmem:s21], [sflag:$0x2] =	stream.indirect_vreg.gather [hbm4b:s30+s17], $0x80, v3, vm0, $0xb8;
	[tilespmem:$0x1E200] =	vst v63  }
0x367: {  	s19 =	simm.s32 $0xAA00  }
0x368: {  	[tilespmem:s19], [sflag:$0x2] =	stream.indirect_vreg.gather [hbm4b:s7+s17], $0x80, v3, vm0, $0xb8;
	[tilespmem:$0x1E200] =	vst v63  }
0x369: {  	s20 =	simm.s32 $0xB200  }
0x36a: {  	[tilespmem:s20], [sflag:$0x2] =	stream.indirect_vreg.gather [hbm4b:s8+s17], $0x80, v3, vm0, $0xb8;
	[tilespmem:$0x1E200] =	vst v63  }
0x36b: {  	s21 =	simm.s32 $0xBA00  }
0x36c: {  	[tilespmem:s21], [sflag:$0x2] =	stream.indirect_vreg.gather [hbm4b:s9+s17], $0x80, v3, vm0, $0xb8;
	[tilespmem:$0x1E200] =	vst v63  }
0x36d: {  	v3 =	vld [tilespmem:$0xF0];
	_ =	sdelay $0x4  }
0x36e: {  	v63 =	vshll.u32 v3, $0x3  }
0x36f: {  	v3 =	vand.u32 $0x7, v3;
	v4 =	vand.u32 $0xFFFFFFC0, v63  }
0x370: {  	v3 =	vor.u32 v3, v4  }
0x371: {  	v4 =	vperm.xlane v3, v0;
	_ =	sdelay $0x1  }
0x372: {  	v4 =	vadd.s32 v1, v4;
	_ =	sdelay $0x3  }
0x373: {  	s19 =	simm.s32 $0xC200  }
0x374: {  	[tilespmem:s19], [sflag:$0x2] =	stream.indirect_vreg.gather [hbm4b:s30+s17], $0x80, v4, vm0, $0xb8;
	[tilespmem:$0x1E200] =	vst v63  }
0x375: {  	s20 =	simm.s32 $0xCA00;
	v3 =	vperm.xlane v3, v2  }
0x376: {  	[tilespmem:s20], [sflag:$0x2] =	stream.indirect_vreg.gather [hbm4b:s7+s17], $0x80, v4, vm0, $0xb8;
	[tilespmem:$0x1E200] =	vst v63  }
0x377: {  	s21 =	simm.s32 $0xD200;
	v3 =	vadd.s32 v1, v3  }
0x378: {  	[tilespmem:s21], [sflag:$0x2] =	stream.indirect_vreg.gather [hbm4b:s8+s17], $0x80, v4, vm0, $0xb8;
	[tilespmem:$0x1E200] =	vst v63  }
0x379: {  	s19 =	simm.s32 $0xDA00  }
0x37a: {  	[tilespmem:s19], [sflag:$0x2] =	stream.indirect_vreg.gather [hbm4b:s9+s17], $0x80, v4, vm0, $0xb8;
	[tilespmem:$0x1E200] =	vst v63  }
0x37b: {  	s20 =	simm.s32 $0xE200  }
0x37c: {  	[tilespmem:s20], [sflag:$0x2] =	stream.indirect_vreg.gather [hbm4b:s30+s17], $0x80, v3, vm0, $0xb8;
	[tilespmem:$0x1E200] =	vst v63  }
0x37d: {  	s21 =	simm.s32 $0xEA00  }
0x37e: {  	[tilespmem:s21], [sflag:$0x2] =	stream.indirect_vreg.gather [hbm4b:s7+s17], $0x80, v3, vm0, $0xb8;
	[tilespmem:$0x1E200] =	vst v63  }
0x37f: {  	s19 =	simm.s32 $0xF200  }
0x380: {  	[tilespmem:s19], [sflag:$0x2] =	stream.indirect_vreg.gather [hbm4b:s8+s17], $0x80, v3, vm0, $0xb8;
	[tilespmem:$0x1E200] =	vst v63  }
0x381: {  	s20 =	simm.s32 $0xFA00  }
0x382: {  	[tilespmem:s20], [sflag:$0x2] =	stream.indirect_vreg.gather [hbm4b:s9+s17], $0x80, v3, vm0, $0xb8;
	[tilespmem:$0x1E200] =	vst v63  }
0x383: {  	s18 =	simm.s32 $0x0;
	s21 =	rddreg [dreg:$0xf];
	s19 =	simm.s32 $0x1A200  }
0x384: {  	[tilespmem:s19], [sflag:$0x5] =	stream.linear.gather [hbm4b:s21+s17], $0x2000, $0x38;
	[tilespmem:$0x1E200] =	vst v63  }
.LBB2_22:
0x385: {  	s19 =	sshra.s32 s17, $0x2  }
0x386: {  	v3 =	vld [tilespmem:s19+$0x1C270]  }
0x387: {  	v4 =	vld [tilespmem:s19+$0x1C200]  }
0x388: {  	v5 =	vld [tilespmem:s19+$0x1C210]  }
0x389: {  	v6 =	vld [tilespmem:s19+$0x1C220]  }
0x38a: {  	v7 =	vld [tilespmem:s19+$0x1C230]  }
0x38b: {  	v8 =	vld [tilespmem:s19+$0x1C240]  }
0x38c: {  	v9 =	vld [tilespmem:s19+$0x1C250]  }
0x38d: {  	v10 =	vld [tilespmem:s19+$0x1C260]  }
0x38e: {  	[tilespmem:s19+$0x16270] =	vst.add.f32.msk $0xffff, v3  }
0x38f: {  	[tilespmem:s19+$0x10200] =	vst.add.f32.msk $0xffff, v4  }
0x390: {  	[tilespmem:s19+$0x12200] =	vst.add.f32.msk $0xffff, v4  }
0x391: {  	[tilespmem:s19+$0x14200] =	vst.add.f32.msk $0xffff, v4  }
0x392: {  	[tilespmem:s19+$0x16200] =	vst.add.f32.msk $0xffff, v4  }
0x393: {  	[tilespmem:s19+$0x10210] =	vst.add.f32.msk $0xffff, v5  }
0x394: {  	[tilespmem:s19+$0x12210] =	vst.add.f32.msk $0xffff, v5  }
0x395: {  	[tilespmem:s19+$0x14210] =	vst.add.f32.msk $0xffff, v5  }
0x396: {  	[tilespmem:s19+$0x16210] =	vst.add.f32.msk $0xffff, v5  }
0x397: {  	[tilespmem:s19+$0x10220] =	vst.add.f32.msk $0xffff, v6  }
0x398: {  	[tilespmem:s19+$0x12220] =	vst.add.f32.msk $0xffff, v6  }
0x399: {  	[tilespmem:s19+$0x14220] =	vst.add.f32.msk $0xffff, v6  }
0x39a: {  	[tilespmem:s19+$0x16220] =	vst.add.f32.msk $0xffff, v6  }
0x39b: {  	[tilespmem:s19+$0x10230] =	vst.add.f32.msk $0xffff, v7  }
0x39c: {  	[tilespmem:s19+$0x12230] =	vst.add.f32.msk $0xffff, v7  }
0x39d: {  	[tilespmem:s19+$0x14230] =	vst.add.f32.msk $0xffff, v7  }
0x39e: {  	[tilespmem:s19+$0x16230] =	vst.add.f32.msk $0xffff, v7  }
0x39f: {  	[tilespmem:s19+$0x10240] =	vst.add.f32.msk $0xffff, v8  }
0x3a0: {  	[tilespmem:s19+$0x12240] =	vst.add.f32.msk $0xffff, v8  }
0x3a1: {  	[tilespmem:s19+$0x14240] =	vst.add.f32.msk $0xffff, v8  }
0x3a2: {  	[tilespmem:s19+$0x16240] =	vst.add.f32.msk $0xffff, v8  }
0x3a3: {  	[tilespmem:s19+$0x10250] =	vst.add.f32.msk $0xffff, v9  }
0x3a4: {  	[tilespmem:s19+$0x12250] =	vst.add.f32.msk $0xffff, v9  }
0x3a5: {  	[tilespmem:s19+$0x14250] =	vst.add.f32.msk $0xffff, v9  }
0x3a6: {  	[tilespmem:s19+$0x16250] =	vst.add.f32.msk $0xffff, v9  }
0x3a7: {  	[tilespmem:s19+$0x10260] =	vst.add.f32.msk $0xffff, v10  }
0x3a8: {  	[tilespmem:s19+$0x12260] =	vst.add.f32.msk $0xffff, v10  }
0x3a9: {  	[tilespmem:s19+$0x14260] =	vst.add.f32.msk $0xffff, v10  }
0x3aa: {  	[tilespmem:s19+$0x16260] =	vst.add.f32.msk $0xffff, v10  }
0x3ab: {  	[tilespmem:s19+$0x10270] =	vst.add.f32.msk $0xffff, v3  }
0x3ac: {  	s20 =	simm.s32 $0x0;
	s21 =	sadd.s32 $0x1000, s17;
	[tilespmem:s19+$0x12270] =	vst.add.f32.msk $0xffff, v3  }
.LBB2_23:
0x3ad: {  	s20 =	sadd.s32 $0x8, s20;
	[tilespmem:s19+$0x14270] =	vst.add.f32.msk $0xffff, v3;
	s19 =	sshra.s32 s21, $0x2  }
0x3ae: {  	v3 =	vld [tilespmem:s19+$0x1C270];
	p0 =	slt.u32 s20, $0x38  }
0x3af: {  	v4 =	vld [tilespmem:s19+$0x1C200]  }
0x3b0: {  	v5 =	vld [tilespmem:s19+$0x1C210]  }
0x3b1: {  	v6 =	vld [tilespmem:s19+$0x1C220]  }
0x3b2: {  	v7 =	vld [tilespmem:s19+$0x1C230]  }
0x3b3: {  	[tilespmem:s19+$0x16270] =	vst.add.f32.msk $0xffff, v3  }
0x3b4: {  	v8 =	vld [tilespmem:s19+$0x1C240]  }
0x3b5: {  	v9 =	vld [tilespmem:s19+$0x1C250]  }
0x3b6: {  	v10 =	vld [tilespmem:s19+$0x1C260]  }
0x3b7: {  	[tilespmem:s19+$0x10200] =	vst.add.f32.msk $0xffff, v4  }
0x3b8: {  	[tilespmem:s19+$0x12200] =	vst.add.f32.msk $0xffff, v4  }
0x3b9: {  	[tilespmem:s19+$0x14200] =	vst.add.f32.msk $0xffff, v4  }
0x3ba: {  	[tilespmem:s19+$0x16200] =	vst.add.f32.msk $0xffff, v4  }
0x3bb: {  	[tilespmem:s19+$0x10210] =	vst.add.f32.msk $0xffff, v5  }
0x3bc: {  	[tilespmem:s19+$0x12210] =	vst.add.f32.msk $0xffff, v5  }
0x3bd: {  	[tilespmem:s19+$0x14210] =	vst.add.f32.msk $0xffff, v5  }
0x3be: {  	[tilespmem:s19+$0x16210] =	vst.add.f32.msk $0xffff, v5  }
0x3bf: {  	[tilespmem:s19+$0x10220] =	vst.add.f32.msk $0xffff, v6  }
0x3c0: {  	[tilespmem:s19+$0x12220] =	vst.add.f32.msk $0xffff, v6  }
0x3c1: {  	[tilespmem:s19+$0x14220] =	vst.add.f32.msk $0xffff, v6  }
0x3c2: {  	[tilespmem:s19+$0x16220] =	vst.add.f32.msk $0xffff, v6  }
0x3c3: {  	[tilespmem:s19+$0x10230] =	vst.add.f32.msk $0xffff, v7  }
0x3c4: {  	[tilespmem:s19+$0x12230] =	vst.add.f32.msk $0xffff, v7  }
0x3c5: {  	[tilespmem:s19+$0x14230] =	vst.add.f32.msk $0xffff, v7  }
0x3c6: {  	[tilespmem:s19+$0x16230] =	vst.add.f32.msk $0xffff, v7  }
0x3c7: {  	[tilespmem:s19+$0x10240] =	vst.add.f32.msk $0xffff, v8  }
0x3c8: {  	[tilespmem:s19+$0x12240] =	vst.add.f32.msk $0xffff, v8  }
0x3c9: {  	[tilespmem:s19+$0x14240] =	vst.add.f32.msk $0xffff, v8  }
0x3ca: {  	[tilespmem:s19+$0x16240] =	vst.add.f32.msk $0xffff, v8  }
0x3cb: {  	[tilespmem:s19+$0x10250] =	vst.add.f32.msk $0xffff, v9  }
0x3cc: {  	[tilespmem:s19+$0x12250] =	vst.add.f32.msk $0xffff, v9  }
0x3cd: {  	[tilespmem:s19+$0x14250] =	vst.add.f32.msk $0xffff, v9  }
0x3ce: {  	[tilespmem:s19+$0x16250] =	vst.add.f32.msk $0xffff, v9  }
0x3cf: {  	[tilespmem:s19+$0x10260] =	vst.add.f32.msk $0xffff, v10  }
.Ltmp10:
0x3d0: {  	[tilespmem:s19+$0x12260] =	vst.add.f32.msk $0xffff, v10;
	(pc) =	sbr.rel @p0 .LBB2_23-.Ltmp10, $4  }
0x3d1: {  	[tilespmem:s19+$0x14260] =	vst.add.f32.msk $0xffff, v10  }
0x3d2: {  	[tilespmem:s19+$0x16260] =	vst.add.f32.msk $0xffff, v10  }
0x3d3: {  	[tilespmem:s19+$0x10270] =	vst.add.f32.msk $0xffff, v3  }
0x3d4: {  	s21 =	sadd.s32 $0x1000, s21;
	[tilespmem:s19+$0x12270] =	vst.add.f32.msk $0xffff, v3  }
0x3d5: {  	s18 =	sadd.s32 $0x1, s18  }
0x3d6: {  	p0 =	sne.s32 s18, $0x8  }
.Ltmp11:
0x3d7: {  	_ = 	snop;
	(pc) =	sbr.rel @p0 .LBB2_22-.Ltmp11, $2  }
0x3d8: {  	_ =	sdelay $0x2  }
0x3d9: {  	[tilespmem:s19+$0x14270] =	vst.add.f32.msk $0xffff, v3;
	s17 =	sadd.s32 $0x200, s17  }
0x3da: {  	s17 =	rddreg [dreg:$0x10]  }
0x3db: {  	[hbm4b:s17+s4] =	stream.strided.scatter [tilespmem:s2], [sflag:$0x9], $0x8000, s5, s4, $0x38;
	[tilespmem:$0x1E200] =	vst v63  }
0x3dc: {  	_ =	swait.ge [sflag:s29], $0x8000  }
0x3dd: {  	[sflag:s29] =	ssyncset.done $0x0  }
0x3de: {  	[sflag:s29] =	ssyncadd.s32 $0xFFFF8000  }
0x3df: {  	_ =	swait.ge [sflag:s0], $0x2000  }
0x3e0: {  	[sflag:s0] =	ssyncset.done $0x0  }
0x3e1: {  	[sflag:s0] =	ssyncadd.s32 $0xFFFFE000  }
0x3e2: {  	_ =	swait.ge [sflag:s15], $0x8000  }
0x3e3: {  	[sflag:s15] =	ssyncset.done $0x0  }
0x3e4: {  	[sflag:s15] =	ssyncadd.s32 $0xFFFF8000  }
0x3e5: {  	v3 =	vld [tilespmem:$0x100];
	_ =	sdelay $0x4  }
0x3e6: {  	v4 =	vshll.u32 v3, $0x3  }
0x3e7: {  	v3 =	vand.u32 $0x7, v3;
	v4 =	vand.u32 $0xFFFFFFC0, v4  }
0x3e8: {  	v3 =	vor.u32 v3, v4  }
0x3e9: {  	v4 =	vperm.xlane v3, v0;
	_ =	sdelay $0x1  }
0x3ea: {  	v4 =	vadd.s32 v1, v4;
	_ =	sdelay $0x3  }
0x3eb: {  	s17 =	simm.s32 $0x0  }
0x3ec: {  	[tilespmem:s2], [sflag:$0x3] =	stream.indirect_vreg.gather [hbm4b:s30+s17], $0x80, v4, vm0, $0xb8;
	[tilespmem:$0x1E200] =	vst v63  }
0x3ed: {  	s18 =	simm.s32 $0x10A00;
	v3 =	vperm.xlane v3, v2  }
0x3ee: {  	[tilespmem:s18], [sflag:$0x3] =	stream.indirect_vreg.gather [hbm4b:s7+s17], $0x80, v4, vm0, $0xb8;
	[tilespmem:$0x1E200] =	vst v63  }
0x3ef: {  	s19 =	simm.s32 $0x11200;
	v3 =	vadd.s32 v1, v3  }
0x3f0: {  	[tilespmem:s19], [sflag:$0x3] =	stream.indirect_vreg.gather [hbm4b:s8+s17], $0x80, v4, vm0, $0xb8;
	[tilespmem:$0x1E200] =	vst v63  }
0x3f1: {  	s20 =	simm.s32 $0x11A00  }
0x3f2: {  	[tilespmem:s20], [sflag:$0x3] =	stream.indirect_vreg.gather [hbm4b:s9+s17], $0x80, v4, vm0, $0xb8;
	[tilespmem:$0x1E200] =	vst v63  }
0x3f3: {  	s21 =	simm.s32 $0x12200  }
0x3f4: {  	[tilespmem:s21], [sflag:$0x3] =	stream.indirect_vreg.gather [hbm4b:s30+s17], $0x80, v3, vm0, $0xb8;
	[tilespmem:$0x1E200] =	vst v63  }
0x3f5: {  	s19 =	simm.s32 $0x12A00  }
0x3f6: {  	[tilespmem:s19], [sflag:$0x3] =	stream.indirect_vreg.gather [hbm4b:s7+s17], $0x80, v3, vm0, $0xb8;
	[tilespmem:$0x1E200] =	vst v63  }
0x3f7: {  	s20 =	simm.s32 $0x13200  }
0x3f8: {  	[tilespmem:s20], [sflag:$0x3] =	stream.indirect_vreg.gather [hbm4b:s8+s17], $0x80, v3, vm0, $0xb8;
	[tilespmem:$0x1E200] =	vst v63  }
0x3f9: {  	s21 =	simm.s32 $0x13A00  }
0x3fa: {  	[tilespmem:s21], [sflag:$0x3] =	stream.indirect_vreg.gather [hbm4b:s9+s17], $0x80, v3, vm0, $0xb8;
	[tilespmem:$0x1E200] =	vst v63  }
0x3fb: {  	v3 =	vld [tilespmem:$0x110];
	_ =	sdelay $0x4  }
0x3fc: {  	v63 =	vshll.u32 v3, $0x3  }
0x3fd: {  	v3 =	vand.u32 $0x7, v3;
	v4 =	vand.u32 $0xFFFFFFC0, v63  }
0x3fe: {  	v3 =	vor.u32 v3, v4  }
0x3ff: {  	v4 =	vperm.xlane v3, v0;
	_ =	sdelay $0x1  }
0x400: {  	v4 =	vadd.s32 v1, v4;
	_ =	sdelay $0x3  }
0x401: {  	s19 =	simm.s32 $0x14200  }
0x402: {  	[tilespmem:s19], [sflag:$0x3] =	stream.indirect_vreg.gather [hbm4b:s30+s17], $0x80, v4, vm0, $0xb8;
	[tilespmem:$0x1E200] =	vst v63  }
0x403: {  	s20 =	simm.s32 $0x14A00;
	v3 =	vperm.xlane v3, v2  }
0x404: {  	[tilespmem:s20], [sflag:$0x3] =	stream.indirect_vreg.gather [hbm4b:s7+s17], $0x80, v4, vm0, $0xb8;
	[tilespmem:$0x1E200] =	vst v63  }
0x405: {  	s21 =	simm.s32 $0x15200;
	v3 =	vadd.s32 v1, v3  }
0x406: {  	[tilespmem:s21], [sflag:$0x3] =	stream.indirect_vreg.gather [hbm4b:s8+s17], $0x80, v4, vm0, $0xb8;
	[tilespmem:$0x1E200] =	vst v63  }
0x407: {  	s19 =	simm.s32 $0x15A00  }
0x408: {  	[tilespmem:s19], [sflag:$0x3] =	stream.indirect_vreg.gather [hbm4b:s9+s17], $0x80, v4, vm0, $0xb8;
	[tilespmem:$0x1E200] =	vst v63  }
0x409: {  	s20 =	simm.s32 $0x16200  }
0x40a: {  	[tilespmem:s20], [sflag:$0x3] =	stream.indirect_vreg.gather [hbm4b:s30+s17], $0x80, v3, vm0, $0xb8;
	[tilespmem:$0x1E200] =	vst v63  }
0x40b: {  	s21 =	simm.s32 $0x16A00  }
0x40c: {  	[tilespmem:s21], [sflag:$0x3] =	stream.indirect_vreg.gather [hbm4b:s7+s17], $0x80, v3, vm0, $0xb8;
	[tilespmem:$0x1E200] =	vst v63  }
0x40d: {  	s19 =	simm.s32 $0x17200  }
0x40e: {  	[tilespmem:s19], [sflag:$0x3] =	stream.indirect_vreg.gather [hbm4b:s8+s17], $0x80, v3, vm0, $0xb8;
	[tilespmem:$0x1E200] =	vst v63  }
0x40f: {  	s20 =	simm.s32 $0x17A00  }
0x410: {  	[tilespmem:s20], [sflag:$0x3] =	stream.indirect_vreg.gather [hbm4b:s9+s17], $0x80, v3, vm0, $0xb8;
	[tilespmem:$0x1E200] =	vst v63  }
0x411: {  	s18 =	simm.s32 $0x0;
	s21 =	rddreg [dreg:$0x11];
	s19 =	simm.s32 $0x1C200  }
0x412: {  	[tilespmem:s19], [sflag:$0x6] =	stream.linear.gather [hbm4b:s21+s17], $0x2000, $0x38;
	[tilespmem:$0x1E200] =	vst v63  }
.LBB2_26:
0x413: {  	s19 =	sshra.s32 s17, $0x2  }
0x414: {  	v3 =	vld [tilespmem:s19+$0x18270]  }
0x415: {  	v4 =	vld [tilespmem:s19+$0x18200]  }
0x416: {  	v5 =	vld [tilespmem:s19+$0x18210]  }
0x417: {  	v6 =	vld [tilespmem:s19+$0x18220]  }
0x418: {  	v7 =	vld [tilespmem:s19+$0x18230]  }
0x419: {  	v8 =	vld [tilespmem:s19+$0x18240]  }
0x41a: {  	v9 =	vld [tilespmem:s19+$0x18250]  }
0x41b: {  	v10 =	vld [tilespmem:s19+$0x18260]  }
0x41c: {  	[tilespmem:s19+$0x6270] =	vst.add.f32.msk $0xffff, v3  }
0x41d: {  	[tilespmem:s19+$0x200] =	vst.add.f32.msk $0xffff, v4  }
0x41e: {  	[tilespmem:s19+$0x2200] =	vst.add.f32.msk $0xffff, v4  }
0x41f: {  	[tilespmem:s19+$0x4200] =	vst.add.f32.msk $0xffff, v4  }
0x420: {  	[tilespmem:s19+$0x6200] =	vst.add.f32.msk $0xffff, v4  }
0x421: {  	[tilespmem:s19+$0x210] =	vst.add.f32.msk $0xffff, v5  }
0x422: {  	[tilespmem:s19+$0x2210] =	vst.add.f32.msk $0xffff, v5  }
0x423: {  	[tilespmem:s19+$0x4210] =	vst.add.f32.msk $0xffff, v5  }
0x424: {  	[tilespmem:s19+$0x6210] =	vst.add.f32.msk $0xffff, v5  }
0x425: {  	[tilespmem:s19+$0x220] =	vst.add.f32.msk $0xffff, v6  }
0x426: {  	[tilespmem:s19+$0x2220] =	vst.add.f32.msk $0xffff, v6  }
0x427: {  	[tilespmem:s19+$0x4220] =	vst.add.f32.msk $0xffff, v6  }
0x428: {  	[tilespmem:s19+$0x6220] =	vst.add.f32.msk $0xffff, v6  }
0x429: {  	[tilespmem:s19+$0x230] =	vst.add.f32.msk $0xffff, v7  }
0x42a: {  	[tilespmem:s19+$0x2230] =	vst.add.f32.msk $0xffff, v7  }
0x42b: {  	[tilespmem:s19+$0x4230] =	vst.add.f32.msk $0xffff, v7  }
0x42c: {  	[tilespmem:s19+$0x6230] =	vst.add.f32.msk $0xffff, v7  }
0x42d: {  	[tilespmem:s19+$0x240] =	vst.add.f32.msk $0xffff, v8  }
0x42e: {  	[tilespmem:s19+$0x2240] =	vst.add.f32.msk $0xffff, v8  }
0x42f: {  	[tilespmem:s19+$0x4240] =	vst.add.f32.msk $0xffff, v8  }
0x430: {  	[tilespmem:s19+$0x6240] =	vst.add.f32.msk $0xffff, v8  }
0x431: {  	[tilespmem:s19+$0x250] =	vst.add.f32.msk $0xffff, v9  }
0x432: {  	[tilespmem:s19+$0x2250] =	vst.add.f32.msk $0xffff, v9  }
0x433: {  	[tilespmem:s19+$0x4250] =	vst.add.f32.msk $0xffff, v9  }
0x434: {  	[tilespmem:s19+$0x6250] =	vst.add.f32.msk $0xffff, v9  }
0x435: {  	[tilespmem:s19+$0x260] =	vst.add.f32.msk $0xffff, v10  }
0x436: {  	[tilespmem:s19+$0x2260] =	vst.add.f32.msk $0xffff, v10  }
0x437: {  	[tilespmem:s19+$0x4260] =	vst.add.f32.msk $0xffff, v10  }
0x438: {  	[tilespmem:s19+$0x6260] =	vst.add.f32.msk $0xffff, v10  }
0x439: {  	[tilespmem:s19+$0x270] =	vst.add.f32.msk $0xffff, v3  }
0x43a: {  	s20 =	simm.s32 $0x0;
	s21 =	sadd.s32 $0x1000, s17;
	[tilespmem:s19+$0x2270] =	vst.add.f32.msk $0xffff, v3  }
.LBB2_27:
0x43b: {  	s20 =	sadd.s32 $0x8, s20;
	[tilespmem:s19+$0x4270] =	vst.add.f32.msk $0xffff, v3;
	s19 =	sshra.s32 s21, $0x2  }
0x43c: {  	v3 =	vld [tilespmem:s19+$0x18270];
	p0 =	slt.u32 s20, $0x38  }
0x43d: {  	v4 =	vld [tilespmem:s19+$0x18200]  }
0x43e: {  	v5 =	vld [tilespmem:s19+$0x18210]  }
0x43f: {  	v6 =	vld [tilespmem:s19+$0x18220]  }
0x440: {  	v7 =	vld [tilespmem:s19+$0x18230]  }
0x441: {  	[tilespmem:s19+$0x6270] =	vst.add.f32.msk $0xffff, v3  }
0x442: {  	v8 =	vld [tilespmem:s19+$0x18240]  }
0x443: {  	v9 =	vld [tilespmem:s19+$0x18250]  }
0x444: {  	v10 =	vld [tilespmem:s19+$0x18260]  }
0x445: {  	[tilespmem:s19+$0x200] =	vst.add.f32.msk $0xffff, v4  }
0x446: {  	[tilespmem:s19+$0x2200] =	vst.add.f32.msk $0xffff, v4  }
0x447: {  	[tilespmem:s19+$0x4200] =	vst.add.f32.msk $0xffff, v4  }
0x448: {  	[tilespmem:s19+$0x6200] =	vst.add.f32.msk $0xffff, v4  }
0x449: {  	[tilespmem:s19+$0x210] =	vst.add.f32.msk $0xffff, v5  }
0x44a: {  	[tilespmem:s19+$0x2210] =	vst.add.f32.msk $0xffff, v5  }
0x44b: {  	[tilespmem:s19+$0x4210] =	vst.add.f32.msk $0xffff, v5  }
0x44c: {  	[tilespmem:s19+$0x6210] =	vst.add.f32.msk $0xffff, v5  }
0x44d: {  	[tilespmem:s19+$0x220] =	vst.add.f32.msk $0xffff, v6  }
0x44e: {  	[tilespmem:s19+$0x2220] =	vst.add.f32.msk $0xffff, v6  }
0x44f: {  	[tilespmem:s19+$0x4220] =	vst.add.f32.msk $0xffff, v6  }
0x450: {  	[tilespmem:s19+$0x6220] =	vst.add.f32.msk $0xffff, v6  }
0x451: {  	[tilespmem:s19+$0x230] =	vst.add.f32.msk $0xffff, v7  }
0x452: {  	[tilespmem:s19+$0x2230] =	vst.add.f32.msk $0xffff, v7  }
0x453: {  	[tilespmem:s19+$0x4230] =	vst.add.f32.msk $0xffff, v7  }
0x454: {  	[tilespmem:s19+$0x6230] =	vst.add.f32.msk $0xffff, v7  }
0x455: {  	[tilespmem:s19+$0x240] =	vst.add.f32.msk $0xffff, v8  }
0x456: {  	[tilespmem:s19+$0x2240] =	vst.add.f32.msk $0xffff, v8  }
0x457: {  	[tilespmem:s19+$0x4240] =	vst.add.f32.msk $0xffff, v8  }
0x458: {  	[tilespmem:s19+$0x6240] =	vst.add.f32.msk $0xffff, v8  }
0x459: {  	[tilespmem:s19+$0x250] =	vst.add.f32.msk $0xffff, v9  }
0x45a: {  	[tilespmem:s19+$0x2250] =	vst.add.f32.msk $0xffff, v9  }
0x45b: {  	[tilespmem:s19+$0x4250] =	vst.add.f32.msk $0xffff, v9  }
0x45c: {  	[tilespmem:s19+$0x6250] =	vst.add.f32.msk $0xffff, v9  }
0x45d: {  	[tilespmem:s19+$0x260] =	vst.add.f32.msk $0xffff, v10  }
.Ltmp12:
0x45e: {  	[tilespmem:s19+$0x2260] =	vst.add.f32.msk $0xffff, v10;
	(pc) =	sbr.rel @p0 .LBB2_27-.Ltmp12, $4  }
0x45f: {  	[tilespmem:s19+$0x4260] =	vst.add.f32.msk $0xffff, v10  }
0x460: {  	[tilespmem:s19+$0x6260] =	vst.add.f32.msk $0xffff, v10  }
0x461: {  	[tilespmem:s19+$0x270] =	vst.add.f32.msk $0xffff, v3  }
0x462: {  	s21 =	sadd.s32 $0x1000, s21;
	[tilespmem:s19+$0x2270] =	vst.add.f32.msk $0xffff, v3  }
0x463: {  	s18 =	sadd.s32 $0x1, s18  }
0x464: {  	p0 =	sne.s32 s18, $0x8  }
.Ltmp13:
0x465: {  	_ = 	snop;
	(pc) =	sbr.rel @p0 .LBB2_26-.Ltmp13, $2  }
0x466: {  	_ =	sdelay $0x2  }
0x467: {  	[tilespmem:s19+$0x4270] =	vst.add.f32.msk $0xffff, v3;
	s17 =	sadd.s32 $0x200, s17  }
0x468: {  	s17 =	rddreg [dreg:$0x12]  }
0x469: {  	[hbm4b:s17+s4] =	stream.strided.scatter [tilespmem:s11], [sflag:$0x7], $0x8000, s5, s4, $0x38;
	[tilespmem:$0x1E200] =	vst v63  }
0x46a: {  	_ =	swait.ge [sflag:s6], $0x8000  }
0x46b: {  	[sflag:s6] =	ssyncset.done $0x0  }
0x46c: {  	[sflag:s6] =	ssyncadd.s32 $0xFFFF8000  }
0x46d: {  	_ =	swait.ge [sflag:s10], $0x2000  }
0x46e: {  	[sflag:s10] =	ssyncset.done $0x0  }
0x46f: {  	[sflag:s10] =	ssyncadd.s32 $0xFFFFE000  }
0x470: {  	_ =	swait.ge [sflag:s3], $0x8000  }
0x471: {  	[sflag:s3] =	ssyncset.done $0x0  }
0x472: {  	[sflag:s3] =	ssyncadd.s32 $0xFFFF8000  }
0x473: {  	v3 =	vld [tilespmem:$0x120];
	_ =	sdelay $0x4  }
0x474: {  	v4 =	vshll.u32 v3, $0x3  }
0x475: {  	v3 =	vand.u32 $0x7, v3;
	v4 =	vand.u32 $0xFFFFFFC0, v4  }
0x476: {  	v3 =	vor.u32 v3, v4  }
0x477: {  	v4 =	vperm.xlane v3, v0;
	_ =	sdelay $0x1  }
0x478: {  	v4 =	vadd.s32 v1, v4;
	_ =	sdelay $0x3  }
0x479: {  	s17 =	simm.s32 $0x0  }
0x47a: {  	[tilespmem:s11], [sflag:$0x1] =	stream.indirect_vreg.gather [hbm4b:s30+s17], $0x80, v4, vm0, $0xb8;
	[tilespmem:$0x1E200] =	vst v63  }
0x47b: {  	s18 =	simm.s32 $0xA00;
	v3 =	vperm.xlane v3, v2  }
0x47c: {  	[tilespmem:s18], [sflag:$0x1] =	stream.indirect_vreg.gather [hbm4b:s7+s17], $0x80, v4, vm0, $0xb8;
	[tilespmem:$0x1E200] =	vst v63  }
0x47d: {  	s21 =	simm.s32 $0x1200;
	v3 =	vadd.s32 v1, v3  }
0x47e: {  	[tilespmem:s21], [sflag:$0x1] =	stream.indirect_vreg.gather [hbm4b:s8+s17], $0x80, v4, vm0, $0xb8;
	[tilespmem:$0x1E200] =	vst v63  }
0x47f: {  	s19 =	simm.s32 $0x1A00  }
0x480: {  	[tilespmem:s19], [sflag:$0x1] =	stream.indirect_vreg.gather [hbm4b:s9+s17], $0x80, v4, vm0, $0xb8;
	[tilespmem:$0x1E200] =	vst v63  }
0x481: {  	s20 =	simm.s32 $0x2200  }
0x482: {  	[tilespmem:s20], [sflag:$0x1] =	stream.indirect_vreg.gather [hbm4b:s30+s17], $0x80, v3, vm0, $0xb8;
	[tilespmem:$0x1E200] =	vst v63  }
0x483: {  	s21 =	simm.s32 $0x2A00  }
0x484: {  	[tilespmem:s21], [sflag:$0x1] =	stream.indirect_vreg.gather [hbm4b:s7+s17], $0x80, v3, vm0, $0xb8;
	[tilespmem:$0x1E200] =	vst v63  }
0x485: {  	s19 =	simm.s32 $0x3200  }
0x486: {  	[tilespmem:s19], [sflag:$0x1] =	stream.indirect_vreg.gather [hbm4b:s8+s17], $0x80, v3, vm0, $0xb8;
	[tilespmem:$0x1E200] =	vst v63  }
0x487: {  	s20 =	simm.s32 $0x3A00  }
0x488: {  	[tilespmem:s20], [sflag:$0x1] =	stream.indirect_vreg.gather [hbm4b:s9+s17], $0x80, v3, vm0, $0xb8;
	[tilespmem:$0x1E200] =	vst v63  }
0x489: {  	v3 =	vld [tilespmem:$0x130];
	_ =	sdelay $0x4  }
0x48a: {  	v63 =	vshll.u32 v3, $0x3  }
0x48b: {  	v3 =	vand.u32 $0x7, v3;
	v4 =	vand.u32 $0xFFFFFFC0, v63  }
0x48c: {  	v3 =	vor.u32 v3, v4  }
0x48d: {  	v4 =	vperm.xlane v3, v0;
	_ =	sdelay $0x1  }
0x48e: {  	v4 =	vadd.s32 v1, v4;
	_ =	sdelay $0x3  }
0x48f: {  	s21 =	simm.s32 $0x4200  }
0x490: {  	[tilespmem:s21], [sflag:$0x1] =	stream.indirect_vreg.gather [hbm4b:s30+s17], $0x80, v4, vm0, $0xb8;
	[tilespmem:$0x1E200] =	vst v63  }
0x491: {  	s19 =	simm.s32 $0x4A00;
	v3 =	vperm.xlane v3, v2  }
0x492: {  	[tilespmem:s19], [sflag:$0x1] =	stream.indirect_vreg.gather [hbm4b:s7+s17], $0x80, v4, vm0, $0xb8;
	[tilespmem:$0x1E200] =	vst v63  }
0x493: {  	s20 =	simm.s32 $0x5200;
	v3 =	vadd.s32 v1, v3  }
0x494: {  	[tilespmem:s20], [sflag:$0x1] =	stream.indirect_vreg.gather [hbm4b:s8+s17], $0x80, v4, vm0, $0xb8;
	[tilespmem:$0x1E200] =	vst v63  }
0x495: {  	_ = 	snop  }
0x496: {  	[tilespmem:s22], [sflag:$0x1] =	stream.indirect_vreg.gather [hbm4b:s9+s17], $0x80, v4, vm0, $0xb8;
	[tilespmem:$0x1E200] =	vst v63  }
0x497: {  	_ = 	snop  }
0x498: {  	[tilespmem:s23], [sflag:$0x1] =	stream.indirect_vreg.gather [hbm4b:s30+s17], $0x80, v3, vm0, $0xb8;
	[tilespmem:$0x1E200] =	vst v63  }
0x499: {  	_ = 	snop  }
0x49a: {  	[tilespmem:s24], [sflag:$0x1] =	stream.indirect_vreg.gather [hbm4b:s7+s17], $0x80, v3, vm0, $0xb8;
	[tilespmem:$0x1E200] =	vst v63  }
0x49b: {  	_ = 	snop  }
0x49c: {  	[tilespmem:s25], [sflag:$0x1] =	stream.indirect_vreg.gather [hbm4b:s8+s17], $0x80, v3, vm0, $0xb8;
	[tilespmem:$0x1E200] =	vst v63  }
0x49d: {  	_ = 	snop  }
0x49e: {  	[tilespmem:s26], [sflag:$0x1] =	stream.indirect_vreg.gather [hbm4b:s9+s17], $0x80, v3, vm0, $0xb8;
	[tilespmem:$0x1E200] =	vst v63  }
0x49f: {  	s18 =	simm.s32 $0x0;
	s21 =	rddreg [dreg:$0x13]  }
0x4a0: {  	[tilespmem:s28], [sflag:$0x4] =	stream.linear.gather [hbm4b:s21+s17], $0x2000, $0x38;
	[tilespmem:$0x1E200] =	vst v63  }
.LBB2_30:
0x4a1: {  	s19 =	sshra.s32 s17, $0x2  }
0x4a2: {  	v3 =	vld [tilespmem:s19+$0x1A270]  }
0x4a3: {  	v4 =	vld [tilespmem:s19+$0x1A200]  }
0x4a4: {  	v5 =	vld [tilespmem:s19+$0x1A210]  }
0x4a5: {  	v6 =	vld [tilespmem:s19+$0x1A220]  }
0x4a6: {  	v7 =	vld [tilespmem:s19+$0x1A230]  }
0x4a7: {  	v8 =	vld [tilespmem:s19+$0x1A240]  }
0x4a8: {  	v9 =	vld [tilespmem:s19+$0x1A250]  }
0x4a9: {  	v10 =	vld [tilespmem:s19+$0x1A260]  }
0x4aa: {  	[tilespmem:s19+$0xE270] =	vst.add.f32.msk $0xffff, v3  }
0x4ab: {  	[tilespmem:s19+$0x8200] =	vst.add.f32.msk $0xffff, v4  }
0x4ac: {  	[tilespmem:s19+$0xA200] =	vst.add.f32.msk $0xffff, v4  }
0x4ad: {  	[tilespmem:s19+$0xC200] =	vst.add.f32.msk $0xffff, v4  }
0x4ae: {  	[tilespmem:s19+$0xE200] =	vst.add.f32.msk $0xffff, v4  }
0x4af: {  	[tilespmem:s19+$0x8210] =	vst.add.f32.msk $0xffff, v5  }
0x4b0: {  	[tilespmem:s19+$0xA210] =	vst.add.f32.msk $0xffff, v5  }
0x4b1: {  	[tilespmem:s19+$0xC210] =	vst.add.f32.msk $0xffff, v5  }
0x4b2: {  	[tilespmem:s19+$0xE210] =	vst.add.f32.msk $0xffff, v5  }
0x4b3: {  	[tilespmem:s19+$0x8220] =	vst.add.f32.msk $0xffff, v6  }
0x4b4: {  	[tilespmem:s19+$0xA220] =	vst.add.f32.msk $0xffff, v6  }
0x4b5: {  	[tilespmem:s19+$0xC220] =	vst.add.f32.msk $0xffff, v6  }
0x4b6: {  	[tilespmem:s19+$0xE220] =	vst.add.f32.msk $0xffff, v6  }
0x4b7: {  	[tilespmem:s19+$0x8230] =	vst.add.f32.msk $0xffff, v7  }
0x4b8: {  	[tilespmem:s19+$0xA230] =	vst.add.f32.msk $0xffff, v7  }
0x4b9: {  	[tilespmem:s19+$0xC230] =	vst.add.f32.msk $0xffff, v7  }
0x4ba: {  	[tilespmem:s19+$0xE230] =	vst.add.f32.msk $0xffff, v7  }
0x4bb: {  	[tilespmem:s19+$0x8240] =	vst.add.f32.msk $0xffff, v8  }
0x4bc: {  	[tilespmem:s19+$0xA240] =	vst.add.f32.msk $0xffff, v8  }
0x4bd: {  	[tilespmem:s19+$0xC240] =	vst.add.f32.msk $0xffff, v8  }
0x4be: {  	[tilespmem:s19+$0xE240] =	vst.add.f32.msk $0xffff, v8  }
0x4bf: {  	[tilespmem:s19+$0x8250] =	vst.add.f32.msk $0xffff, v9  }
0x4c0: {  	[tilespmem:s19+$0xA250] =	vst.add.f32.msk $0xffff, v9  }
0x4c1: {  	[tilespmem:s19+$0xC250] =	vst.add.f32.msk $0xffff, v9  }
0x4c2: {  	[tilespmem:s19+$0xE250] =	vst.add.f32.msk $0xffff, v9  }
0x4c3: {  	[tilespmem:s19+$0x8260] =	vst.add.f32.msk $0xffff, v10  }
0x4c4: {  	[tilespmem:s19+$0xA260] =	vst.add.f32.msk $0xffff, v10  }
0x4c5: {  	[tilespmem:s19+$0xC260] =	vst.add.f32.msk $0xffff, v10  }
0x4c6: {  	[tilespmem:s19+$0xE260] =	vst.add.f32.msk $0xffff, v10  }
0x4c7: {  	[tilespmem:s19+$0x8270] =	vst.add.f32.msk $0xffff, v3  }
0x4c8: {  	s20 =	simm.s32 $0x0;
	s21 =	sadd.s32 $0x1000, s17;
	[tilespmem:s19+$0xA270] =	vst.add.f32.msk $0xffff, v3  }
.LBB2_31:
0x4c9: {  	s20 =	sadd.s32 $0x8, s20;
	[tilespmem:s19+$0xC270] =	vst.add.f32.msk $0xffff, v3;
	s19 =	sshra.s32 s21, $0x2  }
0x4ca: {  	v3 =	vld [tilespmem:s19+$0x1A270];
	p0 =	slt.u32 s20, $0x38  }
0x4cb: {  	v4 =	vld [tilespmem:s19+$0x1A200]  }
0x4cc: {  	v5 =	vld [tilespmem:s19+$0x1A210]  }
0x4cd: {  	v6 =	vld [tilespmem:s19+$0x1A220]  }
0x4ce: {  	v7 =	vld [tilespmem:s19+$0x1A230]  }
0x4cf: {  	[tilespmem:s19+$0xE270] =	vst.add.f32.msk $0xffff, v3  }
0x4d0: {  	v8 =	vld [tilespmem:s19+$0x1A240]  }
0x4d1: {  	v9 =	vld [tilespmem:s19+$0x1A250]  }
0x4d2: {  	v10 =	vld [tilespmem:s19+$0x1A260]  }
0x4d3: {  	[tilespmem:s19+$0x8200] =	vst.add.f32.msk $0xffff, v4  }
0x4d4: {  	[tilespmem:s19+$0xA200] =	vst.add.f32.msk $0xffff, v4  }
0x4d5: {  	[tilespmem:s19+$0xC200] =	vst.add.f32.msk $0xffff, v4  }
0x4d6: {  	[tilespmem:s19+$0xE200] =	vst.add.f32.msk $0xffff, v4  }
0x4d7: {  	[tilespmem:s19+$0x8210] =	vst.add.f32.msk $0xffff, v5  }
0x4d8: {  	[tilespmem:s19+$0xA210] =	vst.add.f32.msk $0xffff, v5  }
0x4d9: {  	[tilespmem:s19+$0xC210] =	vst.add.f32.msk $0xffff, v5  }
0x4da: {  	[tilespmem:s19+$0xE210] =	vst.add.f32.msk $0xffff, v5  }
0x4db: {  	[tilespmem:s19+$0x8220] =	vst.add.f32.msk $0xffff, v6  }
0x4dc: {  	[tilespmem:s19+$0xA220] =	vst.add.f32.msk $0xffff, v6  }
0x4dd: {  	[tilespmem:s19+$0xC220] =	vst.add.f32.msk $0xffff, v6  }
0x4de: {  	[tilespmem:s19+$0xE220] =	vst.add.f32.msk $0xffff, v6  }
0x4df: {  	[tilespmem:s19+$0x8230] =	vst.add.f32.msk $0xffff, v7  }
0x4e0: {  	[tilespmem:s19+$0xA230] =	vst.add.f32.msk $0xffff, v7  }
0x4e1: {  	[tilespmem:s19+$0xC230] =	vst.add.f32.msk $0xffff, v7  }
0x4e2: {  	[tilespmem:s19+$0xE230] =	vst.add.f32.msk $0xffff, v7  }
0x4e3: {  	[tilespmem:s19+$0x8240] =	vst.add.f32.msk $0xffff, v8  }
0x4e4: {  	[tilespmem:s19+$0xA240] =	vst.add.f32.msk $0xffff, v8  }
0x4e5: {  	[tilespmem:s19+$0xC240] =	vst.add.f32.msk $0xffff, v8  }
0x4e6: {  	[tilespmem:s19+$0xE240] =	vst.add.f32.msk $0xffff, v8  }
0x4e7: {  	[tilespmem:s19+$0x8250] =	vst.add.f32.msk $0xffff, v9  }
0x4e8: {  	[tilespmem:s19+$0xA250] =	vst.add.f32.msk $0xffff, v9  }
0x4e9: {  	[tilespmem:s19+$0xC250] =	vst.add.f32.msk $0xffff, v9  }
0x4ea: {  	[tilespmem:s19+$0xE250] =	vst.add.f32.msk $0xffff, v9  }
0x4eb: {  	[tilespmem:s19+$0x8260] =	vst.add.f32.msk $0xffff, v10  }
.Ltmp14:
0x4ec: {  	[tilespmem:s19+$0xA260] =	vst.add.f32.msk $0xffff, v10;
	(pc) =	sbr.rel @p0 .LBB2_31-.Ltmp14, $4  }
0x4ed: {  	[tilespmem:s19+$0xC260] =	vst.add.f32.msk $0xffff, v10  }
0x4ee: {  	[tilespmem:s19+$0xE260] =	vst.add.f32.msk $0xffff, v10  }
0x4ef: {  	[tilespmem:s19+$0x8270] =	vst.add.f32.msk $0xffff, v3  }
0x4f0: {  	s21 =	sadd.s32 $0x1000, s21;
	[tilespmem:s19+$0xA270] =	vst.add.f32.msk $0xffff, v3  }
0x4f1: {  	s18 =	sadd.s32 $0x1, s18  }
0x4f2: {  	p0 =	sne.s32 s18, $0x8  }
.Ltmp15:
0x4f3: {  	_ = 	snop;
	(pc) =	sbr.rel @p0 .LBB2_30-.Ltmp15, $2  }
0x4f4: {  	_ =	sdelay $0x2  }
0x4f5: {  	[tilespmem:s19+$0xC270] =	vst.add.f32.msk $0xffff, v3;
	s17 =	sadd.s32 $0x200, s17  }
0x4f6: {  	s17 =	rddreg [dreg:$0x14]  }
0x4f7: {  	[hbm4b:s17+s4] =	stream.strided.scatter [tilespmem:s31], [sflag:$0x8], $0x8000, s5, s4, $0x38;
	[tilespmem:$0x1E200] =	vst v63  }
0x4f8: {  	_ =	swait.ge [sflag:s12], $0x8000  }
0x4f9: {  	[sflag:s12] =	ssyncset.done $0x0  }
0x4fa: {  	[sflag:s12] =	ssyncadd.s32 $0xFFFF8000  }
0x4fb: {  	_ =	swait.ge [sflag:s13], $0x2000  }
0x4fc: {  	[sflag:s13] =	ssyncset.done $0x0  }
0x4fd: {  	[sflag:s13] =	ssyncadd.s32 $0xFFFFE000  }
0x4fe: {  	_ =	swait.ge [sflag:s14], $0x8000  }
0x4ff: {  	[sflag:s14] =	ssyncset.done $0x0  }
0x500: {  	[sflag:s14] =	ssyncadd.s32 $0xFFFF8000  }
0x501: {  	v3 =	vld [tilespmem:$0x140];
	_ =	sdelay $0x4  }
0x502: {  	v4 =	vshll.u32 v3, $0x3  }
0x503: {  	v3 =	vand.u32 $0x7, v3;
	v4 =	vand.u32 $0xFFFFFFC0, v4  }
0x504: {  	v3 =	vor.u32 v3, v4  }
0x505: {  	v4 =	vperm.xlane v3, v0;
	_ =	sdelay $0x1  }
0x506: {  	v4 =	vadd.s32 v1, v4;
	_ =	sdelay $0x3  }
0x507: {  	s17 =	simm.s32 $0x0  }
0x508: {  	[tilespmem:s31], [sflag:$0x2] =	stream.indirect_vreg.gather [hbm4b:s30+s17], $0x80, v4, vm0, $0xb8;
	[tilespmem:$0x1E200] =	vst v63  }
0x509: {  	s18 =	simm.s32 $0x8A00;
	v3 =	vperm.xlane v3, v2  }
0x50a: {  	[tilespmem:s18], [sflag:$0x2] =	stream.indirect_vreg.gather [hbm4b:s7+s17], $0x80, v4, vm0, $0xb8;
	[tilespmem:$0x1E200] =	vst v63  }
0x50b: {  	s19 =	simm.s32 $0x9200;
	v3 =	vadd.s32 v1, v3  }
0x50c: {  	[tilespmem:s19], [sflag:$0x2] =	stream.indirect_vreg.gather [hbm4b:s8+s17], $0x80, v4, vm0, $0xb8;
	[tilespmem:$0x1E200] =	vst v63  }
0x50d: {  	s20 =	simm.s32 $0x9A00  }
0x50e: {  	[tilespmem:s20], [sflag:$0x2] =	stream.indirect_vreg.gather [hbm4b:s9+s17], $0x80, v4, vm0, $0xb8;
	[tilespmem:$0x1E200] =	vst v63  }
0x50f: {  	s21 =	simm.s32 $0xA200  }
0x510: {  	[tilespmem:s21], [sflag:$0x2] =	stream.indirect_vreg.gather [hbm4b:s30+s17], $0x80, v3, vm0, $0xb8;
	[tilespmem:$0x1E200] =	vst v63  }
0x511: {  	s19 =	simm.s32 $0xAA00  }
0x512: {  	[tilespmem:s19], [sflag:$0x2] =	stream.indirect_vreg.gather [hbm4b:s7+s17], $0x80, v3, vm0, $0xb8;
	[tilespmem:$0x1E200] =	vst v63  }
0x513: {  	s20 =	simm.s32 $0xB200  }
0x514: {  	[tilespmem:s20], [sflag:$0x2] =	stream.indirect_vreg.gather [hbm4b:s8+s17], $0x80, v3, vm0, $0xb8;
	[tilespmem:$0x1E200] =	vst v63  }
0x515: {  	s21 =	simm.s32 $0xBA00  }
0x516: {  	[tilespmem:s21], [sflag:$0x2] =	stream.indirect_vreg.gather [hbm4b:s9+s17], $0x80, v3, vm0, $0xb8;
	[tilespmem:$0x1E200] =	vst v63  }
0x517: {  	v3 =	vld [tilespmem:$0x150];
	_ =	sdelay $0x4  }
0x518: {  	v63 =	vshll.u32 v3, $0x3  }
0x519: {  	v3 =	vand.u32 $0x7, v3;
	v4 =	vand.u32 $0xFFFFFFC0, v63  }
0x51a: {  	v3 =	vor.u32 v3, v4  }
0x51b: {  	v4 =	vperm.xlane v3, v0;
	_ =	sdelay $0x1  }
0x51c: {  	v4 =	vadd.s32 v1, v4;
	_ =	sdelay $0x3  }
0x51d: {  	s19 =	simm.s32 $0xC200  }
0x51e: {  	[tilespmem:s19], [sflag:$0x2] =	stream.indirect_vreg.gather [hbm4b:s30+s17], $0x80, v4, vm0, $0xb8;
	[tilespmem:$0x1E200] =	vst v63  }
0x51f: {  	s20 =	simm.s32 $0xCA00;
	v3 =	vperm.xlane v3, v2  }
0x520: {  	[tilespmem:s20], [sflag:$0x2] =	stream.indirect_vreg.gather [hbm4b:s7+s17], $0x80, v4, vm0, $0xb8;
	[tilespmem:$0x1E200] =	vst v63  }
0x521: {  	s21 =	simm.s32 $0xD200;
	v3 =	vadd.s32 v1, v3  }
0x522: {  	[tilespmem:s21], [sflag:$0x2] =	stream.indirect_vreg.gather [hbm4b:s8+s17], $0x80, v4, vm0, $0xb8;
	[tilespmem:$0x1E200] =	vst v63  }
0x523: {  	s19 =	simm.s32 $0xDA00  }
0x524: {  	[tilespmem:s19], [sflag:$0x2] =	stream.indirect_vreg.gather [hbm4b:s9+s17], $0x80, v4, vm0, $0xb8;
	[tilespmem:$0x1E200] =	vst v63  }
0x525: {  	s20 =	simm.s32 $0xE200  }
0x526: {  	[tilespmem:s20], [sflag:$0x2] =	stream.indirect_vreg.gather [hbm4b:s30+s17], $0x80, v3, vm0, $0xb8;
	[tilespmem:$0x1E200] =	vst v63  }
0x527: {  	s21 =	simm.s32 $0xEA00  }
0x528: {  	[tilespmem:s21], [sflag:$0x2] =	stream.indirect_vreg.gather [hbm4b:s7+s17], $0x80, v3, vm0, $0xb8;
	[tilespmem:$0x1E200] =	vst v63  }
0x529: {  	s19 =	simm.s32 $0xF200  }
0x52a: {  	[tilespmem:s19], [sflag:$0x2] =	stream.indirect_vreg.gather [hbm4b:s8+s17], $0x80, v3, vm0, $0xb8;
	[tilespmem:$0x1E200] =	vst v63  }
0x52b: {  	s20 =	simm.s32 $0xFA00  }
0x52c: {  	[tilespmem:s20], [sflag:$0x2] =	stream.indirect_vreg.gather [hbm4b:s9+s17], $0x80, v3, vm0, $0xb8;
	[tilespmem:$0x1E200] =	vst v63  }
0x52d: {  	s18 =	simm.s32 $0x0;
	s21 =	rddreg [dreg:$0x17];
	s19 =	simm.s32 $0x1A200  }
0x52e: {  	[tilespmem:s19], [sflag:$0x5] =	stream.linear.gather [hbm4b:s21+s17], $0x2000, $0x38;
	[tilespmem:$0x1E200] =	vst v63  }
.LBB2_34:
0x52f: {  	s19 =	sshra.s32 s17, $0x2  }
0x530: {  	v3 =	vld [tilespmem:s19+$0x1C270]  }
0x531: {  	v4 =	vld [tilespmem:s19+$0x1C200]  }
0x532: {  	v5 =	vld [tilespmem:s19+$0x1C210]  }
0x533: {  	v6 =	vld [tilespmem:s19+$0x1C220]  }
0x534: {  	v7 =	vld [tilespmem:s19+$0x1C230]  }
0x535: {  	v8 =	vld [tilespmem:s19+$0x1C240]  }
0x536: {  	v9 =	vld [tilespmem:s19+$0x1C250]  }
0x537: {  	v10 =	vld [tilespmem:s19+$0x1C260]  }
0x538: {  	[tilespmem:s19+$0x16270] =	vst.add.f32.msk $0xffff, v3  }
0x539: {  	[tilespmem:s19+$0x10200] =	vst.add.f32.msk $0xffff, v4  }
0x53a: {  	[tilespmem:s19+$0x12200] =	vst.add.f32.msk $0xffff, v4  }
0x53b: {  	[tilespmem:s19+$0x14200] =	vst.add.f32.msk $0xffff, v4  }
0x53c: {  	[tilespmem:s19+$0x16200] =	vst.add.f32.msk $0xffff, v4  }
0x53d: {  	[tilespmem:s19+$0x10210] =	vst.add.f32.msk $0xffff, v5  }
0x53e: {  	[tilespmem:s19+$0x12210] =	vst.add.f32.msk $0xffff, v5  }
0x53f: {  	[tilespmem:s19+$0x14210] =	vst.add.f32.msk $0xffff, v5  }
0x540: {  	[tilespmem:s19+$0x16210] =	vst.add.f32.msk $0xffff, v5  }
0x541: {  	[tilespmem:s19+$0x10220] =	vst.add.f32.msk $0xffff, v6  }
0x542: {  	[tilespmem:s19+$0x12220] =	vst.add.f32.msk $0xffff, v6  }
0x543: {  	[tilespmem:s19+$0x14220] =	vst.add.f32.msk $0xffff, v6  }
0x544: {  	[tilespmem:s19+$0x16220] =	vst.add.f32.msk $0xffff, v6  }
0x545: {  	[tilespmem:s19+$0x10230] =	vst.add.f32.msk $0xffff, v7  }
0x546: {  	[tilespmem:s19+$0x12230] =	vst.add.f32.msk $0xffff, v7  }
0x547: {  	[tilespmem:s19+$0x14230] =	vst.add.f32.msk $0xffff, v7  }
0x548: {  	[tilespmem:s19+$0x16230] =	vst.add.f32.msk $0xffff, v7  }
0x549: {  	[tilespmem:s19+$0x10240] =	vst.add.f32.msk $0xffff, v8  }
0x54a: {  	[tilespmem:s19+$0x12240] =	vst.add.f32.msk $0xffff, v8  }
0x54b: {  	[tilespmem:s19+$0x14240] =	vst.add.f32.msk $0xffff, v8  }
0x54c: {  	[tilespmem:s19+$0x16240] =	vst.add.f32.msk $0xffff, v8  }
0x54d: {  	[tilespmem:s19+$0x10250] =	vst.add.f32.msk $0xffff, v9  }
0x54e: {  	[tilespmem:s19+$0x12250] =	vst.add.f32.msk $0xffff, v9  }
0x54f: {  	[tilespmem:s19+$0x14250] =	vst.add.f32.msk $0xffff, v9  }
0x550: {  	[tilespmem:s19+$0x16250] =	vst.add.f32.msk $0xffff, v9  }
0x551: {  	[tilespmem:s19+$0x10260] =	vst.add.f32.msk $0xffff, v10  }
0x552: {  	[tilespmem:s19+$0x12260] =	vst.add.f32.msk $0xffff, v10  }
0x553: {  	[tilespmem:s19+$0x14260] =	vst.add.f32.msk $0xffff, v10  }
0x554: {  	[tilespmem:s19+$0x16260] =	vst.add.f32.msk $0xffff, v10  }
0x555: {  	[tilespmem:s19+$0x10270] =	vst.add.f32.msk $0xffff, v3  }
0x556: {  	s20 =	simm.s32 $0x0;
	s21 =	sadd.s32 $0x1000, s17;
	[tilespmem:s19+$0x12270] =	vst.add.f32.msk $0xffff, v3  }
.LBB2_35:
0x557: {  	s20 =	sadd.s32 $0x8, s20;
	[tilespmem:s19+$0x14270] =	vst.add.f32.msk $0xffff, v3;
	s19 =	sshra.s32 s21, $0x2  }
0x558: {  	v3 =	vld [tilespmem:s19+$0x1C270];
	p0 =	slt.u32 s20, $0x38  }
0x559: {  	v4 =	vld [tilespmem:s19+$0x1C200]  }
0x55a: {  	v5 =	vld [tilespmem:s19+$0x1C210]  }
0x55b: {  	v6 =	vld [tilespmem:s19+$0x1C220]  }
0x55c: {  	v7 =	vld [tilespmem:s19+$0x1C230]  }
0x55d: {  	[tilespmem:s19+$0x16270] =	vst.add.f32.msk $0xffff, v3  }
0x55e: {  	v8 =	vld [tilespmem:s19+$0x1C240]  }
0x55f: {  	v9 =	vld [tilespmem:s19+$0x1C250]  }
0x560: {  	v10 =	vld [tilespmem:s19+$0x1C260]  }
0x561: {  	[tilespmem:s19+$0x10200] =	vst.add.f32.msk $0xffff, v4  }
0x562: {  	[tilespmem:s19+$0x12200] =	vst.add.f32.msk $0xffff, v4  }
0x563: {  	[tilespmem:s19+$0x14200] =	vst.add.f32.msk $0xffff, v4  }
0x564: {  	[tilespmem:s19+$0x16200] =	vst.add.f32.msk $0xffff, v4  }
0x565: {  	[tilespmem:s19+$0x10210] =	vst.add.f32.msk $0xffff, v5  }
0x566: {  	[tilespmem:s19+$0x12210] =	vst.add.f32.msk $0xffff, v5  }
0x567: {  	[tilespmem:s19+$0x14210] =	vst.add.f32.msk $0xffff, v5  }
0x568: {  	[tilespmem:s19+$0x16210] =	vst.add.f32.msk $0xffff, v5  }
0x569: {  	[tilespmem:s19+$0x10220] =	vst.add.f32.msk $0xffff, v6  }
0x56a: {  	[tilespmem:s19+$0x12220] =	vst.add.f32.msk $0xffff, v6  }
0x56b: {  	[tilespmem:s19+$0x14220] =	vst.add.f32.msk $0xffff, v6  }
0x56c: {  	[tilespmem:s19+$0x16220] =	vst.add.f32.msk $0xffff, v6  }
0x56d: {  	[tilespmem:s19+$0x10230] =	vst.add.f32.msk $0xffff, v7  }
0x56e: {  	[tilespmem:s19+$0x12230] =	vst.add.f32.msk $0xffff, v7  }
0x56f: {  	[tilespmem:s19+$0x14230] =	vst.add.f32.msk $0xffff, v7  }
0x570: {  	[tilespmem:s19+$0x16230] =	vst.add.f32.msk $0xffff, v7  }
0x571: {  	[tilespmem:s19+$0x10240] =	vst.add.f32.msk $0xffff, v8  }
0x572: {  	[tilespmem:s19+$0x12240] =	vst.add.f32.msk $0xffff, v8  }
0x573: {  	[tilespmem:s19+$0x14240] =	vst.add.f32.msk $0xffff, v8  }
0x574: {  	[tilespmem:s19+$0x16240] =	vst.add.f32.msk $0xffff, v8  }
0x575: {  	[tilespmem:s19+$0x10250] =	vst.add.f32.msk $0xffff, v9  }
0x576: {  	[tilespmem:s19+$0x12250] =	vst.add.f32.msk $0xffff, v9  }
0x577: {  	[tilespmem:s19+$0x14250] =	vst.add.f32.msk $0xffff, v9  }
0x578: {  	[tilespmem:s19+$0x16250] =	vst.add.f32.msk $0xffff, v9  }
0x579: {  	[tilespmem:s19+$0x10260] =	vst.add.f32.msk $0xffff, v10  }
.Ltmp16:
0x57a: {  	[tilespmem:s19+$0x12260] =	vst.add.f32.msk $0xffff, v10;
	(pc) =	sbr.rel @p0 .LBB2_35-.Ltmp16, $4  }
0x57b: {  	[tilespmem:s19+$0x14260] =	vst.add.f32.msk $0xffff, v10  }
0x57c: {  	[tilespmem:s19+$0x16260] =	vst.add.f32.msk $0xffff, v10  }
0x57d: {  	[tilespmem:s19+$0x10270] =	vst.add.f32.msk $0xffff, v3  }
0x57e: {  	s21 =	sadd.s32 $0x1000, s21;
	[tilespmem:s19+$0x12270] =	vst.add.f32.msk $0xffff, v3  }
0x57f: {  	s18 =	sadd.s32 $0x1, s18  }
0x580: {  	p0 =	sne.s32 s18, $0x8  }
.Ltmp17:
0x581: {  	_ = 	snop;
	(pc) =	sbr.rel @p0 .LBB2_34-.Ltmp17, $2  }
0x582: {  	_ =	sdelay $0x2  }
0x583: {  	[tilespmem:s19+$0x14270] =	vst.add.f32.msk $0xffff, v3;
	s17 =	sadd.s32 $0x200, s17  }
0x584: {  	s17 =	rddreg [dreg:$0x15]  }
0x585: {  	[hbm4b:s17+s4] =	stream.strided.scatter [tilespmem:s2], [sflag:$0x9], $0x8000, s5, s4, $0x38;
	[tilespmem:$0x1E200] =	vst v63  }
0x586: {  	_ =	swait.ge [sflag:s29], $0x8000  }
0x587: {  	[sflag:s29] =	ssyncset.done $0x0  }
0x588: {  	[sflag:s29] =	ssyncadd.s32 $0xFFFF8000  }
0x589: {  	_ =	swait.ge [sflag:s0], $0x2000  }
0x58a: {  	[sflag:s0] =	ssyncset.done $0x0  }
0x58b: {  	[sflag:s0] =	ssyncadd.s32 $0xFFFFE000  }
0x58c: {  	_ =	swait.ge [sflag:s15], $0x8000  }
0x58d: {  	[sflag:s15] =	ssyncset.done $0x0  }
0x58e: {  	[sflag:s15] =	ssyncadd.s32 $0xFFFF8000  }
0x58f: {  	v3 =	vld [tilespmem:$0x160];
	_ =	sdelay $0x4  }
0x590: {  	v4 =	vshll.u32 v3, $0x3  }
0x591: {  	v3 =	vand.u32 $0x7, v3;
	v4 =	vand.u32 $0xFFFFFFC0, v4  }
0x592: {  	v3 =	vor.u32 v3, v4  }
0x593: {  	v4 =	vperm.xlane v3, v0;
	_ =	sdelay $0x1  }
0x594: {  	v4 =	vadd.s32 v1, v4;
	_ =	sdelay $0x3  }
0x595: {  	s17 =	simm.s32 $0x0  }
0x596: {  	[tilespmem:s2], [sflag:$0x3] =	stream.indirect_vreg.gather [hbm4b:s30+s17], $0x80, v4, vm0, $0xb8;
	[tilespmem:$0x1E200] =	vst v63  }
0x597: {  	s18 =	simm.s32 $0x10A00;
	v3 =	vperm.xlane v3, v2  }
0x598: {  	[tilespmem:s18], [sflag:$0x3] =	stream.indirect_vreg.gather [hbm4b:s7+s17], $0x80, v4, vm0, $0xb8;
	[tilespmem:$0x1E200] =	vst v63  }
0x599: {  	s19 =	simm.s32 $0x11200;
	v3 =	vadd.s32 v1, v3  }
0x59a: {  	[tilespmem:s19], [sflag:$0x3] =	stream.indirect_vreg.gather [hbm4b:s8+s17], $0x80, v4, vm0, $0xb8;
	[tilespmem:$0x1E200] =	vst v63  }
0x59b: {  	s20 =	simm.s32 $0x11A00  }
0x59c: {  	[tilespmem:s20], [sflag:$0x3] =	stream.indirect_vreg.gather [hbm4b:s9+s17], $0x80, v4, vm0, $0xb8;
	[tilespmem:$0x1E200] =	vst v63  }
0x59d: {  	s21 =	simm.s32 $0x12200  }
0x59e: {  	[tilespmem:s21], [sflag:$0x3] =	stream.indirect_vreg.gather [hbm4b:s30+s17], $0x80, v3, vm0, $0xb8;
	[tilespmem:$0x1E200] =	vst v63  }
0x59f: {  	s19 =	simm.s32 $0x12A00  }
0x5a0: {  	[tilespmem:s19], [sflag:$0x3] =	stream.indirect_vreg.gather [hbm4b:s7+s17], $0x80, v3, vm0, $0xb8;
	[tilespmem:$0x1E200] =	vst v63  }
0x5a1: {  	s20 =	simm.s32 $0x13200  }
0x5a2: {  	[tilespmem:s20], [sflag:$0x3] =	stream.indirect_vreg.gather [hbm4b:s8+s17], $0x80, v3, vm0, $0xb8;
	[tilespmem:$0x1E200] =	vst v63  }
0x5a3: {  	s21 =	simm.s32 $0x13A00  }
0x5a4: {  	[tilespmem:s21], [sflag:$0x3] =	stream.indirect_vreg.gather [hbm4b:s9+s17], $0x80, v3, vm0, $0xb8;
	[tilespmem:$0x1E200] =	vst v63  }
0x5a5: {  	v3 =	vld [tilespmem:$0x170];
	_ =	sdelay $0x4  }
0x5a6: {  	v63 =	vshll.u32 v3, $0x3  }
0x5a7: {  	v3 =	vand.u32 $0x7, v3;
	v4 =	vand.u32 $0xFFFFFFC0, v63  }
0x5a8: {  	v3 =	vor.u32 v3, v4  }
0x5a9: {  	v4 =	vperm.xlane v3, v0;
	_ =	sdelay $0x1  }
0x5aa: {  	v4 =	vadd.s32 v1, v4;
	_ =	sdelay $0x3  }
0x5ab: {  	s19 =	simm.s32 $0x14200  }
0x5ac: {  	[tilespmem:s19], [sflag:$0x3] =	stream.indirect_vreg.gather [hbm4b:s30+s17], $0x80, v4, vm0, $0xb8;
	[tilespmem:$0x1E200] =	vst v63  }
0x5ad: {  	s20 =	simm.s32 $0x14A00;
	v3 =	vperm.xlane v3, v2  }
0x5ae: {  	[tilespmem:s20], [sflag:$0x3] =	stream.indirect_vreg.gather [hbm4b:s7+s17], $0x80, v4, vm0, $0xb8;
	[tilespmem:$0x1E200] =	vst v63  }
0x5af: {  	s21 =	simm.s32 $0x15200;
	v3 =	vadd.s32 v1, v3  }
0x5b0: {  	[tilespmem:s21], [sflag:$0x3] =	stream.indirect_vreg.gather [hbm4b:s8+s17], $0x80, v4, vm0, $0xb8;
	[tilespmem:$0x1E200] =	vst v63  }
0x5b1: {  	s19 =	simm.s32 $0x15A00  }
0x5b2: {  	[tilespmem:s19], [sflag:$0x3] =	stream.indirect_vreg.gather [hbm4b:s9+s17], $0x80, v4, vm0, $0xb8;
	[tilespmem:$0x1E200] =	vst v63  }
0x5b3: {  	s20 =	simm.s32 $0x16200  }
0x5b4: {  	[tilespmem:s20], [sflag:$0x3] =	stream.indirect_vreg.gather [hbm4b:s30+s17], $0x80, v3, vm0, $0xb8;
	[tilespmem:$0x1E200] =	vst v63  }
0x5b5: {  	s21 =	simm.s32 $0x16A00  }
0x5b6: {  	[tilespmem:s21], [sflag:$0x3] =	stream.indirect_vreg.gather [hbm4b:s7+s17], $0x80, v3, vm0, $0xb8;
	[tilespmem:$0x1E200] =	vst v63  }
0x5b7: {  	s19 =	simm.s32 $0x17200  }
0x5b8: {  	[tilespmem:s19], [sflag:$0x3] =	stream.indirect_vreg.gather [hbm4b:s8+s17], $0x80, v3, vm0, $0xb8;
	[tilespmem:$0x1E200] =	vst v63  }
0x5b9: {  	s20 =	simm.s32 $0x17A00  }
0x5ba: {  	[tilespmem:s20], [sflag:$0x3] =	stream.indirect_vreg.gather [hbm4b:s9+s17], $0x80, v3, vm0, $0xb8;
	[tilespmem:$0x1E200] =	vst v63  }
0x5bb: {  	s18 =	simm.s32 $0x0;
	s21 =	rddreg [dreg:$0x19];
	s19 =	simm.s32 $0x1C200  }
0x5bc: {  	[tilespmem:s19], [sflag:$0x6] =	stream.linear.gather [hbm4b:s21+s17], $0x2000, $0x38;
	[tilespmem:$0x1E200] =	vst v63  }
.LBB2_38:
0x5bd: {  	s19 =	sshra.s32 s17, $0x2  }
0x5be: {  	v3 =	vld [tilespmem:s19+$0x18270]  }
0x5bf: {  	v4 =	vld [tilespmem:s19+$0x18200]  }
0x5c0: {  	v5 =	vld [tilespmem:s19+$0x18210]  }
0x5c1: {  	v6 =	vld [tilespmem:s19+$0x18220]  }
0x5c2: {  	v7 =	vld [tilespmem:s19+$0x18230]  }
0x5c3: {  	v8 =	vld [tilespmem:s19+$0x18240]  }
0x5c4: {  	v9 =	vld [tilespmem:s19+$0x18250]  }
0x5c5: {  	v10 =	vld [tilespmem:s19+$0x18260]  }
0x5c6: {  	[tilespmem:s19+$0x6270] =	vst.add.f32.msk $0xffff, v3  }
0x5c7: {  	[tilespmem:s19+$0x200] =	vst.add.f32.msk $0xffff, v4  }
0x5c8: {  	[tilespmem:s19+$0x2200] =	vst.add.f32.msk $0xffff, v4  }
0x5c9: {  	[tilespmem:s19+$0x4200] =	vst.add.f32.msk $0xffff, v4  }
0x5ca: {  	[tilespmem:s19+$0x6200] =	vst.add.f32.msk $0xffff, v4  }
0x5cb: {  	[tilespmem:s19+$0x210] =	vst.add.f32.msk $0xffff, v5  }
0x5cc: {  	[tilespmem:s19+$0x2210] =	vst.add.f32.msk $0xffff, v5  }
0x5cd: {  	[tilespmem:s19+$0x4210] =	vst.add.f32.msk $0xffff, v5  }
0x5ce: {  	[tilespmem:s19+$0x6210] =	vst.add.f32.msk $0xffff, v5  }
0x5cf: {  	[tilespmem:s19+$0x220] =	vst.add.f32.msk $0xffff, v6  }
0x5d0: {  	[tilespmem:s19+$0x2220] =	vst.add.f32.msk $0xffff, v6  }
0x5d1: {  	[tilespmem:s19+$0x4220] =	vst.add.f32.msk $0xffff, v6  }
0x5d2: {  	[tilespmem:s19+$0x6220] =	vst.add.f32.msk $0xffff, v6  }
0x5d3: {  	[tilespmem:s19+$0x230] =	vst.add.f32.msk $0xffff, v7  }
0x5d4: {  	[tilespmem:s19+$0x2230] =	vst.add.f32.msk $0xffff, v7  }
0x5d5: {  	[tilespmem:s19+$0x4230] =	vst.add.f32.msk $0xffff, v7  }
0x5d6: {  	[tilespmem:s19+$0x6230] =	vst.add.f32.msk $0xffff, v7  }
0x5d7: {  	[tilespmem:s19+$0x240] =	vst.add.f32.msk $0xffff, v8  }
0x5d8: {  	[tilespmem:s19+$0x2240] =	vst.add.f32.msk $0xffff, v8  }
0x5d9: {  	[tilespmem:s19+$0x4240] =	vst.add.f32.msk $0xffff, v8  }
0x5da: {  	[tilespmem:s19+$0x6240] =	vst.add.f32.msk $0xffff, v8  }
0x5db: {  	[tilespmem:s19+$0x250] =	vst.add.f32.msk $0xffff, v9  }
0x5dc: {  	[tilespmem:s19+$0x2250] =	vst.add.f32.msk $0xffff, v9  }
0x5dd: {  	[tilespmem:s19+$0x4250] =	vst.add.f32.msk $0xffff, v9  }
0x5de: {  	[tilespmem:s19+$0x6250] =	vst.add.f32.msk $0xffff, v9  }
0x5df: {  	[tilespmem:s19+$0x260] =	vst.add.f32.msk $0xffff, v10  }
0x5e0: {  	[tilespmem:s19+$0x2260] =	vst.add.f32.msk $0xffff, v10  }
0x5e1: {  	[tilespmem:s19+$0x4260] =	vst.add.f32.msk $0xffff, v10  }
0x5e2: {  	[tilespmem:s19+$0x6260] =	vst.add.f32.msk $0xffff, v10  }
0x5e3: {  	[tilespmem:s19+$0x270] =	vst.add.f32.msk $0xffff, v3  }
0x5e4: {  	s20 =	simm.s32 $0x0;
	s21 =	sadd.s32 $0x1000, s17;
	[tilespmem:s19+$0x2270] =	vst.add.f32.msk $0xffff, v3  }
.LBB2_39:
0x5e5: {  	s20 =	sadd.s32 $0x8, s20;
	[tilespmem:s19+$0x4270] =	vst.add.f32.msk $0xffff, v3;
	s19 =	sshra.s32 s21, $0x2  }
0x5e6: {  	v3 =	vld [tilespmem:s19+$0x18270];
	p0 =	slt.u32 s20, $0x38  }
0x5e7: {  	v4 =	vld [tilespmem:s19+$0x18200]  }
0x5e8: {  	v5 =	vld [tilespmem:s19+$0x18210]  }
0x5e9: {  	v6 =	vld [tilespmem:s19+$0x18220]  }
0x5ea: {  	v7 =	vld [tilespmem:s19+$0x18230]  }
0x5eb: {  	[tilespmem:s19+$0x6270] =	vst.add.f32.msk $0xffff, v3  }
0x5ec: {  	v8 =	vld [tilespmem:s19+$0x18240]  }
0x5ed: {  	v9 =	vld [tilespmem:s19+$0x18250]  }
0x5ee: {  	v10 =	vld [tilespmem:s19+$0x18260]  }
0x5ef: {  	[tilespmem:s19+$0x200] =	vst.add.f32.msk $0xffff, v4  }
0x5f0: {  	[tilespmem:s19+$0x2200] =	vst.add.f32.msk $0xffff, v4  }
0x5f1: {  	[tilespmem:s19+$0x4200] =	vst.add.f32.msk $0xffff, v4  }
0x5f2: {  	[tilespmem:s19+$0x6200] =	vst.add.f32.msk $0xffff, v4  }
0x5f3: {  	[tilespmem:s19+$0x210] =	vst.add.f32.msk $0xffff, v5  }
0x5f4: {  	[tilespmem:s19+$0x2210] =	vst.add.f32.msk $0xffff, v5  }
0x5f5: {  	[tilespmem:s19+$0x4210] =	vst.add.f32.msk $0xffff, v5  }
0x5f6: {  	[tilespmem:s19+$0x6210] =	vst.add.f32.msk $0xffff, v5  }
0x5f7: {  	[tilespmem:s19+$0x220] =	vst.add.f32.msk $0xffff, v6  }
0x5f8: {  	[tilespmem:s19+$0x2220] =	vst.add.f32.msk $0xffff, v6  }
0x5f9: {  	[tilespmem:s19+$0x4220] =	vst.add.f32.msk $0xffff, v6  }
0x5fa: {  	[tilespmem:s19+$0x6220] =	vst.add.f32.msk $0xffff, v6  }
0x5fb: {  	[tilespmem:s19+$0x230] =	vst.add.f32.msk $0xffff, v7  }
0x5fc: {  	[tilespmem:s19+$0x2230] =	vst.add.f32.msk $0xffff, v7  }
0x5fd: {  	[tilespmem:s19+$0x4230] =	vst.add.f32.msk $0xffff, v7  }
0x5fe: {  	[tilespmem:s19+$0x6230] =	vst.add.f32.msk $0xffff, v7  }
0x5ff: {  	[tilespmem:s19+$0x240] =	vst.add.f32.msk $0xffff, v8  }
0x600: {  	[tilespmem:s19+$0x2240] =	vst.add.f32.msk $0xffff, v8  }
0x601: {  	[tilespmem:s19+$0x4240] =	vst.add.f32.msk $0xffff, v8  }
0x602: {  	[tilespmem:s19+$0x6240] =	vst.add.f32.msk $0xffff, v8  }
0x603: {  	[tilespmem:s19+$0x250] =	vst.add.f32.msk $0xffff, v9  }
0x604: {  	[tilespmem:s19+$0x2250] =	vst.add.f32.msk $0xffff, v9  }
0x605: {  	[tilespmem:s19+$0x4250] =	vst.add.f32.msk $0xffff, v9  }
0x606: {  	[tilespmem:s19+$0x6250] =	vst.add.f32.msk $0xffff, v9  }
0x607: {  	[tilespmem:s19+$0x260] =	vst.add.f32.msk $0xffff, v10  }
.Ltmp18:
0x608: {  	[tilespmem:s19+$0x2260] =	vst.add.f32.msk $0xffff, v10;
	(pc) =	sbr.rel @p0 .LBB2_39-.Ltmp18, $4  }
0x609: {  	[tilespmem:s19+$0x4260] =	vst.add.f32.msk $0xffff, v10  }
0x60a: {  	[tilespmem:s19+$0x6260] =	vst.add.f32.msk $0xffff, v10  }
0x60b: {  	[tilespmem:s19+$0x270] =	vst.add.f32.msk $0xffff, v3  }
0x60c: {  	s21 =	sadd.s32 $0x1000, s21;
	[tilespmem:s19+$0x2270] =	vst.add.f32.msk $0xffff, v3  }
0x60d: {  	s18 =	sadd.s32 $0x1, s18  }
0x60e: {  	p0 =	sne.s32 s18, $0x8  }
.Ltmp19:
0x60f: {  	_ = 	snop;
	(pc) =	sbr.rel @p0 .LBB2_38-.Ltmp19, $2  }
0x610: {  	_ =	sdelay $0x2  }
0x611: {  	[tilespmem:s19+$0x4270] =	vst.add.f32.msk $0xffff, v3;
	s17 =	sadd.s32 $0x200, s17  }
0x612: {  	s17 =	rddreg [dreg:$0x16]  }
0x613: {  	[hbm4b:s17+s4] =	stream.strided.scatter [tilespmem:s11], [sflag:$0x7], $0x8000, s5, s4, $0x38;
	[tilespmem:$0x1E200] =	vst v63  }
0x614: {  	_ =	swait.ge [sflag:s6], $0x8000  }
0x615: {  	[sflag:s6] =	ssyncset.done $0x0  }
0x616: {  	[sflag:s6] =	ssyncadd.s32 $0xFFFF8000  }
0x617: {  	_ =	swait.ge [sflag:s10], $0x2000  }
0x618: {  	[sflag:s10] =	ssyncset.done $0x0  }
0x619: {  	[sflag:s10] =	ssyncadd.s32 $0xFFFFE000  }
0x61a: {  	_ =	swait.ge [sflag:s3], $0x8000  }
0x61b: {  	[sflag:s3] =	ssyncset.done $0x0  }
0x61c: {  	[sflag:s3] =	ssyncadd.s32 $0xFFFF8000  }
0x61d: {  	v3 =	vld [tilespmem:$0x180];
	_ =	sdelay $0x4  }
0x61e: {  	v4 =	vshll.u32 v3, $0x3  }
0x61f: {  	v3 =	vand.u32 $0x7, v3;
	v4 =	vand.u32 $0xFFFFFFC0, v4  }
0x620: {  	v3 =	vor.u32 v3, v4  }
0x621: {  	v4 =	vperm.xlane v3, v0;
	_ =	sdelay $0x1  }
0x622: {  	v4 =	vadd.s32 v1, v4;
	_ =	sdelay $0x3  }
0x623: {  	s17 =	simm.s32 $0x0  }
0x624: {  	[tilespmem:s11], [sflag:$0x1] =	stream.indirect_vreg.gather [hbm4b:s30+s17], $0x80, v4, vm0, $0xb8;
	[tilespmem:$0x1E200] =	vst v63  }
0x625: {  	s18 =	simm.s32 $0xA00;
	v3 =	vperm.xlane v3, v2  }
0x626: {  	[tilespmem:s18], [sflag:$0x1] =	stream.indirect_vreg.gather [hbm4b:s7+s17], $0x80, v4, vm0, $0xb8;
	[tilespmem:$0x1E200] =	vst v63  }
0x627: {  	s21 =	simm.s32 $0x1200;
	v3 =	vadd.s32 v1, v3  }
0x628: {  	[tilespmem:s21], [sflag:$0x1] =	stream.indirect_vreg.gather [hbm4b:s8+s17], $0x80, v4, vm0, $0xb8;
	[tilespmem:$0x1E200] =	vst v63  }
0x629: {  	s19 =	simm.s32 $0x1A00  }
0x62a: {  	[tilespmem:s19], [sflag:$0x1] =	stream.indirect_vreg.gather [hbm4b:s9+s17], $0x80, v4, vm0, $0xb8;
	[tilespmem:$0x1E200] =	vst v63  }
0x62b: {  	s20 =	simm.s32 $0x2200  }
0x62c: {  	[tilespmem:s20], [sflag:$0x1] =	stream.indirect_vreg.gather [hbm4b:s30+s17], $0x80, v3, vm0, $0xb8;
	[tilespmem:$0x1E200] =	vst v63  }
0x62d: {  	s21 =	simm.s32 $0x2A00  }
0x62e: {  	[tilespmem:s21], [sflag:$0x1] =	stream.indirect_vreg.gather [hbm4b:s7+s17], $0x80, v3, vm0, $0xb8;
	[tilespmem:$0x1E200] =	vst v63  }
0x62f: {  	s19 =	simm.s32 $0x3200  }
0x630: {  	[tilespmem:s19], [sflag:$0x1] =	stream.indirect_vreg.gather [hbm4b:s8+s17], $0x80, v3, vm0, $0xb8;
	[tilespmem:$0x1E200] =	vst v63  }
0x631: {  	s20 =	simm.s32 $0x3A00  }
0x632: {  	[tilespmem:s20], [sflag:$0x1] =	stream.indirect_vreg.gather [hbm4b:s9+s17], $0x80, v3, vm0, $0xb8;
	[tilespmem:$0x1E200] =	vst v63  }
0x633: {  	v3 =	vld [tilespmem:$0x190];
	_ =	sdelay $0x4  }
0x634: {  	v63 =	vshll.u32 v3, $0x3  }
0x635: {  	v3 =	vand.u32 $0x7, v3;
	v4 =	vand.u32 $0xFFFFFFC0, v63  }
0x636: {  	v3 =	vor.u32 v3, v4  }
0x637: {  	v4 =	vperm.xlane v3, v0;
	_ =	sdelay $0x1  }
0x638: {  	v4 =	vadd.s32 v1, v4;
	_ =	sdelay $0x3  }
0x639: {  	s21 =	simm.s32 $0x4200  }
0x63a: {  	[tilespmem:s21], [sflag:$0x1] =	stream.indirect_vreg.gather [hbm4b:s30+s17], $0x80, v4, vm0, $0xb8;
	[tilespmem:$0x1E200] =	vst v63  }
0x63b: {  	s19 =	simm.s32 $0x4A00;
	v3 =	vperm.xlane v3, v2  }
0x63c: {  	[tilespmem:s19], [sflag:$0x1] =	stream.indirect_vreg.gather [hbm4b:s7+s17], $0x80, v4, vm0, $0xb8;
	[tilespmem:$0x1E200] =	vst v63  }
0x63d: {  	s20 =	simm.s32 $0x5200;
	v3 =	vadd.s32 v1, v3  }
0x63e: {  	[tilespmem:s20], [sflag:$0x1] =	stream.indirect_vreg.gather [hbm4b:s8+s17], $0x80, v4, vm0, $0xb8;
	[tilespmem:$0x1E200] =	vst v63  }
0x63f: {  	_ = 	snop  }
0x640: {  	[tilespmem:s22], [sflag:$0x1] =	stream.indirect_vreg.gather [hbm4b:s9+s17], $0x80, v4, vm0, $0xb8;
	[tilespmem:$0x1E200] =	vst v63  }
0x641: {  	_ = 	snop  }
0x642: {  	[tilespmem:s23], [sflag:$0x1] =	stream.indirect_vreg.gather [hbm4b:s30+s17], $0x80, v3, vm0, $0xb8;
	[tilespmem:$0x1E200] =	vst v63  }
0x643: {  	_ = 	snop  }
0x644: {  	[tilespmem:s24], [sflag:$0x1] =	stream.indirect_vreg.gather [hbm4b:s7+s17], $0x80, v3, vm0, $0xb8;
	[tilespmem:$0x1E200] =	vst v63  }
0x645: {  	_ = 	snop  }
0x646: {  	[tilespmem:s25], [sflag:$0x1] =	stream.indirect_vreg.gather [hbm4b:s8+s17], $0x80, v3, vm0, $0xb8;
	[tilespmem:$0x1E200] =	vst v63  }
0x647: {  	_ = 	snop  }
0x648: {  	[tilespmem:s26], [sflag:$0x1] =	stream.indirect_vreg.gather [hbm4b:s9+s17], $0x80, v3, vm0, $0xb8;
	[tilespmem:$0x1E200] =	vst v63  }
0x649: {  	s18 =	simm.s32 $0x0;
	s21 =	rddreg [dreg:$0x1b]  }
0x64a: {  	[tilespmem:s28], [sflag:$0x4] =	stream.linear.gather [hbm4b:s21+s17], $0x2000, $0x38;
	[tilespmem:$0x1E200] =	vst v63  }
.LBB2_42:
0x64b: {  	s19 =	sshra.s32 s17, $0x2  }
0x64c: {  	v3 =	vld [tilespmem:s19+$0x1A270]  }
0x64d: {  	v4 =	vld [tilespmem:s19+$0x1A200]  }
0x64e: {  	v5 =	vld [tilespmem:s19+$0x1A210]  }
0x64f: {  	v6 =	vld [tilespmem:s19+$0x1A220]  }
0x650: {  	v7 =	vld [tilespmem:s19+$0x1A230]  }
0x651: {  	v8 =	vld [tilespmem:s19+$0x1A240]  }
0x652: {  	v9 =	vld [tilespmem:s19+$0x1A250]  }
0x653: {  	v10 =	vld [tilespmem:s19+$0x1A260]  }
0x654: {  	[tilespmem:s19+$0xE270] =	vst.add.f32.msk $0xffff, v3  }
0x655: {  	[tilespmem:s19+$0x8200] =	vst.add.f32.msk $0xffff, v4  }
0x656: {  	[tilespmem:s19+$0xA200] =	vst.add.f32.msk $0xffff, v4  }
0x657: {  	[tilespmem:s19+$0xC200] =	vst.add.f32.msk $0xffff, v4  }
0x658: {  	[tilespmem:s19+$0xE200] =	vst.add.f32.msk $0xffff, v4  }
0x659: {  	[tilespmem:s19+$0x8210] =	vst.add.f32.msk $0xffff, v5  }
0x65a: {  	[tilespmem:s19+$0xA210] =	vst.add.f32.msk $0xffff, v5  }
0x65b: {  	[tilespmem:s19+$0xC210] =	vst.add.f32.msk $0xffff, v5  }
0x65c: {  	[tilespmem:s19+$0xE210] =	vst.add.f32.msk $0xffff, v5  }
0x65d: {  	[tilespmem:s19+$0x8220] =	vst.add.f32.msk $0xffff, v6  }
0x65e: {  	[tilespmem:s19+$0xA220] =	vst.add.f32.msk $0xffff, v6  }
0x65f: {  	[tilespmem:s19+$0xC220] =	vst.add.f32.msk $0xffff, v6  }
0x660: {  	[tilespmem:s19+$0xE220] =	vst.add.f32.msk $0xffff, v6  }
0x661: {  	[tilespmem:s19+$0x8230] =	vst.add.f32.msk $0xffff, v7  }
0x662: {  	[tilespmem:s19+$0xA230] =	vst.add.f32.msk $0xffff, v7  }
0x663: {  	[tilespmem:s19+$0xC230] =	vst.add.f32.msk $0xffff, v7  }
0x664: {  	[tilespmem:s19+$0xE230] =	vst.add.f32.msk $0xffff, v7  }
0x665: {  	[tilespmem:s19+$0x8240] =	vst.add.f32.msk $0xffff, v8  }
0x666: {  	[tilespmem:s19+$0xA240] =	vst.add.f32.msk $0xffff, v8  }
0x667: {  	[tilespmem:s19+$0xC240] =	vst.add.f32.msk $0xffff, v8  }
0x668: {  	[tilespmem:s19+$0xE240] =	vst.add.f32.msk $0xffff, v8  }
0x669: {  	[tilespmem:s19+$0x8250] =	vst.add.f32.msk $0xffff, v9  }
0x66a: {  	[tilespmem:s19+$0xA250] =	vst.add.f32.msk $0xffff, v9  }
0x66b: {  	[tilespmem:s19+$0xC250] =	vst.add.f32.msk $0xffff, v9  }
0x66c: {  	[tilespmem:s19+$0xE250] =	vst.add.f32.msk $0xffff, v9  }
0x66d: {  	[tilespmem:s19+$0x8260] =	vst.add.f32.msk $0xffff, v10  }
0x66e: {  	[tilespmem:s19+$0xA260] =	vst.add.f32.msk $0xffff, v10  }
0x66f: {  	[tilespmem:s19+$0xC260] =	vst.add.f32.msk $0xffff, v10  }
0x670: {  	[tilespmem:s19+$0xE260] =	vst.add.f32.msk $0xffff, v10  }
0x671: {  	[tilespmem:s19+$0x8270] =	vst.add.f32.msk $0xffff, v3  }
0x672: {  	s20 =	simm.s32 $0x0;
	s21 =	sadd.s32 $0x1000, s17;
	[tilespmem:s19+$0xA270] =	vst.add.f32.msk $0xffff, v3  }
.LBB2_43:
0x673: {  	s20 =	sadd.s32 $0x8, s20;
	[tilespmem:s19+$0xC270] =	vst.add.f32.msk $0xffff, v3;
	s19 =	sshra.s32 s21, $0x2  }
0x674: {  	v3 =	vld [tilespmem:s19+$0x1A270];
	p0 =	slt.u32 s20, $0x38  }
0x675: {  	v4 =	vld [tilespmem:s19+$0x1A200]  }
0x676: {  	v5 =	vld [tilespmem:s19+$0x1A210]  }
0x677: {  	v6 =	vld [tilespmem:s19+$0x1A220]  }
0x678: {  	v7 =	vld [tilespmem:s19+$0x1A230]  }
0x679: {  	[tilespmem:s19+$0xE270] =	vst.add.f32.msk $0xffff, v3  }
0x67a: {  	v8 =	vld [tilespmem:s19+$0x1A240]  }
0x67b: {  	v9 =	vld [tilespmem:s19+$0x1A250]  }
0x67c: {  	v10 =	vld [tilespmem:s19+$0x1A260]  }
0x67d: {  	[tilespmem:s19+$0x8200] =	vst.add.f32.msk $0xffff, v4  }
0x67e: {  	[tilespmem:s19+$0xA200] =	vst.add.f32.msk $0xffff, v4  }
0x67f: {  	[tilespmem:s19+$0xC200] =	vst.add.f32.msk $0xffff, v4  }
0x680: {  	[tilespmem:s19+$0xE200] =	vst.add.f32.msk $0xffff, v4  }
0x681: {  	[tilespmem:s19+$0x8210] =	vst.add.f32.msk $0xffff, v5  }
0x682: {  	[tilespmem:s19+$0xA210] =	vst.add.f32.msk $0xffff, v5  }
0x683: {  	[tilespmem:s19+$0xC210] =	vst.add.f32.msk $0xffff, v5  }
0x684: {  	[tilespmem:s19+$0xE210] =	vst.add.f32.msk $0xffff, v5  }
0x685: {  	[tilespmem:s19+$0x8220] =	vst.add.f32.msk $0xffff, v6  }
0x686: {  	[tilespmem:s19+$0xA220] =	vst.add.f32.msk $0xffff, v6  }
0x687: {  	[tilespmem:s19+$0xC220] =	vst.add.f32.msk $0xffff, v6  }
0x688: {  	[tilespmem:s19+$0xE220] =	vst.add.f32.msk $0xffff, v6  }
0x689: {  	[tilespmem:s19+$0x8230] =	vst.add.f32.msk $0xffff, v7  }
0x68a: {  	[tilespmem:s19+$0xA230] =	vst.add.f32.msk $0xffff, v7  }
0x68b: {  	[tilespmem:s19+$0xC230] =	vst.add.f32.msk $0xffff, v7  }
0x68c: {  	[tilespmem:s19+$0xE230] =	vst.add.f32.msk $0xffff, v7  }
0x68d: {  	[tilespmem:s19+$0x8240] =	vst.add.f32.msk $0xffff, v8  }
0x68e: {  	[tilespmem:s19+$0xA240] =	vst.add.f32.msk $0xffff, v8  }
0x68f: {  	[tilespmem:s19+$0xC240] =	vst.add.f32.msk $0xffff, v8  }
0x690: {  	[tilespmem:s19+$0xE240] =	vst.add.f32.msk $0xffff, v8  }
0x691: {  	[tilespmem:s19+$0x8250] =	vst.add.f32.msk $0xffff, v9  }
0x692: {  	[tilespmem:s19+$0xA250] =	vst.add.f32.msk $0xffff, v9  }
0x693: {  	[tilespmem:s19+$0xC250] =	vst.add.f32.msk $0xffff, v9  }
0x694: {  	[tilespmem:s19+$0xE250] =	vst.add.f32.msk $0xffff, v9  }
0x695: {  	[tilespmem:s19+$0x8260] =	vst.add.f32.msk $0xffff, v10  }
.Ltmp20:
0x696: {  	[tilespmem:s19+$0xA260] =	vst.add.f32.msk $0xffff, v10;
	(pc) =	sbr.rel @p0 .LBB2_43-.Ltmp20, $4  }
0x697: {  	[tilespmem:s19+$0xC260] =	vst.add.f32.msk $0xffff, v10  }
0x698: {  	[tilespmem:s19+$0xE260] =	vst.add.f32.msk $0xffff, v10  }
0x699: {  	[tilespmem:s19+$0x8270] =	vst.add.f32.msk $0xffff, v3  }
0x69a: {  	s21 =	sadd.s32 $0x1000, s21;
	[tilespmem:s19+$0xA270] =	vst.add.f32.msk $0xffff, v3  }
0x69b: {  	s18 =	sadd.s32 $0x1, s18  }
0x69c: {  	p0 =	sne.s32 s18, $0x8  }
.Ltmp21:
0x69d: {  	_ = 	snop;
	(pc) =	sbr.rel @p0 .LBB2_42-.Ltmp21, $2  }
0x69e: {  	_ =	sdelay $0x2  }
0x69f: {  	[tilespmem:s19+$0xC270] =	vst.add.f32.msk $0xffff, v3;
	s17 =	sadd.s32 $0x200, s17  }
0x6a0: {  	s17 =	rddreg [dreg:$0x18]  }
0x6a1: {  	[hbm4b:s17+s4] =	stream.strided.scatter [tilespmem:s31], [sflag:$0x8], $0x8000, s5, s4, $0x38;
	[tilespmem:$0x1E200] =	vst v63  }
0x6a2: {  	_ =	swait.ge [sflag:s12], $0x8000  }
0x6a3: {  	[sflag:s12] =	ssyncset.done $0x0  }
0x6a4: {  	[sflag:s12] =	ssyncadd.s32 $0xFFFF8000  }
0x6a5: {  	_ =	swait.ge [sflag:s13], $0x2000  }
0x6a6: {  	[sflag:s13] =	ssyncset.done $0x0  }
0x6a7: {  	[sflag:s13] =	ssyncadd.s32 $0xFFFFE000  }
0x6a8: {  	_ =	swait.ge [sflag:s14], $0x8000  }
0x6a9: {  	[sflag:s14] =	ssyncset.done $0x0  }
0x6aa: {  	[sflag:s14] =	ssyncadd.s32 $0xFFFF8000  }
0x6ab: {  	v3 =	vld [tilespmem:$0x1A0];
	_ =	sdelay $0x4  }
0x6ac: {  	v4 =	vshll.u32 v3, $0x3  }
0x6ad: {  	v3 =	vand.u32 $0x7, v3;
	v4 =	vand.u32 $0xFFFFFFC0, v4  }
0x6ae: {  	v3 =	vor.u32 v3, v4  }
0x6af: {  	v4 =	vperm.xlane v3, v0;
	_ =	sdelay $0x1  }
0x6b0: {  	v4 =	vadd.s32 v1, v4;
	_ =	sdelay $0x3  }
0x6b1: {  	s17 =	simm.s32 $0x0  }
0x6b2: {  	[tilespmem:s31], [sflag:$0x2] =	stream.indirect_vreg.gather [hbm4b:s30+s17], $0x80, v4, vm0, $0xb8;
	[tilespmem:$0x1E200] =	vst v63  }
0x6b3: {  	s18 =	simm.s32 $0x8A00;
	v3 =	vperm.xlane v3, v2  }
0x6b4: {  	[tilespmem:s18], [sflag:$0x2] =	stream.indirect_vreg.gather [hbm4b:s7+s17], $0x80, v4, vm0, $0xb8;
	[tilespmem:$0x1E200] =	vst v63  }
0x6b5: {  	s19 =	simm.s32 $0x9200;
	v3 =	vadd.s32 v1, v3  }
0x6b6: {  	[tilespmem:s19], [sflag:$0x2] =	stream.indirect_vreg.gather [hbm4b:s8+s17], $0x80, v4, vm0, $0xb8;
	[tilespmem:$0x1E200] =	vst v63  }
0x6b7: {  	s20 =	simm.s32 $0x9A00  }
0x6b8: {  	[tilespmem:s20], [sflag:$0x2] =	stream.indirect_vreg.gather [hbm4b:s9+s17], $0x80, v4, vm0, $0xb8;
	[tilespmem:$0x1E200] =	vst v63  }
0x6b9: {  	s21 =	simm.s32 $0xA200  }
0x6ba: {  	[tilespmem:s21], [sflag:$0x2] =	stream.indirect_vreg.gather [hbm4b:s30+s17], $0x80, v3, vm0, $0xb8;
	[tilespmem:$0x1E200] =	vst v63  }
0x6bb: {  	s19 =	simm.s32 $0xAA00  }
0x6bc: {  	[tilespmem:s19], [sflag:$0x2] =	stream.indirect_vreg.gather [hbm4b:s7+s17], $0x80, v3, vm0, $0xb8;
	[tilespmem:$0x1E200] =	vst v63  }
0x6bd: {  	s20 =	simm.s32 $0xB200  }
0x6be: {  	[tilespmem:s20], [sflag:$0x2] =	stream.indirect_vreg.gather [hbm4b:s8+s17], $0x80, v3, vm0, $0xb8;
	[tilespmem:$0x1E200] =	vst v63  }
0x6bf: {  	s21 =	simm.s32 $0xBA00  }
0x6c0: {  	[tilespmem:s21], [sflag:$0x2] =	stream.indirect_vreg.gather [hbm4b:s9+s17], $0x80, v3, vm0, $0xb8;
	[tilespmem:$0x1E200] =	vst v63  }
0x6c1: {  	v3 =	vld [tilespmem:$0x1B0];
	_ =	sdelay $0x4  }
0x6c2: {  	v63 =	vshll.u32 v3, $0x3  }
0x6c3: {  	v3 =	vand.u32 $0x7, v3;
	v4 =	vand.u32 $0xFFFFFFC0, v63  }
0x6c4: {  	v3 =	vor.u32 v3, v4  }
0x6c5: {  	v4 =	vperm.xlane v3, v0;
	_ =	sdelay $0x1  }
0x6c6: {  	v4 =	vadd.s32 v1, v4;
	_ =	sdelay $0x3  }
0x6c7: {  	s19 =	simm.s32 $0xC200  }
0x6c8: {  	[tilespmem:s19], [sflag:$0x2] =	stream.indirect_vreg.gather [hbm4b:s30+s17], $0x80, v4, vm0, $0xb8;
	[tilespmem:$0x1E200] =	vst v63  }
0x6c9: {  	s20 =	simm.s32 $0xCA00;
	v3 =	vperm.xlane v3, v2  }
0x6ca: {  	[tilespmem:s20], [sflag:$0x2] =	stream.indirect_vreg.gather [hbm4b:s7+s17], $0x80, v4, vm0, $0xb8;
	[tilespmem:$0x1E200] =	vst v63  }
0x6cb: {  	s21 =	simm.s32 $0xD200;
	v3 =	vadd.s32 v1, v3  }
0x6cc: {  	[tilespmem:s21], [sflag:$0x2] =	stream.indirect_vreg.gather [hbm4b:s8+s17], $0x80, v4, vm0, $0xb8;
	[tilespmem:$0x1E200] =	vst v63  }
0x6cd: {  	s19 =	simm.s32 $0xDA00  }
0x6ce: {  	[tilespmem:s19], [sflag:$0x2] =	stream.indirect_vreg.gather [hbm4b:s9+s17], $0x80, v4, vm0, $0xb8;
	[tilespmem:$0x1E200] =	vst v63  }
0x6cf: {  	s20 =	simm.s32 $0xE200  }
0x6d0: {  	[tilespmem:s20], [sflag:$0x2] =	stream.indirect_vreg.gather [hbm4b:s30+s17], $0x80, v3, vm0, $0xb8;
	[tilespmem:$0x1E200] =	vst v63  }
0x6d1: {  	s21 =	simm.s32 $0xEA00  }
0x6d2: {  	[tilespmem:s21], [sflag:$0x2] =	stream.indirect_vreg.gather [hbm4b:s7+s17], $0x80, v3, vm0, $0xb8;
	[tilespmem:$0x1E200] =	vst v63  }
0x6d3: {  	s19 =	simm.s32 $0xF200  }
0x6d4: {  	[tilespmem:s19], [sflag:$0x2] =	stream.indirect_vreg.gather [hbm4b:s8+s17], $0x80, v3, vm0, $0xb8;
	[tilespmem:$0x1E200] =	vst v63  }
0x6d5: {  	s20 =	simm.s32 $0xFA00  }
0x6d6: {  	[tilespmem:s20], [sflag:$0x2] =	stream.indirect_vreg.gather [hbm4b:s9+s17], $0x80, v3, vm0, $0xb8;
	[tilespmem:$0x1E200] =	vst v63  }
0x6d7: {  	s18 =	simm.s32 $0x0;
	s21 =	rddreg [dreg:$0x1f];
	s19 =	simm.s32 $0x1A200  }
0x6d8: {  	[tilespmem:s19], [sflag:$0x5] =	stream.linear.gather [hbm4b:s21+s17], $0x2000, $0x38;
	[tilespmem:$0x1E200] =	vst v63  }
.LBB2_46:
0x6d9: {  	s19 =	sshra.s32 s17, $0x2  }
0x6da: {  	v3 =	vld [tilespmem:s19+$0x1C270]  }
0x6db: {  	v4 =	vld [tilespmem:s19+$0x1C200]  }
0x6dc: {  	v5 =	vld [tilespmem:s19+$0x1C210]  }
0x6dd: {  	v6 =	vld [tilespmem:s19+$0x1C220]  }
0x6de: {  	v7 =	vld [tilespmem:s19+$0x1C230]  }
0x6df: {  	v8 =	vld [tilespmem:s19+$0x1C240]  }
0x6e0: {  	v9 =	vld [tilespmem:s19+$0x1C250]  }
0x6e1: {  	v10 =	vld [tilespmem:s19+$0x1C260]  }
0x6e2: {  	[tilespmem:s19+$0x16270] =	vst.add.f32.msk $0xffff, v3  }
0x6e3: {  	[tilespmem:s19+$0x10200] =	vst.add.f32.msk $0xffff, v4  }
0x6e4: {  	[tilespmem:s19+$0x12200] =	vst.add.f32.msk $0xffff, v4  }
0x6e5: {  	[tilespmem:s19+$0x14200] =	vst.add.f32.msk $0xffff, v4  }
0x6e6: {  	[tilespmem:s19+$0x16200] =	vst.add.f32.msk $0xffff, v4  }
0x6e7: {  	[tilespmem:s19+$0x10210] =	vst.add.f32.msk $0xffff, v5  }
0x6e8: {  	[tilespmem:s19+$0x12210] =	vst.add.f32.msk $0xffff, v5  }
0x6e9: {  	[tilespmem:s19+$0x14210] =	vst.add.f32.msk $0xffff, v5  }
0x6ea: {  	[tilespmem:s19+$0x16210] =	vst.add.f32.msk $0xffff, v5  }
0x6eb: {  	[tilespmem:s19+$0x10220] =	vst.add.f32.msk $0xffff, v6  }
0x6ec: {  	[tilespmem:s19+$0x12220] =	vst.add.f32.msk $0xffff, v6  }
0x6ed: {  	[tilespmem:s19+$0x14220] =	vst.add.f32.msk $0xffff, v6  }
0x6ee: {  	[tilespmem:s19+$0x16220] =	vst.add.f32.msk $0xffff, v6  }
0x6ef: {  	[tilespmem:s19+$0x10230] =	vst.add.f32.msk $0xffff, v7  }
0x6f0: {  	[tilespmem:s19+$0x12230] =	vst.add.f32.msk $0xffff, v7  }
0x6f1: {  	[tilespmem:s19+$0x14230] =	vst.add.f32.msk $0xffff, v7  }
0x6f2: {  	[tilespmem:s19+$0x16230] =	vst.add.f32.msk $0xffff, v7  }
0x6f3: {  	[tilespmem:s19+$0x10240] =	vst.add.f32.msk $0xffff, v8  }
0x6f4: {  	[tilespmem:s19+$0x12240] =	vst.add.f32.msk $0xffff, v8  }
0x6f5: {  	[tilespmem:s19+$0x14240] =	vst.add.f32.msk $0xffff, v8  }
0x6f6: {  	[tilespmem:s19+$0x16240] =	vst.add.f32.msk $0xffff, v8  }
0x6f7: {  	[tilespmem:s19+$0x10250] =	vst.add.f32.msk $0xffff, v9  }
0x6f8: {  	[tilespmem:s19+$0x12250] =	vst.add.f32.msk $0xffff, v9  }
0x6f9: {  	[tilespmem:s19+$0x14250] =	vst.add.f32.msk $0xffff, v9  }
0x6fa: {  	[tilespmem:s19+$0x16250] =	vst.add.f32.msk $0xffff, v9  }
0x6fb: {  	[tilespmem:s19+$0x10260] =	vst.add.f32.msk $0xffff, v10  }
0x6fc: {  	[tilespmem:s19+$0x12260] =	vst.add.f32.msk $0xffff, v10  }
0x6fd: {  	[tilespmem:s19+$0x14260] =	vst.add.f32.msk $0xffff, v10  }
0x6fe: {  	[tilespmem:s19+$0x16260] =	vst.add.f32.msk $0xffff, v10  }
0x6ff: {  	[tilespmem:s19+$0x10270] =	vst.add.f32.msk $0xffff, v3  }
0x700: {  	s20 =	simm.s32 $0x0;
	s21 =	sadd.s32 $0x1000, s17;
	[tilespmem:s19+$0x12270] =	vst.add.f32.msk $0xffff, v3  }
.LBB2_47:
0x701: {  	s20 =	sadd.s32 $0x8, s20;
	[tilespmem:s19+$0x14270] =	vst.add.f32.msk $0xffff, v3;
	s19 =	sshra.s32 s21, $0x2  }
0x702: {  	v3 =	vld [tilespmem:s19+$0x1C270];
	p0 =	slt.u32 s20, $0x38  }
0x703: {  	v4 =	vld [tilespmem:s19+$0x1C200]  }
0x704: {  	v5 =	vld [tilespmem:s19+$0x1C210]  }
0x705: {  	v6 =	vld [tilespmem:s19+$0x1C220]  }
0x706: {  	v7 =	vld [tilespmem:s19+$0x1C230]  }
0x707: {  	[tilespmem:s19+$0x16270] =	vst.add.f32.msk $0xffff, v3  }
0x708: {  	v8 =	vld [tilespmem:s19+$0x1C240]  }
0x709: {  	v9 =	vld [tilespmem:s19+$0x1C250]  }
0x70a: {  	v10 =	vld [tilespmem:s19+$0x1C260]  }
0x70b: {  	[tilespmem:s19+$0x10200] =	vst.add.f32.msk $0xffff, v4  }
0x70c: {  	[tilespmem:s19+$0x12200] =	vst.add.f32.msk $0xffff, v4  }
0x70d: {  	[tilespmem:s19+$0x14200] =	vst.add.f32.msk $0xffff, v4  }
0x70e: {  	[tilespmem:s19+$0x16200] =	vst.add.f32.msk $0xffff, v4  }
0x70f: {  	[tilespmem:s19+$0x10210] =	vst.add.f32.msk $0xffff, v5  }
0x710: {  	[tilespmem:s19+$0x12210] =	vst.add.f32.msk $0xffff, v5  }
0x711: {  	[tilespmem:s19+$0x14210] =	vst.add.f32.msk $0xffff, v5  }
0x712: {  	[tilespmem:s19+$0x16210] =	vst.add.f32.msk $0xffff, v5  }
0x713: {  	[tilespmem:s19+$0x10220] =	vst.add.f32.msk $0xffff, v6  }
0x714: {  	[tilespmem:s19+$0x12220] =	vst.add.f32.msk $0xffff, v6  }
0x715: {  	[tilespmem:s19+$0x14220] =	vst.add.f32.msk $0xffff, v6  }
0x716: {  	[tilespmem:s19+$0x16220] =	vst.add.f32.msk $0xffff, v6  }
0x717: {  	[tilespmem:s19+$0x10230] =	vst.add.f32.msk $0xffff, v7  }
0x718: {  	[tilespmem:s19+$0x12230] =	vst.add.f32.msk $0xffff, v7  }
0x719: {  	[tilespmem:s19+$0x14230] =	vst.add.f32.msk $0xffff, v7  }
0x71a: {  	[tilespmem:s19+$0x16230] =	vst.add.f32.msk $0xffff, v7  }
0x71b: {  	[tilespmem:s19+$0x10240] =	vst.add.f32.msk $0xffff, v8  }
0x71c: {  	[tilespmem:s19+$0x12240] =	vst.add.f32.msk $0xffff, v8  }
0x71d: {  	[tilespmem:s19+$0x14240] =	vst.add.f32.msk $0xffff, v8  }
0x71e: {  	[tilespmem:s19+$0x16240] =	vst.add.f32.msk $0xffff, v8  }
0x71f: {  	[tilespmem:s19+$0x10250] =	vst.add.f32.msk $0xffff, v9  }
0x720: {  	[tilespmem:s19+$0x12250] =	vst.add.f32.msk $0xffff, v9  }
0x721: {  	[tilespmem:s19+$0x14250] =	vst.add.f32.msk $0xffff, v9  }
0x722: {  	[tilespmem:s19+$0x16250] =	vst.add.f32.msk $0xffff, v9  }
0x723: {  	[tilespmem:s19+$0x10260] =	vst.add.f32.msk $0xffff, v10  }
.Ltmp22:
0x724: {  	[tilespmem:s19+$0x12260] =	vst.add.f32.msk $0xffff, v10;
	(pc) =	sbr.rel @p0 .LBB2_47-.Ltmp22, $4  }
0x725: {  	[tilespmem:s19+$0x14260] =	vst.add.f32.msk $0xffff, v10  }
0x726: {  	[tilespmem:s19+$0x16260] =	vst.add.f32.msk $0xffff, v10  }
0x727: {  	[tilespmem:s19+$0x10270] =	vst.add.f32.msk $0xffff, v3  }
0x728: {  	s21 =	sadd.s32 $0x1000, s21;
	[tilespmem:s19+$0x12270] =	vst.add.f32.msk $0xffff, v3  }
0x729: {  	s18 =	sadd.s32 $0x1, s18  }
0x72a: {  	p0 =	sne.s32 s18, $0x8  }
.Ltmp23:
0x72b: {  	_ = 	snop;
	(pc) =	sbr.rel @p0 .LBB2_46-.Ltmp23, $2  }
0x72c: {  	_ =	sdelay $0x2  }
0x72d: {  	[tilespmem:s19+$0x14270] =	vst.add.f32.msk $0xffff, v3;
	s17 =	sadd.s32 $0x200, s17  }
0x72e: {  	s17 =	rddreg [dreg:$0x1a]  }
0x72f: {  	[hbm4b:s17+s4] =	stream.strided.scatter [tilespmem:s2], [sflag:$0x9], $0x8000, s5, s4, $0x38;
	[tilespmem:$0x1E200] =	vst v63  }
0x730: {  	_ =	swait.ge [sflag:s29], $0x8000  }
0x731: {  	[sflag:s29] =	ssyncset.done $0x0  }
0x732: {  	[sflag:s29] =	ssyncadd.s32 $0xFFFF8000  }
0x733: {  	_ =	swait.ge [sflag:s0], $0x2000  }
0x734: {  	[sflag:s0] =	ssyncset.done $0x0  }
0x735: {  	[sflag:s0] =	ssyncadd.s32 $0xFFFFE000  }
0x736: {  	_ =	swait.ge [sflag:s15], $0x8000  }
0x737: {  	[sflag:s15] =	ssyncset.done $0x0  }
0x738: {  	[sflag:s15] =	ssyncadd.s32 $0xFFFF8000  }
0x739: {  	v3 =	vld [tilespmem:$0x1C0];
	_ =	sdelay $0x4  }
0x73a: {  	v4 =	vshll.u32 v3, $0x3  }
0x73b: {  	v3 =	vand.u32 $0x7, v3;
	v4 =	vand.u32 $0xFFFFFFC0, v4  }
0x73c: {  	v3 =	vor.u32 v3, v4  }
0x73d: {  	v4 =	vperm.xlane v3, v0;
	_ =	sdelay $0x1  }
0x73e: {  	v4 =	vadd.s32 v1, v4;
	_ =	sdelay $0x3  }
0x73f: {  	s17 =	simm.s32 $0x0  }
0x740: {  	[tilespmem:s2], [sflag:$0x3] =	stream.indirect_vreg.gather [hbm4b:s30+s17], $0x80, v4, vm0, $0xb8;
	[tilespmem:$0x1E200] =	vst v63  }
0x741: {  	s18 =	simm.s32 $0x10A00;
	v3 =	vperm.xlane v3, v2  }
0x742: {  	[tilespmem:s18], [sflag:$0x3] =	stream.indirect_vreg.gather [hbm4b:s7+s17], $0x80, v4, vm0, $0xb8;
	[tilespmem:$0x1E200] =	vst v63  }
0x743: {  	s19 =	simm.s32 $0x11200;
	v3 =	vadd.s32 v1, v3  }
0x744: {  	[tilespmem:s19], [sflag:$0x3] =	stream.indirect_vreg.gather [hbm4b:s8+s17], $0x80, v4, vm0, $0xb8;
	[tilespmem:$0x1E200] =	vst v63  }
0x745: {  	s20 =	simm.s32 $0x11A00  }
0x746: {  	[tilespmem:s20], [sflag:$0x3] =	stream.indirect_vreg.gather [hbm4b:s9+s17], $0x80, v4, vm0, $0xb8;
	[tilespmem:$0x1E200] =	vst v63  }
0x747: {  	s21 =	simm.s32 $0x12200  }
0x748: {  	[tilespmem:s21], [sflag:$0x3] =	stream.indirect_vreg.gather [hbm4b:s30+s17], $0x80, v3, vm0, $0xb8;
	[tilespmem:$0x1E200] =	vst v63  }
0x749: {  	s19 =	simm.s32 $0x12A00  }
0x74a: {  	[tilespmem:s19], [sflag:$0x3] =	stream.indirect_vreg.gather [hbm4b:s7+s17], $0x80, v3, vm0, $0xb8;
	[tilespmem:$0x1E200] =	vst v63  }
0x74b: {  	s20 =	simm.s32 $0x13200  }
0x74c: {  	[tilespmem:s20], [sflag:$0x3] =	stream.indirect_vreg.gather [hbm4b:s8+s17], $0x80, v3, vm0, $0xb8;
	[tilespmem:$0x1E200] =	vst v63  }
0x74d: {  	s21 =	simm.s32 $0x13A00  }
0x74e: {  	[tilespmem:s21], [sflag:$0x3] =	stream.indirect_vreg.gather [hbm4b:s9+s17], $0x80, v3, vm0, $0xb8;
	[tilespmem:$0x1E200] =	vst v63  }
0x74f: {  	v3 =	vld [tilespmem:$0x1D0];
	_ =	sdelay $0x4  }
0x750: {  	v63 =	vshll.u32 v3, $0x3  }
0x751: {  	v3 =	vand.u32 $0x7, v3;
	v4 =	vand.u32 $0xFFFFFFC0, v63  }
0x752: {  	v3 =	vor.u32 v3, v4  }
0x753: {  	v4 =	vperm.xlane v3, v0;
	_ =	sdelay $0x1  }
0x754: {  	v4 =	vadd.s32 v1, v4;
	_ =	sdelay $0x3  }
0x755: {  	s19 =	simm.s32 $0x14200  }
0x756: {  	[tilespmem:s19], [sflag:$0x3] =	stream.indirect_vreg.gather [hbm4b:s30+s17], $0x80, v4, vm0, $0xb8;
	[tilespmem:$0x1E200] =	vst v63  }
0x757: {  	s20 =	simm.s32 $0x14A00;
	v3 =	vperm.xlane v3, v2  }
0x758: {  	[tilespmem:s20], [sflag:$0x3] =	stream.indirect_vreg.gather [hbm4b:s7+s17], $0x80, v4, vm0, $0xb8;
	[tilespmem:$0x1E200] =	vst v63  }
0x759: {  	s21 =	simm.s32 $0x15200;
	v3 =	vadd.s32 v1, v3  }
0x75a: {  	[tilespmem:s21], [sflag:$0x3] =	stream.indirect_vreg.gather [hbm4b:s8+s17], $0x80, v4, vm0, $0xb8;
	[tilespmem:$0x1E200] =	vst v63  }
0x75b: {  	s19 =	simm.s32 $0x15A00  }
0x75c: {  	[tilespmem:s19], [sflag:$0x3] =	stream.indirect_vreg.gather [hbm4b:s9+s17], $0x80, v4, vm0, $0xb8;
	[tilespmem:$0x1E200] =	vst v63  }
0x75d: {  	s20 =	simm.s32 $0x16200  }
0x75e: {  	[tilespmem:s20], [sflag:$0x3] =	stream.indirect_vreg.gather [hbm4b:s30+s17], $0x80, v3, vm0, $0xb8;
	[tilespmem:$0x1E200] =	vst v63  }
0x75f: {  	s21 =	simm.s32 $0x16A00  }
0x760: {  	[tilespmem:s21], [sflag:$0x3] =	stream.indirect_vreg.gather [hbm4b:s7+s17], $0x80, v3, vm0, $0xb8;
	[tilespmem:$0x1E200] =	vst v63  }
0x761: {  	s19 =	simm.s32 $0x17200  }
0x762: {  	[tilespmem:s19], [sflag:$0x3] =	stream.indirect_vreg.gather [hbm4b:s8+s17], $0x80, v3, vm0, $0xb8;
	[tilespmem:$0x1E200] =	vst v63  }
0x763: {  	s20 =	simm.s32 $0x17A00;
	s21 =	sld [smem:$0x7F7]  }
0x764: {  	[tilespmem:s20], [sflag:$0x3] =	stream.indirect_vreg.gather [hbm4b:s9+s17], $0x80, v3, vm0, $0xb8;
	[tilespmem:$0x1E200] =	vst v63  }
0x765: {  	s18 =	simm.s32 $0x0;
	s19 =	simm.s32 $0x1C200  }
0x766: {  	[tilespmem:s19], [sflag:$0x6] =	stream.linear.gather [hbm4b:s21+s17], $0x2000, $0x38;
	[tilespmem:$0x1E200] =	vst v63  }
.LBB2_50:
0x767: {  	s19 =	sshra.s32 s17, $0x2  }
0x768: {  	v3 =	vld [tilespmem:s19+$0x18270]  }
0x769: {  	v4 =	vld [tilespmem:s19+$0x18200]  }
0x76a: {  	v5 =	vld [tilespmem:s19+$0x18210]  }
0x76b: {  	v6 =	vld [tilespmem:s19+$0x18220]  }
0x76c: {  	v7 =	vld [tilespmem:s19+$0x18230]  }
0x76d: {  	v8 =	vld [tilespmem:s19+$0x18240]  }
0x76e: {  	v9 =	vld [tilespmem:s19+$0x18250]  }
0x76f: {  	v10 =	vld [tilespmem:s19+$0x18260]  }
0x770: {  	[tilespmem:s19+$0x6270] =	vst.add.f32.msk $0xffff, v3  }
0x771: {  	[tilespmem:s19+$0x200] =	vst.add.f32.msk $0xffff, v4  }
0x772: {  	[tilespmem:s19+$0x2200] =	vst.add.f32.msk $0xffff, v4  }
0x773: {  	[tilespmem:s19+$0x4200] =	vst.add.f32.msk $0xffff, v4  }
0x774: {  	[tilespmem:s19+$0x6200] =	vst.add.f32.msk $0xffff, v4  }
0x775: {  	[tilespmem:s19+$0x210] =	vst.add.f32.msk $0xffff, v5  }
0x776: {  	[tilespmem:s19+$0x2210] =	vst.add.f32.msk $0xffff, v5  }
0x777: {  	[tilespmem:s19+$0x4210] =	vst.add.f32.msk $0xffff, v5  }
0x778: {  	[tilespmem:s19+$0x6210] =	vst.add.f32.msk $0xffff, v5  }
0x779: {  	[tilespmem:s19+$0x220] =	vst.add.f32.msk $0xffff, v6  }
0x77a: {  	[tilespmem:s19+$0x2220] =	vst.add.f32.msk $0xffff, v6  }
0x77b: {  	[tilespmem:s19+$0x4220] =	vst.add.f32.msk $0xffff, v6  }
0x77c: {  	[tilespmem:s19+$0x6220] =	vst.add.f32.msk $0xffff, v6  }
0x77d: {  	[tilespmem:s19+$0x230] =	vst.add.f32.msk $0xffff, v7  }
0x77e: {  	[tilespmem:s19+$0x2230] =	vst.add.f32.msk $0xffff, v7  }
0x77f: {  	[tilespmem:s19+$0x4230] =	vst.add.f32.msk $0xffff, v7  }
0x780: {  	[tilespmem:s19+$0x6230] =	vst.add.f32.msk $0xffff, v7  }
0x781: {  	[tilespmem:s19+$0x240] =	vst.add.f32.msk $0xffff, v8  }
0x782: {  	[tilespmem:s19+$0x2240] =	vst.add.f32.msk $0xffff, v8  }
0x783: {  	[tilespmem:s19+$0x4240] =	vst.add.f32.msk $0xffff, v8  }
0x784: {  	[tilespmem:s19+$0x6240] =	vst.add.f32.msk $0xffff, v8  }
0x785: {  	[tilespmem:s19+$0x250] =	vst.add.f32.msk $0xffff, v9  }
0x786: {  	[tilespmem:s19+$0x2250] =	vst.add.f32.msk $0xffff, v9  }
0x787: {  	[tilespmem:s19+$0x4250] =	vst.add.f32.msk $0xffff, v9  }
0x788: {  	[tilespmem:s19+$0x6250] =	vst.add.f32.msk $0xffff, v9  }
0x789: {  	[tilespmem:s19+$0x260] =	vst.add.f32.msk $0xffff, v10  }
0x78a: {  	[tilespmem:s19+$0x2260] =	vst.add.f32.msk $0xffff, v10  }
0x78b: {  	[tilespmem:s19+$0x4260] =	vst.add.f32.msk $0xffff, v10  }
0x78c: {  	[tilespmem:s19+$0x6260] =	vst.add.f32.msk $0xffff, v10  }
0x78d: {  	[tilespmem:s19+$0x270] =	vst.add.f32.msk $0xffff, v3  }
0x78e: {  	s20 =	simm.s32 $0x0;
	s21 =	sadd.s32 $0x1000, s17;
	[tilespmem:s19+$0x2270] =	vst.add.f32.msk $0xffff, v3  }
.LBB2_51:
0x78f: {  	s20 =	sadd.s32 $0x8, s20;
	[tilespmem:s19+$0x4270] =	vst.add.f32.msk $0xffff, v3;
	s19 =	sshra.s32 s21, $0x2  }
0x790: {  	v3 =	vld [tilespmem:s19+$0x18270];
	p0 =	slt.u32 s20, $0x38  }
0x791: {  	v4 =	vld [tilespmem:s19+$0x18200]  }
0x792: {  	v5 =	vld [tilespmem:s19+$0x18210]  }
0x793: {  	v6 =	vld [tilespmem:s19+$0x18220]  }
0x794: {  	v7 =	vld [tilespmem:s19+$0x18230]  }
0x795: {  	[tilespmem:s19+$0x6270] =	vst.add.f32.msk $0xffff, v3  }
0x796: {  	v8 =	vld [tilespmem:s19+$0x18240]  }
0x797: {  	v9 =	vld [tilespmem:s19+$0x18250]  }
0x798: {  	v10 =	vld [tilespmem:s19+$0x18260]  }
0x799: {  	[tilespmem:s19+$0x200] =	vst.add.f32.msk $0xffff, v4  }
0x79a: {  	[tilespmem:s19+$0x2200] =	vst.add.f32.msk $0xffff, v4  }
0x79b: {  	[tilespmem:s19+$0x4200] =	vst.add.f32.msk $0xffff, v4  }
0x79c: {  	[tilespmem:s19+$0x6200] =	vst.add.f32.msk $0xffff, v4  }
0x79d: {  	[tilespmem:s19+$0x210] =	vst.add.f32.msk $0xffff, v5  }
0x79e: {  	[tilespmem:s19+$0x2210] =	vst.add.f32.msk $0xffff, v5  }
0x79f: {  	[tilespmem:s19+$0x4210] =	vst.add.f32.msk $0xffff, v5  }
0x7a0: {  	[tilespmem:s19+$0x6210] =	vst.add.f32.msk $0xffff, v5  }
0x7a1: {  	[tilespmem:s19+$0x220] =	vst.add.f32.msk $0xffff, v6  }
0x7a2: {  	[tilespmem:s19+$0x2220] =	vst.add.f32.msk $0xffff, v6  }
0x7a3: {  	[tilespmem:s19+$0x4220] =	vst.add.f32.msk $0xffff, v6  }
0x7a4: {  	[tilespmem:s19+$0x6220] =	vst.add.f32.msk $0xffff, v6  }
0x7a5: {  	[tilespmem:s19+$0x230] =	vst.add.f32.msk $0xffff, v7  }
0x7a6: {  	[tilespmem:s19+$0x2230] =	vst.add.f32.msk $0xffff, v7  }
0x7a7: {  	[tilespmem:s19+$0x4230] =	vst.add.f32.msk $0xffff, v7  }
0x7a8: {  	[tilespmem:s19+$0x6230] =	vst.add.f32.msk $0xffff, v7  }
0x7a9: {  	[tilespmem:s19+$0x240] =	vst.add.f32.msk $0xffff, v8  }
0x7aa: {  	[tilespmem:s19+$0x2240] =	vst.add.f32.msk $0xffff, v8  }
0x7ab: {  	[tilespmem:s19+$0x4240] =	vst.add.f32.msk $0xffff, v8  }
0x7ac: {  	[tilespmem:s19+$0x6240] =	vst.add.f32.msk $0xffff, v8  }
0x7ad: {  	[tilespmem:s19+$0x250] =	vst.add.f32.msk $0xffff, v9  }
0x7ae: {  	[tilespmem:s19+$0x2250] =	vst.add.f32.msk $0xffff, v9  }
0x7af: {  	[tilespmem:s19+$0x4250] =	vst.add.f32.msk $0xffff, v9  }
0x7b0: {  	[tilespmem:s19+$0x6250] =	vst.add.f32.msk $0xffff, v9  }
0x7b1: {  	[tilespmem:s19+$0x260] =	vst.add.f32.msk $0xffff, v10  }
.Ltmp24:
0x7b2: {  	[tilespmem:s19+$0x2260] =	vst.add.f32.msk $0xffff, v10;
	(pc) =	sbr.rel @p0 .LBB2_51-.Ltmp24, $4  }
0x7b3: {  	[tilespmem:s19+$0x4260] =	vst.add.f32.msk $0xffff, v10  }
0x7b4: {  	[tilespmem:s19+$0x6260] =	vst.add.f32.msk $0xffff, v10  }
0x7b5: {  	[tilespmem:s19+$0x270] =	vst.add.f32.msk $0xffff, v3  }
0x7b6: {  	s21 =	sadd.s32 $0x1000, s21;
	[tilespmem:s19+$0x2270] =	vst.add.f32.msk $0xffff, v3  }
0x7b7: {  	s18 =	sadd.s32 $0x1, s18  }
0x7b8: {  	p0 =	sne.s32 s18, $0x8  }
.Ltmp25:
0x7b9: {  	_ = 	snop;
	(pc) =	sbr.rel @p0 .LBB2_50-.Ltmp25, $2  }
0x7ba: {  	_ =	sdelay $0x2  }
0x7bb: {  	[tilespmem:s19+$0x4270] =	vst.add.f32.msk $0xffff, v3;
	s17 =	sadd.s32 $0x200, s17  }
0x7bc: {  	s17 =	rddreg [dreg:$0x1c]  }
0x7bd: {  	[hbm4b:s17+s4] =	stream.strided.scatter [tilespmem:s11], [sflag:$0x7], $0x8000, s5, s4, $0x38;
	[tilespmem:$0x1E200] =	vst v63  }
0x7be: {  	_ =	swait.ge [sflag:s6], $0x8000  }
0x7bf: {  	[sflag:s6] =	ssyncset.done $0x0  }
0x7c0: {  	[sflag:s6] =	ssyncadd.s32 $0xFFFF8000  }
0x7c1: {  	_ =	swait.ge [sflag:s10], $0x2000  }
0x7c2: {  	[sflag:s10] =	ssyncset.done $0x0  }
0x7c3: {  	[sflag:s10] =	ssyncadd.s32 $0xFFFFE000  }
0x7c4: {  	_ =	swait.ge [sflag:s3], $0x8000  }
0x7c5: {  	[sflag:s3] =	ssyncset.done $0x0  }
0x7c6: {  	[sflag:s3] =	ssyncadd.s32 $0xFFFF8000  }
0x7c7: {  	v3 =	vld [tilespmem:$0x1E0];
	_ =	sdelay $0x4  }
0x7c8: {  	v4 =	vshll.u32 v3, $0x3  }
0x7c9: {  	v3 =	vand.u32 $0x7, v3;
	v4 =	vand.u32 $0xFFFFFFC0, v4  }
0x7ca: {  	v3 =	vor.u32 v3, v4  }
0x7cb: {  	v4 =	vperm.xlane v3, v0;
	_ =	sdelay $0x1  }
0x7cc: {  	v4 =	vadd.s32 v1, v4;
	_ =	sdelay $0x3  }
0x7cd: {  	s17 =	simm.s32 $0x0  }
0x7ce: {  	[tilespmem:s11], [sflag:$0x1] =	stream.indirect_vreg.gather [hbm4b:s30+s17], $0x80, v4, vm0, $0xb8;
	[tilespmem:$0x1E200] =	vst v63  }
0x7cf: {  	s18 =	simm.s32 $0xA00;
	v3 =	vperm.xlane v3, v2  }
0x7d0: {  	[tilespmem:s18], [sflag:$0x1] =	stream.indirect_vreg.gather [hbm4b:s7+s17], $0x80, v4, vm0, $0xb8;
	[tilespmem:$0x1E200] =	vst v63  }
0x7d1: {  	s21 =	simm.s32 $0x1200;
	v3 =	vadd.s32 v1, v3  }
0x7d2: {  	[tilespmem:s21], [sflag:$0x1] =	stream.indirect_vreg.gather [hbm4b:s8+s17], $0x80, v4, vm0, $0xb8;
	[tilespmem:$0x1E200] =	vst v63  }
0x7d3: {  	s19 =	simm.s32 $0x1A00  }
0x7d4: {  	[tilespmem:s19], [sflag:$0x1] =	stream.indirect_vreg.gather [hbm4b:s9+s17], $0x80, v4, vm0, $0xb8;
	[tilespmem:$0x1E200] =	vst v63  }
0x7d5: {  	s20 =	simm.s32 $0x2200  }
0x7d6: {  	[tilespmem:s20], [sflag:$0x1] =	stream.indirect_vreg.gather [hbm4b:s30+s17], $0x80, v3, vm0, $0xb8;
	[tilespmem:$0x1E200] =	vst v63  }
0x7d7: {  	s21 =	simm.s32 $0x2A00  }
0x7d8: {  	[tilespmem:s21], [sflag:$0x1] =	stream.indirect_vreg.gather [hbm4b:s7+s17], $0x80, v3, vm0, $0xb8;
	[tilespmem:$0x1E200] =	vst v63  }
0x7d9: {  	s19 =	simm.s32 $0x3200  }
0x7da: {  	[tilespmem:s19], [sflag:$0x1] =	stream.indirect_vreg.gather [hbm4b:s8+s17], $0x80, v3, vm0, $0xb8;
	[tilespmem:$0x1E200] =	vst v63  }
0x7db: {  	s20 =	simm.s32 $0x3A00  }
0x7dc: {  	[tilespmem:s20], [sflag:$0x1] =	stream.indirect_vreg.gather [hbm4b:s9+s17], $0x80, v3, vm0, $0xb8;
	[tilespmem:$0x1E200] =	vst v63  }
0x7dd: {  	v3 =	vld [tilespmem:$0x1F0];
	_ =	sdelay $0x4  }
0x7de: {  	v63 =	vshll.u32 v3, $0x3  }
0x7df: {  	v3 =	vand.u32 $0x7, v3;
	v4 =	vand.u32 $0xFFFFFFC0, v63  }
0x7e0: {  	v3 =	vor.u32 v3, v4  }
0x7e1: {  	v4 =	vperm.xlane v3, v0;
	_ =	sdelay $0x1  }
0x7e2: {  	v4 =	vadd.s32 v1, v4;
	_ =	sdelay $0x3  }
0x7e3: {  	s21 =	simm.s32 $0x4200  }
0x7e4: {  	[tilespmem:s21], [sflag:$0x1] =	stream.indirect_vreg.gather [hbm4b:s30+s17], $0x80, v4, vm0, $0xb8;
	[tilespmem:$0x1E200] =	vst v63  }
0x7e5: {  	s19 =	simm.s32 $0x4A00;
	v3 =	vperm.xlane v3, v2  }
0x7e6: {  	[tilespmem:s19], [sflag:$0x1] =	stream.indirect_vreg.gather [hbm4b:s7+s17], $0x80, v4, vm0, $0xb8;
	[tilespmem:$0x1E200] =	vst v63  }
0x7e7: {  	s20 =	simm.s32 $0x5200;
	v3 =	vadd.s32 v1, v3  }
0x7e8: {  	[tilespmem:s20], [sflag:$0x1] =	stream.indirect_vreg.gather [hbm4b:s8+s17], $0x80, v4, vm0, $0xb8;
	[tilespmem:$0x1E200] =	vst v63  }
0x7e9: {  	_ = 	snop  }
0x7ea: {  	[tilespmem:s22], [sflag:$0x1] =	stream.indirect_vreg.gather [hbm4b:s9+s17], $0x80, v4, vm0, $0xb8;
	[tilespmem:$0x1E200] =	vst v63  }
0x7eb: {  	_ = 	snop  }
0x7ec: {  	[tilespmem:s23], [sflag:$0x1] =	stream.indirect_vreg.gather [hbm4b:s30+s17], $0x80, v3, vm0, $0xb8;
	[tilespmem:$0x1E200] =	vst v63  }
0x7ed: {  	_ = 	snop  }
0x7ee: {  	[tilespmem:s24], [sflag:$0x1] =	stream.indirect_vreg.gather [hbm4b:s7+s17], $0x80, v3, vm0, $0xb8;
	[tilespmem:$0x1E200] =	vst v63  }
0x7ef: {  	_ = 	snop  }
0x7f0: {  	[tilespmem:s25], [sflag:$0x1] =	stream.indirect_vreg.gather [hbm4b:s8+s17], $0x80, v3, vm0, $0xb8;
	[tilespmem:$0x1E200] =	vst v63  }
0x7f1: {  	s21 =	sld [smem:$0x7F8]  }
0x7f2: {  	[tilespmem:s26], [sflag:$0x1] =	stream.indirect_vreg.gather [hbm4b:s9+s17], $0x80, v3, vm0, $0xb8;
	[tilespmem:$0x1E200] =	vst v63  }
0x7f3: {  	s18 =	simm.s32 $0x0  }
0x7f4: {  	[tilespmem:s28], [sflag:$0x4] =	stream.linear.gather [hbm4b:s21+s17], $0x2000, $0x38;
	[tilespmem:$0x1E200] =	vst v63  }
.LBB2_54:
0x7f5: {  	s19 =	sshra.s32 s17, $0x2  }
0x7f6: {  	v3 =	vld [tilespmem:s19+$0x1A270]  }
0x7f7: {  	v4 =	vld [tilespmem:s19+$0x1A200]  }
0x7f8: {  	v5 =	vld [tilespmem:s19+$0x1A210]  }
0x7f9: {  	v6 =	vld [tilespmem:s19+$0x1A220]  }
0x7fa: {  	v7 =	vld [tilespmem:s19+$0x1A230]  }
0x7fb: {  	v8 =	vld [tilespmem:s19+$0x1A240]  }
0x7fc: {  	v9 =	vld [tilespmem:s19+$0x1A250]  }
0x7fd: {  	v10 =	vld [tilespmem:s19+$0x1A260]  }
0x7fe: {  	[tilespmem:s19+$0xE270] =	vst.add.f32.msk $0xffff, v3  }
0x7ff: {  	[tilespmem:s19+$0x8200] =	vst.add.f32.msk $0xffff, v4  }
0x800: {  	[tilespmem:s19+$0xA200] =	vst.add.f32.msk $0xffff, v4  }
0x801: {  	[tilespmem:s19+$0xC200] =	vst.add.f32.msk $0xffff, v4  }
0x802: {  	[tilespmem:s19+$0xE200] =	vst.add.f32.msk $0xffff, v4  }
0x803: {  	[tilespmem:s19+$0x8210] =	vst.add.f32.msk $0xffff, v5  }
0x804: {  	[tilespmem:s19+$0xA210] =	vst.add.f32.msk $0xffff, v5  }
0x805: {  	[tilespmem:s19+$0xC210] =	vst.add.f32.msk $0xffff, v5  }
0x806: {  	[tilespmem:s19+$0xE210] =	vst.add.f32.msk $0xffff, v5  }
0x807: {  	[tilespmem:s19+$0x8220] =	vst.add.f32.msk $0xffff, v6  }
0x808: {  	[tilespmem:s19+$0xA220] =	vst.add.f32.msk $0xffff, v6  }
0x809: {  	[tilespmem:s19+$0xC220] =	vst.add.f32.msk $0xffff, v6  }
0x80a: {  	[tilespmem:s19+$0xE220] =	vst.add.f32.msk $0xffff, v6  }
0x80b: {  	[tilespmem:s19+$0x8230] =	vst.add.f32.msk $0xffff, v7  }
0x80c: {  	[tilespmem:s19+$0xA230] =	vst.add.f32.msk $0xffff, v7  }
0x80d: {  	[tilespmem:s19+$0xC230] =	vst.add.f32.msk $0xffff, v7  }
0x80e: {  	[tilespmem:s19+$0xE230] =	vst.add.f32.msk $0xffff, v7  }
0x80f: {  	[tilespmem:s19+$0x8240] =	vst.add.f32.msk $0xffff, v8  }
0x810: {  	[tilespmem:s19+$0xA240] =	vst.add.f32.msk $0xffff, v8  }
0x811: {  	[tilespmem:s19+$0xC240] =	vst.add.f32.msk $0xffff, v8  }
0x812: {  	[tilespmem:s19+$0xE240] =	vst.add.f32.msk $0xffff, v8  }
0x813: {  	[tilespmem:s19+$0x8250] =	vst.add.f32.msk $0xffff, v9  }
0x814: {  	[tilespmem:s19+$0xA250] =	vst.add.f32.msk $0xffff, v9  }
0x815: {  	[tilespmem:s19+$0xC250] =	vst.add.f32.msk $0xffff, v9  }
0x816: {  	[tilespmem:s19+$0xE250] =	vst.add.f32.msk $0xffff, v9  }
0x817: {  	[tilespmem:s19+$0x8260] =	vst.add.f32.msk $0xffff, v10  }
0x818: {  	[tilespmem:s19+$0xA260] =	vst.add.f32.msk $0xffff, v10  }
0x819: {  	[tilespmem:s19+$0xC260] =	vst.add.f32.msk $0xffff, v10  }
0x81a: {  	[tilespmem:s19+$0xE260] =	vst.add.f32.msk $0xffff, v10  }
0x81b: {  	[tilespmem:s19+$0x8270] =	vst.add.f32.msk $0xffff, v3  }
0x81c: {  	s20 =	simm.s32 $0x0;
	s21 =	sadd.s32 $0x1000, s17;
	[tilespmem:s19+$0xA270] =	vst.add.f32.msk $0xffff, v3  }
.LBB2_55:
0x81d: {  	s20 =	sadd.s32 $0x8, s20;
	[tilespmem:s19+$0xC270] =	vst.add.f32.msk $0xffff, v3;
	s19 =	sshra.s32 s21, $0x2  }
0x81e: {  	v3 =	vld [tilespmem:s19+$0x1A270];
	p0 =	slt.u32 s20, $0x38  }
0x81f: {  	v4 =	vld [tilespmem:s19+$0x1A200]  }
0x820: {  	v5 =	vld [tilespmem:s19+$0x1A210]  }
0x821: {  	v6 =	vld [tilespmem:s19+$0x1A220]  }
0x822: {  	v7 =	vld [tilespmem:s19+$0x1A230]  }
0x823: {  	[tilespmem:s19+$0xE270] =	vst.add.f32.msk $0xffff, v3  }
0x824: {  	v8 =	vld [tilespmem:s19+$0x1A240]  }
0x825: {  	v9 =	vld [tilespmem:s19+$0x1A250]  }
0x826: {  	v10 =	vld [tilespmem:s19+$0x1A260]  }
0x827: {  	[tilespmem:s19+$0x8200] =	vst.add.f32.msk $0xffff, v4  }
0x828: {  	[tilespmem:s19+$0xA200] =	vst.add.f32.msk $0xffff, v4  }
0x829: {  	[tilespmem:s19+$0xC200] =	vst.add.f32.msk $0xffff, v4  }
0x82a: {  	[tilespmem:s19+$0xE200] =	vst.add.f32.msk $0xffff, v4  }
0x82b: {  	[tilespmem:s19+$0x8210] =	vst.add.f32.msk $0xffff, v5  }
0x82c: {  	[tilespmem:s19+$0xA210] =	vst.add.f32.msk $0xffff, v5  }
0x82d: {  	[tilespmem:s19+$0xC210] =	vst.add.f32.msk $0xffff, v5  }
0x82e: {  	[tilespmem:s19+$0xE210] =	vst.add.f32.msk $0xffff, v5  }
0x82f: {  	[tilespmem:s19+$0x8220] =	vst.add.f32.msk $0xffff, v6  }
0x830: {  	[tilespmem:s19+$0xA220] =	vst.add.f32.msk $0xffff, v6  }
0x831: {  	[tilespmem:s19+$0xC220] =	vst.add.f32.msk $0xffff, v6  }
0x832: {  	[tilespmem:s19+$0xE220] =	vst.add.f32.msk $0xffff, v6  }
0x833: {  	[tilespmem:s19+$0x8230] =	vst.add.f32.msk $0xffff, v7  }
0x834: {  	[tilespmem:s19+$0xA230] =	vst.add.f32.msk $0xffff, v7  }
0x835: {  	[tilespmem:s19+$0xC230] =	vst.add.f32.msk $0xffff, v7  }
0x836: {  	[tilespmem:s19+$0xE230] =	vst.add.f32.msk $0xffff, v7  }
0x837: {  	[tilespmem:s19+$0x8240] =	vst.add.f32.msk $0xffff, v8  }
0x838: {  	[tilespmem:s19+$0xA240] =	vst.add.f32.msk $0xffff, v8  }
0x839: {  	[tilespmem:s19+$0xC240] =	vst.add.f32.msk $0xffff, v8  }
0x83a: {  	[tilespmem:s19+$0xE240] =	vst.add.f32.msk $0xffff, v8  }
0x83b: {  	[tilespmem:s19+$0x8250] =	vst.add.f32.msk $0xffff, v9  }
0x83c: {  	[tilespmem:s19+$0xA250] =	vst.add.f32.msk $0xffff, v9  }
0x83d: {  	[tilespmem:s19+$0xC250] =	vst.add.f32.msk $0xffff, v9  }
0x83e: {  	[tilespmem:s19+$0xE250] =	vst.add.f32.msk $0xffff, v9  }
0x83f: {  	[tilespmem:s19+$0x8260] =	vst.add.f32.msk $0xffff, v10  }
.Ltmp26:
0x840: {  	[tilespmem:s19+$0xA260] =	vst.add.f32.msk $0xffff, v10;
	(pc) =	sbr.rel @p0 .LBB2_55-.Ltmp26, $4  }
0x841: {  	[tilespmem:s19+$0xC260] =	vst.add.f32.msk $0xffff, v10  }
0x842: {  	[tilespmem:s19+$0xE260] =	vst.add.f32.msk $0xffff, v10  }
0x843: {  	[tilespmem:s19+$0x8270] =	vst.add.f32.msk $0xffff, v3  }
0x844: {  	s21 =	sadd.s32 $0x1000, s21;
	[tilespmem:s19+$0xA270] =	vst.add.f32.msk $0xffff, v3  }
0x845: {  	s18 =	sadd.s32 $0x1, s18  }
0x846: {  	p0 =	sne.s32 s18, $0x8  }
.Ltmp27:
0x847: {  	_ = 	snop;
	(pc) =	sbr.rel @p0 .LBB2_54-.Ltmp27, $2  }
0x848: {  	_ =	sdelay $0x2  }
0x849: {  	[tilespmem:s19+$0xC270] =	vst.add.f32.msk $0xffff, v3;
	s17 =	sadd.s32 $0x200, s17  }
0x84a: {  	s17 =	sld [smem:$0x7F9];
	_ =	sdelay $0x2  }
0x84b: {  	[hbm4b:s17+s4] =	stream.strided.scatter [tilespmem:s31], [sflag:$0x8], $0x8000, s5, s4, $0x38;
	[tilespmem:$0x1E200] =	vst v63  }
0x84c: {  	_ =	swait.ge [sflag:s12], $0x8000  }
0x84d: {  	[sflag:s12] =	ssyncset.done $0x0  }
0x84e: {  	[sflag:s12] =	ssyncadd.s32 $0xFFFF8000  }
0x84f: {  	_ =	swait.ge [sflag:s13], $0x2000  }
0x850: {  	[sflag:s13] =	ssyncset.done $0x0  }
0x851: {  	s18 =	simm.s32 $0x0;
	s17 =	simm.s32 $0x0;
	[sflag:s13] =	ssyncadd.s32 $0xFFFFE000  }
.LBB2_58:
0x852: {  	s19 =	sshra.s32 s17, $0x2  }
0x853: {  	v3 =	vld [tilespmem:s19+$0x1C270]  }
0x854: {  	v4 =	vld [tilespmem:s19+$0x1C200]  }
0x855: {  	v5 =	vld [tilespmem:s19+$0x1C210]  }
0x856: {  	v6 =	vld [tilespmem:s19+$0x1C220]  }
0x857: {  	v7 =	vld [tilespmem:s19+$0x1C230]  }
0x858: {  	v8 =	vld [tilespmem:s19+$0x1C240]  }
0x859: {  	v9 =	vld [tilespmem:s19+$0x1C250]  }
0x85a: {  	v10 =	vld [tilespmem:s19+$0x1C260]  }
0x85b: {  	[tilespmem:s19+$0x16270] =	vst.add.f32.msk $0xffff, v3  }
0x85c: {  	[tilespmem:s19+$0x10200] =	vst.add.f32.msk $0xffff, v4  }
0x85d: {  	[tilespmem:s19+$0x12200] =	vst.add.f32.msk $0xffff, v4  }
0x85e: {  	[tilespmem:s19+$0x14200] =	vst.add.f32.msk $0xffff, v4  }
0x85f: {  	[tilespmem:s19+$0x16200] =	vst.add.f32.msk $0xffff, v4  }
0x860: {  	[tilespmem:s19+$0x10210] =	vst.add.f32.msk $0xffff, v5  }
0x861: {  	[tilespmem:s19+$0x12210] =	vst.add.f32.msk $0xffff, v5  }
0x862: {  	[tilespmem:s19+$0x14210] =	vst.add.f32.msk $0xffff, v5  }
0x863: {  	[tilespmem:s19+$0x16210] =	vst.add.f32.msk $0xffff, v5  }
0x864: {  	[tilespmem:s19+$0x10220] =	vst.add.f32.msk $0xffff, v6  }
0x865: {  	[tilespmem:s19+$0x12220] =	vst.add.f32.msk $0xffff, v6  }
0x866: {  	[tilespmem:s19+$0x14220] =	vst.add.f32.msk $0xffff, v6  }
0x867: {  	[tilespmem:s19+$0x16220] =	vst.add.f32.msk $0xffff, v6  }
0x868: {  	[tilespmem:s19+$0x10230] =	vst.add.f32.msk $0xffff, v7  }
0x869: {  	[tilespmem:s19+$0x12230] =	vst.add.f32.msk $0xffff, v7  }
0x86a: {  	[tilespmem:s19+$0x14230] =	vst.add.f32.msk $0xffff, v7  }
0x86b: {  	[tilespmem:s19+$0x16230] =	vst.add.f32.msk $0xffff, v7  }
0x86c: {  	[tilespmem:s19+$0x10240] =	vst.add.f32.msk $0xffff, v8  }
0x86d: {  	[tilespmem:s19+$0x12240] =	vst.add.f32.msk $0xffff, v8  }
0x86e: {  	[tilespmem:s19+$0x14240] =	vst.add.f32.msk $0xffff, v8  }
0x86f: {  	[tilespmem:s19+$0x16240] =	vst.add.f32.msk $0xffff, v8  }
0x870: {  	[tilespmem:s19+$0x10250] =	vst.add.f32.msk $0xffff, v9  }
0x871: {  	[tilespmem:s19+$0x12250] =	vst.add.f32.msk $0xffff, v9  }
0x872: {  	[tilespmem:s19+$0x14250] =	vst.add.f32.msk $0xffff, v9  }
0x873: {  	[tilespmem:s19+$0x16250] =	vst.add.f32.msk $0xffff, v9  }
0x874: {  	[tilespmem:s19+$0x10260] =	vst.add.f32.msk $0xffff, v10  }
0x875: {  	[tilespmem:s19+$0x12260] =	vst.add.f32.msk $0xffff, v10  }
0x876: {  	[tilespmem:s19+$0x14260] =	vst.add.f32.msk $0xffff, v10  }
0x877: {  	[tilespmem:s19+$0x16260] =	vst.add.f32.msk $0xffff, v10  }
0x878: {  	[tilespmem:s19+$0x10270] =	vst.add.f32.msk $0xffff, v3  }
0x879: {  	s20 =	simm.s32 $0x0;
	s21 =	sadd.s32 $0x1000, s17;
	[tilespmem:s19+$0x12270] =	vst.add.f32.msk $0xffff, v3  }
.LBB2_59:
0x87a: {  	s20 =	sadd.s32 $0x8, s20;
	[tilespmem:s19+$0x14270] =	vst.add.f32.msk $0xffff, v3;
	s19 =	sshra.s32 s21, $0x2  }
0x87b: {  	v3 =	vld [tilespmem:s19+$0x1C270];
	p0 =	slt.u32 s20, $0x38  }
0x87c: {  	v4 =	vld [tilespmem:s19+$0x1C200]  }
0x87d: {  	v5 =	vld [tilespmem:s19+$0x1C210]  }
0x87e: {  	v6 =	vld [tilespmem:s19+$0x1C220]  }
0x87f: {  	v7 =	vld [tilespmem:s19+$0x1C230]  }
0x880: {  	[tilespmem:s19+$0x16270] =	vst.add.f32.msk $0xffff, v3  }
0x881: {  	v8 =	vld [tilespmem:s19+$0x1C240]  }
0x882: {  	v9 =	vld [tilespmem:s19+$0x1C250]  }
0x883: {  	v10 =	vld [tilespmem:s19+$0x1C260]  }
0x884: {  	[tilespmem:s19+$0x10200] =	vst.add.f32.msk $0xffff, v4  }
0x885: {  	[tilespmem:s19+$0x12200] =	vst.add.f32.msk $0xffff, v4  }
0x886: {  	[tilespmem:s19+$0x14200] =	vst.add.f32.msk $0xffff, v4  }
0x887: {  	[tilespmem:s19+$0x16200] =	vst.add.f32.msk $0xffff, v4  }
0x888: {  	[tilespmem:s19+$0x10210] =	vst.add.f32.msk $0xffff, v5  }
0x889: {  	[tilespmem:s19+$0x12210] =	vst.add.f32.msk $0xffff, v5  }
0x88a: {  	[tilespmem:s19+$0x14210] =	vst.add.f32.msk $0xffff, v5  }
0x88b: {  	[tilespmem:s19+$0x16210] =	vst.add.f32.msk $0xffff, v5  }
0x88c: {  	[tilespmem:s19+$0x10220] =	vst.add.f32.msk $0xffff, v6  }
0x88d: {  	[tilespmem:s19+$0x12220] =	vst.add.f32.msk $0xffff, v6  }
0x88e: {  	[tilespmem:s19+$0x14220] =	vst.add.f32.msk $0xffff, v6  }
0x88f: {  	[tilespmem:s19+$0x16220] =	vst.add.f32.msk $0xffff, v6  }
0x890: {  	[tilespmem:s19+$0x10230] =	vst.add.f32.msk $0xffff, v7  }
0x891: {  	[tilespmem:s19+$0x12230] =	vst.add.f32.msk $0xffff, v7  }
0x892: {  	[tilespmem:s19+$0x14230] =	vst.add.f32.msk $0xffff, v7  }
0x893: {  	[tilespmem:s19+$0x16230] =	vst.add.f32.msk $0xffff, v7  }
0x894: {  	[tilespmem:s19+$0x10240] =	vst.add.f32.msk $0xffff, v8  }
0x895: {  	[tilespmem:s19+$0x12240] =	vst.add.f32.msk $0xffff, v8  }
0x896: {  	[tilespmem:s19+$0x14240] =	vst.add.f32.msk $0xffff, v8  }
0x897: {  	[tilespmem:s19+$0x16240] =	vst.add.f32.msk $0xffff, v8  }
0x898: {  	[tilespmem:s19+$0x10250] =	vst.add.f32.msk $0xffff, v9  }
0x899: {  	[tilespmem:s19+$0x12250] =	vst.add.f32.msk $0xffff, v9  }
0x89a: {  	[tilespmem:s19+$0x14250] =	vst.add.f32.msk $0xffff, v9  }
0x89b: {  	[tilespmem:s19+$0x16250] =	vst.add.f32.msk $0xffff, v9  }
0x89c: {  	[tilespmem:s19+$0x10260] =	vst.add.f32.msk $0xffff, v10  }
.Ltmp28:
0x89d: {  	[tilespmem:s19+$0x12260] =	vst.add.f32.msk $0xffff, v10;
	(pc) =	sbr.rel @p0 .LBB2_59-.Ltmp28, $4  }
0x89e: {  	[tilespmem:s19+$0x14260] =	vst.add.f32.msk $0xffff, v10  }
0x89f: {  	[tilespmem:s19+$0x16260] =	vst.add.f32.msk $0xffff, v10  }
0x8a0: {  	[tilespmem:s19+$0x10270] =	vst.add.f32.msk $0xffff, v3  }
0x8a1: {  	s21 =	sadd.s32 $0x1000, s21;
	[tilespmem:s19+$0x12270] =	vst.add.f32.msk $0xffff, v3  }
0x8a2: {  	s18 =	sadd.s32 $0x1, s18  }
0x8a3: {  	p0 =	sne.s32 s18, $0x8  }
.Ltmp29:
0x8a4: {  	_ = 	snop;
	(pc) =	sbr.rel @p0 .LBB2_58-.Ltmp29, $2  }
0x8a5: {  	_ =	sdelay $0x2  }
0x8a6: {  	[tilespmem:s19+$0x14270] =	vst.add.f32.msk $0xffff, v3;
	s17 =	sadd.s32 $0x200, s17  }
0x8a7: {  	s17 =	sld [smem:$0x7FA];
	_ =	sdelay $0x2  }
0x8a8: {  	[hbm4b:s17+s4] =	stream.strided.scatter [tilespmem:s2], [sflag:$0x9], $0x8000, s5, s4, $0x38;
	[tilespmem:$0x1E200] =	vst v63  }
0x8a9: {  	_ =	swait.ge [sflag:s29], $0x8000  }
0x8aa: {  	[sflag:s29] =	ssyncset.done $0x0  }
0x8ab: {  	[sflag:s29] =	ssyncadd.s32 $0xFFFF8000  }
0x8ac: {  	_ =	swait.ge [sflag:s0], $0x2000  }
0x8ad: {  	[sflag:s0] =	ssyncset.done $0x0  }
0x8ae: {  	s18 =	simm.s32 $0x0;
	s17 =	simm.s32 $0x0;
	[sflag:s0] =	ssyncadd.s32 $0xFFFFE000  }
.LBB2_62:
0x8af: {  	s19 =	sshra.s32 s17, $0x2  }
0x8b0: {  	v3 =	vld [tilespmem:s19+$0x18270]  }
0x8b1: {  	v4 =	vld [tilespmem:s19+$0x18200]  }
0x8b2: {  	v5 =	vld [tilespmem:s19+$0x18210]  }
0x8b3: {  	v6 =	vld [tilespmem:s19+$0x18220]  }
0x8b4: {  	v7 =	vld [tilespmem:s19+$0x18230]  }
0x8b5: {  	v8 =	vld [tilespmem:s19+$0x18240]  }
0x8b6: {  	v9 =	vld [tilespmem:s19+$0x18250]  }
0x8b7: {  	v10 =	vld [tilespmem:s19+$0x18260]  }
0x8b8: {  	[tilespmem:s19+$0x6270] =	vst.add.f32.msk $0xffff, v3  }
0x8b9: {  	[tilespmem:s19+$0x200] =	vst.add.f32.msk $0xffff, v4  }
0x8ba: {  	[tilespmem:s19+$0x2200] =	vst.add.f32.msk $0xffff, v4  }
0x8bb: {  	[tilespmem:s19+$0x4200] =	vst.add.f32.msk $0xffff, v4  }
0x8bc: {  	[tilespmem:s19+$0x6200] =	vst.add.f32.msk $0xffff, v4  }
0x8bd: {  	[tilespmem:s19+$0x210] =	vst.add.f32.msk $0xffff, v5  }
0x8be: {  	[tilespmem:s19+$0x2210] =	vst.add.f32.msk $0xffff, v5  }
0x8bf: {  	[tilespmem:s19+$0x4210] =	vst.add.f32.msk $0xffff, v5  }
0x8c0: {  	[tilespmem:s19+$0x6210] =	vst.add.f32.msk $0xffff, v5  }
0x8c1: {  	[tilespmem:s19+$0x220] =	vst.add.f32.msk $0xffff, v6  }
0x8c2: {  	[tilespmem:s19+$0x2220] =	vst.add.f32.msk $0xffff, v6  }
0x8c3: {  	[tilespmem:s19+$0x4220] =	vst.add.f32.msk $0xffff, v6  }
0x8c4: {  	[tilespmem:s19+$0x6220] =	vst.add.f32.msk $0xffff, v6  }
0x8c5: {  	[tilespmem:s19+$0x230] =	vst.add.f32.msk $0xffff, v7  }
0x8c6: {  	[tilespmem:s19+$0x2230] =	vst.add.f32.msk $0xffff, v7  }
0x8c7: {  	[tilespmem:s19+$0x4230] =	vst.add.f32.msk $0xffff, v7  }
0x8c8: {  	[tilespmem:s19+$0x6230] =	vst.add.f32.msk $0xffff, v7  }
0x8c9: {  	[tilespmem:s19+$0x240] =	vst.add.f32.msk $0xffff, v8  }
0x8ca: {  	[tilespmem:s19+$0x2240] =	vst.add.f32.msk $0xffff, v8  }
0x8cb: {  	[tilespmem:s19+$0x4240] =	vst.add.f32.msk $0xffff, v8  }
0x8cc: {  	[tilespmem:s19+$0x6240] =	vst.add.f32.msk $0xffff, v8  }
0x8cd: {  	[tilespmem:s19+$0x250] =	vst.add.f32.msk $0xffff, v9  }
0x8ce: {  	[tilespmem:s19+$0x2250] =	vst.add.f32.msk $0xffff, v9  }
0x8cf: {  	[tilespmem:s19+$0x4250] =	vst.add.f32.msk $0xffff, v9  }
0x8d0: {  	[tilespmem:s19+$0x6250] =	vst.add.f32.msk $0xffff, v9  }
0x8d1: {  	[tilespmem:s19+$0x260] =	vst.add.f32.msk $0xffff, v10  }
0x8d2: {  	[tilespmem:s19+$0x2260] =	vst.add.f32.msk $0xffff, v10  }
0x8d3: {  	[tilespmem:s19+$0x4260] =	vst.add.f32.msk $0xffff, v10  }
0x8d4: {  	[tilespmem:s19+$0x6260] =	vst.add.f32.msk $0xffff, v10  }
0x8d5: {  	[tilespmem:s19+$0x270] =	vst.add.f32.msk $0xffff, v3  }
0x8d6: {  	s20 =	simm.s32 $0x0;
	s21 =	sadd.s32 $0x1000, s17;
	[tilespmem:s19+$0x2270] =	vst.add.f32.msk $0xffff, v3  }
.LBB2_63:
0x8d7: {  	s20 =	sadd.s32 $0x8, s20;
	[tilespmem:s19+$0x4270] =	vst.add.f32.msk $0xffff, v3;
	s19 =	sshra.s32 s21, $0x2  }
0x8d8: {  	v3 =	vld [tilespmem:s19+$0x18270];
	p0 =	slt.u32 s20, $0x38  }
0x8d9: {  	v4 =	vld [tilespmem:s19+$0x18200]  }
0x8da: {  	v5 =	vld [tilespmem:s19+$0x18210]  }
0x8db: {  	v6 =	vld [tilespmem:s19+$0x18220]  }
0x8dc: {  	v7 =	vld [tilespmem:s19+$0x18230]  }
0x8dd: {  	[tilespmem:s19+$0x6270] =	vst.add.f32.msk $0xffff, v3  }
0x8de: {  	v8 =	vld [tilespmem:s19+$0x18240]  }
0x8df: {  	v9 =	vld [tilespmem:s19+$0x18250]  }
0x8e0: {  	v10 =	vld [tilespmem:s19+$0x18260]  }
0x8e1: {  	[tilespmem:s19+$0x200] =	vst.add.f32.msk $0xffff, v4  }
0x8e2: {  	[tilespmem:s19+$0x2200] =	vst.add.f32.msk $0xffff, v4  }
0x8e3: {  	[tilespmem:s19+$0x4200] =	vst.add.f32.msk $0xffff, v4  }
0x8e4: {  	[tilespmem:s19+$0x6200] =	vst.add.f32.msk $0xffff, v4  }
0x8e5: {  	[tilespmem:s19+$0x210] =	vst.add.f32.msk $0xffff, v5  }
0x8e6: {  	[tilespmem:s19+$0x2210] =	vst.add.f32.msk $0xffff, v5  }
0x8e7: {  	[tilespmem:s19+$0x4210] =	vst.add.f32.msk $0xffff, v5  }
0x8e8: {  	[tilespmem:s19+$0x6210] =	vst.add.f32.msk $0xffff, v5  }
0x8e9: {  	[tilespmem:s19+$0x220] =	vst.add.f32.msk $0xffff, v6  }
0x8ea: {  	[tilespmem:s19+$0x2220] =	vst.add.f32.msk $0xffff, v6  }
0x8eb: {  	[tilespmem:s19+$0x4220] =	vst.add.f32.msk $0xffff, v6  }
0x8ec: {  	[tilespmem:s19+$0x6220] =	vst.add.f32.msk $0xffff, v6  }
0x8ed: {  	[tilespmem:s19+$0x230] =	vst.add.f32.msk $0xffff, v7  }
0x8ee: {  	[tilespmem:s19+$0x2230] =	vst.add.f32.msk $0xffff, v7  }
0x8ef: {  	[tilespmem:s19+$0x4230] =	vst.add.f32.msk $0xffff, v7  }
0x8f0: {  	[tilespmem:s19+$0x6230] =	vst.add.f32.msk $0xffff, v7  }
0x8f1: {  	[tilespmem:s19+$0x240] =	vst.add.f32.msk $0xffff, v8  }
0x8f2: {  	[tilespmem:s19+$0x2240] =	vst.add.f32.msk $0xffff, v8  }
0x8f3: {  	[tilespmem:s19+$0x4240] =	vst.add.f32.msk $0xffff, v8  }
0x8f4: {  	[tilespmem:s19+$0x6240] =	vst.add.f32.msk $0xffff, v8  }
0x8f5: {  	[tilespmem:s19+$0x250] =	vst.add.f32.msk $0xffff, v9  }
0x8f6: {  	[tilespmem:s19+$0x2250] =	vst.add.f32.msk $0xffff, v9  }
0x8f7: {  	[tilespmem:s19+$0x4250] =	vst.add.f32.msk $0xffff, v9  }
0x8f8: {  	[tilespmem:s19+$0x6250] =	vst.add.f32.msk $0xffff, v9  }
0x8f9: {  	[tilespmem:s19+$0x260] =	vst.add.f32.msk $0xffff, v10  }
.Ltmp30:
0x8fa: {  	[tilespmem:s19+$0x2260] =	vst.add.f32.msk $0xffff, v10;
	(pc) =	sbr.rel @p0 .LBB2_63-.Ltmp30, $4  }
0x8fb: {  	[tilespmem:s19+$0x4260] =	vst.add.f32.msk $0xffff, v10  }
0x8fc: {  	[tilespmem:s19+$0x6260] =	vst.add.f32.msk $0xffff, v10  }
0x8fd: {  	[tilespmem:s19+$0x270] =	vst.add.f32.msk $0xffff, v3  }
0x8fe: {  	s21 =	sadd.s32 $0x1000, s21;
	[tilespmem:s19+$0x2270] =	vst.add.f32.msk $0xffff, v3  }
0x8ff: {  	s18 =	sadd.s32 $0x1, s18  }
0x900: {  	p0 =	sne.s32 s18, $0x8  }
.Ltmp31:
0x901: {  	_ = 	snop;
	(pc) =	sbr.rel @p0 .LBB2_62-.Ltmp31, $2  }
0x902: {  	_ =	sdelay $0x2  }
0x903: {  	[tilespmem:s19+$0x4270] =	vst.add.f32.msk $0xffff, v3;
	s17 =	sadd.s32 $0x200, s17  }
0x904: {  	s17 =	sld [smem:$0x7FB];
	_ =	sdelay $0x2  }
0x905: {  	[hbm4b:s17+s4] =	stream.strided.scatter [tilespmem:s11], [sflag:$0x7], $0x8000, s5, s4, $0x38;
	[tilespmem:$0x1E200] =	vst v63  }
0x906: {  	_ =	swait.ge [sflag:s3], $0x8000  }
0x907: {  	s21 =	sld [smem:$0x7FD];
	_ =	sdelay $0x1  }
0x908: {  	s16 =	sadd.s32 $0x1, s16  }
0x909: {  	p0 =	sne.s32 s16, s21  }
.Ltmp32:
0x90a: {  	_ = 	snop;
	(pc) =	sbr.rel @p0 .LBB2_1-.Ltmp32, $3  }
0x90b: {  	_ =	sdelay $0x1  }
0x90c: {  	[sflag:s3] =	ssyncset.done $0x0  }
0x90d: {  	[sflag:s3] =	ssyncadd.s32 $0xFFFF8000  }
0x90e: {  	_ =	sfence.sel $0x180000  }
0x90f: {  	[bflag:$0x0] =	sbarrier.arrive $0xFFFF  }
0x910: {  	_ =	strace $0x90000047  }
0x911: {  	s0 =	stileid.u32;
	[bflag:$0x2] =	sbarrier.arrive $0xFFFF  }
0x912: {  	p0 =	sne.s32 s0, $0x0;
	s0 =	rddreg [dreg:$0x4]  }
0x913: {  	s0 =	sadd.s32 @!p0 $0x100000, s0  }
0x914: {  	[sflag:s0] =	ssyncadd.tile.s32 @!p0 $0x1;
	_ =	shalt  }
.Lfunc_end2:
_tile_overlayer_lowered:
.L_overlay_start_2:
0x915: {  	(tag) =	ssettag $0x2  }
0x916: {  	s0 =	rddreg [dreg:$0x0];
	s2 =	stileid.u32  }
0x917: {  	s1 =	rddreg [dreg:$0x1];
	p0 =	sne.s32 s2, $0x0  }
0x918: {  	s3 =	rddreg [dreg:$0x2];
	[bflag:$0x3] =	sbarrier.arrive $0xFFFF;
	s2 =	simm.s32 @!p0 $0x1C0A  }
0x919: {  	[timem:s3], [sflag:s2] =	dma.local @!p0 [hbm:s0], s1  }
0x91a: {  	s0 =	simm.s32 @!p0 $0xA  }
0x91b: {  	_ =	swait.ge @!p0 [sflag:s0], s1  }
0x91c: {  	s1 =	ssub.s32 @!p0 $0x0, s1;
	[sflag:s0] =	ssyncset.done @!p0 $0x0  }
0x91d: {  	[sflag:s0] =	ssyncadd.s32 @!p0 s1  }
0x91e: {  	[bflag:$0x3] =	sbarrier.arrive $0xFFFF  }
0x91f: {  	_ =	shalt  }

</sc_bundles>
